<compile_context>
chip_gen: v7x
topology: tpu7x:2x2x1
jax: 0.10.2.dev20260603
libtpu: 0.0.44.dev20260713+nightly
codegen_flags: <defaults>
</compile_context>

<pallas_src>
import functools

import jax
import jax.numpy as jnp
from jax import lax
from jax.experimental import pallas as pl
from jax.experimental.pallas import tpu as pltpu
from jax.experimental.pallas import tpu_sc as plsc

N_NODES = 10000
N_EDGES = 320000
F_IN = 128
H_ENC = 32

NC, NS, LANES = 2, 16, 16
NW = NC * NS
CH = 80
NCH = 125
EPW = NCH * CH
KOUT = 18
NTAIL = NCH - (NCH // KOUT) * KOUT
ACC_ROWS = 10240
RPT = ACC_ROWS // NS
ZR = 64
ONES_PAD = 112

BM = 2000


def _encode(x, W_enc):
    def body(x_ref, w_ref, o_ref):
        o_ref[...] = jnp.dot(x_ref[...], w_ref[...], preferred_element_type=jnp.float32)

    return pl.pallas_call(
        body,
        grid=(N_NODES // BM,),
        in_specs=[
            pl.BlockSpec((BM, F_IN), lambda i: (i, 0)),
            pl.BlockSpec((F_IN, H_ENC), lambda i: (0, 0)),
        ],
        out_specs=pl.BlockSpec((BM, H_ENC), lambda i: (i, 0)),
        out_shape=jax.ShapeDtypeStruct((N_NODES, H_ENC), jnp.float32),
    )(x, W_enc)


def _sc_segment_sum(y, edge_index):
    mesh = plsc.VectorSubcoreMesh(core_axis_name="c", subcore_axis_name="s")

    @functools.partial(
        pl.kernel,
        out_type=(
            jax.ShapeDtypeStruct((NC, ACC_ROWS, H_ENC), jnp.float32),
            jax.ShapeDtypeStruct((NC, ACC_ROWS), jnp.float32),
        ),
        mesh=mesh,
        scratch_types=[
            pltpu.VMEM((EPW,), jnp.int32),
            pltpu.VMEM((EPW,), jnp.int32),
            pltpu.VMEM((KOUT, CH, H_ENC), jnp.float32),
            pltpu.VMEM((ZR, H_ENC), jnp.float32),
            pltpu.VMEM((RPT,), jnp.float32),
            pltpu.VMEM((ONES_PAD,), jnp.float32),
            pltpu.VMEM_SHARED((N_NODES, H_ENC), jnp.float32),
            pltpu.VMEM_SHARED((ACC_ROWS, H_ENC), jnp.float32),
            pltpu.VMEM_SHARED((ACC_ROWS,), jnp.float32),
            pltpu.SemaphoreType.DMA,
            pltpu.SemaphoreType.DMA,
            pltpu.SemaphoreType.DMA,
        ],
        compiler_params=pltpu.CompilerParams(use_tc_tiling_on_sc=False),
    )
    def run(y_hbm, edge_hbm, out_hbm, deg_hbm, src_v, dst_v, rows_v,
            zb_v, dz_v, ones_v, y_sh, acc_sh, deg_sh, sem_a, sem_b, sem_c):
        c = lax.axis_index("c")
        s = lax.axis_index("s")
        wid = s * NC + c

        pend = [
            pltpu.async_copy(edge_hbm.at[0, pl.ds(wid * EPW, EPW)], src_v, sem_a),
            pltpu.async_copy(edge_hbm.at[1, pl.ds(wid * EPW, EPW)], dst_v, sem_a),
        ]
        ypt = N_NODES // NS
        pend.append(
            pltpu.async_copy(
                y_hbm.at[pl.ds(s * ypt, ypt)], y_sh.at[pl.ds(s * ypt, ypt)], sem_b
            )
        )
        zeros16 = jnp.zeros((LANES,), jnp.float32)
        ones16 = jnp.full((LANES,), 1.0, jnp.float32)
        for r in range(ZR):
            for g in range(H_ENC // LANES):
                zb_v[r, pl.ds(g * LANES, LANES)] = zeros16
        for r in range(RPT // LANES):
            dz_v[pl.ds(r * LANES, LANES)] = zeros16
        for r in range(ONES_PAD // LANES):
            ones_v[pl.ds(r * LANES, LANES)] = ones16
        for b in range(RPT // ZR):
            pend.append(
                pltpu.async_copy(
                    zb_v, acc_sh.at[pl.ds(s * RPT + b * ZR, ZR)], sem_c
                )
            )
        pend.append(pltpu.async_copy(dz_v, deg_sh.at[pl.ds(s * RPT, RPT)], sem_c))
        for d in pend:
            d.wait()
        plsc.subcore_barrier()

        def run_group(j0, cnt):
            gs = [
                pltpu.async_copy(
                    y_sh.at[src_v.at[pl.ds((j0 + k) * CH, CH)]], rows_v.at[k], sem_a
                )
                for k in range(cnt)
            ]
            ds_ = [
                pltpu.async_copy(
                    ones_v.at[pl.ds(0, CH)],
                    deg_sh.at[dst_v.at[pl.ds((j0 + k) * CH, CH)]],
                    sem_c, add=True
                )
                for k in range(cnt)
            ]
            for d in gs:
                d.wait()
            ss = [
                pltpu.async_copy(
                    rows_v.at[k], acc_sh.at[dst_v.at[pl.ds((j0 + k) * CH, CH)]],
                    sem_b, add=True
                )
                for k in range(cnt)
            ]
            for d in ss:
                d.wait()
            for d in ds_:
                d.wait()

        def group(g, carry):
            run_group(g * KOUT, KOUT)
            return carry

        lax.fori_loop(0, NCH // KOUT, group, 0)
        if NTAIL:
            run_group((NCH // KOUT) * KOUT, NTAIL)
        plsc.subcore_barrier()

        wb = [
            pltpu.async_copy(
                acc_sh.at[pl.ds(s * RPT, RPT)],
                out_hbm.at[c, pl.ds(s * RPT, RPT)],
                sem_a,
            ),
            pltpu.async_copy(
                deg_sh.at[pl.ds(s * RPT, RPT)],
                deg_hbm.at[c, pl.ds(s * RPT, RPT)],
                sem_b,
            ),
        ]
        for d in wb:
            d.wait()

    return run(y, edge_index)


def _head(parts, degs, b_enc, W1, b1, W2, b2, W3, b3):
    def leaky(t):
        return jnp.where(t >= 0, t, 0.01 * t)

    def body(p_ref, d_ref, be_ref, w1_ref, b1_ref, w2_ref, b2_ref, w3_ref,
             b3_ref, o_ref):
        t = p_ref[0] + p_ref[1]
        deg = jnp.maximum(d_ref[0] + d_ref[1], 1.0)
        agg = t / deg
        h = leaky(agg + be_ref[...])
        z = leaky(jnp.dot(h, w1_ref[...], preferred_element_type=jnp.float32) + b1_ref[...])
        z = leaky(jnp.dot(z, w2_ref[...], preferred_element_type=jnp.float32) + b2_ref[...])
        o_ref[...] = jnp.dot(z, w3_ref[...], preferred_element_type=jnp.float32) + b3_ref[...]

    H, C = W2.shape[0], W3.shape[1]
    return pl.pallas_call(
        body,
        grid=(N_NODES // BM,),
        in_specs=[
            pl.BlockSpec((NC, BM, H_ENC), lambda i: (0, i, 0)),
            pl.BlockSpec((NC, BM, 1), lambda i: (0, i, 0)),
            pl.BlockSpec((H_ENC,), lambda i: (0,)),
            pl.BlockSpec((H_ENC, H), lambda i: (0, 0)),
            pl.BlockSpec((H,), lambda i: (0,)),
            pl.BlockSpec((H, H), lambda i: (0, 0)),
            pl.BlockSpec((H,), lambda i: (0,)),
            pl.BlockSpec((H, C), lambda i: (0, 0)),
            pl.BlockSpec((C,), lambda i: (0,)),
        ],
        out_specs=pl.BlockSpec((BM, C), lambda i: (i, 0)),
        out_shape=jax.ShapeDtypeStruct((N_NODES, C), jnp.float32),
    )(parts, degs, b_enc, W1, b1, W2, b2, W3, b3)


def kernel(x, edge_index, W_enc, b_enc, W1, b1, W2, b2, W3, b3):
    y = _encode(x, W_enc)
    parts, degs = _sc_segment_sum(y, edge_index)
    return _head(parts, degs.reshape(NC, ACC_ROWS, 1), b_enc, W1, b1, W2, b2,
                 W3, b3)

# --- scband reference (transcript-rebuilt; emitter-appended) ---
"""Pipeline reference for scband-gcl-attacker-19198503813778 (READ-ONLY COPY).

The authoritative reference and input builder live on the scoring server;
editing this copy changes nothing except your own understanding.
"""

import jax, jax.numpy as jnp
import numpy as np

N, E, F, H0, H, C = 10000, 320000, 128, 32, 64, 10

def setup_inputs(seed: int = 0) -> dict:
    key = jax.random.key(seed)
    ks = jax.random.split(key, 10)
    x = jax.random.normal(ks[0], (N, F), dtype=jnp.float32)
    edge_index = jax.random.randint(ks[1], (2, E), 0, N, dtype=jnp.int32)
    # encoder (GCN-style mean-aggregation layer) params
    W_enc = jax.random.normal(ks[2], (F, H0), dtype=jnp.float32) * (1.0 / np.sqrt(F))
    b_enc = jnp.zeros((H0,), dtype=jnp.float32)
    # MLP head params (num_i=32, num_h=64, num_o=n_class), xavier-ish init
    W1 = jax.random.normal(ks[3], (H0, H), dtype=jnp.float32) * (1.0 / np.sqrt(H0))
    b1 = jnp.zeros((H,), dtype=jnp.float32)
    W2 = jax.random.normal(ks[4], (H, H), dtype=jnp.float32) * (1.0 / np.sqrt(H))
    b2 = jnp.zeros((H,), dtype=jnp.float32)
    W3 = jax.random.normal(ks[5], (H, C), dtype=jnp.float32) * (1.0 / np.sqrt(H))
    b3 = jnp.zeros((C,), dtype=jnp.float32)
    return {"x": x, "edge_index": edge_index, "W_enc": W_enc, "b_enc": b_enc,
            "W1": W1, "b1": b1, "W2": W2, "b2": b2, "W3": W3, "b3": b3}


def reference(x, edge_index, W_enc, b_enc, W1, b1, W2, b2, W3, b3):
    # GNN message passing: mean aggregation over incoming edges (gather + scatter-add)
    src = edge_index[0]
    dst = edge_index[1]
    n = x.shape[0]
    ones = jnp.ones((src.shape[0],), dtype=x.dtype)
    deg = jax.ops.segment_sum(ones, dst, num_segments=n)
    deg = jnp.maximum(deg, 1.0)
    msgs = jnp.take(x, src, axis=0)
    agg = jax.ops.segment_sum(msgs, dst, num_segments=n) / deg[:, None]
    h = jax.nn.leaky_relu(agg @ W_enc + b_enc)
    # MLP head: linear1 -> LeakyReLU -> linear2 -> LeakyReLU -> linear3
    z = jax.nn.leaky_relu(h @ W1 + b1)
    z = jax.nn.leaky_relu(z @ W2 + b2)
    logits = z @ W3 + b3
    return logits

if __name__ == "__main__":
    import jax
    _d = setup_inputs()
    print(jax.jit(kernel)(*tuple(_d.values())))

</pallas_src>

<mosaic_0001>
#map = affine_map<(d0, d1) -> (0, 0)>
#map1 = affine_map<(d0, d1) -> (0, 0, 0)>
module attributes {stable_mosaic.version = 14 : i64} {
  func.func @run(%arg0: i32, %arg1: i32, %arg2: memref<10000x32xf32, #tpu.memory_space<hbm>>, %arg3: memref<2x320000xi32, #tpu.memory_space<hbm>>, %arg4: memref<2x10240x32xf32, #tpu.memory_space<hbm>>, %arg5: memref<2x10240xf32, #tpu.memory_space<hbm>>, %arg6: memref<10000xi32, #tpu.memory_space<vmem>>, %arg7: memref<10000xi32, #tpu.memory_space<vmem>>, %arg8: memref<18x80x32xf32, #tpu.memory_space<vmem>>, %arg9: memref<64x32xf32, #tpu.memory_space<vmem>>, %arg10: memref<640xf32, #tpu.memory_space<vmem>>, %arg11: memref<112xf32, #tpu.memory_space<vmem>>, %arg12: memref<10000x32xf32, #tpu.memory_space<vmem_shared>>, %arg13: memref<10240x32xf32, #tpu.memory_space<vmem_shared>>, %arg14: memref<10240xf32, #tpu.memory_space<vmem_shared>>, %arg15: memref<!tpu.dma_semaphore, #tpu.memory_space<semaphore_mem>>, %arg16: memref<!tpu.dma_semaphore, #tpu.memory_space<semaphore_mem>>, %arg17: memref<!tpu.dma_semaphore, #tpu.memory_space<semaphore_mem>>) attributes {dimension_semantics = [#tpu.dimension_semantics<core_parallel>, #tpu.dimension_semantics<subcore_parallel>], iteration_bounds = array<i64: 2, 16>, scalar_prefetch = 0 : i64, scratch_operands = 12 : i64, tpu.core_type = #tpu.core_type<sc_vector_subcore>, window_params = [{transform_indices = #map}, {transform_indices = #map}, {transform_indices = #map1}, {transform_indices = #map}]} {
    %mul3A = arith.constant 2 : i32
    %mul3A_0 = arith.muli %arg1, %mul3A : i32
    %add3A = arith.addi %mul3A_0, %arg0 : i32
    %mul3A_1 = arith.constant 10000 : i32
    %mul3A_2 = arith.muli %add3A, %mul3A_1 : i32
    %dma_start3A = arith.constant 0 : i32
    %dma_start3A_3 = tpu.memref_slice %arg3[%dma_start3A, %mul3A_2] : memref<2x320000xi32, #tpu.memory_space<hbm>> -> memref<1x10000xi32, #tpu.memory_space<hbm>>
    %dma_start3A_4 = tpu.memref_squeeze %dma_start3A_3 : memref<1x10000xi32, #tpu.memory_space<hbm>> -> memref<10000xi32, #tpu.memory_space<hbm>>
    %dma_start3A_5 = tpu.memref_slice %arg3[%dma_start3A, %mul3A_2] : memref<2x320000xi32, #tpu.memory_space<hbm>> -> memref<1x10000xi32, #tpu.memory_space<hbm>>
    %dma_start3A_6 = tpu.memref_squeeze %dma_start3A_5 : memref<1x10000xi32, #tpu.memory_space<hbm>> -> memref<10000xi32, #tpu.memory_space<hbm>>
    tpu.enqueue_dma source(%dma_start3A_6 : memref<10000xi32, #tpu.memory_space<hbm>>) target(%arg6 : memref<10000xi32, #tpu.memory_space<vmem>>) target_semaphore(%arg15 : memref<!tpu.dma_semaphore, #tpu.memory_space<semaphore_mem>>)
    %mul3A_7 = arith.constant 10000 : i32
    %mul3A_8 = arith.muli %add3A, %mul3A_7 : i32
    %dma_start3A_9 = arith.constant 1 : i32
    %dma_start3A_10 = tpu.memref_slice %arg3[%dma_start3A_9, %mul3A_8] : memref<2x320000xi32, #tpu.memory_space<hbm>> -> memref<1x10000xi32, #tpu.memory_space<hbm>>
    %dma_start3A_11 = tpu.memref_squeeze %dma_start3A_10 : memref<1x10000xi32, #tpu.memory_space<hbm>> -> memref<10000xi32, #tpu.memory_space<hbm>>
    %dma_start3A_12 = tpu.memref_slice %arg3[%dma_start3A_9, %mul3A_8] : memref<2x320000xi32, #tpu.memory_space<hbm>> -> memref<1x10000xi32, #tpu.memory_space<hbm>>
    %dma_start3A_13 = tpu.memref_squeeze %dma_start3A_12 : memref<1x10000xi32, #tpu.memory_space<hbm>> -> memref<10000xi32, #tpu.memory_space<hbm>>
    tpu.enqueue_dma source(%dma_start3A_13 : memref<10000xi32, #tpu.memory_space<hbm>>) target(%arg7 : memref<10000xi32, #tpu.memory_space<vmem>>) target_semaphore(%arg15 : memref<!tpu.dma_semaphore, #tpu.memory_space<semaphore_mem>>)
    %mul3A_14 = arith.constant 625 : i32
    %mul3A_15 = arith.muli %arg1, %mul3A_14 : i32
    %mul3A_16 = arith.constant 625 : i32
    %mul3A_17 = arith.muli %arg1, %mul3A_16 : i32
    %dma_start3A_18 = arith.constant 0 : i32
    %dma_start3A_19 = tpu.memref_slice %arg12[%mul3A_17, %dma_start3A_18] : memref<10000x32xf32, #tpu.memory_space<vmem_shared>> -> memref<625x32xf32, #tpu.memory_space<vmem_shared>>
    %dma_start3A_20 = arith.constant 0 : i32
    %dma_start3A_21 = tpu.memref_slice %arg2[%mul3A_15, %dma_start3A_20] : memref<10000x32xf32, #tpu.memory_space<hbm>> -> memref<625x32xf32, #tpu.memory_space<hbm>>
    tpu.enqueue_dma source(%dma_start3A_21 : memref<625x32xf32, #tpu.memory_space<hbm>>) target(%dma_start3A_19 : memref<625x32xf32, #tpu.memory_space<vmem_shared>>) target_semaphore(%arg16 : memref<!tpu.dma_semaphore, #tpu.memory_space<semaphore_mem>>)
    %broadcast_in_dim3A = arith.constant 0.000000e+00 : f32
    %broadcast_in_dim3A_22 = vector.broadcast %broadcast_in_dim3A : f32 to vector<16xf32>
    %broadcast_in_dim3A_23 = arith.constant 1.000000e+00 : f32
    %broadcast_in_dim3A_24 = vector.broadcast %broadcast_in_dim3A_23 : f32 to vector<16xf32>
    %swap3A = arith.constant 0 : i32
    %swap3A_25 = arith.index_cast %swap3A : i32 to index
    %swap3A_26 = arith.constant 0 : index
    %swap3A_27 = tpu.vector_load %arg9[%swap3A_25, %swap3A_26] {strides = array<i32>} : memref<64x32xf32, #tpu.memory_space<vmem>>, vector<1x16xf32>,
    %swap3A_28 = vector.shape_cast %swap3A_27 : vector<1x16xf32> to vector<16xf32>
    %swap3A_29 = vector.shape_cast %broadcast_in_dim3A_22 : vector<16xf32> to vector<1x16xf32>
    tpu.vector_store %arg9[%swap3A_25, %swap3A_26], %swap3A_29 {strides = array<i32>} : memref<64x32xf32, #tpu.memory_space<vmem>>, vector<1x16xf32>,
    %swap3A_30 = arith.constant 0 : i32
    %swap3A_31 = arith.index_cast %swap3A_30 : i32 to index
    %swap3A_32 = arith.constant 16 : index
    %swap3A_33 = tpu.vector_load %arg9[%swap3A_31, %swap3A_32] {strides = array<i32>} : memref<64x32xf32, #tpu.memory_space<vmem>>, vector<1x16xf32>,
    %swap3A_34 = vector.shape_cast %swap3A_33 : vector<1x16xf32> to vector<16xf32>
    %swap3A_35 = vector.shape_cast %broadcast_in_dim3A_22 : vector<16xf32> to vector<1x16xf32>
    tpu.vector_store %arg9[%swap3A_31, %swap3A_32], %swap3A_35 {strides = array<i32>} : memref<64x32xf32, #tpu.memory_space<vmem>>, vector<1x16xf32>,
    %swap3A_36 = arith.constant 1 : i32
    %swap3A_37 = arith.index_cast %swap3A_36 : i32 to index
    %swap3A_38 = arith.constant 0 : index
    %swap3A_39 = tpu.vector_load %arg9[%swap3A_37, %swap3A_38] {strides = array<i32>} : memref<64x32xf32, #tpu.memory_space<vmem>>, vector<1x16xf32>,
    %swap3A_40 = vector.shape_cast %swap3A_39 : vector<1x16xf32> to vector<16xf32>
    %swap3A_41 = vector.shape_cast %broadcast_in_dim3A_22 : vector<16xf32> to vector<1x16xf32>
    tpu.vector_store %arg9[%swap3A_37, %swap3A_38], %swap3A_41 {strides = array<i32>} : memref<64x32xf32, #tpu.memory_space<vmem>>, vector<1x16xf32>,
    %swap3A_42 = arith.constant 1 : i32
    %swap3A_43 = arith.index_cast %swap3A_42 : i32 to index
    %swap3A_44 = arith.constant 16 : index
    %swap3A_45 = tpu.vector_load %arg9[%swap3A_43, %swap3A_44] {strides = array<i32>} : memref<64x32xf32, #tpu.memory_space<vmem>>, vector<1x16xf32>,
    %swap3A_46 = vector.shape_cast %swap3A_45 : vector<1x16xf32> to vector<16xf32>
    %swap3A_47 = vector.shape_cast %broadcast_in_dim3A_22 : vector<16xf32> to vector<1x16xf32>
    tpu.vector_store %arg9[%swap3A_43, %swap3A_44], %swap3A_47 {strides = array<i32>} : memref<64x32xf32, #tpu.memory_space<vmem>>, vector<1x16xf32>,
    %swap3A_48 = arith.constant 2 : i32
    %swap3A_49 = arith.index_cast %swap3A_48 : i32 to index
    %swap3A_50 = arith.constant 0 : index
    %swap3A_51 = tpu.vector_load %arg9[%swap3A_49, %swap3A_50] {strides = array<i32>} : memref<64x32xf32, #tpu.memory_space<vmem>>, vector<1x16xf32>,
    %swap3A_52 = vector.shape_cast %swap3A_51 : vector<1x16xf32> to vector<16xf32>
    %swap3A_53 = vector.shape_cast %broadcast_in_dim3A_22 : vector<16xf32> to vector<1x16xf32>
    tpu.vector_store %arg9[%swap3A_49, %swap3A_50], %swap3A_53 {strides = array<i32>} : memref<64x32xf32, #tpu.memory_space<vmem>>, vector<1x16xf32>,
    %swap3A_54 = arith.constant 2 : i32
    %swap3A_55 = arith.index_cast %swap3A_54 : i32 to index
    %swap3A_56 = arith.constant 16 : index
    %swap3A_57 = tpu.vector_load %arg9[%swap3A_55, %swap3A_56] {strides = array<i32>} : memref<64x32xf32, #tpu.memory_space<vmem>>, vector<1x16xf32>,
    %swap3A_58 = vector.shape_cast %swap3A_57 : vector<1x16xf32> to vector<16xf32>
    %swap3A_59 = vector.shape_cast %broadcast_in_dim3A_22 : vector<16xf32> to vector<1x16xf32>
    tpu.vector_store %arg9[%swap3A_55, %swap3A_56], %swap3A_59 {strides = array<i32>} : memref<64x32xf32, #tpu.memory_space<vmem>>, vector<1x16xf32>,
    %swap3A_60 = arith.constant 3 : i32
    %swap3A_61 = arith.index_cast %swap3A_60 : i32 to index
    %swap3A_62 = arith.constant 0 : index
    %swap3A_63 = tpu.vector_load %arg9[%swap3A_61, %swap3A_62] {strides = array<i32>} : memref<64x32xf32, #tpu.memory_space<vmem>>, vector<1x16xf32>,
    %swap3A_64 = vector.shape_cast %swap3A_63 : vector<1x16xf32> to vector<16xf32>
    %swap3A_65 = vector.shape_cast %broadcast_in_dim3A_22 : vector<16xf32> to vector<1x16xf32>
    tpu.vector_store %arg9[%swap3A_61, %swap3A_62], %swap3A_65 {strides = array<i32>} : memref<64x32xf32, #tpu.memory_space<vmem>>, vector<1x16xf32>,
    %swap3A_66 = arith.constant 3 : i32
    %swap3A_67 = arith.index_cast %swap3A_66 : i32 to index
    %swap3A_68 = arith.constant 16 : index
    %swap3A_69 = tpu.vector_load %arg9[%swap3A_67, %swap3A_68] {strides = array<i32>} : memref<64x32xf32, #tpu.memory_space<vmem>>, vector<1x16xf32>,
    %swap3A_70 = vector.shape_cast %swap3A_69 : vector<1x16xf32> to vector<16xf32>
    %swap3A_71 = vector.shape_cast %broadcast_in_dim3A_22 : vector<16xf32> to vector<1x16xf32>
    tpu.vector_store %arg9[%swap3A_67, %swap3A_68], %swap3A_71 {strides = array<i32>} : memref<64x32xf32, #tpu.memory_space<vmem>>, vector<1x16xf32>,
    %swap3A_72 = arith.constant 4 : i32
    %swap3A_73 = arith.index_cast %swap3A_72 : i32 to index
    %swap3A_74 = arith.constant 0 : index
    %swap3A_75 = tpu.vector_load %arg9[%swap3A_73, %swap3A_74] {strides = array<i32>} : memref<64x32xf32, #tpu.memory_space<vmem>>, vector<1x16xf32>,
    %swap3A_76 = vector.shape_cast %swap3A_75 : vector<1x16xf32> to vector<16xf32>
    %swap3A_77 = vector.shape_cast %broadcast_in_dim3A_22 : vector<16xf32> to vector<1x16xf32>
    tpu.vector_store %arg9[%swap3A_73, %swap3A_74], %swap3A_77 {strides = array<i32>} : memref<64x32xf32, #tpu.memory_space<vmem>>, vector<1x16xf32>,
    %swap3A_78 = arith.constant 4 : i32
    %swap3A_79 = arith.index_cast %swap3A_78 : i32 to index
    %swap3A_80 = arith.constant 16 : index
    %swap3A_81 = tpu.vector_load %arg9[%swap3A_79, %swap3A_80] {strides = array<i32>} : memref<64x32xf32, #tpu.memory_space<vmem>>, vector<1x16xf32>,
    %swap3A_82 = vector.shape_cast %swap3A_81 : vector<1x16xf32> to vector<16xf32>
    %swap3A_83 = vector.shape_cast %broadcast_in_dim3A_22 : vector<16xf32> to vector<1x16xf32>
    tpu.vector_store %arg9[%swap3A_79, %swap3A_80], %swap3A_83 {strides = array<i32>} : memref<64x32xf32, #tpu.memory_space<vmem>>, vector<1x16xf32>,
    %swap3A_84 = arith.constant 5 : i32
    %swap3A_85 = arith.index_cast %swap3A_84 : i32 to index
    %swap3A_86 = arith.constant 0 : index
    %swap3A_87 = tpu.vector_load %arg9[%swap3A_85, %swap3A_86] {strides = array<i32>} : memref<64x32xf32, #tpu.memory_space<vmem>>, vector<1x16xf32>,
    %swap3A_88 = vector.shape_cast %swap3A_87 : vector<1x16xf32> to vector<16xf32>
    %swap3A_89 = vector.shape_cast %broadcast_in_dim3A_22 : vector<16xf32> to vector<1x16xf32>
    tpu.vector_store %arg9[%swap3A_85, %swap3A_86], %swap3A_89 {strides = array<i32>} : memref<64x32xf32, #tpu.memory_space<vmem>>, vector<1x16xf32>,
    %swap3A_90 = arith.constant 5 : i32
    %swap3A_91 = arith.index_cast %swap3A_90 : i32 to index
    %swap3A_92 = arith.constant 16 : index
    %swap3A_93 = tpu.vector_load %arg9[%swap3A_91, %swap3A_92] {strides = array<i32>} : memref<64x32xf32, #tpu.memory_space<vmem>>, vector<1x16xf32>,
    %swap3A_94 = vector.shape_cast %swap3A_93 : vector<1x16xf32> to vector<16xf32>
    %swap3A_95 = vector.shape_cast %broadcast_in_dim3A_22 : vector<16xf32> to vector<1x16xf32>
    tpu.vector_store %arg9[%swap3A_91, %swap3A_92], %swap3A_95 {strides = array<i32>} : memref<64x32xf32, #tpu.memory_space<vmem>>, vector<1x16xf32>,
    %swap3A_96 = arith.constant 6 : i32
    %swap3A_97 = arith.index_cast %swap3A_96 : i32 to index
    %swap3A_98 = arith.constant 0 : index
    %swap3A_99 = tpu.vector_load %arg9[%swap3A_97, %swap3A_98] {strides = array<i32>} : memref<64x32xf32, #tpu.memory_space<vmem>>, vector<1x16xf32>,
    %swap3A_100 = vector.shape_cast %swap3A_99 : vector<1x16xf32> to vector<16xf32>
    %swap3A_101 = vector.shape_cast %broadcast_in_dim3A_22 : vector<16xf32> to vector<1x16xf32>
    tpu.vector_store %arg9[%swap3A_97, %swap3A_98], %swap3A_101 {strides = array<i32>} : memref<64x32xf32, #tpu.memory_space<vmem>>, vector<1x16xf32>,
    %swap3A_102 = arith.constant 6 : i32
    %swap3A_103 = arith.index_cast %swap3A_102 : i32 to index
    %swap3A_104 = arith.constant 16 : index
    %swap3A_105 = tpu.vector_load %arg9[%swap3A_103, %swap3A_104] {strides = array<i32>} : memref<64x32xf32, #tpu.memory_space<vmem>>, vector<1x16xf32>,
    %swap3A_106 = vector.shape_cast %swap3A_105 : vector<1x16xf32> to vector<16xf32>
    %swap3A_107 = vector.shape_cast %broadcast_in_dim3A_22 : vector<16xf32> to vector<1x16xf32>
    tpu.vector_store %arg9[%swap3A_103, %swap3A_104], %swap3A_107 {strides = array<i32>} : memref<64x32xf32, #tpu.memory_space<vmem>>, vector<1x16xf32>,
    %swap3A_108 = arith.constant 7 : i32
    %swap3A_109 = arith.index_cast %swap3A_108 : i32 to index
    %swap3A_110 = arith.constant 0 : index
    %swap3A_111 = tpu.vector_load %arg9[%swap3A_109, %swap3A_110] {strides = array<i32>} : memref<64x32xf32, #tpu.memory_space<vmem>>, vector<1x16xf32>,
    %swap3A_112 = vector.shape_cast %swap3A_111 : vector<1x16xf32> to vector<16xf32>
    %swap3A_113 = vector.shape_cast %broadcast_in_dim3A_22 : vector<16xf32> to vector<1x16xf32>
    tpu.vector_store %arg9[%swap3A_109, %swap3A_110], %swap3A_113 {strides = array<i32>} : memref<64x32xf32, #tpu.memory_space<vmem>>, vector<1x16xf32>,
    %swap3A_114 = arith.constant 7 : i32
    %swap3A_115 = arith.index_cast %swap3A_114 : i32 to index
    %swap3A_116 = arith.constant 16 : index
    %swap3A_117 = tpu.vector_load %arg9[%swap3A_115, %swap3A_116] {strides = array<i32>} : memref<64x32xf32, #tpu.memory_space<vmem>>, vector<1x16xf32>,
    %swap3A_118 = vector.shape_cast %swap3A_117 : vector<1x16xf32> to vector<16xf32>
    %swap3A_119 = vector.shape_cast %broadcast_in_dim3A_22 : vector<16xf32> to vector<1x16xf32>
    tpu.vector_store %arg9[%swap3A_115, %swap3A_116], %swap3A_119 {strides = array<i32>} : memref<64x32xf32, #tpu.memory_space<vmem>>, vector<1x16xf32>,
    %swap3A_120 = arith.constant 8 : i32
    %swap3A_121 = arith.index_cast %swap3A_120 : i32 to index
    %swap3A_122 = arith.constant 0 : index
    %swap3A_123 = tpu.vector_load %arg9[%swap3A_121, %swap3A_122] {strides = array<i32>} : memref<64x32xf32, #tpu.memory_space<vmem>>, vector<1x16xf32>,
    %swap3A_124 = vector.shape_cast %swap3A_123 : vector<1x16xf32> to vector<16xf32>
    %swap3A_125 = vector.shape_cast %broadcast_in_dim3A_22 : vector<16xf32> to vector<1x16xf32>
    tpu.vector_store %arg9[%swap3A_121, %swap3A_122], %swap3A_125 {strides = array<i32>} : memref<64x32xf32, #tpu.memory_space<vmem>>, vector<1x16xf32>,
    %swap3A_126 = arith.constant 8 : i32
    %swap3A_127 = arith.index_cast %swap3A_126 : i32 to index
    %swap3A_128 = arith.constant 16 : index
    %swap3A_129 = tpu.vector_load %arg9[%swap3A_127, %swap3A_128] {strides = array<i32>} : memref<64x32xf32, #tpu.memory_space<vmem>>, vector<1x16xf32>,
    %swap3A_130 = vector.shape_cast %swap3A_129 : vector<1x16xf32> to vector<16xf32>
    %swap3A_131 = vector.shape_cast %broadcast_in_dim3A_22 : vector<16xf32> to vector<1x16xf32>
    tpu.vector_store %arg9[%swap3A_127, %swap3A_128], %swap3A_131 {strides = array<i32>} : memref<64x32xf32, #tpu.memory_space<vmem>>, vector<1x16xf32>,
    %swap3A_132 = arith.constant 9 : i32
    %swap3A_133 = arith.index_cast %swap3A_132 : i32 to index
    %swap3A_134 = arith.constant 0 : index
    %swap3A_135 = tpu.vector_load %arg9[%swap3A_133, %swap3A_134] {strides = array<i32>} : memref<64x32xf32, #tpu.memory_space<vmem>>, vector<1x16xf32>,
    %swap3A_136 = vector.shape_cast %swap3A_135 : vector<1x16xf32> to vector<16xf32>
    %swap3A_137 = vector.shape_cast %broadcast_in_dim3A_22 : vector<16xf32> to vector<1x16xf32>
    tpu.vector_store %arg9[%swap3A_133, %swap3A_134], %swap3A_137 {strides = array<i32>} : memref<64x32xf32, #tpu.memory_space<vmem>>, vector<1x16xf32>,
    %swap3A_138 = arith.constant 9 : i32
    %swap3A_139 = arith.index_cast %swap3A_138 : i32 to index
    %swap3A_140 = arith.constant 16 : index
    %swap3A_141 = tpu.vector_load %arg9[%swap3A_139, %swap3A_140] {strides = array<i32>} : memref<64x32xf32, #tpu.memory_space<vmem>>, vector<1x16xf32>,
    %swap3A_142 = vector.shape_cast %swap3A_141 : vector<1x16xf32> to vector<16xf32>
    %swap3A_143 = vector.shape_cast %broadcast_in_dim3A_22 : vector<16xf32> to vector<1x16xf32>
    tpu.vector_store %arg9[%swap3A_139, %swap3A_140], %swap3A_143 {strides = array<i32>} : memref<64x32xf32, #tpu.memory_space<vmem>>, vector<1x16xf32>,
    %swap3A_144 = arith.constant 10 : i32
    %swap3A_145 = arith.index_cast %swap3A_144 : i32 to index
    %swap3A_146 = arith.constant 0 : index
    %swap3A_147 = tpu.vector_load %arg9[%swap3A_145, %swap3A_146] {strides = array<i32>} : memref<64x32xf32, #tpu.memory_space<vmem>>, vector<1x16xf32>,
    %swap3A_148 = vector.shape_cast %swap3A_147 : vector<1x16xf32> to vector<16xf32>
    %swap3A_149 = vector.shape_cast %broadcast_in_dim3A_22 : vector<16xf32> to vector<1x16xf32>
    tpu.vector_store %arg9[%swap3A_145, %swap3A_146], %swap3A_149 {strides = array<i32>} : memref<64x32xf32, #tpu.memory_space<vmem>>, vector<1x16xf32>,
    %swap3A_150 = arith.constant 10 : i32
    %swap3A_151 = arith.index_cast %swap3A_150 : i32 to index
    %swap3A_152 = arith.constant 16 : index
    %swap3A_153 = tpu.vector_load %arg9[%swap3A_151, %swap3A_152] {strides = array<i32>} : memref<64x32xf32, #tpu.memory_space<vmem>>, vector<1x16xf32>,
    %swap3A_154 = vector.shape_cast %swap3A_153 : vector<1x16xf32> to vector<16xf32>
    %swap3A_155 = vector.shape_cast %broadcast_in_dim3A_22 : vector<16xf32> to vector<1x16xf32>
    tpu.vector_store %arg9[%swap3A_151, %swap3A_152], %swap3A_155 {strides = array<i32>} : memref<64x32xf32, #tpu.memory_space<vmem>>, vector<1x16xf32>,
    %swap3A_156 = arith.constant 11 : i32
    %swap3A_157 = arith.index_cast %swap3A_156 : i32 to index
    %swap3A_158 = arith.constant 0 : index
    %swap3A_159 = tpu.vector_load %arg9[%swap3A_157, %swap3A_158] {strides = array<i32>} : memref<64x32xf32, #tpu.memory_space<vmem>>, vector<1x16xf32>,
    %swap3A_160 = vector.shape_cast %swap3A_159 : vector<1x16xf32> to vector<16xf32>
    %swap3A_161 = vector.shape_cast %broadcast_in_dim3A_22 : vector<16xf32> to vector<1x16xf32>
    tpu.vector_store %arg9[%swap3A_157, %swap3A_158], %swap3A_161 {strides = array<i32>} : memref<64x32xf32, #tpu.memory_space<vmem>>, vector<1x16xf32>,
    %swap3A_162 = arith.constant 11 : i32
    %swap3A_163 = arith.index_cast %swap3A_162 : i32 to index
    %swap3A_164 = arith.constant 16 : index
    %swap3A_165 = tpu.vector_load %arg9[%swap3A_163, %swap3A_164] {strides = array<i32>} : memref<64x32xf32, #tpu.memory_space<vmem>>, vector<1x16xf32>,
    %swap3A_166 = vector.shape_cast %swap3A_165 : vector<1x16xf32> to vector<16xf32>
    %swap3A_167 = vector.shape_cast %broadcast_in_dim3A_22 : vector<16xf32> to vector<1x16xf32>
    tpu.vector_store %arg9[%swap3A_163, %swap3A_164], %swap3A_167 {strides = array<i32>} : memref<64x32xf32, #tpu.memory_space<vmem>>, vector<1x16xf32>,
    %swap3A_168 = arith.constant 12 : i32
    %swap3A_169 = arith.index_cast %swap3A_168 : i32 to index
    %swap3A_170 = arith.constant 0 : index
    %swap3A_171 = tpu.vector_load %arg9[%swap3A_169, %swap3A_170] {strides = array<i32>} : memref<64x32xf32, #tpu.memory_space<vmem>>, vector<1x16xf32>,
    %swap3A_172 = vector.shape_cast %swap3A_171 : vector<1x16xf32> to vector<16xf32>
    %swap3A_173 = vector.shape_cast %broadcast_in_dim3A_22 : vector<16xf32> to vector<1x16xf32>
    tpu.vector_store %arg9[%swap3A_169, %swap3A_170], %swap3A_173 {strides = array<i32>} : memref<64x32xf32, #tpu.memory_space<vmem>>, vector<1x16xf32>,
    %swap3A_174 = arith.constant 12 : i32
    %swap3A_175 = arith.index_cast %swap3A_174 : i32 to index
    %swap3A_176 = arith.constant 16 : index
    %swap3A_177 = tpu.vector_load %arg9[%swap3A_175, %swap3A_176] {strides = array<i32>} : memref<64x32xf32, #tpu.memory_space<vmem>>, vector<1x16xf32>,
    %swap3A_178 = vector.shape_cast %swap3A_177 : vector<1x16xf32> to vector<16xf32>
    %swap3A_179 = vector.shape_cast %broadcast_in_dim3A_22 : vector<16xf32> to vector<1x16xf32>
    tpu.vector_store %arg9[%swap3A_175, %swap3A_176], %swap3A_179 {strides = array<i32>} : memref<64x32xf32, #tpu.memory_space<vmem>>, vector<1x16xf32>,
    %swap3A_180 = arith.constant 13 : i32
    %swap3A_181 = arith.index_cast %swap3A_180 : i32 to index
    %swap3A_182 = arith.constant 0 : index
    %swap3A_183 = tpu.vector_load %arg9[%swap3A_181, %swap3A_182] {strides = array<i32>} : memref<64x32xf32, #tpu.memory_space<vmem>>, vector<1x16xf32>,
    %swap3A_184 = vector.shape_cast %swap3A_183 : vector<1x16xf32> to vector<16xf32>
    %swap3A_185 = vector.shape_cast %broadcast_in_dim3A_22 : vector<16xf32> to vector<1x16xf32>
    tpu.vector_store %arg9[%swap3A_181, %swap3A_182], %swap3A_185 {strides = array<i32>} : memref<64x32xf32, #tpu.memory_space<vmem>>, vector<1x16xf32>,
    %swap3A_186 = arith.constant 13 : i32
    %swap3A_187 = arith.index_cast %swap3A_186 : i32 to index
    %swap3A_188 = arith.constant 16 : index
    %swap3A_189 = tpu.vector_load %arg9[%swap3A_187, %swap3A_188] {strides = array<i32>} : memref<64x32xf32, #tpu.memory_space<vmem>>, vector<1x16xf32>,
    %swap3A_190 = vector.shape_cast %swap3A_189 : vector<1x16xf32> to vector<16xf32>
    %swap3A_191 = vector.shape_cast %broadcast_in_dim3A_22 : vector<16xf32> to vector<1x16xf32>
    tpu.vector_store %arg9[%swap3A_187, %swap3A_188], %swap3A_191 {strides = array<i32>} : memref<64x32xf32, #tpu.memory_space<vmem>>, vector<1x16xf32>,
    %swap3A_192 = arith.constant 14 : i32
    %swap3A_193 = arith.index_cast %swap3A_192 : i32 to index
    %swap3A_194 = arith.constant 0 : index
    %swap3A_195 = tpu.vector_load %arg9[%swap3A_193, %swap3A_194] {strides = array<i32>} : memref<64x32xf32, #tpu.memory_space<vmem>>, vector<1x16xf32>,
    %swap3A_196 = vector.shape_cast %swap3A_195 : vector<1x16xf32> to vector<16xf32>
    %swap3A_197 = vector.shape_cast %broadcast_in_dim3A_22 : vector<16xf32> to vector<1x16xf32>
    tpu.vector_store %arg9[%swap3A_193, %swap3A_194], %swap3A_197 {strides = array<i32>} : memref<64x32xf32, #tpu.memory_space<vmem>>, vector<1x16xf32>,
    %swap3A_198 = arith.constant 14 : i32
    %swap3A_199 = arith.index_cast %swap3A_198 : i32 to index
    %swap3A_200 = arith.constant 16 : index
    %swap3A_201 = tpu.vector_load %arg9[%swap3A_199, %swap3A_200] {strides = array<i32>} : memref<64x32xf32, #tpu.memory_space<vmem>>, vector<1x16xf32>,
    %swap3A_202 = vector.shape_cast %swap3A_201 : vector<1x16xf32> to vector<16xf32>
    %swap3A_203 = vector.shape_cast %broadcast_in_dim3A_22 : vector<16xf32> to vector<1x16xf32>
    tpu.vector_store %arg9[%swap3A_199, %swap3A_200], %swap3A_203 {strides = array<i32>} : memref<64x32xf32, #tpu.memory_space<vmem>>, vector<1x16xf32>,
    %swap3A_204 = arith.constant 15 : i32
    %swap3A_205 = arith.index_cast %swap3A_204 : i32 to index
    %swap3A_206 = arith.constant 0 : index
    %swap3A_207 = tpu.vector_load %arg9[%swap3A_205, %swap3A_206] {strides = array<i32>} : memref<64x32xf32, #tpu.memory_space<vmem>>, vector<1x16xf32>,
    %swap3A_208 = vector.shape_cast %swap3A_207 : vector<1x16xf32> to vector<16xf32>
    %swap3A_209 = vector.shape_cast %broadcast_in_dim3A_22 : vector<16xf32> to vector<1x16xf32>
    tpu.vector_store %arg9[%swap3A_205, %swap3A_206], %swap3A_209 {strides = array<i32>} : memref<64x32xf32, #tpu.memory_space<vmem>>, vector<1x16xf32>,
    %swap3A_210 = arith.constant 15 : i32
    %swap3A_211 = arith.index_cast %swap3A_210 : i32 to index
    %swap3A_212 = arith.constant 16 : index
    %swap3A_213 = tpu.vector_load %arg9[%swap3A_211, %swap3A_212] {strides = array<i32>} : memref<64x32xf32, #tpu.memory_space<vmem>>, vector<1x16xf32>,
    %swap3A_214 = vector.shape_cast %swap3A_213 : vector<1x16xf32> to vector<16xf32>
    %swap3A_215 = vector.shape_cast %broadcast_in_dim3A_22 : vector<16xf32> to vector<1x16xf32>
    tpu.vector_store %arg9[%swap3A_211, %swap3A_212], %swap3A_215 {strides = array<i32>} : memref<64x32xf32, #tpu.memory_space<vmem>>, vector<1x16xf32>,
    %swap3A_216 = arith.constant 16 : i32
    %swap3A_217 = arith.index_cast %swap3A_216 : i32 to index
    %swap3A_218 = arith.constant 0 : index
    %swap3A_219 = tpu.vector_load %arg9[%swap3A_217, %swap3A_218] {strides = array<i32>} : memref<64x32xf32, #tpu.memory_space<vmem>>, vector<1x16xf32>,
    %swap3A_220 = vector.shape_cast %swap3A_219 : vector<1x16xf32> to vector<16xf32>
    %swap3A_221 = vector.shape_cast %broadcast_in_dim3A_22 : vector<16xf32> to vector<1x16xf32>
    tpu.vector_store %arg9[%swap3A_217, %swap3A_218], %swap3A_221 {strides = array<i32>} : memref<64x32xf32, #tpu.memory_space<vmem>>, vector<1x16xf32>,
    %swap3A_222 = arith.constant 16 : i32
    %swap3A_223 = arith.index_cast %swap3A_222 : i32 to index
    %swap3A_224 = arith.constant 16 : index
    %swap3A_225 = tpu.vector_load %arg9[%swap3A_223, %swap3A_224] {strides = array<i32>} : memref<64x32xf32, #tpu.memory_space<vmem>>, vector<1x16xf32>,
    %swap3A_226 = vector.shape_cast %swap3A_225 : vector<1x16xf32> to vector<16xf32>
    %swap3A_227 = vector.shape_cast %broadcast_in_dim3A_22 : vector<16xf32> to vector<1x16xf32>
    tpu.vector_store %arg9[%swap3A_223, %swap3A_224], %swap3A_227 {strides = array<i32>} : memref<64x32xf32, #tpu.memory_space<vmem>>, vector<1x16xf32>,
    %swap3A_228 = arith.constant 17 : i32
    %swap3A_229 = arith.index_cast %swap3A_228 : i32 to index
    %swap3A_230 = arith.constant 0 : index
    %swap3A_231 = tpu.vector_load %arg9[%swap3A_229, %swap3A_230] {strides = array<i32>} : memref<64x32xf32, #tpu.memory_space<vmem>>, vector<1x16xf32>,
    %swap3A_232 = vector.shape_cast %swap3A_231 : vector<1x16xf32> to vector<16xf32>
    %swap3A_233 = vector.shape_cast %broadcast_in_dim3A_22 : vector<16xf32> to vector<1x16xf32>
    tpu.vector_store %arg9[%swap3A_229, %swap3A_230], %swap3A_233 {strides = array<i32>} : memref<64x32xf32, #tpu.memory_space<vmem>>, vector<1x16xf32>,
    %swap3A_234 = arith.constant 17 : i32
    %swap3A_235 = arith.index_cast %swap3A_234 : i32 to index
    %swap3A_236 = arith.constant 16 : index
    %swap3A_237 = tpu.vector_load %arg9[%swap3A_235, %swap3A_236] {strides = array<i32>} : memref<64x32xf32, #tpu.memory_space<vmem>>, vector<1x16xf32>,
    %swap3A_238 = vector.shape_cast %swap3A_237 : vector<1x16xf32> to vector<16xf32>
    %swap3A_239 = vector.shape_cast %broadcast_in_dim3A_22 : vector<16xf32> to vector<1x16xf32>
    tpu.vector_store %arg9[%swap3A_235, %swap3A_236], %swap3A_239 {strides = array<i32>} : memref<64x32xf32, #tpu.memory_space<vmem>>, vector<1x16xf32>,
    %swap3A_240 = arith.constant 18 : i32
    %swap3A_241 = arith.index_cast %swap3A_240 : i32 to index
    %swap3A_242 = arith.constant 0 : index
    %swap3A_243 = tpu.vector_load %arg9[%swap3A_241, %swap3A_242] {strides = array<i32>} : memref<64x32xf32, #tpu.memory_space<vmem>>, vector<1x16xf32>,
    %swap3A_244 = vector.shape_cast %swap3A_243 : vector<1x16xf32> to vector<16xf32>
    %swap3A_245 = vector.shape_cast %broadcast_in_dim3A_22 : vector<16xf32> to vector<1x16xf32>
    tpu.vector_store %arg9[%swap3A_241, %swap3A_242], %swap3A_245 {strides = array<i32>} : memref<64x32xf32, #tpu.memory_space<vmem>>, vector<1x16xf32>,
    %swap3A_246 = arith.constant 18 : i32
    %swap3A_247 = arith.index_cast %swap3A_246 : i32 to index
    %swap3A_248 = arith.constant 16 : index
    %swap3A_249 = tpu.vector_load %arg9[%swap3A_247, %swap3A_248] {strides = array<i32>} : memref<64x32xf32, #tpu.memory_space<vmem>>, vector<1x16xf32>,
    %swap3A_250 = vector.shape_cast %swap3A_249 : vector<1x16xf32> to vector<16xf32>
    %swap3A_251 = vector.shape_cast %broadcast_in_dim3A_22 : vector<16xf32> to vector<1x16xf32>
    tpu.vector_store %arg9[%swap3A_247, %swap3A_248], %swap3A_251 {strides = array<i32>} : memref<64x32xf32, #tpu.memory_space<vmem>>, vector<1x16xf32>,
    %swap3A_252 = arith.constant 19 : i32
    %swap3A_253 = arith.index_cast %swap3A_252 : i32 to index
    %swap3A_254 = arith.constant 0 : index
    %swap3A_255 = tpu.vector_load %arg9[%swap3A_253, %swap3A_254] {strides = array<i32>} : memref<64x32xf32, #tpu.memory_space<vmem>>, vector<1x16xf32>,
    %swap3A_256 = vector.shape_cast %swap3A_255 : vector<1x16xf32> to vector<16xf32>
    %swap3A_257 = vector.shape_cast %broadcast_in_dim3A_22 : vector<16xf32> to vector<1x16xf32>
    tpu.vector_store %arg9[%swap3A_253, %swap3A_254], %swap3A_257 {strides = array<i32>} : memref<64x32xf32, #tpu.memory_space<vmem>>, vector<1x16xf32>,
    %swap3A_258 = arith.constant 19 : i32
    %swap3A_259 = arith.index_cast %swap3A_258 : i32 to index
    %swap3A_260 = arith.constant 16 : index
    %swap3A_261 = tpu.vector_load %arg9[%swap3A_259, %swap3A_260] {strides = array<i32>} : memref<64x32xf32, #tpu.memory_space<vmem>>, vector<1x16xf32>,
    %swap3A_262 = vector.shape_cast %swap3A_261 : vector<1x16xf32> to vector<16xf32>
    %swap3A_263 = vector.shape_cast %broadcast_in_dim3A_22 : vector<16xf32> to vector<1x16xf32>
    tpu.vector_store %arg9[%swap3A_259, %swap3A_260], %swap3A_263 {strides = array<i32>} : memref<64x32xf32, #tpu.memory_space<vmem>>, vector<1x16xf32>,
    %swap3A_264 = arith.constant 20 : i32
    %swap3A_265 = arith.index_cast %swap3A_264 : i32 to index
    %swap3A_266 = arith.constant 0 : index
    %swap3A_267 = tpu.vector_load %arg9[%swap3A_265, %swap3A_266] {strides = array<i32>} : memref<64x32xf32, #tpu.memory_space<vmem>>, vector<1x16xf32>,
    %swap3A_268 = vector.shape_cast %swap3A_267 : vector<1x16xf32> to vector<16xf32>
    %swap3A_269 = vector.shape_cast %broadcast_in_dim3A_22 : vector<16xf32> to vector<1x16xf32>
    tpu.vector_store %arg9[%swap3A_265, %swap3A_266], %swap3A_269 {strides = array<i32>} : memref<64x32xf32, #tpu.memory_space<vmem>>, vector<1x16xf32>,
    %swap3A_270 = arith.constant 20 : i32
    %swap3A_271 = arith.index_cast %swap3A_270 : i32 to index
    %swap3A_272 = arith.constant 16 : index
    %swap3A_273 = tpu.vector_load %arg9[%swap3A_271, %swap3A_272] {strides = array<i32>} : memref<64x32xf32, #tpu.memory_space<vmem>>, vector<1x16xf32>,
    %swap3A_274 = vector.shape_cast %swap3A_273 : vector<1x16xf32> to vector<16xf32>
    %swap3A_275 = vector.shape_cast %broadcast_in_dim3A_22 : vector<16xf32> to vector<1x16xf32>
    tpu.vector_store %arg9[%swap3A_271, %swap3A_272], %swap3A_275 {strides = array<i32>} : memref<64x32xf32, #tpu.memory_space<vmem>>, vector<1x16xf32>,
    %swap3A_276 = arith.constant 21 : i32
    %swap3A_277 = arith.index_cast %swap3A_276 : i32 to index
    %swap3A_278 = arith.constant 0 : index
    %swap3A_279 = tpu.vector_load %arg9[%swap3A_277, %swap3A_278] {strides = array<i32>} : memref<64x32xf32, #tpu.memory_space<vmem>>, vector<1x16xf32>,
    %swap3A_280 = vector.shape_cast %swap3A_279 : vector<1x16xf32> to vector<16xf32>
    %swap3A_281 = vector.shape_cast %broadcast_in_dim3A_22 : vector<16xf32> to vector<1x16xf32>
    tpu.vector_store %arg9[%swap3A_277, %swap3A_278], %swap3A_281 {strides = array<i32>} : memref<64x32xf32, #tpu.memory_space<vmem>>, vector<1x16xf32>,
    %swap3A_282 = arith.constant 21 : i32
    %swap3A_283 = arith.index_cast %swap3A_282 : i32 to index
    %swap3A_284 = arith.constant 16 : index
    %swap3A_285 = tpu.vector_load %arg9[%swap3A_283, %swap3A_284] {strides = array<i32>} : memref<64x32xf32, #tpu.memory_space<vmem>>, vector<1x16xf32>,
    %swap3A_286 = vector.shape_cast %swap3A_285 : vector<1x16xf32> to vector<16xf32>
    %swap3A_287 = vector.shape_cast %broadcast_in_dim3A_22 : vector<16xf32> to vector<1x16xf32>
    tpu.vector_store %arg9[%swap3A_283, %swap3A_284], %swap3A_287 {strides = array<i32>} : memref<64x32xf32, #tpu.memory_space<vmem>>, vector<1x16xf32>,
    %swap3A_288 = arith.constant 22 : i32
    %swap3A_289 = arith.index_cast %swap3A_288 : i32 to index
    %swap3A_290 = arith.constant 0 : index
    %swap3A_291 = tpu.vector_load %arg9[%swap3A_289, %swap3A_290] {strides = array<i32>} : memref<64x32xf32, #tpu.memory_space<vmem>>, vector<1x16xf32>,
    %swap3A_292 = vector.shape_cast %swap3A_291 : vector<1x16xf32> to vector<16xf32>
    %swap3A_293 = vector.shape_cast %broadcast_in_dim3A_22 : vector<16xf32> to vector<1x16xf32>
    tpu.vector_store %arg9[%swap3A_289, %swap3A_290], %swap3A_293 {strides = array<i32>} : memref<64x32xf32, #tpu.memory_space<vmem>>, vector<1x16xf32>,
    %swap3A_294 = arith.constant 22 : i32
    %swap3A_295 = arith.index_cast %swap3A_294 : i32 to index
    %swap3A_296 = arith.constant 16 : index
    %swap3A_297 = tpu.vector_load %arg9[%swap3A_295, %swap3A_296] {strides = array<i32>} : memref<64x32xf32, #tpu.memory_space<vmem>>, vector<1x16xf32>,
    %swap3A_298 = vector.shape_cast %swap3A_297 : vector<1x16xf32> to vector<16xf32>
    %swap3A_299 = vector.shape_cast %broadcast_in_dim3A_22 : vector<16xf32> to vector<1x16xf32>
    tpu.vector_store %arg9[%swap3A_295, %swap3A_296], %swap3A_299 {strides = array<i32>} : memref<64x32xf32, #tpu.memory_space<vmem>>, vector<1x16xf32>,
    %swap3A_300 = arith.constant 23 : i32
    %swap3A_301 = arith.index_cast %swap3A_300 : i32 to index
    %swap3A_302 = arith.constant 0 : index
    %swap3A_303 = tpu.vector_load %arg9[%swap3A_301, %swap3A_302] {strides = array<i32>} : memref<64x32xf32, #tpu.memory_space<vmem>>, vector<1x16xf32>,
    %swap3A_304 = vector.shape_cast %swap3A_303 : vector<1x16xf32> to vector<16xf32>
    %swap3A_305 = vector.shape_cast %broadcast_in_dim3A_22 : vector<16xf32> to vector<1x16xf32>
    tpu.vector_store %arg9[%swap3A_301, %swap3A_302], %swap3A_305 {strides = array<i32>} : memref<64x32xf32, #tpu.memory_space<vmem>>, vector<1x16xf32>,
    %swap3A_306 = arith.constant 23 : i32
    %swap3A_307 = arith.index_cast %swap3A_306 : i32 to index
    %swap3A_308 = arith.constant 16 : index
    %swap3A_309 = tpu.vector_load %arg9[%swap3A_307, %swap3A_308] {strides = array<i32>} : memref<64x32xf32, #tpu.memory_space<vmem>>, vector<1x16xf32>,
    %swap3A_310 = vector.shape_cast %swap3A_309 : vector<1x16xf32> to vector<16xf32>
    %swap3A_311 = vector.shape_cast %broadcast_in_dim3A_22 : vector<16xf32> to vector<1x16xf32>
    tpu.vector_store %arg9[%swap3A_307, %swap3A_308], %swap3A_311 {strides = array<i32>} : memref<64x32xf32, #tpu.memory_space<vmem>>, vector<1x16xf32>,
    %swap3A_312 = arith.constant 24 : i32
    %swap3A_313 = arith.index_cast %swap3A_312 : i32 to index
    %swap3A_314 = arith.constant 0 : index
    %swap3A_315 = tpu.vector_load %arg9[%swap3A_313, %swap3A_314] {strides = array<i32>} : memref<64x32xf32, #tpu.memory_space<vmem>>, vector<1x16xf32>,
    %swap3A_316 = vector.shape_cast %swap3A_315 : vector<1x16xf32> to vector<16xf32>
    %swap3A_317 = vector.shape_cast %broadcast_in_dim3A_22 : vector<16xf32> to vector<1x16xf32>
    tpu.vector_store %arg9[%swap3A_313, %swap3A_314], %swap3A_317 {strides = array<i32>} : memref<64x32xf32, #tpu.memory_space<vmem>>, vector<1x16xf32>,
    %swap3A_318 = arith.constant 24 : i32
    %swap3A_319 = arith.index_cast %swap3A_318 : i32 to index
    %swap3A_320 = arith.constant 16 : index
    %swap3A_321 = tpu.vector_load %arg9[%swap3A_319, %swap3A_320] {strides = array<i32>} : memref<64x32xf32, #tpu.memory_space<vmem>>, vector<1x16xf32>,
    %swap3A_322 = vector.shape_cast %swap3A_321 : vector<1x16xf32> to vector<16xf32>
    %swap3A_323 = vector.shape_cast %broadcast_in_dim3A_22 : vector<16xf32> to vector<1x16xf32>
    tpu.vector_store %arg9[%swap3A_319, %swap3A_320], %swap3A_323 {strides = array<i32>} : memref<64x32xf32, #tpu.memory_space<vmem>>, vector<1x16xf32>,
    %swap3A_324 = arith.constant 25 : i32
    %swap3A_325 = arith.index_cast %swap3A_324 : i32 to index
    %swap3A_326 = arith.constant 0 : index
    %swap3A_327 = tpu.vector_load %arg9[%swap3A_325, %swap3A_326] {strides = array<i32>} : memref<64x32xf32, #tpu.memory_space<vmem>>, vector<1x16xf32>,
    %swap3A_328 = vector.shape_cast %swap3A_327 : vector<1x16xf32> to vector<16xf32>
    %swap3A_329 = vector.shape_cast %broadcast_in_dim3A_22 : vector<16xf32> to vector<1x16xf32>
    tpu.vector_store %arg9[%swap3A_325, %swap3A_326], %swap3A_329 {strides = array<i32>} : memref<64x32xf32, #tpu.memory_space<vmem>>, vector<1x16xf32>,
    %swap3A_330 = arith.constant 25 : i32
    %swap3A_331 = arith.index_cast %swap3A_330 : i32 to index
    %swap3A_332 = arith.constant 16 : index
    %swap3A_333 = tpu.vector_load %arg9[%swap3A_331, %swap3A_332] {strides = array<i32>} : memref<64x32xf32, #tpu.memory_space<vmem>>, vector<1x16xf32>,
    %swap3A_334 = vector.shape_cast %swap3A_333 : vector<1x16xf32> to vector<16xf32>
    %swap3A_335 = vector.shape_cast %broadcast_in_dim3A_22 : vector<16xf32> to vector<1x16xf32>
    tpu.vector_store %arg9[%swap3A_331, %swap3A_332], %swap3A_335 {strides = array<i32>} : memref<64x32xf32, #tpu.memory_space<vmem>>, vector<1x16xf32>,
    %swap3A_336 = arith.constant 26 : i32
    %swap3A_337 = arith.index_cast %swap3A_336 : i32 to index
    %swap3A_338 = arith.constant 0 : index
    %swap3A_339 = tpu.vector_load %arg9[%swap3A_337, %swap3A_338] {strides = array<i32>} : memref<64x32xf32, #tpu.memory_space<vmem>>, vector<1x16xf32>,
    %swap3A_340 = vector.shape_cast %swap3A_339 : vector<1x16xf32> to vector<16xf32>
    %swap3A_341 = vector.shape_cast %broadcast_in_dim3A_22 : vector<16xf32> to vector<1x16xf32>
    tpu.vector_store %arg9[%swap3A_337, %swap3A_338], %swap3A_341 {strides = array<i32>} : memref<64x32xf32, #tpu.memory_space<vmem>>, vector<1x16xf32>,
    %swap3A_342 = arith.constant 26 : i32
    %swap3A_343 = arith.index_cast %swap3A_342 : i32 to index
    %swap3A_344 = arith.constant 16 : index
    %swap3A_345 = tpu.vector_load %arg9[%swap3A_343, %swap3A_344] {strides = array<i32>} : memref<64x32xf32, #tpu.memory_space<vmem>>, vector<1x16xf32>,
    %swap3A_346 = vector.shape_cast %swap3A_345 : vector<1x16xf32> to vector<16xf32>
    %swap3A_347 = vector.shape_cast %broadcast_in_dim3A_22 : vector<16xf32> to vector<1x16xf32>
    tpu.vector_store %arg9[%swap3A_343, %swap3A_344], %swap3A_347 {strides = array<i32>} : memref<64x32xf32, #tpu.memory_space<vmem>>, vector<1x16xf32>,
    %swap3A_348 = arith.constant 27 : i32
    %swap3A_349 = arith.index_cast %swap3A_348 : i32 to index
    %swap3A_350 = arith.constant 0 : index
    %swap3A_351 = tpu.vector_load %arg9[%swap3A_349, %swap3A_350] {strides = array<i32>} : memref<64x32xf32, #tpu.memory_space<vmem>>, vector<1x16xf32>,
    %swap3A_352 = vector.shape_cast %swap3A_351 : vector<1x16xf32> to vector<16xf32>
    %swap3A_353 = vector.shape_cast %broadcast_in_dim3A_22 : vector<16xf32> to vector<1x16xf32>
    tpu.vector_store %arg9[%swap3A_349, %swap3A_350], %swap3A_353 {strides = array<i32>} : memref<64x32xf32, #tpu.memory_space<vmem>>, vector<1x16xf32>,
    %swap3A_354 = arith.constant 27 : i32
    %swap3A_355 = arith.index_cast %swap3A_354 : i32 to index
    %swap3A_356 = arith.constant 16 : index
    %swap3A_357 = tpu.vector_load %arg9[%swap3A_355, %swap3A_356] {strides = array<i32>} : memref<64x32xf32, #tpu.memory_space<vmem>>, vector<1x16xf32>,
    %swap3A_358 = vector.shape_cast %swap3A_357 : vector<1x16xf32> to vector<16xf32>
    %swap3A_359 = vector.shape_cast %broadcast_in_dim3A_22 : vector<16xf32> to vector<1x16xf32>
    tpu.vector_store %arg9[%swap3A_355, %swap3A_356], %swap3A_359 {strides = array<i32>} : memref<64x32xf32, #tpu.memory_space<vmem>>, vector<1x16xf32>,
    %swap3A_360 = arith.constant 28 : i32
    %swap3A_361 = arith.index_cast %swap3A_360 : i32 to index
    %swap3A_362 = arith.constant 0 : index
    %swap3A_363 = tpu.vector_load %arg9[%swap3A_361, %swap3A_362] {strides = array<i32>} : memref<64x32xf32, #tpu.memory_space<vmem>>, vector<1x16xf32>,
    %swap3A_364 = vector.shape_cast %swap3A_363 : vector<1x16xf32> to vector<16xf32>
    %swap3A_365 = vector.shape_cast %broadcast_in_dim3A_22 : vector<16xf32> to vector<1x16xf32>
    tpu.vector_store %arg9[%swap3A_361, %swap3A_362], %swap3A_365 {strides = array<i32>} : memref<64x32xf32, #tpu.memory_space<vmem>>, vector<1x16xf32>,
    %swap3A_366 = arith.constant 28 : i32
    %swap3A_367 = arith.index_cast %swap3A_366 : i32 to index
    %swap3A_368 = arith.constant 16 : index
    %swap3A_369 = tpu.vector_load %arg9[%swap3A_367, %swap3A_368] {strides = array<i32>} : memref<64x32xf32, #tpu.memory_space<vmem>>, vector<1x16xf32>,
    %swap3A_370 = vector.shape_cast %swap3A_369 : vector<1x16xf32> to vector<16xf32>
    %swap3A_371 = vector.shape_cast %broadcast_in_dim3A_22 : vector<16xf32> to vector<1x16xf32>
    tpu.vector_store %arg9[%swap3A_367, %swap3A_368], %swap3A_371 {strides = array<i32>} : memref<64x32xf32, #tpu.memory_space<vmem>>, vector<1x16xf32>,
    %swap3A_372 = arith.constant 29 : i32
    %swap3A_373 = arith.index_cast %swap3A_372 : i32 to index
    %swap3A_374 = arith.constant 0 : index
    %swap3A_375 = tpu.vector_load %arg9[%swap3A_373, %swap3A_374] {strides = array<i32>} : memref<64x32xf32, #tpu.memory_space<vmem>>, vector<1x16xf32>,
    %swap3A_376 = vector.shape_cast %swap3A_375 : vector<1x16xf32> to vector<16xf32>
    %swap3A_377 = vector.shape_cast %broadcast_in_dim3A_22 : vector<16xf32> to vector<1x16xf32>
    tpu.vector_store %arg9[%swap3A_373, %swap3A_374], %swap3A_377 {strides = array<i32>} : memref<64x32xf32, #tpu.memory_space<vmem>>, vector<1x16xf32>,
    %swap3A_378 = arith.constant 29 : i32
    %swap3A_379 = arith.index_cast %swap3A_378 : i32 to index
    %swap3A_380 = arith.constant 16 : index
    %swap3A_381 = tpu.vector_load %arg9[%swap3A_379, %swap3A_380] {strides = array<i32>} : memref<64x32xf32, #tpu.memory_space<vmem>>, vector<1x16xf32>,
    %swap3A_382 = vector.shape_cast %swap3A_381 : vector<1x16xf32> to vector<16xf32>
    %swap3A_383 = vector.shape_cast %broadcast_in_dim3A_22 : vector<16xf32> to vector<1x16xf32>
    tpu.vector_store %arg9[%swap3A_379, %swap3A_380], %swap3A_383 {strides = array<i32>} : memref<64x32xf32, #tpu.memory_space<vmem>>, vector<1x16xf32>,
    %swap3A_384 = arith.constant 30 : i32
    %swap3A_385 = arith.index_cast %swap3A_384 : i32 to index
    %swap3A_386 = arith.constant 0 : index
    %swap3A_387 = tpu.vector_load %arg9[%swap3A_385, %swap3A_386] {strides = array<i32>} : memref<64x32xf32, #tpu.memory_space<vmem>>, vector<1x16xf32>,
    %swap3A_388 = vector.shape_cast %swap3A_387 : vector<1x16xf32> to vector<16xf32>
    %swap3A_389 = vector.shape_cast %broadcast_in_dim3A_22 : vector<16xf32> to vector<1x16xf32>
    tpu.vector_store %arg9[%swap3A_385, %swap3A_386], %swap3A_389 {strides = array<i32>} : memref<64x32xf32, #tpu.memory_space<vmem>>, vector<1x16xf32>,
    %swap3A_390 = arith.constant 30 : i32
    %swap3A_391 = arith.index_cast %swap3A_390 : i32 to index
    %swap3A_392 = arith.constant 16 : index
    %swap3A_393 = tpu.vector_load %arg9[%swap3A_391, %swap3A_392] {strides = array<i32>} : memref<64x32xf32, #tpu.memory_space<vmem>>, vector<1x16xf32>,
    %swap3A_394 = vector.shape_cast %swap3A_393 : vector<1x16xf32> to vector<16xf32>
    %swap3A_395 = vector.shape_cast %broadcast_in_dim3A_22 : vector<16xf32> to vector<1x16xf32>
    tpu.vector_store %arg9[%swap3A_391, %swap3A_392], %swap3A_395 {strides = array<i32>} : memref<64x32xf32, #tpu.memory_space<vmem>>, vector<1x16xf32>,
    %swap3A_396 = arith.constant 31 : i32
    %swap3A_397 = arith.index_cast %swap3A_396 : i32 to index
    %swap3A_398 = arith.constant 0 : index
    %swap3A_399 = tpu.vector_load %arg9[%swap3A_397, %swap3A_398] {strides = array<i32>} : memref<64x32xf32, #tpu.memory_space<vmem>>, vector<1x16xf32>,
    %swap3A_400 = vector.shape_cast %swap3A_399 : vector<1x16xf32> to vector<16xf32>
    %swap3A_401 = vector.shape_cast %broadcast_in_dim3A_22 : vector<16xf32> to vector<1x16xf32>
    tpu.vector_store %arg9[%swap3A_397, %swap3A_398], %swap3A_401 {strides = array<i32>} : memref<64x32xf32, #tpu.memory_space<vmem>>, vector<1x16xf32>,
    %swap3A_402 = arith.constant 31 : i32
    %swap3A_403 = arith.index_cast %swap3A_402 : i32 to index
    %swap3A_404 = arith.constant 16 : index
    %swap3A_405 = tpu.vector_load %arg9[%swap3A_403, %swap3A_404] {strides = array<i32>} : memref<64x32xf32, #tpu.memory_space<vmem>>, vector<1x16xf32>,
    %swap3A_406 = vector.shape_cast %swap3A_405 : vector<1x16xf32> to vector<16xf32>
    %swap3A_407 = vector.shape_cast %broadcast_in_dim3A_22 : vector<16xf32> to vector<1x16xf32>
    tpu.vector_store %arg9[%swap3A_403, %swap3A_404], %swap3A_407 {strides = array<i32>} : memref<64x32xf32, #tpu.memory_space<vmem>>, vector<1x16xf32>,
    %swap3A_408 = arith.constant 32 : i32
    %swap3A_409 = arith.index_cast %swap3A_408 : i32 to index
    %swap3A_410 = arith.constant 0 : index
    %swap3A_411 = tpu.vector_load %arg9[%swap3A_409, %swap3A_410] {strides = array<i32>} : memref<64x32xf32, #tpu.memory_space<vmem>>, vector<1x16xf32>,
    %swap3A_412 = vector.shape_cast %swap3A_411 : vector<1x16xf32> to vector<16xf32>
    %swap3A_413 = vector.shape_cast %broadcast_in_dim3A_22 : vector<16xf32> to vector<1x16xf32>
    tpu.vector_store %arg9[%swap3A_409, %swap3A_410], %swap3A_413 {strides = array<i32>} : memref<64x32xf32, #tpu.memory_space<vmem>>, vector<1x16xf32>,
    %swap3A_414 = arith.constant 32 : i32
    %swap3A_415 = arith.index_cast %swap3A_414 : i32 to index
    %swap3A_416 = arith.constant 16 : index
    %swap3A_417 = tpu.vector_load %arg9[%swap3A_415, %swap3A_416] {strides = array<i32>} : memref<64x32xf32, #tpu.memory_space<vmem>>, vector<1x16xf32>,
    %swap3A_418 = vector.shape_cast %swap3A_417 : vector<1x16xf32> to vector<16xf32>
    %swap3A_419 = vector.shape_cast %broadcast_in_dim3A_22 : vector<16xf32> to vector<1x16xf32>
    tpu.vector_store %arg9[%swap3A_415, %swap3A_416], %swap3A_419 {strides = array<i32>} : memref<64x32xf32, #tpu.memory_space<vmem>>, vector<1x16xf32>,
    %swap3A_420 = arith.constant 33 : i32
    %swap3A_421 = arith.index_cast %swap3A_420 : i32 to index
    %swap3A_422 = arith.constant 0 : index
    %swap3A_423 = tpu.vector_load %arg9[%swap3A_421, %swap3A_422] {strides = array<i32>} : memref<64x32xf32, #tpu.memory_space<vmem>>, vector<1x16xf32>,
    %swap3A_424 = vector.shape_cast %swap3A_423 : vector<1x16xf32> to vector<16xf32>
    %swap3A_425 = vector.shape_cast %broadcast_in_dim3A_22 : vector<16xf32> to vector<1x16xf32>
    tpu.vector_store %arg9[%swap3A_421, %swap3A_422], %swap3A_425 {strides = array<i32>} : memref<64x32xf32, #tpu.memory_space<vmem>>, vector<1x16xf32>,
    %swap3A_426 = arith.constant 33 : i32
    %swap3A_427 = arith.index_cast %swap3A_426 : i32 to index
    %swap3A_428 = arith.constant 16 : index
    %swap3A_429 = tpu.vector_load %arg9[%swap3A_427, %swap3A_428] {strides = array<i32>} : memref<64x32xf32, #tpu.memory_space<vmem>>, vector<1x16xf32>,
    %swap3A_430 = vector.shape_cast %swap3A_429 : vector<1x16xf32> to vector<16xf32>
    %swap3A_431 = vector.shape_cast %broadcast_in_dim3A_22 : vector<16xf32> to vector<1x16xf32>
    tpu.vector_store %arg9[%swap3A_427, %swap3A_428], %swap3A_431 {strides = array<i32>} : memref<64x32xf32, #tpu.memory_space<vmem>>, vector<1x16xf32>,
    %swap3A_432 = arith.constant 34 : i32
    %swap3A_433 = arith.index_cast %swap3A_432 : i32 to index
    %swap3A_434 = arith.constant 0 : index
    %swap3A_435 = tpu.vector_load %arg9[%swap3A_433, %swap3A_434] {strides = array<i32>} : memref<64x32xf32, #tpu.memory_space<vmem>>, vector<1x16xf32>,
    %swap3A_436 = vector.shape_cast %swap3A_435 : vector<1x16xf32> to vector<16xf32>
    %swap3A_437 = vector.shape_cast %broadcast_in_dim3A_22 : vector<16xf32> to vector<1x16xf32>
    tpu.vector_store %arg9[%swap3A_433, %swap3A_434], %swap3A_437 {strides = array<i32>} : memref<64x32xf32, #tpu.memory_space<vmem>>, vector<1x16xf32>,
    %swap3A_438 = arith.constant 34 : i32
    %swap3A_439 = arith.index_cast %swap3A_438 : i32 to index
    %swap3A_440 = arith.constant 16 : index
    %swap3A_441 = tpu.vector_load %arg9[%swap3A_439, %swap3A_440] {strides = array<i32>} : memref<64x32xf32, #tpu.memory_space<vmem>>, vector<1x16xf32>,
    %swap3A_442 = vector.shape_cast %swap3A_441 : vector<1x16xf32> to vector<16xf32>
    %swap3A_443 = vector.shape_cast %broadcast_in_dim3A_22 : vector<16xf32> to vector<1x16xf32>
    tpu.vector_store %arg9[%swap3A_439, %swap3A_440], %swap3A_443 {strides = array<i32>} : memref<64x32xf32, #tpu.memory_space<vmem>>, vector<1x16xf32>,
    %swap3A_444 = arith.constant 35 : i32
    %swap3A_445 = arith.index_cast %swap3A_444 : i32 to index
    %swap3A_446 = arith.constant 0 : index
    %swap3A_447 = tpu.vector_load %arg9[%swap3A_445, %swap3A_446] {strides = array<i32>} : memref<64x32xf32, #tpu.memory_space<vmem>>, vector<1x16xf32>,
    %swap3A_448 = vector.shape_cast %swap3A_447 : vector<1x16xf32> to vector<16xf32>
    %swap3A_449 = vector.shape_cast %broadcast_in_dim3A_22 : vector<16xf32> to vector<1x16xf32>
    tpu.vector_store %arg9[%swap3A_445, %swap3A_446], %swap3A_449 {strides = array<i32>} : memref<64x32xf32, #tpu.memory_space<vmem>>, vector<1x16xf32>,
    %swap3A_450 = arith.constant 35 : i32
    %swap3A_451 = arith.index_cast %swap3A_450 : i32 to index
    %swap3A_452 = arith.constant 16 : index
    %swap3A_453 = tpu.vector_load %arg9[%swap3A_451, %swap3A_452] {strides = array<i32>} : memref<64x32xf32, #tpu.memory_space<vmem>>, vector<1x16xf32>,
    %swap3A_454 = vector.shape_cast %swap3A_453 : vector<1x16xf32> to vector<16xf32>
    %swap3A_455 = vector.shape_cast %broadcast_in_dim3A_22 : vector<16xf32> to vector<1x16xf32>
    tpu.vector_store %arg9[%swap3A_451, %swap3A_452], %swap3A_455 {strides = array<i32>} : memref<64x32xf32, #tpu.memory_space<vmem>>, vector<1x16xf32>,
    %swap3A_456 = arith.constant 36 : i32
    %swap3A_457 = arith.index_cast %swap3A_456 : i32 to index
    %swap3A_458 = arith.constant 0 : index
    %swap3A_459 = tpu.vector_load %arg9[%swap3A_457, %swap3A_458] {strides = array<i32>} : memref<64x32xf32, #tpu.memory_space<vmem>>, vector<1x16xf32>,
    %swap3A_460 = vector.shape_cast %swap3A_459 : vector<1x16xf32> to vector<16xf32>
    %swap3A_461 = vector.shape_cast %broadcast_in_dim3A_22 : vector<16xf32> to vector<1x16xf32>
    tpu.vector_store %arg9[%swap3A_457, %swap3A_458], %swap3A_461 {strides = array<i32>} : memref<64x32xf32, #tpu.memory_space<vmem>>, vector<1x16xf32>,
    %swap3A_462 = arith.constant 36 : i32
    %swap3A_463 = arith.index_cast %swap3A_462 : i32 to index
    %swap3A_464 = arith.constant 16 : index
    %swap3A_465 = tpu.vector_load %arg9[%swap3A_463, %swap3A_464] {strides = array<i32>} : memref<64x32xf32, #tpu.memory_space<vmem>>, vector<1x16xf32>,
    %swap3A_466 = vector.shape_cast %swap3A_465 : vector<1x16xf32> to vector<16xf32>
    %swap3A_467 = vector.shape_cast %broadcast_in_dim3A_22 : vector<16xf32> to vector<1x16xf32>
    tpu.vector_store %arg9[%swap3A_463, %swap3A_464], %swap3A_467 {strides = array<i32>} : memref<64x32xf32, #tpu.memory_space<vmem>>, vector<1x16xf32>,
    %swap3A_468 = arith.constant 37 : i32
    %swap3A_469 = arith.index_cast %swap3A_468 : i32 to index
    %swap3A_470 = arith.constant 0 : index
    %swap3A_471 = tpu.vector_load %arg9[%swap3A_469, %swap3A_470] {strides = array<i32>} : memref<64x32xf32, #tpu.memory_space<vmem>>, vector<1x16xf32>,
    %swap3A_472 = vector.shape_cast %swap3A_471 : vector<1x16xf32> to vector<16xf32>
    %swap3A_473 = vector.shape_cast %broadcast_in_dim3A_22 : vector<16xf32> to vector<1x16xf32>
    tpu.vector_store %arg9[%swap3A_469, %swap3A_470], %swap3A_473 {strides = array<i32>} : memref<64x32xf32, #tpu.memory_space<vmem>>, vector<1x16xf32>,
    %swap3A_474 = arith.constant 37 : i32
    %swap3A_475 = arith.index_cast %swap3A_474 : i32 to index
    %swap3A_476 = arith.constant 16 : index
    %swap3A_477 = tpu.vector_load %arg9[%swap3A_475, %swap3A_476] {strides = array<i32>} : memref<64x32xf32, #tpu.memory_space<vmem>>, vector<1x16xf32>,
    %swap3A_478 = vector.shape_cast %swap3A_477 : vector<1x16xf32> to vector<16xf32>
    %swap3A_479 = vector.shape_cast %broadcast_in_dim3A_22 : vector<16xf32> to vector<1x16xf32>
    tpu.vector_store %arg9[%swap3A_475, %swap3A_476], %swap3A_479 {strides = array<i32>} : memref<64x32xf32, #tpu.memory_space<vmem>>, vector<1x16xf32>,
    %swap3A_480 = arith.constant 38 : i32
    %swap3A_481 = arith.index_cast %swap3A_480 : i32 to index
    %swap3A_482 = arith.constant 0 : index
    %swap3A_483 = tpu.vector_load %arg9[%swap3A_481, %swap3A_482] {strides = array<i32>} : memref<64x32xf32, #tpu.memory_space<vmem>>, vector<1x16xf32>,
    %swap3A_484 = vector.shape_cast %swap3A_483 : vector<1x16xf32> to vector<16xf32>
    %swap3A_485 = vector.shape_cast %broadcast_in_dim3A_22 : vector<16xf32> to vector<1x16xf32>
    tpu.vector_store %arg9[%swap3A_481, %swap3A_482], %swap3A_485 {strides = array<i32>} : memref<64x32xf32, #tpu.memory_space<vmem>>, vector<1x16xf32>,
    %swap3A_486 = arith.constant 38 : i32
    %swap3A_487 = arith.index_cast %swap3A_486 : i32 to index
    %swap3A_488 = arith.constant 16 : index
    %swap3A_489 = tpu.vector_load %arg9[%swap3A_487, %swap3A_488] {strides = array<i32>} : memref<64x32xf32, #tpu.memory_space<vmem>>, vector<1x16xf32>,
    %swap3A_490 = vector.shape_cast %swap3A_489 : vector<1x16xf32> to vector<16xf32>
    %swap3A_491 = vector.shape_cast %broadcast_in_dim3A_22 : vector<16xf32> to vector<1x16xf32>
    tpu.vector_store %arg9[%swap3A_487, %swap3A_488], %swap3A_491 {strides = array<i32>} : memref<64x32xf32, #tpu.memory_space<vmem>>, vector<1x16xf32>,
    %swap3A_492 = arith.constant 39 : i32
    %swap3A_493 = arith.index_cast %swap3A_492 : i32 to index
    %swap3A_494 = arith.constant 0 : index
    %swap3A_495 = tpu.vector_load %arg9[%swap3A_493, %swap3A_494] {strides = array<i32>} : memref<64x32xf32, #tpu.memory_space<vmem>>, vector<1x16xf32>,
    %swap3A_496 = vector.shape_cast %swap3A_495 : vector<1x16xf32> to vector<16xf32>
    %swap3A_497 = vector.shape_cast %broadcast_in_dim3A_22 : vector<16xf32> to vector<1x16xf32>
    tpu.vector_store %arg9[%swap3A_493, %swap3A_494], %swap3A_497 {strides = array<i32>} : memref<64x32xf32, #tpu.memory_space<vmem>>, vector<1x16xf32>,
    %swap3A_498 = arith.constant 39 : i32
    %swap3A_499 = arith.index_cast %swap3A_498 : i32 to index
    %swap3A_500 = arith.constant 16 : index
    %swap3A_501 = tpu.vector_load %arg9[%swap3A_499, %swap3A_500] {strides = array<i32>} : memref<64x32xf32, #tpu.memory_space<vmem>>, vector<1x16xf32>,
    %swap3A_502 = vector.shape_cast %swap3A_501 : vector<1x16xf32> to vector<16xf32>
    %swap3A_503 = vector.shape_cast %broadcast_in_dim3A_22 : vector<16xf32> to vector<1x16xf32>
    tpu.vector_store %arg9[%swap3A_499, %swap3A_500], %swap3A_503 {strides = array<i32>} : memref<64x32xf32, #tpu.memory_space<vmem>>, vector<1x16xf32>,
    %swap3A_504 = arith.constant 40 : i32
    %swap3A_505 = arith.index_cast %swap3A_504 : i32 to index
    %swap3A_506 = arith.constant 0 : index
    %swap3A_507 = tpu.vector_load %arg9[%swap3A_505, %swap3A_506] {strides = array<i32>} : memref<64x32xf32, #tpu.memory_space<vmem>>, vector<1x16xf32>,
    %swap3A_508 = vector.shape_cast %swap3A_507 : vector<1x16xf32> to vector<16xf32>
    %swap3A_509 = vector.shape_cast %broadcast_in_dim3A_22 : vector<16xf32> to vector<1x16xf32>
    tpu.vector_store %arg9[%swap3A_505, %swap3A_506], %swap3A_509 {strides = array<i32>} : memref<64x32xf32, #tpu.memory_space<vmem>>, vector<1x16xf32>,
    %swap3A_510 = arith.constant 40 : i32
    %swap3A_511 = arith.index_cast %swap3A_510 : i32 to index
    %swap3A_512 = arith.constant 16 : index
    %swap3A_513 = tpu.vector_load %arg9[%swap3A_511, %swap3A_512] {strides = array<i32>} : memref<64x32xf32, #tpu.memory_space<vmem>>, vector<1x16xf32>,
    %swap3A_514 = vector.shape_cast %swap3A_513 : vector<1x16xf32> to vector<16xf32>
    %swap3A_515 = vector.shape_cast %broadcast_in_dim3A_22 : vector<16xf32> to vector<1x16xf32>
    tpu.vector_store %arg9[%swap3A_511, %swap3A_512], %swap3A_515 {strides = array<i32>} : memref<64x32xf32, #tpu.memory_space<vmem>>, vector<1x16xf32>,
    %swap3A_516 = arith.constant 41 : i32
    %swap3A_517 = arith.index_cast %swap3A_516 : i32 to index
    %swap3A_518 = arith.constant 0 : index
    %swap3A_519 = tpu.vector_load %arg9[%swap3A_517, %swap3A_518] {strides = array<i32>} : memref<64x32xf32, #tpu.memory_space<vmem>>, vector<1x16xf32>,
    %swap3A_520 = vector.shape_cast %swap3A_519 : vector<1x16xf32> to vector<16xf32>
    %swap3A_521 = vector.shape_cast %broadcast_in_dim3A_22 : vector<16xf32> to vector<1x16xf32>
    tpu.vector_store %arg9[%swap3A_517, %swap3A_518], %swap3A_521 {strides = array<i32>} : memref<64x32xf32, #tpu.memory_space<vmem>>, vector<1x16xf32>,
    %swap3A_522 = arith.constant 41 : i32
    %swap3A_523 = arith.index_cast %swap3A_522 : i32 to index
    %swap3A_524 = arith.constant 16 : index
    %swap3A_525 = tpu.vector_load %arg9[%swap3A_523, %swap3A_524] {strides = array<i32>} : memref<64x32xf32, #tpu.memory_space<vmem>>, vector<1x16xf32>,
    %swap3A_526 = vector.shape_cast %swap3A_525 : vector<1x16xf32> to vector<16xf32>
    %swap3A_527 = vector.shape_cast %broadcast_in_dim3A_22 : vector<16xf32> to vector<1x16xf32>
    tpu.vector_store %arg9[%swap3A_523, %swap3A_524], %swap3A_527 {strides = array<i32>} : memref<64x32xf32, #tpu.memory_space<vmem>>, vector<1x16xf32>,
    %swap3A_528 = arith.constant 42 : i32
    %swap3A_529 = arith.index_cast %swap3A_528 : i32 to index
    %swap3A_530 = arith.constant 0 : index
    %swap3A_531 = tpu.vector_load %arg9[%swap3A_529, %swap3A_530] {strides = array<i32>} : memref<64x32xf32, #tpu.memory_space<vmem>>, vector<1x16xf32>,
    %swap3A_532 = vector.shape_cast %swap3A_531 : vector<1x16xf32> to vector<16xf32>
    %swap3A_533 = vector.shape_cast %broadcast_in_dim3A_22 : vector<16xf32> to vector<1x16xf32>
    tpu.vector_store %arg9[%swap3A_529, %swap3A_530], %swap3A_533 {strides = array<i32>} : memref<64x32xf32, #tpu.memory_space<vmem>>, vector<1x16xf32>,
    %swap3A_534 = arith.constant 42 : i32
    %swap3A_535 = arith.index_cast %swap3A_534 : i32 to index
    %swap3A_536 = arith.constant 16 : index
    %swap3A_537 = tpu.vector_load %arg9[%swap3A_535, %swap3A_536] {strides = array<i32>} : memref<64x32xf32, #tpu.memory_space<vmem>>, vector<1x16xf32>,
    %swap3A_538 = vector.shape_cast %swap3A_537 : vector<1x16xf32> to vector<16xf32>
    %swap3A_539 = vector.shape_cast %broadcast_in_dim3A_22 : vector<16xf32> to vector<1x16xf32>
    tpu.vector_store %arg9[%swap3A_535, %swap3A_536], %swap3A_539 {strides = array<i32>} : memref<64x32xf32, #tpu.memory_space<vmem>>, vector<1x16xf32>,
    %swap3A_540 = arith.constant 43 : i32
    %swap3A_541 = arith.index_cast %swap3A_540 : i32 to index
    %swap3A_542 = arith.constant 0 : index
    %swap3A_543 = tpu.vector_load %arg9[%swap3A_541, %swap3A_542] {strides = array<i32>} : memref<64x32xf32, #tpu.memory_space<vmem>>, vector<1x16xf32>,
    %swap3A_544 = vector.shape_cast %swap3A_543 : vector<1x16xf32> to vector<16xf32>
    %swap3A_545 = vector.shape_cast %broadcast_in_dim3A_22 : vector<16xf32> to vector<1x16xf32>
    tpu.vector_store %arg9[%swap3A_541, %swap3A_542], %swap3A_545 {strides = array<i32>} : memref<64x32xf32, #tpu.memory_space<vmem>>, vector<1x16xf32>,
    %swap3A_546 = arith.constant 43 : i32
    %swap3A_547 = arith.index_cast %swap3A_546 : i32 to index
    %swap3A_548 = arith.constant 16 : index
    %swap3A_549 = tpu.vector_load %arg9[%swap3A_547, %swap3A_548] {strides = array<i32>} : memref<64x32xf32, #tpu.memory_space<vmem>>, vector<1x16xf32>,
    %swap3A_550 = vector.shape_cast %swap3A_549 : vector<1x16xf32> to vector<16xf32>
    %swap3A_551 = vector.shape_cast %broadcast_in_dim3A_22 : vector<16xf32> to vector<1x16xf32>
    tpu.vector_store %arg9[%swap3A_547, %swap3A_548], %swap3A_551 {strides = array<i32>} : memref<64x32xf32, #tpu.memory_space<vmem>>, vector<1x16xf32>,
    %swap3A_552 = arith.constant 44 : i32
    %swap3A_553 = arith.index_cast %swap3A_552 : i32 to index
    %swap3A_554 = arith.constant 0 : index
    %swap3A_555 = tpu.vector_load %arg9[%swap3A_553, %swap3A_554] {strides = array<i32>} : memref<64x32xf32, #tpu.memory_space<vmem>>, vector<1x16xf32>,
    %swap3A_556 = vector.shape_cast %swap3A_555 : vector<1x16xf32> to vector<16xf32>
    %swap3A_557 = vector.shape_cast %broadcast_in_dim3A_22 : vector<16xf32> to vector<1x16xf32>
    tpu.vector_store %arg9[%swap3A_553, %swap3A_554], %swap3A_557 {strides = array<i32>} : memref<64x32xf32, #tpu.memory_space<vmem>>, vector<1x16xf32>,
    %swap3A_558 = arith.constant 44 : i32
    %swap3A_559 = arith.index_cast %swap3A_558 : i32 to index
    %swap3A_560 = arith.constant 16 : index
    %swap3A_561 = tpu.vector_load %arg9[%swap3A_559, %swap3A_560] {strides = array<i32>} : memref<64x32xf32, #tpu.memory_space<vmem>>, vector<1x16xf32>,
    %swap3A_562 = vector.shape_cast %swap3A_561 : vector<1x16xf32> to vector<16xf32>
    %swap3A_563 = vector.shape_cast %broadcast_in_dim3A_22 : vector<16xf32> to vector<1x16xf32>
    tpu.vector_store %arg9[%swap3A_559, %swap3A_560], %swap3A_563 {strides = array<i32>} : memref<64x32xf32, #tpu.memory_space<vmem>>, vector<1x16xf32>,
    %swap3A_564 = arith.constant 45 : i32
    %swap3A_565 = arith.index_cast %swap3A_564 : i32 to index
    %swap3A_566 = arith.constant 0 : index
    %swap3A_567 = tpu.vector_load %arg9[%swap3A_565, %swap3A_566] {strides = array<i32>} : memref<64x32xf32, #tpu.memory_space<vmem>>, vector<1x16xf32>,
    %swap3A_568 = vector.shape_cast %swap3A_567 : vector<1x16xf32> to vector<16xf32>
    %swap3A_569 = vector.shape_cast %broadcast_in_dim3A_22 : vector<16xf32> to vector<1x16xf32>
    tpu.vector_store %arg9[%swap3A_565, %swap3A_566], %swap3A_569 {strides = array<i32>} : memref<64x32xf32, #tpu.memory_space<vmem>>, vector<1x16xf32>,
    %swap3A_570 = arith.constant 45 : i32
    %swap3A_571 = arith.index_cast %swap3A_570 : i32 to index
    %swap3A_572 = arith.constant 16 : index
    %swap3A_573 = tpu.vector_load %arg9[%swap3A_571, %swap3A_572] {strides = array<i32>} : memref<64x32xf32, #tpu.memory_space<vmem>>, vector<1x16xf32>,
    %swap3A_574 = vector.shape_cast %swap3A_573 : vector<1x16xf32> to vector<16xf32>
    %swap3A_575 = vector.shape_cast %broadcast_in_dim3A_22 : vector<16xf32> to vector<1x16xf32>
    tpu.vector_store %arg9[%swap3A_571, %swap3A_572], %swap3A_575 {strides = array<i32>} : memref<64x32xf32, #tpu.memory_space<vmem>>, vector<1x16xf32>,
    %swap3A_576 = arith.constant 46 : i32
    %swap3A_577 = arith.index_cast %swap3A_576 : i32 to index
    %swap3A_578 = arith.constant 0 : index
    %swap3A_579 = tpu.vector_load %arg9[%swap3A_577, %swap3A_578] {strides = array<i32>} : memref<64x32xf32, #tpu.memory_space<vmem>>, vector<1x16xf32>,
    %swap3A_580 = vector.shape_cast %swap3A_579 : vector<1x16xf32> to vector<16xf32>
    %swap3A_581 = vector.shape_cast %broadcast_in_dim3A_22 : vector<16xf32> to vector<1x16xf32>
    tpu.vector_store %arg9[%swap3A_577, %swap3A_578], %swap3A_581 {strides = array<i32>} : memref<64x32xf32, #tpu.memory_space<vmem>>, vector<1x16xf32>,
    %swap3A_582 = arith.constant 46 : i32
    %swap3A_583 = arith.index_cast %swap3A_582 : i32 to index
    %swap3A_584 = arith.constant 16 : index
    %swap3A_585 = tpu.vector_load %arg9[%swap3A_583, %swap3A_584] {strides = array<i32>} : memref<64x32xf32, #tpu.memory_space<vmem>>, vector<1x16xf32>,
    %swap3A_586 = vector.shape_cast %swap3A_585 : vector<1x16xf32> to vector<16xf32>
    %swap3A_587 = vector.shape_cast %broadcast_in_dim3A_22 : vector<16xf32> to vector<1x16xf32>
    tpu.vector_store %arg9[%swap3A_583, %swap3A_584], %swap3A_587 {strides = array<i32>} : memref<64x32xf32, #tpu.memory_space<vmem>>, vector<1x16xf32>,
    %swap3A_588 = arith.constant 47 : i32
    %swap3A_589 = arith.index_cast %swap3A_588 : i32 to index
    %swap3A_590 = arith.constant 0 : index
    %swap3A_591 = tpu.vector_load %arg9[%swap3A_589, %swap3A_590] {strides = array<i32>} : memref<64x32xf32, #tpu.memory_space<vmem>>, vector<1x16xf32>,
    %swap3A_592 = vector.shape_cast %swap3A_591 : vector<1x16xf32> to vector<16xf32>
    %swap3A_593 = vector.shape_cast %broadcast_in_dim3A_22 : vector<16xf32> to vector<1x16xf32>
    tpu.vector_store %arg9[%swap3A_589, %swap3A_590], %swap3A_593 {strides = array<i32>} : memref<64x32xf32, #tpu.memory_space<vmem>>, vector<1x16xf32>,
    %swap3A_594 = arith.constant 47 : i32
    %swap3A_595 = arith.index_cast %swap3A_594 : i32 to index
    %swap3A_596 = arith.constant 16 : index
    %swap3A_597 = tpu.vector_load %arg9[%swap3A_595, %swap3A_596] {strides = array<i32>} : memref<64x32xf32, #tpu.memory_space<vmem>>, vector<1x16xf32>,
    %swap3A_598 = vector.shape_cast %swap3A_597 : vector<1x16xf32> to vector<16xf32>
    %swap3A_599 = vector.shape_cast %broadcast_in_dim3A_22 : vector<16xf32> to vector<1x16xf32>
    tpu.vector_store %arg9[%swap3A_595, %swap3A_596], %swap3A_599 {strides = array<i32>} : memref<64x32xf32, #tpu.memory_space<vmem>>, vector<1x16xf32>,
    %swap3A_600 = arith.constant 48 : i32
    %swap3A_601 = arith.index_cast %swap3A_600 : i32 to index
    %swap3A_602 = arith.constant 0 : index
    %swap3A_603 = tpu.vector_load %arg9[%swap3A_601, %swap3A_602] {strides = array<i32>} : memref<64x32xf32, #tpu.memory_space<vmem>>, vector<1x16xf32>,
    %swap3A_604 = vector.shape_cast %swap3A_603 : vector<1x16xf32> to vector<16xf32>
    %swap3A_605 = vector.shape_cast %broadcast_in_dim3A_22 : vector<16xf32> to vector<1x16xf32>
    tpu.vector_store %arg9[%swap3A_601, %swap3A_602], %swap3A_605 {strides = array<i32>} : memref<64x32xf32, #tpu.memory_space<vmem>>, vector<1x16xf32>,
    %swap3A_606 = arith.constant 48 : i32
    %swap3A_607 = arith.index_cast %swap3A_606 : i32 to index
    %swap3A_608 = arith.constant 16 : index
    %swap3A_609 = tpu.vector_load %arg9[%swap3A_607, %swap3A_608] {strides = array<i32>} : memref<64x32xf32, #tpu.memory_space<vmem>>, vector<1x16xf32>,
    %swap3A_610 = vector.shape_cast %swap3A_609 : vector<1x16xf32> to vector<16xf32>
    %swap3A_611 = vector.shape_cast %broadcast_in_dim3A_22 : vector<16xf32> to vector<1x16xf32>
    tpu.vector_store %arg9[%swap3A_607, %swap3A_608], %swap3A_611 {strides = array<i32>} : memref<64x32xf32, #tpu.memory_space<vmem>>, vector<1x16xf32>,
    %swap3A_612 = arith.constant 49 : i32
    %swap3A_613 = arith.index_cast %swap3A_612 : i32 to index
    %swap3A_614 = arith.constant 0 : index
    %swap3A_615 = tpu.vector_load %arg9[%swap3A_613, %swap3A_614] {strides = array<i32>} : memref<64x32xf32, #tpu.memory_space<vmem>>, vector<1x16xf32>,
    %swap3A_616 = vector.shape_cast %swap3A_615 : vector<1x16xf32> to vector<16xf32>
    %swap3A_617 = vector.shape_cast %broadcast_in_dim3A_22 : vector<16xf32> to vector<1x16xf32>
    tpu.vector_store %arg9[%swap3A_613, %swap3A_614], %swap3A_617 {strides = array<i32>} : memref<64x32xf32, #tpu.memory_space<vmem>>, vector<1x16xf32>,
    %swap3A_618 = arith.constant 49 : i32
    %swap3A_619 = arith.index_cast %swap3A_618 : i32 to index
    %swap3A_620 = arith.constant 16 : index
    %swap3A_621 = tpu.vector_load %arg9[%swap3A_619, %swap3A_620] {strides = array<i32>} : memref<64x32xf32, #tpu.memory_space<vmem>>, vector<1x16xf32>,
    %swap3A_622 = vector.shape_cast %swap3A_621 : vector<1x16xf32> to vector<16xf32>
    %swap3A_623 = vector.shape_cast %broadcast_in_dim3A_22 : vector<16xf32> to vector<1x16xf32>
    tpu.vector_store %arg9[%swap3A_619, %swap3A_620], %swap3A_623 {strides = array<i32>} : memref<64x32xf32, #tpu.memory_space<vmem>>, vector<1x16xf32>,
    %swap3A_624 = arith.constant 50 : i32
    %swap3A_625 = arith.index_cast %swap3A_624 : i32 to index
    %swap3A_626 = arith.constant 0 : index
    %swap3A_627 = tpu.vector_load %arg9[%swap3A_625, %swap3A_626] {strides = array<i32>} : memref<64x32xf32, #tpu.memory_space<vmem>>, vector<1x16xf32>,
    %swap3A_628 = vector.shape_cast %swap3A_627 : vector<1x16xf32> to vector<16xf32>
    %swap3A_629 = vector.shape_cast %broadcast_in_dim3A_22 : vector<16xf32> to vector<1x16xf32>
    tpu.vector_store %arg9[%swap3A_625, %swap3A_626], %swap3A_629 {strides = array<i32>} : memref<64x32xf32, #tpu.memory_space<vmem>>, vector<1x16xf32>,
    %swap3A_630 = arith.constant 50 : i32
    %swap3A_631 = arith.index_cast %swap3A_630 : i32 to index
    %swap3A_632 = arith.constant 16 : index
    %swap3A_633 = tpu.vector_load %arg9[%swap3A_631, %swap3A_632] {strides = array<i32>} : memref<64x32xf32, #tpu.memory_space<vmem>>, vector<1x16xf32>,
    %swap3A_634 = vector.shape_cast %swap3A_633 : vector<1x16xf32> to vector<16xf32>
    %swap3A_635 = vector.shape_cast %broadcast_in_dim3A_22 : vector<16xf32> to vector<1x16xf32>
    tpu.vector_store %arg9[%swap3A_631, %swap3A_632], %swap3A_635 {strides = array<i32>} : memref<64x32xf32, #tpu.memory_space<vmem>>, vector<1x16xf32>,
    %swap3A_636 = arith.constant 51 : i32
    %swap3A_637 = arith.index_cast %swap3A_636 : i32 to index
    %swap3A_638 = arith.constant 0 : index
    %swap3A_639 = tpu.vector_load %arg9[%swap3A_637, %swap3A_638] {strides = array<i32>} : memref<64x32xf32, #tpu.memory_space<vmem>>, vector<1x16xf32>,
    %swap3A_640 = vector.shape_cast %swap3A_639 : vector<1x16xf32> to vector<16xf32>
    %swap3A_641 = vector.shape_cast %broadcast_in_dim3A_22 : vector<16xf32> to vector<1x16xf32>
    tpu.vector_store %arg9[%swap3A_637, %swap3A_638], %swap3A_641 {strides = array<i32>} : memref<64x32xf32, #tpu.memory_space<vmem>>, vector<1x16xf32>,
    %swap3A_642 = arith.constant 51 : i32
    %swap3A_643 = arith.index_cast %swap3A_642 : i32 to index
    %swap3A_644 = arith.constant 16 : index
    %swap3A_645 = tpu.vector_load %arg9[%swap3A_643, %swap3A_644] {strides = array<i32>} : memref<64x32xf32, #tpu.memory_space<vmem>>, vector<1x16xf32>,
    %swap3A_646 = vector.shape_cast %swap3A_645 : vector<1x16xf32> to vector<16xf32>
    %swap3A_647 = vector.shape_cast %broadcast_in_dim3A_22 : vector<16xf32> to vector<1x16xf32>
    tpu.vector_store %arg9[%swap3A_643, %swap3A_644], %swap3A_647 {strides = array<i32>} : memref<64x32xf32, #tpu.memory_space<vmem>>, vector<1x16xf32>,
    %swap3A_648 = arith.constant 52 : i32
    %swap3A_649 = arith.index_cast %swap3A_648 : i32 to index
    %swap3A_650 = arith.constant 0 : index
    %swap3A_651 = tpu.vector_load %arg9[%swap3A_649, %swap3A_650] {strides = array<i32>} : memref<64x32xf32, #tpu.memory_space<vmem>>, vector<1x16xf32>,
    %swap3A_652 = vector.shape_cast %swap3A_651 : vector<1x16xf32> to vector<16xf32>
    %swap3A_653 = vector.shape_cast %broadcast_in_dim3A_22 : vector<16xf32> to vector<1x16xf32>
    tpu.vector_store %arg9[%swap3A_649, %swap3A_650], %swap3A_653 {strides = array<i32>} : memref<64x32xf32, #tpu.memory_space<vmem>>, vector<1x16xf32>,
    %swap3A_654 = arith.constant 52 : i32
    %swap3A_655 = arith.index_cast %swap3A_654 : i32 to index
    %swap3A_656 = arith.constant 16 : index
    %swap3A_657 = tpu.vector_load %arg9[%swap3A_655, %swap3A_656] {strides = array<i32>} : memref<64x32xf32, #tpu.memory_space<vmem>>, vector<1x16xf32>,
    %swap3A_658 = vector.shape_cast %swap3A_657 : vector<1x16xf32> to vector<16xf32>
    %swap3A_659 = vector.shape_cast %broadcast_in_dim3A_22 : vector<16xf32> to vector<1x16xf32>
    tpu.vector_store %arg9[%swap3A_655, %swap3A_656], %swap3A_659 {strides = array<i32>} : memref<64x32xf32, #tpu.memory_space<vmem>>, vector<1x16xf32>,
    %swap3A_660 = arith.constant 53 : i32
    %swap3A_661 = arith.index_cast %swap3A_660 : i32 to index
    %swap3A_662 = arith.constant 0 : index
    %swap3A_663 = tpu.vector_load %arg9[%swap3A_661, %swap3A_662] {strides = array<i32>} : memref<64x32xf32, #tpu.memory_space<vmem>>, vector<1x16xf32>,
    %swap3A_664 = vector.shape_cast %swap3A_663 : vector<1x16xf32> to vector<16xf32>
    %swap3A_665 = vector.shape_cast %broadcast_in_dim3A_22 : vector<16xf32> to vector<1x16xf32>
    tpu.vector_store %arg9[%swap3A_661, %swap3A_662], %swap3A_665 {strides = array<i32>} : memref<64x32xf32, #tpu.memory_space<vmem>>, vector<1x16xf32>,
    %swap3A_666 = arith.constant 53 : i32
    %swap3A_667 = arith.index_cast %swap3A_666 : i32 to index
    %swap3A_668 = arith.constant 16 : index
    %swap3A_669 = tpu.vector_load %arg9[%swap3A_667, %swap3A_668] {strides = array<i32>} : memref<64x32xf32, #tpu.memory_space<vmem>>, vector<1x16xf32>,
    %swap3A_670 = vector.shape_cast %swap3A_669 : vector<1x16xf32> to vector<16xf32>
    %swap3A_671 = vector.shape_cast %broadcast_in_dim3A_22 : vector<16xf32> to vector<1x16xf32>
    tpu.vector_store %arg9[%swap3A_667, %swap3A_668], %swap3A_671 {strides = array<i32>} : memref<64x32xf32, #tpu.memory_space<vmem>>, vector<1x16xf32>,
    %swap3A_672 = arith.constant 54 : i32
    %swap3A_673 = arith.index_cast %swap3A_672 : i32 to index
    %swap3A_674 = arith.constant 0 : index
    %swap3A_675 = tpu.vector_load %arg9[%swap3A_673, %swap3A_674] {strides = array<i32>} : memref<64x32xf32, #tpu.memory_space<vmem>>, vector<1x16xf32>,
    %swap3A_676 = vector.shape_cast %swap3A_675 : vector<1x16xf32> to vector<16xf32>
    %swap3A_677 = vector.shape_cast %broadcast_in_dim3A_22 : vector<16xf32> to vector<1x16xf32>
    tpu.vector_store %arg9[%swap3A_673, %swap3A_674], %swap3A_677 {strides = array<i32>} : memref<64x32xf32, #tpu.memory_space<vmem>>, vector<1x16xf32>,
    %swap3A_678 = arith.constant 54 : i32
    %swap3A_679 = arith.index_cast %swap3A_678 : i32 to index
    %swap3A_680 = arith.constant 16 : index
    %swap3A_681 = tpu.vector_load %arg9[%swap3A_679, %swap3A_680] {strides = array<i32>} : memref<64x32xf32, #tpu.memory_space<vmem>>, vector<1x16xf32>,
    %swap3A_682 = vector.shape_cast %swap3A_681 : vector<1x16xf32> to vector<16xf32>
    %swap3A_683 = vector.shape_cast %broadcast_in_dim3A_22 : vector<16xf32> to vector<1x16xf32>
    tpu.vector_store %arg9[%swap3A_679, %swap3A_680], %swap3A_683 {strides = array<i32>} : memref<64x32xf32, #tpu.memory_space<vmem>>, vector<1x16xf32>,
    %swap3A_684 = arith.constant 55 : i32
    %swap3A_685 = arith.index_cast %swap3A_684 : i32 to index
    %swap3A_686 = arith.constant 0 : index
    %swap3A_687 = tpu.vector_load %arg9[%swap3A_685, %swap3A_686] {strides = array<i32>} : memref<64x32xf32, #tpu.memory_space<vmem>>, vector<1x16xf32>,
    %swap3A_688 = vector.shape_cast %swap3A_687 : vector<1x16xf32> to vector<16xf32>
    %swap3A_689 = vector.shape_cast %broadcast_in_dim3A_22 : vector<16xf32> to vector<1x16xf32>
    tpu.vector_store %arg9[%swap3A_685, %swap3A_686], %swap3A_689 {strides = array<i32>} : memref<64x32xf32, #tpu.memory_space<vmem>>, vector<1x16xf32>,
    %swap3A_690 = arith.constant 55 : i32
    %swap3A_691 = arith.index_cast %swap3A_690 : i32 to index
    %swap3A_692 = arith.constant 16 : index
    %swap3A_693 = tpu.vector_load %arg9[%swap3A_691, %swap3A_692] {strides = array<i32>} : memref<64x32xf32, #tpu.memory_space<vmem>>, vector<1x16xf32>,
    %swap3A_694 = vector.shape_cast %swap3A_693 : vector<1x16xf32> to vector<16xf32>
    %swap3A_695 = vector.shape_cast %broadcast_in_dim3A_22 : vector<16xf32> to vector<1x16xf32>
    tpu.vector_store %arg9[%swap3A_691, %swap3A_692], %swap3A_695 {strides = array<i32>} : memref<64x32xf32, #tpu.memory_space<vmem>>, vector<1x16xf32>,
    %swap3A_696 = arith.constant 56 : i32
    %swap3A_697 = arith.index_cast %swap3A_696 : i32 to index
    %swap3A_698 = arith.constant 0 : index
    %swap3A_699 = tpu.vector_load %arg9[%swap3A_697, %swap3A_698] {strides = array<i32>} : memref<64x32xf32, #tpu.memory_space<vmem>>, vector<1x16xf32>,
    %swap3A_700 = vector.shape_cast %swap3A_699 : vector<1x16xf32> to vector<16xf32>
    %swap3A_701 = vector.shape_cast %broadcast_in_dim3A_22 : vector<16xf32> to vector<1x16xf32>
    tpu.vector_store %arg9[%swap3A_697, %swap3A_698], %swap3A_701 {strides = array<i32>} : memref<64x32xf32, #tpu.memory_space<vmem>>, vector<1x16xf32>,
    %swap3A_702 = arith.constant 56 : i32
    %swap3A_703 = arith.index_cast %swap3A_702 : i32 to index
    %swap3A_704 = arith.constant 16 : index
    %swap3A_705 = tpu.vector_load %arg9[%swap3A_703, %swap3A_704] {strides = array<i32>} : memref<64x32xf32, #tpu.memory_space<vmem>>, vector<1x16xf32>,
    %swap3A_706 = vector.shape_cast %swap3A_705 : vector<1x16xf32> to vector<16xf32>
    %swap3A_707 = vector.shape_cast %broadcast_in_dim3A_22 : vector<16xf32> to vector<1x16xf32>
    tpu.vector_store %arg9[%swap3A_703, %swap3A_704], %swap3A_707 {strides = array<i32>} : memref<64x32xf32, #tpu.memory_space<vmem>>, vector<1x16xf32>,
    %swap3A_708 = arith.constant 57 : i32
    %swap3A_709 = arith.index_cast %swap3A_708 : i32 to index
    %swap3A_710 = arith.constant 0 : index
    %swap3A_711 = tpu.vector_load %arg9[%swap3A_709, %swap3A_710] {strides = array<i32>} : memref<64x32xf32, #tpu.memory_space<vmem>>, vector<1x16xf32>,
    %swap3A_712 = vector.shape_cast %swap3A_711 : vector<1x16xf32> to vector<16xf32>
    %swap3A_713 = vector.shape_cast %broadcast_in_dim3A_22 : vector<16xf32> to vector<1x16xf32>
    tpu.vector_store %arg9[%swap3A_709, %swap3A_710], %swap3A_713 {strides = array<i32>} : memref<64x32xf32, #tpu.memory_space<vmem>>, vector<1x16xf32>,
    %swap3A_714 = arith.constant 57 : i32
    %swap3A_715 = arith.index_cast %swap3A_714 : i32 to index
    %swap3A_716 = arith.constant 16 : index
    %swap3A_717 = tpu.vector_load %arg9[%swap3A_715, %swap3A_716] {strides = array<i32>} : memref<64x32xf32, #tpu.memory_space<vmem>>, vector<1x16xf32>,
    %swap3A_718 = vector.shape_cast %swap3A_717 : vector<1x16xf32> to vector<16xf32>
    %swap3A_719 = vector.shape_cast %broadcast_in_dim3A_22 : vector<16xf32> to vector<1x16xf32>
    tpu.vector_store %arg9[%swap3A_715, %swap3A_716], %swap3A_719 {strides = array<i32>} : memref<64x32xf32, #tpu.memory_space<vmem>>, vector<1x16xf32>,
    %swap3A_720 = arith.constant 58 : i32
    %swap3A_721 = arith.index_cast %swap3A_720 : i32 to index
    %swap3A_722 = arith.constant 0 : index
    %swap3A_723 = tpu.vector_load %arg9[%swap3A_721, %swap3A_722] {strides = array<i32>} : memref<64x32xf32, #tpu.memory_space<vmem>>, vector<1x16xf32>,
    %swap3A_724 = vector.shape_cast %swap3A_723 : vector<1x16xf32> to vector<16xf32>
    %swap3A_725 = vector.shape_cast %broadcast_in_dim3A_22 : vector<16xf32> to vector<1x16xf32>
    tpu.vector_store %arg9[%swap3A_721, %swap3A_722], %swap3A_725 {strides = array<i32>} : memref<64x32xf32, #tpu.memory_space<vmem>>, vector<1x16xf32>,
    %swap3A_726 = arith.constant 58 : i32
    %swap3A_727 = arith.index_cast %swap3A_726 : i32 to index
    %swap3A_728 = arith.constant 16 : index
    %swap3A_729 = tpu.vector_load %arg9[%swap3A_727, %swap3A_728] {strides = array<i32>} : memref<64x32xf32, #tpu.memory_space<vmem>>, vector<1x16xf32>,
    %swap3A_730 = vector.shape_cast %swap3A_729 : vector<1x16xf32> to vector<16xf32>
    %swap3A_731 = vector.shape_cast %broadcast_in_dim3A_22 : vector<16xf32> to vector<1x16xf32>
    tpu.vector_store %arg9[%swap3A_727, %swap3A_728], %swap3A_731 {strides = array<i32>} : memref<64x32xf32, #tpu.memory_space<vmem>>, vector<1x16xf32>,
    %swap3A_732 = arith.constant 59 : i32
    %swap3A_733 = arith.index_cast %swap3A_732 : i32 to index
    %swap3A_734 = arith.constant 0 : index
    %swap3A_735 = tpu.vector_load %arg9[%swap3A_733, %swap3A_734] {strides = array<i32>} : memref<64x32xf32, #tpu.memory_space<vmem>>, vector<1x16xf32>,
    %swap3A_736 = vector.shape_cast %swap3A_735 : vector<1x16xf32> to vector<16xf32>
    %swap3A_737 = vector.shape_cast %broadcast_in_dim3A_22 : vector<16xf32> to vector<1x16xf32>
    tpu.vector_store %arg9[%swap3A_733, %swap3A_734], %swap3A_737 {strides = array<i32>} : memref<64x32xf32, #tpu.memory_space<vmem>>, vector<1x16xf32>,
    %swap3A_738 = arith.constant 59 : i32
    %swap3A_739 = arith.index_cast %swap3A_738 : i32 to index
    %swap3A_740 = arith.constant 16 : index
    %swap3A_741 = tpu.vector_load %arg9[%swap3A_739, %swap3A_740] {strides = array<i32>} : memref<64x32xf32, #tpu.memory_space<vmem>>, vector<1x16xf32>,
    %swap3A_742 = vector.shape_cast %swap3A_741 : vector<1x16xf32> to vector<16xf32>
    %swap3A_743 = vector.shape_cast %broadcast_in_dim3A_22 : vector<16xf32> to vector<1x16xf32>
    tpu.vector_store %arg9[%swap3A_739, %swap3A_740], %swap3A_743 {strides = array<i32>} : memref<64x32xf32, #tpu.memory_space<vmem>>, vector<1x16xf32>,
    %swap3A_744 = arith.constant 60 : i32
    %swap3A_745 = arith.index_cast %swap3A_744 : i32 to index
    %swap3A_746 = arith.constant 0 : index
    %swap3A_747 = tpu.vector_load %arg9[%swap3A_745, %swap3A_746] {strides = array<i32>} : memref<64x32xf32, #tpu.memory_space<vmem>>, vector<1x16xf32>,
    %swap3A_748 = vector.shape_cast %swap3A_747 : vector<1x16xf32> to vector<16xf32>
    %swap3A_749 = vector.shape_cast %broadcast_in_dim3A_22 : vector<16xf32> to vector<1x16xf32>
    tpu.vector_store %arg9[%swap3A_745, %swap3A_746], %swap3A_749 {strides = array<i32>} : memref<64x32xf32, #tpu.memory_space<vmem>>, vector<1x16xf32>,
    %swap3A_750 = arith.constant 60 : i32
    %swap3A_751 = arith.index_cast %swap3A_750 : i32 to index
    %swap3A_752 = arith.constant 16 : index
    %swap3A_753 = tpu.vector_load %arg9[%swap3A_751, %swap3A_752] {strides = array<i32>} : memref<64x32xf32, #tpu.memory_space<vmem>>, vector<1x16xf32>,
    %swap3A_754 = vector.shape_cast %swap3A_753 : vector<1x16xf32> to vector<16xf32>
    %swap3A_755 = vector.shape_cast %broadcast_in_dim3A_22 : vector<16xf32> to vector<1x16xf32>
    tpu.vector_store %arg9[%swap3A_751, %swap3A_752], %swap3A_755 {strides = array<i32>} : memref<64x32xf32, #tpu.memory_space<vmem>>, vector<1x16xf32>,
    %swap3A_756 = arith.constant 61 : i32
    %swap3A_757 = arith.index_cast %swap3A_756 : i32 to index
    %swap3A_758 = arith.constant 0 : index
    %swap3A_759 = tpu.vector_load %arg9[%swap3A_757, %swap3A_758] {strides = array<i32>} : memref<64x32xf32, #tpu.memory_space<vmem>>, vector<1x16xf32>,
    %swap3A_760 = vector.shape_cast %swap3A_759 : vector<1x16xf32> to vector<16xf32>
    %swap3A_761 = vector.shape_cast %broadcast_in_dim3A_22 : vector<16xf32> to vector<1x16xf32>
    tpu.vector_store %arg9[%swap3A_757, %swap3A_758], %swap3A_761 {strides = array<i32>} : memref<64x32xf32, #tpu.memory_space<vmem>>, vector<1x16xf32>,
    %swap3A_762 = arith.constant 61 : i32
    %swap3A_763 = arith.index_cast %swap3A_762 : i32 to index
    %swap3A_764 = arith.constant 16 : index
    %swap3A_765 = tpu.vector_load %arg9[%swap3A_763, %swap3A_764] {strides = array<i32>} : memref<64x32xf32, #tpu.memory_space<vmem>>, vector<1x16xf32>,
    %swap3A_766 = vector.shape_cast %swap3A_765 : vector<1x16xf32> to vector<16xf32>
    %swap3A_767 = vector.shape_cast %broadcast_in_dim3A_22 : vector<16xf32> to vector<1x16xf32>
    tpu.vector_store %arg9[%swap3A_763, %swap3A_764], %swap3A_767 {strides = array<i32>} : memref<64x32xf32, #tpu.memory_space<vmem>>, vector<1x16xf32>,
    %swap3A_768 = arith.constant 62 : i32
    %swap3A_769 = arith.index_cast %swap3A_768 : i32 to index
    %swap3A_770 = arith.constant 0 : index
    %swap3A_771 = tpu.vector_load %arg9[%swap3A_769, %swap3A_770] {strides = array<i32>} : memref<64x32xf32, #tpu.memory_space<vmem>>, vector<1x16xf32>,
    %swap3A_772 = vector.shape_cast %swap3A_771 : vector<1x16xf32> to vector<16xf32>
    %swap3A_773 = vector.shape_cast %broadcast_in_dim3A_22 : vector<16xf32> to vector<1x16xf32>
    tpu.vector_store %arg9[%swap3A_769, %swap3A_770], %swap3A_773 {strides = array<i32>} : memref<64x32xf32, #tpu.memory_space<vmem>>, vector<1x16xf32>,
    %swap3A_774 = arith.constant 62 : i32
    %swap3A_775 = arith.index_cast %swap3A_774 : i32 to index
    %swap3A_776 = arith.constant 16 : index
    %swap3A_777 = tpu.vector_load %arg9[%swap3A_775, %swap3A_776] {strides = array<i32>} : memref<64x32xf32, #tpu.memory_space<vmem>>, vector<1x16xf32>,
    %swap3A_778 = vector.shape_cast %swap3A_777 : vector<1x16xf32> to vector<16xf32>
    %swap3A_779 = vector.shape_cast %broadcast_in_dim3A_22 : vector<16xf32> to vector<1x16xf32>
    tpu.vector_store %arg9[%swap3A_775, %swap3A_776], %swap3A_779 {strides = array<i32>} : memref<64x32xf32, #tpu.memory_space<vmem>>, vector<1x16xf32>,
    %swap3A_780 = arith.constant 63 : i32
    %swap3A_781 = arith.index_cast %swap3A_780 : i32 to index
    %swap3A_782 = arith.constant 0 : index
    %swap3A_783 = tpu.vector_load %arg9[%swap3A_781, %swap3A_782] {strides = array<i32>} : memref<64x32xf32, #tpu.memory_space<vmem>>, vector<1x16xf32>,
    %swap3A_784 = vector.shape_cast %swap3A_783 : vector<1x16xf32> to vector<16xf32>
    %swap3A_785 = vector.shape_cast %broadcast_in_dim3A_22 : vector<16xf32> to vector<1x16xf32>
    tpu.vector_store %arg9[%swap3A_781, %swap3A_782], %swap3A_785 {strides = array<i32>} : memref<64x32xf32, #tpu.memory_space<vmem>>, vector<1x16xf32>,
    %swap3A_786 = arith.constant 63 : i32
    %swap3A_787 = arith.index_cast %swap3A_786 : i32 to index
    %swap3A_788 = arith.constant 16 : index
    %swap3A_789 = tpu.vector_load %arg9[%swap3A_787, %swap3A_788] {strides = array<i32>} : memref<64x32xf32, #tpu.memory_space<vmem>>, vector<1x16xf32>,
    %swap3A_790 = vector.shape_cast %swap3A_789 : vector<1x16xf32> to vector<16xf32>
    %swap3A_791 = vector.shape_cast %broadcast_in_dim3A_22 : vector<16xf32> to vector<1x16xf32>
    tpu.vector_store %arg9[%swap3A_787, %swap3A_788], %swap3A_791 {strides = array<i32>} : memref<64x32xf32, #tpu.memory_space<vmem>>, vector<1x16xf32>,
    %swap3A_792 = arith.constant 0 : index
    %swap3A_793 = tpu.vector_load %arg10[%swap3A_792] {strides = array<i32>} : memref<640xf32, #tpu.memory_space<vmem>>, vector<16xf32>,
    %swap3A_794 = vector.shape_cast %swap3A_793 : vector<16xf32> to vector<16xf32>
    %swap3A_795 = vector.shape_cast %broadcast_in_dim3A_22 : vector<16xf32> to vector<16xf32>
    tpu.vector_store %arg10[%swap3A_792], %swap3A_795 {strides = array<i32>} : memref<640xf32, #tpu.memory_space<vmem>>, vector<16xf32>,
    %swap3A_796 = arith.constant 16 : index
    %swap3A_797 = tpu.vector_load %arg10[%swap3A_796] {strides = array<i32>} : memref<640xf32, #tpu.memory_space<vmem>>, vector<16xf32>,
    %swap3A_798 = vector.shape_cast %swap3A_797 : vector<16xf32> to vector<16xf32>
    %swap3A_799 = vector.shape_cast %broadcast_in_dim3A_22 : vector<16xf32> to vector<16xf32>
    tpu.vector_store %arg10[%swap3A_796], %swap3A_799 {strides = array<i32>} : memref<640xf32, #tpu.memory_space<vmem>>, vector<16xf32>,
    %swap3A_800 = arith.constant 32 : index
    %swap3A_801 = tpu.vector_load %arg10[%swap3A_800] {strides = array<i32>} : memref<640xf32, #tpu.memory_space<vmem>>, vector<16xf32>,
    %swap3A_802 = vector.shape_cast %swap3A_801 : vector<16xf32> to vector<16xf32>
    %swap3A_803 = vector.shape_cast %broadcast_in_dim3A_22 : vector<16xf32> to vector<16xf32>
    tpu.vector_store %arg10[%swap3A_800], %swap3A_803 {strides = array<i32>} : memref<640xf32, #tpu.memory_space<vmem>>, vector<16xf32>,
    %swap3A_804 = arith.constant 48 : index
    %swap3A_805 = tpu.vector_load %arg10[%swap3A_804] {strides = array<i32>} : memref<640xf32, #tpu.memory_space<vmem>>, vector<16xf32>,
    %swap3A_806 = vector.shape_cast %swap3A_805 : vector<16xf32> to vector<16xf32>
    %swap3A_807 = vector.shape_cast %broadcast_in_dim3A_22 : vector<16xf32> to vector<16xf32>
    tpu.vector_store %arg10[%swap3A_804], %swap3A_807 {strides = array<i32>} : memref<640xf32, #tpu.memory_space<vmem>>, vector<16xf32>,
    %swap3A_808 = arith.constant 64 : index
    %swap3A_809 = tpu.vector_load %arg10[%swap3A_808] {strides = array<i32>} : memref<640xf32, #tpu.memory_space<vmem>>, vector<16xf32>,
    %swap3A_810 = vector.shape_cast %swap3A_809 : vector<16xf32> to vector<16xf32>
    %swap3A_811 = vector.shape_cast %broadcast_in_dim3A_22 : vector<16xf32> to vector<16xf32>
    tpu.vector_store %arg10[%swap3A_808], %swap3A_811 {strides = array<i32>} : memref<640xf32, #tpu.memory_space<vmem>>, vector<16xf32>,
    %swap3A_812 = arith.constant 80 : index
    %swap3A_813 = tpu.vector_load %arg10[%swap3A_812] {strides = array<i32>} : memref<640xf32, #tpu.memory_space<vmem>>, vector<16xf32>,
    %swap3A_814 = vector.shape_cast %swap3A_813 : vector<16xf32> to vector<16xf32>
    %swap3A_815 = vector.shape_cast %broadcast_in_dim3A_22 : vector<16xf32> to vector<16xf32>
    tpu.vector_store %arg10[%swap3A_812], %swap3A_815 {strides = array<i32>} : memref<640xf32, #tpu.memory_space<vmem>>, vector<16xf32>,
    %swap3A_816 = arith.constant 96 : index
    %swap3A_817 = tpu.vector_load %arg10[%swap3A_816] {strides = array<i32>} : memref<640xf32, #tpu.memory_space<vmem>>, vector<16xf32>,
    %swap3A_818 = vector.shape_cast %swap3A_817 : vector<16xf32> to vector<16xf32>
    %swap3A_819 = vector.shape_cast %broadcast_in_dim3A_22 : vector<16xf32> to vector<16xf32>
    tpu.vector_store %arg10[%swap3A_816], %swap3A_819 {strides = array<i32>} : memref<640xf32, #tpu.memory_space<vmem>>, vector<16xf32>,
    %swap3A_820 = arith.constant 112 : index
    %swap3A_821 = tpu.vector_load %arg10[%swap3A_820] {strides = array<i32>} : memref<640xf32, #tpu.memory_space<vmem>>, vector<16xf32>,
    %swap3A_822 = vector.shape_cast %swap3A_821 : vector<16xf32> to vector<16xf32>
    %swap3A_823 = vector.shape_cast %broadcast_in_dim3A_22 : vector<16xf32> to vector<16xf32>
    tpu.vector_store %arg10[%swap3A_820], %swap3A_823 {strides = array<i32>} : memref<640xf32, #tpu.memory_space<vmem>>, vector<16xf32>,
    %swap3A_824 = arith.constant 128 : index
    %swap3A_825 = tpu.vector_load %arg10[%swap3A_824] {strides = array<i32>} : memref<640xf32, #tpu.memory_space<vmem>>, vector<16xf32>,
    %swap3A_826 = vector.shape_cast %swap3A_825 : vector<16xf32> to vector<16xf32>
    %swap3A_827 = vector.shape_cast %broadcast_in_dim3A_22 : vector<16xf32> to vector<16xf32>
    tpu.vector_store %arg10[%swap3A_824], %swap3A_827 {strides = array<i32>} : memref<640xf32, #tpu.memory_space<vmem>>, vector<16xf32>,
    %swap3A_828 = arith.constant 144 : index
    %swap3A_829 = tpu.vector_load %arg10[%swap3A_828] {strides = array<i32>} : memref<640xf32, #tpu.memory_space<vmem>>, vector<16xf32>,
    %swap3A_830 = vector.shape_cast %swap3A_829 : vector<16xf32> to vector<16xf32>
    %swap3A_831 = vector.shape_cast %broadcast_in_dim3A_22 : vector<16xf32> to vector<16xf32>
    tpu.vector_store %arg10[%swap3A_828], %swap3A_831 {strides = array<i32>} : memref<640xf32, #tpu.memory_space<vmem>>, vector<16xf32>,
    %swap3A_832 = arith.constant 160 : index
    %swap3A_833 = tpu.vector_load %arg10[%swap3A_832] {strides = array<i32>} : memref<640xf32, #tpu.memory_space<vmem>>, vector<16xf32>,
    %swap3A_834 = vector.shape_cast %swap3A_833 : vector<16xf32> to vector<16xf32>
    %swap3A_835 = vector.shape_cast %broadcast_in_dim3A_22 : vector<16xf32> to vector<16xf32>
    tpu.vector_store %arg10[%swap3A_832], %swap3A_835 {strides = array<i32>} : memref<640xf32, #tpu.memory_space<vmem>>, vector<16xf32>,
    %swap3A_836 = arith.constant 176 : index
    %swap3A_837 = tpu.vector_load %arg10[%swap3A_836] {strides = array<i32>} : memref<640xf32, #tpu.memory_space<vmem>>, vector<16xf32>,
    %swap3A_838 = vector.shape_cast %swap3A_837 : vector<16xf32> to vector<16xf32>
    %swap3A_839 = vector.shape_cast %broadcast_in_dim3A_22 : vector<16xf32> to vector<16xf32>
    tpu.vector_store %arg10[%swap3A_836], %swap3A_839 {strides = array<i32>} : memref<640xf32, #tpu.memory_space<vmem>>, vector<16xf32>,
    %swap3A_840 = arith.constant 192 : index
    %swap3A_841 = tpu.vector_load %arg10[%swap3A_840] {strides = array<i32>} : memref<640xf32, #tpu.memory_space<vmem>>, vector<16xf32>,
    %swap3A_842 = vector.shape_cast %swap3A_841 : vector<16xf32> to vector<16xf32>
    %swap3A_843 = vector.shape_cast %broadcast_in_dim3A_22 : vector<16xf32> to vector<16xf32>
    tpu.vector_store %arg10[%swap3A_840], %swap3A_843 {strides = array<i32>} : memref<640xf32, #tpu.memory_space<vmem>>, vector<16xf32>,
    %swap3A_844 = arith.constant 208 : index
    %swap3A_845 = tpu.vector_load %arg10[%swap3A_844] {strides = array<i32>} : memref<640xf32, #tpu.memory_space<vmem>>, vector<16xf32>,
    %swap3A_846 = vector.shape_cast %swap3A_845 : vector<16xf32> to vector<16xf32>
    %swap3A_847 = vector.shape_cast %broadcast_in_dim3A_22 : vector<16xf32> to vector<16xf32>
    tpu.vector_store %arg10[%swap3A_844], %swap3A_847 {strides = array<i32>} : memref<640xf32, #tpu.memory_space<vmem>>, vector<16xf32>,
    %swap3A_848 = arith.constant 224 : index
    %swap3A_849 = tpu.vector_load %arg10[%swap3A_848] {strides = array<i32>} : memref<640xf32, #tpu.memory_space<vmem>>, vector<16xf32>,
    %swap3A_850 = vector.shape_cast %swap3A_849 : vector<16xf32> to vector<16xf32>
    %swap3A_851 = vector.shape_cast %broadcast_in_dim3A_22 : vector<16xf32> to vector<16xf32>
    tpu.vector_store %arg10[%swap3A_848], %swap3A_851 {strides = array<i32>} : memref<640xf32, #tpu.memory_space<vmem>>, vector<16xf32>,
    %swap3A_852 = arith.constant 240 : index
    %swap3A_853 = tpu.vector_load %arg10[%swap3A_852] {strides = array<i32>} : memref<640xf32, #tpu.memory_space<vmem>>, vector<16xf32>,
    %swap3A_854 = vector.shape_cast %swap3A_853 : vector<16xf32> to vector<16xf32>
    %swap3A_855 = vector.shape_cast %broadcast_in_dim3A_22 : vector<16xf32> to vector<16xf32>
    tpu.vector_store %arg10[%swap3A_852], %swap3A_855 {strides = array<i32>} : memref<640xf32, #tpu.memory_space<vmem>>, vector<16xf32>,
    %swap3A_856 = arith.constant 256 : index
    %swap3A_857 = tpu.vector_load %arg10[%swap3A_856] {strides = array<i32>} : memref<640xf32, #tpu.memory_space<vmem>>, vector<16xf32>,
    %swap3A_858 = vector.shape_cast %swap3A_857 : vector<16xf32> to vector<16xf32>
    %swap3A_859 = vector.shape_cast %broadcast_in_dim3A_22 : vector<16xf32> to vector<16xf32>
    tpu.vector_store %arg10[%swap3A_856], %swap3A_859 {strides = array<i32>} : memref<640xf32, #tpu.memory_space<vmem>>, vector<16xf32>,
    %swap3A_860 = arith.constant 272 : index
    %swap3A_861 = tpu.vector_load %arg10[%swap3A_860] {strides = array<i32>} : memref<640xf32, #tpu.memory_space<vmem>>, vector<16xf32>,
    %swap3A_862 = vector.shape_cast %swap3A_861 : vector<16xf32> to vector<16xf32>
    %swap3A_863 = vector.shape_cast %broadcast_in_dim3A_22 : vector<16xf32> to vector<16xf32>
    tpu.vector_store %arg10[%swap3A_860], %swap3A_863 {strides = array<i32>} : memref<640xf32, #tpu.memory_space<vmem>>, vector<16xf32>,
    %swap3A_864 = arith.constant 288 : index
    %swap3A_865 = tpu.vector_load %arg10[%swap3A_864] {strides = array<i32>} : memref<640xf32, #tpu.memory_space<vmem>>, vector<16xf32>,
    %swap3A_866 = vector.shape_cast %swap3A_865 : vector<16xf32> to vector<16xf32>
    %swap3A_867 = vector.shape_cast %broadcast_in_dim3A_22 : vector<16xf32> to vector<16xf32>
    tpu.vector_store %arg10[%swap3A_864], %swap3A_867 {strides = array<i32>} : memref<640xf32, #tpu.memory_space<vmem>>, vector<16xf32>,
    %swap3A_868 = arith.constant 304 : index
    %swap3A_869 = tpu.vector_load %arg10[%swap3A_868] {strides = array<i32>} : memref<640xf32, #tpu.memory_space<vmem>>, vector<16xf32>,
    %swap3A_870 = vector.shape_cast %swap3A_869 : vector<16xf32> to vector<16xf32>
    %swap3A_871 = vector.shape_cast %broadcast_in_dim3A_22 : vector<16xf32> to vector<16xf32>
    tpu.vector_store %arg10[%swap3A_868], %swap3A_871 {strides = array<i32>} : memref<640xf32, #tpu.memory_space<vmem>>, vector<16xf32>,
    %swap3A_872 = arith.constant 320 : index
    %swap3A_873 = tpu.vector_load %arg10[%swap3A_872] {strides = array<i32>} : memref<640xf32, #tpu.memory_space<vmem>>, vector<16xf32>,
    %swap3A_874 = vector.shape_cast %swap3A_873 : vector<16xf32> to vector<16xf32>
    %swap3A_875 = vector.shape_cast %broadcast_in_dim3A_22 : vector<16xf32> to vector<16xf32>
    tpu.vector_store %arg10[%swap3A_872], %swap3A_875 {strides = array<i32>} : memref<640xf32, #tpu.memory_space<vmem>>, vector<16xf32>,
    %swap3A_876 = arith.constant 336 : index
    %swap3A_877 = tpu.vector_load %arg10[%swap3A_876] {strides = array<i32>} : memref<640xf32, #tpu.memory_space<vmem>>, vector<16xf32>,
    %swap3A_878 = vector.shape_cast %swap3A_877 : vector<16xf32> to vector<16xf32>
    %swap3A_879 = vector.shape_cast %broadcast_in_dim3A_22 : vector<16xf32> to vector<16xf32>
    tpu.vector_store %arg10[%swap3A_876], %swap3A_879 {strides = array<i32>} : memref<640xf32, #tpu.memory_space<vmem>>, vector<16xf32>,
    %swap3A_880 = arith.constant 352 : index
    %swap3A_881 = tpu.vector_load %arg10[%swap3A_880] {strides = array<i32>} : memref<640xf32, #tpu.memory_space<vmem>>, vector<16xf32>,
    %swap3A_882 = vector.shape_cast %swap3A_881 : vector<16xf32> to vector<16xf32>
    %swap3A_883 = vector.shape_cast %broadcast_in_dim3A_22 : vector<16xf32> to vector<16xf32>
    tpu.vector_store %arg10[%swap3A_880], %swap3A_883 {strides = array<i32>} : memref<640xf32, #tpu.memory_space<vmem>>, vector<16xf32>,
    %swap3A_884 = arith.constant 368 : index
    %swap3A_885 = tpu.vector_load %arg10[%swap3A_884] {strides = array<i32>} : memref<640xf32, #tpu.memory_space<vmem>>, vector<16xf32>,
    %swap3A_886 = vector.shape_cast %swap3A_885 : vector<16xf32> to vector<16xf32>
    %swap3A_887 = vector.shape_cast %broadcast_in_dim3A_22 : vector<16xf32> to vector<16xf32>
    tpu.vector_store %arg10[%swap3A_884], %swap3A_887 {strides = array<i32>} : memref<640xf32, #tpu.memory_space<vmem>>, vector<16xf32>,
    %swap3A_888 = arith.constant 384 : index
    %swap3A_889 = tpu.vector_load %arg10[%swap3A_888] {strides = array<i32>} : memref<640xf32, #tpu.memory_space<vmem>>, vector<16xf32>,
    %swap3A_890 = vector.shape_cast %swap3A_889 : vector<16xf32> to vector<16xf32>
    %swap3A_891 = vector.shape_cast %broadcast_in_dim3A_22 : vector<16xf32> to vector<16xf32>
    tpu.vector_store %arg10[%swap3A_888], %swap3A_891 {strides = array<i32>} : memref<640xf32, #tpu.memory_space<vmem>>, vector<16xf32>,
    %swap3A_892 = arith.constant 400 : index
    %swap3A_893 = tpu.vector_load %arg10[%swap3A_892] {strides = array<i32>} : memref<640xf32, #tpu.memory_space<vmem>>, vector<16xf32>,
    %swap3A_894 = vector.shape_cast %swap3A_893 : vector<16xf32> to vector<16xf32>
    %swap3A_895 = vector.shape_cast %broadcast_in_dim3A_22 : vector<16xf32> to vector<16xf32>
    tpu.vector_store %arg10[%swap3A_892], %swap3A_895 {strides = array<i32>} : memref<640xf32, #tpu.memory_space<vmem>>, vector<16xf32>,
    %swap3A_896 = arith.constant 416 : index
    %swap3A_897 = tpu.vector_load %arg10[%swap3A_896] {strides = array<i32>} : memref<640xf32, #tpu.memory_space<vmem>>, vector<16xf32>,
    %swap3A_898 = vector.shape_cast %swap3A_897 : vector<16xf32> to vector<16xf32>
    %swap3A_899 = vector.shape_cast %broadcast_in_dim3A_22 : vector<16xf32> to vector<16xf32>
    tpu.vector_store %arg10[%swap3A_896], %swap3A_899 {strides = array<i32>} : memref<640xf32, #tpu.memory_space<vmem>>, vector<16xf32>,
    %swap3A_900 = arith.constant 432 : index
    %swap3A_901 = tpu.vector_load %arg10[%swap3A_900] {strides = array<i32>} : memref<640xf32, #tpu.memory_space<vmem>>, vector<16xf32>,
    %swap3A_902 = vector.shape_cast %swap3A_901 : vector<16xf32> to vector<16xf32>
    %swap3A_903 = vector.shape_cast %broadcast_in_dim3A_22 : vector<16xf32> to vector<16xf32>
    tpu.vector_store %arg10[%swap3A_900], %swap3A_903 {strides = array<i32>} : memref<640xf32, #tpu.memory_space<vmem>>, vector<16xf32>,
    %swap3A_904 = arith.constant 448 : index
    %swap3A_905 = tpu.vector_load %arg10[%swap3A_904] {strides = array<i32>} : memref<640xf32, #tpu.memory_space<vmem>>, vector<16xf32>,
    %swap3A_906 = vector.shape_cast %swap3A_905 : vector<16xf32> to vector<16xf32>
    %swap3A_907 = vector.shape_cast %broadcast_in_dim3A_22 : vector<16xf32> to vector<16xf32>
    tpu.vector_store %arg10[%swap3A_904], %swap3A_907 {strides = array<i32>} : memref<640xf32, #tpu.memory_space<vmem>>, vector<16xf32>,
    %swap3A_908 = arith.constant 464 : index
    %swap3A_909 = tpu.vector_load %arg10[%swap3A_908] {strides = array<i32>} : memref<640xf32, #tpu.memory_space<vmem>>, vector<16xf32>,
    %swap3A_910 = vector.shape_cast %swap3A_909 : vector<16xf32> to vector<16xf32>
    %swap3A_911 = vector.shape_cast %broadcast_in_dim3A_22 : vector<16xf32> to vector<16xf32>
    tpu.vector_store %arg10[%swap3A_908], %swap3A_911 {strides = array<i32>} : memref<640xf32, #tpu.memory_space<vmem>>, vector<16xf32>,
    %swap3A_912 = arith.constant 480 : index
    %swap3A_913 = tpu.vector_load %arg10[%swap3A_912] {strides = array<i32>} : memref<640xf32, #tpu.memory_space<vmem>>, vector<16xf32>,
    %swap3A_914 = vector.shape_cast %swap3A_913 : vector<16xf32> to vector<16xf32>
    %swap3A_915 = vector.shape_cast %broadcast_in_dim3A_22 : vector<16xf32> to vector<16xf32>
    tpu.vector_store %arg10[%swap3A_912], %swap3A_915 {strides = array<i32>} : memref<640xf32, #tpu.memory_space<vmem>>, vector<16xf32>,
    %swap3A_916 = arith.constant 496 : index
    %swap3A_917 = tpu.vector_load %arg10[%swap3A_916] {strides = array<i32>} : memref<640xf32, #tpu.memory_space<vmem>>, vector<16xf32>,
    %swap3A_918 = vector.shape_cast %swap3A_917 : vector<16xf32> to vector<16xf32>
    %swap3A_919 = vector.shape_cast %broadcast_in_dim3A_22 : vector<16xf32> to vector<16xf32>
    tpu.vector_store %arg10[%swap3A_916], %swap3A_919 {strides = array<i32>} : memref<640xf32, #tpu.memory_space<vmem>>, vector<16xf32>,
    %swap3A_920 = arith.constant 512 : index
    %swap3A_921 = tpu.vector_load %arg10[%swap3A_920] {strides = array<i32>} : memref<640xf32, #tpu.memory_space<vmem>>, vector<16xf32>,
    %swap3A_922 = vector.shape_cast %swap3A_921 : vector<16xf32> to vector<16xf32>
    %swap3A_923 = vector.shape_cast %broadcast_in_dim3A_22 : vector<16xf32> to vector<16xf32>
    tpu.vector_store %arg10[%swap3A_920], %swap3A_923 {strides = array<i32>} : memref<640xf32, #tpu.memory_space<vmem>>, vector<16xf32>,
    %swap3A_924 = arith.constant 528 : index
    %swap3A_925 = tpu.vector_load %arg10[%swap3A_924] {strides = array<i32>} : memref<640xf32, #tpu.memory_space<vmem>>, vector<16xf32>,
    %swap3A_926 = vector.shape_cast %swap3A_925 : vector<16xf32> to vector<16xf32>
    %swap3A_927 = vector.shape_cast %broadcast_in_dim3A_22 : vector<16xf32> to vector<16xf32>
    tpu.vector_store %arg10[%swap3A_924], %swap3A_927 {strides = array<i32>} : memref<640xf32, #tpu.memory_space<vmem>>, vector<16xf32>,
    %swap3A_928 = arith.constant 544 : index
    %swap3A_929 = tpu.vector_load %arg10[%swap3A_928] {strides = array<i32>} : memref<640xf32, #tpu.memory_space<vmem>>, vector<16xf32>,
    %swap3A_930 = vector.shape_cast %swap3A_929 : vector<16xf32> to vector<16xf32>
    %swap3A_931 = vector.shape_cast %broadcast_in_dim3A_22 : vector<16xf32> to vector<16xf32>
    tpu.vector_store %arg10[%swap3A_928], %swap3A_931 {strides = array<i32>} : memref<640xf32, #tpu.memory_space<vmem>>, vector<16xf32>,
    %swap3A_932 = arith.constant 560 : index
    %swap3A_933 = tpu.vector_load %arg10[%swap3A_932] {strides = array<i32>} : memref<640xf32, #tpu.memory_space<vmem>>, vector<16xf32>,
    %swap3A_934 = vector.shape_cast %swap3A_933 : vector<16xf32> to vector<16xf32>
    %swap3A_935 = vector.shape_cast %broadcast_in_dim3A_22 : vector<16xf32> to vector<16xf32>
    tpu.vector_store %arg10[%swap3A_932], %swap3A_935 {strides = array<i32>} : memref<640xf32, #tpu.memory_space<vmem>>, vector<16xf32>,
    %swap3A_936 = arith.constant 576 : index
    %swap3A_937 = tpu.vector_load %arg10[%swap3A_936] {strides = array<i32>} : memref<640xf32, #tpu.memory_space<vmem>>, vector<16xf32>,
    %swap3A_938 = vector.shape_cast %swap3A_937 : vector<16xf32> to vector<16xf32>
    %swap3A_939 = vector.shape_cast %broadcast_in_dim3A_22 : vector<16xf32> to vector<16xf32>
    tpu.vector_store %arg10[%swap3A_936], %swap3A_939 {strides = array<i32>} : memref<640xf32, #tpu.memory_space<vmem>>, vector<16xf32>,
    %swap3A_940 = arith.constant 592 : index
    %swap3A_941 = tpu.vector_load %arg10[%swap3A_940] {strides = array<i32>} : memref<640xf32, #tpu.memory_space<vmem>>, vector<16xf32>,
    %swap3A_942 = vector.shape_cast %swap3A_941 : vector<16xf32> to vector<16xf32>
    %swap3A_943 = vector.shape_cast %broadcast_in_dim3A_22 : vector<16xf32> to vector<16xf32>
    tpu.vector_store %arg10[%swap3A_940], %swap3A_943 {strides = array<i32>} : memref<640xf32, #tpu.memory_space<vmem>>, vector<16xf32>,
    %swap3A_944 = arith.constant 608 : index
    %swap3A_945 = tpu.vector_load %arg10[%swap3A_944] {strides = array<i32>} : memref<640xf32, #tpu.memory_space<vmem>>, vector<16xf32>,
    %swap3A_946 = vector.shape_cast %swap3A_945 : vector<16xf32> to vector<16xf32>
    %swap3A_947 = vector.shape_cast %broadcast_in_dim3A_22 : vector<16xf32> to vector<16xf32>
    tpu.vector_store %arg10[%swap3A_944], %swap3A_947 {strides = array<i32>} : memref<640xf32, #tpu.memory_space<vmem>>, vector<16xf32>,
    %swap3A_948 = arith.constant 624 : index
    %swap3A_949 = tpu.vector_load %arg10[%swap3A_948] {strides = array<i32>} : memref<640xf32, #tpu.memory_space<vmem>>, vector<16xf32>,
    %swap3A_950 = vector.shape_cast %swap3A_949 : vector<16xf32> to vector<16xf32>
    %swap3A_951 = vector.shape_cast %broadcast_in_dim3A_22 : vector<16xf32> to vector<16xf32>
    tpu.vector_store %arg10[%swap3A_948], %swap3A_951 {strides = array<i32>} : memref<640xf32, #tpu.memory_space<vmem>>, vector<16xf32>,
    %swap3A_952 = arith.constant 0 : index
    %swap3A_953 = tpu.vector_load %arg11[%swap3A_952] {strides = array<i32>} : memref<112xf32, #tpu.memory_space<vmem>>, vector<16xf32>,
    %swap3A_954 = vector.shape_cast %swap3A_953 : vector<16xf32> to vector<16xf32>
    %swap3A_955 = vector.shape_cast %broadcast_in_dim3A_24 : vector<16xf32> to vector<16xf32>
    tpu.vector_store %arg11[%swap3A_952], %swap3A_955 {strides = array<i32>} : memref<112xf32, #tpu.memory_space<vmem>>, vector<16xf32>,
    %swap3A_956 = arith.constant 16 : index
    %swap3A_957 = tpu.vector_load %arg11[%swap3A_956] {strides = array<i32>} : memref<112xf32, #tpu.memory_space<vmem>>, vector<16xf32>,
    %swap3A_958 = vector.shape_cast %swap3A_957 : vector<16xf32> to vector<16xf32>
    %swap3A_959 = vector.shape_cast %broadcast_in_dim3A_24 : vector<16xf32> to vector<16xf32>
    tpu.vector_store %arg11[%swap3A_956], %swap3A_959 {strides = array<i32>} : memref<112xf32, #tpu.memory_space<vmem>>, vector<16xf32>,
    %swap3A_960 = arith.constant 32 : index
    %swap3A_961 = tpu.vector_load %arg11[%swap3A_960] {strides = array<i32>} : memref<112xf32, #tpu.memory_space<vmem>>, vector<16xf32>,
    %swap3A_962 = vector.shape_cast %swap3A_961 : vector<16xf32> to vector<16xf32>
    %swap3A_963 = vector.shape_cast %broadcast_in_dim3A_24 : vector<16xf32> to vector<16xf32>
    tpu.vector_store %arg11[%swap3A_960], %swap3A_963 {strides = array<i32>} : memref<112xf32, #tpu.memory_space<vmem>>, vector<16xf32>,
    %swap3A_964 = arith.constant 48 : index
    %swap3A_965 = tpu.vector_load %arg11[%swap3A_964] {strides = array<i32>} : memref<112xf32, #tpu.memory_space<vmem>>, vector<16xf32>,
    %swap3A_966 = vector.shape_cast %swap3A_965 : vector<16xf32> to vector<16xf32>
    %swap3A_967 = vector.shape_cast %broadcast_in_dim3A_24 : vector<16xf32> to vector<16xf32>
    tpu.vector_store %arg11[%swap3A_964], %swap3A_967 {strides = array<i32>} : memref<112xf32, #tpu.memory_space<vmem>>, vector<16xf32>,
    %swap3A_968 = arith.constant 64 : index
    %swap3A_969 = tpu.vector_load %arg11[%swap3A_968] {strides = array<i32>} : memref<112xf32, #tpu.memory_space<vmem>>, vector<16xf32>,
    %swap3A_970 = vector.shape_cast %swap3A_969 : vector<16xf32> to vector<16xf32>
    %swap3A_971 = vector.shape_cast %broadcast_in_dim3A_24 : vector<16xf32> to vector<16xf32>
    tpu.vector_store %arg11[%swap3A_968], %swap3A_971 {strides = array<i32>} : memref<112xf32, #tpu.memory_space<vmem>>, vector<16xf32>,
    %swap3A_972 = arith.constant 80 : index
    %swap3A_973 = tpu.vector_load %arg11[%swap3A_972] {strides = array<i32>} : memref<112xf32, #tpu.memory_space<vmem>>, vector<16xf32>,
    %swap3A_974 = vector.shape_cast %swap3A_973 : vector<16xf32> to vector<16xf32>
    %swap3A_975 = vector.shape_cast %broadcast_in_dim3A_24 : vector<16xf32> to vector<16xf32>
    tpu.vector_store %arg11[%swap3A_972], %swap3A_975 {strides = array<i32>} : memref<112xf32, #tpu.memory_space<vmem>>, vector<16xf32>,
    %swap3A_976 = arith.constant 96 : index
    %swap3A_977 = tpu.vector_load %arg11[%swap3A_976] {strides = array<i32>} : memref<112xf32, #tpu.memory_space<vmem>>, vector<16xf32>,
    %swap3A_978 = vector.shape_cast %swap3A_977 : vector<16xf32> to vector<16xf32>
    %swap3A_979 = vector.shape_cast %broadcast_in_dim3A_24 : vector<16xf32> to vector<16xf32>
    tpu.vector_store %arg11[%swap3A_976], %swap3A_979 {strides = array<i32>} : memref<112xf32, #tpu.memory_space<vmem>>, vector<16xf32>,
    %mul3A_980 = arith.constant 640 : i32
    %mul3A_981 = arith.muli %arg1, %mul3A_980 : i32
    %add3A_982 = arith.constant 0 : i32
    %add3A_983 = arith.addi %mul3A_981, %add3A_982 : i32
    %dma_start3A_984 = arith.constant 0 : i32
    %dma_start3A_985 = tpu.memref_slice %arg13[%add3A_983, %dma_start3A_984] : memref<10240x32xf32, #tpu.memory_space<vmem_shared>> -> memref<64x32xf32, #tpu.memory_space<vmem_shared>>
    %dma_start3A_986 = arith.constant 0 : i32
    %dma_start3A_987 = tpu.memref_slice %arg13[%add3A_983, %dma_start3A_986] : memref<10240x32xf32, #tpu.memory_space<vmem_shared>> -> memref<64x32xf32, #tpu.memory_space<vmem_shared>>
    tpu.enqueue_dma source(%arg9 : memref<64x32xf32, #tpu.memory_space<vmem>>) target(%dma_start3A_987 : memref<64x32xf32, #tpu.memory_space<vmem_shared>>) target_semaphore(%arg17 : memref<!tpu.dma_semaphore, #tpu.memory_space<semaphore_mem>>)
    %mul3A_988 = arith.constant 640 : i32
    %mul3A_989 = arith.muli %arg1, %mul3A_988 : i32
    %add3A_990 = arith.constant 64 : i32
    %add3A_991 = arith.addi %mul3A_989, %add3A_990 : i32
    %dma_start3A_992 = arith.constant 0 : i32
    %dma_start3A_993 = tpu.memref_slice %arg13[%add3A_991, %dma_start3A_992] : memref<10240x32xf32, #tpu.memory_space<vmem_shared>> -> memref<64x32xf32, #tpu.memory_space<vmem_shared>>
    %dma_start3A_994 = arith.constant 0 : i32
    %dma_start3A_995 = tpu.memref_slice %arg13[%add3A_991, %dma_start3A_994] : memref<10240x32xf32, #tpu.memory_space<vmem_shared>> -> memref<64x32xf32, #tpu.memory_space<vmem_shared>>
    tpu.enqueue_dma source(%arg9 : memref<64x32xf32, #tpu.memory_space<vmem>>) target(%dma_start3A_995 : memref<64x32xf32, #tpu.memory_space<vmem_shared>>) target_semaphore(%arg17 : memref<!tpu.dma_semaphore, #tpu.memory_space<semaphore_mem>>)
    %mul3A_996 = arith.constant 640 : i32
    %mul3A_997 = arith.muli %arg1, %mul3A_996 : i32
    %add3A_998 = arith.constant 128 : i32
    %add3A_999 = arith.addi %mul3A_997, %add3A_998 : i32
    %dma_start3A_1000 = arith.constant 0 : i32
    %dma_start3A_1001 = tpu.memref_slice %arg13[%add3A_999, %dma_start3A_1000] : memref<10240x32xf32, #tpu.memory_space<vmem_shared>> -> memref<64x32xf32, #tpu.memory_space<vmem_shared>>
    %dma_start3A_1002 = arith.constant 0 : i32
    %dma_start3A_1003 = tpu.memref_slice %arg13[%add3A_999, %dma_start3A_1002] : memref<10240x32xf32, #tpu.memory_space<vmem_shared>> -> memref<64x32xf32, #tpu.memory_space<vmem_shared>>
    tpu.enqueue_dma source(%arg9 : memref<64x32xf32, #tpu.memory_space<vmem>>) target(%dma_start3A_1003 : memref<64x32xf32, #tpu.memory_space<vmem_shared>>) target_semaphore(%arg17 : memref<!tpu.dma_semaphore, #tpu.memory_space<semaphore_mem>>)
    %mul3A_1004 = arith.constant 640 : i32
    %mul3A_1005 = arith.muli %arg1, %mul3A_1004 : i32
    %add3A_1006 = arith.constant 192 : i32
    %add3A_1007 = arith.addi %mul3A_1005, %add3A_1006 : i32
    %dma_start3A_1008 = arith.constant 0 : i32
    %dma_start3A_1009 = tpu.memref_slice %arg13[%add3A_1007, %dma_start3A_1008] : memref<10240x32xf32, #tpu.memory_space<vmem_shared>> -> memref<64x32xf32, #tpu.memory_space<vmem_shared>>
    %dma_start3A_1010 = arith.constant 0 : i32
    %dma_start3A_1011 = tpu.memref_slice %arg13[%add3A_1007, %dma_start3A_1010] : memref<10240x32xf32, #tpu.memory_space<vmem_shared>> -> memref<64x32xf32, #tpu.memory_space<vmem_shared>>
    tpu.enqueue_dma source(%arg9 : memref<64x32xf32, #tpu.memory_space<vmem>>) target(%dma_start3A_1011 : memref<64x32xf32, #tpu.memory_space<vmem_shared>>) target_semaphore(%arg17 : memref<!tpu.dma_semaphore, #tpu.memory_space<semaphore_mem>>)
    %mul3A_1012 = arith.constant 640 : i32
    %mul3A_1013 = arith.muli %arg1, %mul3A_1012 : i32
    %add3A_1014 = arith.constant 256 : i32
    %add3A_1015 = arith.addi %mul3A_1013, %add3A_1014 : i32
    %dma_start3A_1016 = arith.constant 0 : i32
    %dma_start3A_1017 = tpu.memref_slice %arg13[%add3A_1015, %dma_start3A_1016] : memref<10240x32xf32, #tpu.memory_space<vmem_shared>> -> memref<64x32xf32, #tpu.memory_space<vmem_shared>>
    %dma_start3A_1018 = arith.constant 0 : i32
    %dma_start3A_1019 = tpu.memref_slice %arg13[%add3A_1015, %dma_start3A_1018] : memref<10240x32xf32, #tpu.memory_space<vmem_shared>> -> memref<64x32xf32, #tpu.memory_space<vmem_shared>>
    tpu.enqueue_dma source(%arg9 : memref<64x32xf32, #tpu.memory_space<vmem>>) target(%dma_start3A_1019 : memref<64x32xf32, #tpu.memory_space<vmem_shared>>) target_semaphore(%arg17 : memref<!tpu.dma_semaphore, #tpu.memory_space<semaphore_mem>>)
    %mul3A_1020 = arith.constant 640 : i32
    %mul3A_1021 = arith.muli %arg1, %mul3A_1020 : i32
    %add3A_1022 = arith.constant 320 : i32
    %add3A_1023 = arith.addi %mul3A_1021, %add3A_1022 : i32
    %dma_start3A_1024 = arith.constant 0 : i32
    %dma_start3A_1025 = tpu.memref_slice %arg13[%add3A_1023, %dma_start3A_1024] : memref<10240x32xf32, #tpu.memory_space<vmem_shared>> -> memref<64x32xf32, #tpu.memory_space<vmem_shared>>
    %dma_start3A_1026 = arith.constant 0 : i32
    %dma_start3A_1027 = tpu.memref_slice %arg13[%add3A_1023, %dma_start3A_1026] : memref<10240x32xf32, #tpu.memory_space<vmem_shared>> -> memref<64x32xf32, #tpu.memory_space<vmem_shared>>
    tpu.enqueue_dma source(%arg9 : memref<64x32xf32, #tpu.memory_space<vmem>>) target(%dma_start3A_1027 : memref<64x32xf32, #tpu.memory_space<vmem_shared>>) target_semaphore(%arg17 : memref<!tpu.dma_semaphore, #tpu.memory_space<semaphore_mem>>)
    %mul3A_1028 = arith.constant 640 : i32
    %mul3A_1029 = arith.muli %arg1, %mul3A_1028 : i32
    %add3A_1030 = arith.constant 384 : i32
    %add3A_1031 = arith.addi %mul3A_1029, %add3A_1030 : i32
    %dma_start3A_1032 = arith.constant 0 : i32
    %dma_start3A_1033 = tpu.memref_slice %arg13[%add3A_1031, %dma_start3A_1032] : memref<10240x32xf32, #tpu.memory_space<vmem_shared>> -> memref<64x32xf32, #tpu.memory_space<vmem_shared>>
    %dma_start3A_1034 = arith.constant 0 : i32
    %dma_start3A_1035 = tpu.memref_slice %arg13[%add3A_1031, %dma_start3A_1034] : memref<10240x32xf32, #tpu.memory_space<vmem_shared>> -> memref<64x32xf32, #tpu.memory_space<vmem_shared>>
    tpu.enqueue_dma source(%arg9 : memref<64x32xf32, #tpu.memory_space<vmem>>) target(%dma_start3A_1035 : memref<64x32xf32, #tpu.memory_space<vmem_shared>>) target_semaphore(%arg17 : memref<!tpu.dma_semaphore, #tpu.memory_space<semaphore_mem>>)
    %mul3A_1036 = arith.constant 640 : i32
    %mul3A_1037 = arith.muli %arg1, %mul3A_1036 : i32
    %add3A_1038 = arith.constant 448 : i32
    %add3A_1039 = arith.addi %mul3A_1037, %add3A_1038 : i32
    %dma_start3A_1040 = arith.constant 0 : i32
    %dma_start3A_1041 = tpu.memref_slice %arg13[%add3A_1039, %dma_start3A_1040] : memref<10240x32xf32, #tpu.memory_space<vmem_shared>> -> memref<64x32xf32, #tpu.memory_space<vmem_shared>>
    %dma_start3A_1042 = arith.constant 0 : i32
    %dma_start3A_1043 = tpu.memref_slice %arg13[%add3A_1039, %dma_start3A_1042] : memref<10240x32xf32, #tpu.memory_space<vmem_shared>> -> memref<64x32xf32, #tpu.memory_space<vmem_shared>>
    tpu.enqueue_dma source(%arg9 : memref<64x32xf32, #tpu.memory_space<vmem>>) target(%dma_start3A_1043 : memref<64x32xf32, #tpu.memory_space<vmem_shared>>) target_semaphore(%arg17 : memref<!tpu.dma_semaphore, #tpu.memory_space<semaphore_mem>>)
    %mul3A_1044 = arith.constant 640 : i32
    %mul3A_1045 = arith.muli %arg1, %mul3A_1044 : i32
    %add3A_1046 = arith.constant 512 : i32
    %add3A_1047 = arith.addi %mul3A_1045, %add3A_1046 : i32
    %dma_start3A_1048 = arith.constant 0 : i32
    %dma_start3A_1049 = tpu.memref_slice %arg13[%add3A_1047, %dma_start3A_1048] : memref<10240x32xf32, #tpu.memory_space<vmem_shared>> -> memref<64x32xf32, #tpu.memory_space<vmem_shared>>
    %dma_start3A_1050 = arith.constant 0 : i32
    %dma_start3A_1051 = tpu.memref_slice %arg13[%add3A_1047, %dma_start3A_1050] : memref<10240x32xf32, #tpu.memory_space<vmem_shared>> -> memref<64x32xf32, #tpu.memory_space<vmem_shared>>
    tpu.enqueue_dma source(%arg9 : memref<64x32xf32, #tpu.memory_space<vmem>>) target(%dma_start3A_1051 : memref<64x32xf32, #tpu.memory_space<vmem_shared>>) target_semaphore(%arg17 : memref<!tpu.dma_semaphore, #tpu.memory_space<semaphore_mem>>)
    %mul3A_1052 = arith.constant 640 : i32
    %mul3A_1053 = arith.muli %arg1, %mul3A_1052 : i32
    %add3A_1054 = arith.constant 576 : i32
    %add3A_1055 = arith.addi %mul3A_1053, %add3A_1054 : i32
    %dma_start3A_1056 = arith.constant 0 : i32
    %dma_start3A_1057 = tpu.memref_slice %arg13[%add3A_1055, %dma_start3A_1056] : memref<10240x32xf32, #tpu.memory_space<vmem_shared>> -> memref<64x32xf32, #tpu.memory_space<vmem_shared>>
    %dma_start3A_1058 = arith.constant 0 : i32
    %dma_start3A_1059 = tpu.memref_slice %arg13[%add3A_1055, %dma_start3A_1058] : memref<10240x32xf32, #tpu.memory_space<vmem_shared>> -> memref<64x32xf32, #tpu.memory_space<vmem_shared>>
    tpu.enqueue_dma source(%arg9 : memref<64x32xf32, #tpu.memory_space<vmem>>) target(%dma_start3A_1059 : memref<64x32xf32, #tpu.memory_space<vmem_shared>>) target_semaphore(%arg17 : memref<!tpu.dma_semaphore, #tpu.memory_space<semaphore_mem>>)
    %mul3A_1060 = arith.constant 640 : i32
    %mul3A_1061 = arith.muli %arg1, %mul3A_1060 : i32
    %dma_start3A_1062 = tpu.memref_slice %arg14[%mul3A_1061] : memref<10240xf32, #tpu.memory_space<vmem_shared>> -> memref<640xf32, #tpu.memory_space<vmem_shared>>
    %dma_start3A_1063 = tpu.memref_slice %arg14[%mul3A_1061] : memref<10240xf32, #tpu.memory_space<vmem_shared>> -> memref<640xf32, #tpu.memory_space<vmem_shared>>
    tpu.enqueue_dma source(%arg10 : memref<640xf32, #tpu.memory_space<vmem>>) target(%dma_start3A_1063 : memref<640xf32, #tpu.memory_space<vmem_shared>>) target_semaphore(%arg17 : memref<!tpu.dma_semaphore, #tpu.memory_space<semaphore_mem>>)
    %dma_wait3A = arith.constant 0 : i32
    %dma_wait3A_1064 = tpu.memref_slice %arg3[%dma_wait3A, %mul3A_2] : memref<2x320000xi32, #tpu.memory_space<hbm>> -> memref<1x10000xi32, #tpu.memory_space<hbm>>
    %dma_wait3A_1065 = tpu.memref_squeeze %dma_wait3A_1064 : memref<1x10000xi32, #tpu.memory_space<hbm>> -> memref<10000xi32, #tpu.memory_space<hbm>>
    %dma_wait3A_1066 = tpu.memref_slice %arg3[%dma_wait3A, %mul3A_2] : memref<2x320000xi32, #tpu.memory_space<hbm>> -> memref<1x10000xi32, #tpu.memory_space<hbm>>
    %dma_wait3A_1067 = tpu.memref_squeeze %dma_wait3A_1066 : memref<1x10000xi32, #tpu.memory_space<hbm>> -> memref<10000xi32, #tpu.memory_space<hbm>>
    tpu.wait_dma2 semaphore(%arg15 : memref<!tpu.dma_semaphore, #tpu.memory_space<semaphore_mem>>) src(%dma_wait3A_1067 : memref<10000xi32, #tpu.memory_space<hbm>>) dst(%arg6 : memref<10000xi32, #tpu.memory_space<vmem>>)
    %dma_wait3A_1068 = arith.constant 1 : i32
    %dma_wait3A_1069 = tpu.memref_slice %arg3[%dma_wait3A_1068, %mul3A_8] : memref<2x320000xi32, #tpu.memory_space<hbm>> -> memref<1x10000xi32, #tpu.memory_space<hbm>>
    %dma_wait3A_1070 = tpu.memref_squeeze %dma_wait3A_1069 : memref<1x10000xi32, #tpu.memory_space<hbm>> -> memref<10000xi32, #tpu.memory_space<hbm>>
    %dma_wait3A_1071 = tpu.memref_slice %arg3[%dma_wait3A_1068, %mul3A_8] : memref<2x320000xi32, #tpu.memory_space<hbm>> -> memref<1x10000xi32, #tpu.memory_space<hbm>>
    %dma_wait3A_1072 = tpu.memref_squeeze %dma_wait3A_1071 : memref<1x10000xi32, #tpu.memory_space<hbm>> -> memref<10000xi32, #tpu.memory_space<hbm>>
    tpu.wait_dma2 semaphore(%arg15 : memref<!tpu.dma_semaphore, #tpu.memory_space<semaphore_mem>>) src(%dma_wait3A_1072 : memref<10000xi32, #tpu.memory_space<hbm>>) dst(%arg7 : memref<10000xi32, #tpu.memory_space<vmem>>)
    %dma_wait3A_1073 = arith.constant 0 : i32
    %dma_wait3A_1074 = tpu.memref_slice %arg12[%mul3A_17, %dma_wait3A_1073] : memref<10000x32xf32, #tpu.memory_space<vmem_shared>> -> memref<625x32xf32, #tpu.memory_space<vmem_shared>>
    %dma_wait3A_1075 = arith.constant 0 : i32
    %dma_wait3A_1076 = tpu.memref_slice %arg2[%mul3A_15, %dma_wait3A_1075] : memref<10000x32xf32, #tpu.memory_space<hbm>> -> memref<625x32xf32, #tpu.memory_space<hbm>>
    tpu.wait_dma2 semaphore(%arg16 : memref<!tpu.dma_semaphore, #tpu.memory_space<semaphore_mem>>) src(%dma_wait3A_1076 : memref<625x32xf32, #tpu.memory_space<hbm>>) dst(%dma_wait3A_1074 : memref<625x32xf32, #tpu.memory_space<vmem_shared>>)
    %dma_wait3A_1077 = arith.constant 0 : i32
    %dma_wait3A_1078 = tpu.memref_slice %arg13[%add3A_983, %dma_wait3A_1077] : memref<10240x32xf32, #tpu.memory_space<vmem_shared>> -> memref<64x32xf32, #tpu.memory_space<vmem_shared>>
    %dma_wait3A_1079 = arith.constant 0 : i32
    %dma_wait3A_1080 = tpu.memref_slice %arg13[%add3A_983, %dma_wait3A_1079] : memref<10240x32xf32, #tpu.memory_space<vmem_shared>> -> memref<64x32xf32, #tpu.memory_space<vmem_shared>>
    tpu.wait_dma2 semaphore(%arg17 : memref<!tpu.dma_semaphore, #tpu.memory_space<semaphore_mem>>) src(%arg9 : memref<64x32xf32, #tpu.memory_space<vmem>>) dst(%dma_wait3A_1080 : memref<64x32xf32, #tpu.memory_space<vmem_shared>>)
    %dma_wait3A_1081 = arith.constant 0 : i32
    %dma_wait3A_1082 = tpu.memref_slice %arg13[%add3A_991, %dma_wait3A_1081] : memref<10240x32xf32, #tpu.memory_space<vmem_shared>> -> memref<64x32xf32, #tpu.memory_space<vmem_shared>>
    %dma_wait3A_1083 = arith.constant 0 : i32
    %dma_wait3A_1084 = tpu.memref_slice %arg13[%add3A_991, %dma_wait3A_1083] : memref<10240x32xf32, #tpu.memory_space<vmem_shared>> -> memref<64x32xf32, #tpu.memory_space<vmem_shared>>
    tpu.wait_dma2 semaphore(%arg17 : memref<!tpu.dma_semaphore, #tpu.memory_space<semaphore_mem>>) src(%arg9 : memref<64x32xf32, #tpu.memory_space<vmem>>) dst(%dma_wait3A_1084 : memref<64x32xf32, #tpu.memory_space<vmem_shared>>)
    %dma_wait3A_1085 = arith.constant 0 : i32
    %dma_wait3A_1086 = tpu.memref_slice %arg13[%add3A_999, %dma_wait3A_1085] : memref<10240x32xf32, #tpu.memory_space<vmem_shared>> -> memref<64x32xf32, #tpu.memory_space<vmem_shared>>
    %dma_wait3A_1087 = arith.constant 0 : i32
    %dma_wait3A_1088 = tpu.memref_slice %arg13[%add3A_999, %dma_wait3A_1087] : memref<10240x32xf32, #tpu.memory_space<vmem_shared>> -> memref<64x32xf32, #tpu.memory_space<vmem_shared>>
    tpu.wait_dma2 semaphore(%arg17 : memref<!tpu.dma_semaphore, #tpu.memory_space<semaphore_mem>>) src(%arg9 : memref<64x32xf32, #tpu.memory_space<vmem>>) dst(%dma_wait3A_1088 : memref<64x32xf32, #tpu.memory_space<vmem_shared>>)
    %dma_wait3A_1089 = arith.constant 0 : i32
    %dma_wait3A_1090 = tpu.memref_slice %arg13[%add3A_1007, %dma_wait3A_1089] : memref<10240x32xf32, #tpu.memory_space<vmem_shared>> -> memref<64x32xf32, #tpu.memory_space<vmem_shared>>
    %dma_wait3A_1091 = arith.constant 0 : i32
    %dma_wait3A_1092 = tpu.memref_slice %arg13[%add3A_1007, %dma_wait3A_1091] : memref<10240x32xf32, #tpu.memory_space<vmem_shared>> -> memref<64x32xf32, #tpu.memory_space<vmem_shared>>
    tpu.wait_dma2 semaphore(%arg17 : memref<!tpu.dma_semaphore, #tpu.memory_space<semaphore_mem>>) src(%arg9 : memref<64x32xf32, #tpu.memory_space<vmem>>) dst(%dma_wait3A_1092 : memref<64x32xf32, #tpu.memory_space<vmem_shared>>)
    %dma_wait3A_1093 = arith.constant 0 : i32
    %dma_wait3A_1094 = tpu.memref_slice %arg13[%add3A_1015, %dma_wait3A_1093] : memref<10240x32xf32, #tpu.memory_space<vmem_shared>> -> memref<64x32xf32, #tpu.memory_space<vmem_shared>>
    %dma_wait3A_1095 = arith.constant 0 : i32
    %dma_wait3A_1096 = tpu.memref_slice %arg13[%add3A_1015, %dma_wait3A_1095] : memref<10240x32xf32, #tpu.memory_space<vmem_shared>> -> memref<64x32xf32, #tpu.memory_space<vmem_shared>>
    tpu.wait_dma2 semaphore(%arg17 : memref<!tpu.dma_semaphore, #tpu.memory_space<semaphore_mem>>) src(%arg9 : memref<64x32xf32, #tpu.memory_space<vmem>>) dst(%dma_wait3A_1096 : memref<64x32xf32, #tpu.memory_space<vmem_shared>>)
    %dma_wait3A_1097 = arith.constant 0 : i32
    %dma_wait3A_1098 = tpu.memref_slice %arg13[%add3A_1023, %dma_wait3A_1097] : memref<10240x32xf32, #tpu.memory_space<vmem_shared>> -> memref<64x32xf32, #tpu.memory_space<vmem_shared>>
    %dma_wait3A_1099 = arith.constant 0 : i32
    %dma_wait3A_1100 = tpu.memref_slice %arg13[%add3A_1023, %dma_wait3A_1099] : memref<10240x32xf32, #tpu.memory_space<vmem_shared>> -> memref<64x32xf32, #tpu.memory_space<vmem_shared>>
    tpu.wait_dma2 semaphore(%arg17 : memref<!tpu.dma_semaphore, #tpu.memory_space<semaphore_mem>>) src(%arg9 : memref<64x32xf32, #tpu.memory_space<vmem>>) dst(%dma_wait3A_1100 : memref<64x32xf32, #tpu.memory_space<vmem_shared>>)
    %dma_wait3A_1101 = arith.constant 0 : i32
    %dma_wait3A_1102 = tpu.memref_slice %arg13[%add3A_1031, %dma_wait3A_1101] : memref<10240x32xf32, #tpu.memory_space<vmem_shared>> -> memref<64x32xf32, #tpu.memory_space<vmem_shared>>
    %dma_wait3A_1103 = arith.constant 0 : i32
    %dma_wait3A_1104 = tpu.memref_slice %arg13[%add3A_1031, %dma_wait3A_1103] : memref<10240x32xf32, #tpu.memory_space<vmem_shared>> -> memref<64x32xf32, #tpu.memory_space<vmem_shared>>
    tpu.wait_dma2 semaphore(%arg17 : memref<!tpu.dma_semaphore, #tpu.memory_space<semaphore_mem>>) src(%arg9 : memref<64x32xf32, #tpu.memory_space<vmem>>) dst(%dma_wait3A_1104 : memref<64x32xf32, #tpu.memory_space<vmem_shared>>)
    %dma_wait3A_1105 = arith.constant 0 : i32
    %dma_wait3A_1106 = tpu.memref_slice %arg13[%add3A_1039, %dma_wait3A_1105] : memref<10240x32xf32, #tpu.memory_space<vmem_shared>> -> memref<64x32xf32, #tpu.memory_space<vmem_shared>>
    %dma_wait3A_1107 = arith.constant 0 : i32
    %dma_wait3A_1108 = tpu.memref_slice %arg13[%add3A_1039, %dma_wait3A_1107] : memref<10240x32xf32, #tpu.memory_space<vmem_shared>> -> memref<64x32xf32, #tpu.memory_space<vmem_shared>>
    tpu.wait_dma2 semaphore(%arg17 : memref<!tpu.dma_semaphore, #tpu.memory_space<semaphore_mem>>) src(%arg9 : memref<64x32xf32, #tpu.memory_space<vmem>>) dst(%dma_wait3A_1108 : memref<64x32xf32, #tpu.memory_space<vmem_shared>>)
    %dma_wait3A_1109 = arith.constant 0 : i32
    %dma_wait3A_1110 = tpu.memref_slice %arg13[%add3A_1047, %dma_wait3A_1109] : memref<10240x32xf32, #tpu.memory_space<vmem_shared>> -> memref<64x32xf32, #tpu.memory_space<vmem_shared>>
    %dma_wait3A_1111 = arith.constant 0 : i32
    %dma_wait3A_1112 = tpu.memref_slice %arg13[%add3A_1047, %dma_wait3A_1111] : memref<10240x32xf32, #tpu.memory_space<vmem_shared>> -> memref<64x32xf32, #tpu.memory_space<vmem_shared>>
    tpu.wait_dma2 semaphore(%arg17 : memref<!tpu.dma_semaphore, #tpu.memory_space<semaphore_mem>>) src(%arg9 : memref<64x32xf32, #tpu.memory_space<vmem>>) dst(%dma_wait3A_1112 : memref<64x32xf32, #tpu.memory_space<vmem_shared>>)
    %dma_wait3A_1113 = arith.constant 0 : i32
    %dma_wait3A_1114 = tpu.memref_slice %arg13[%add3A_1055, %dma_wait3A_1113] : memref<10240x32xf32, #tpu.memory_space<vmem_shared>> -> memref<64x32xf32, #tpu.memory_space<vmem_shared>>
    %dma_wait3A_1115 = arith.constant 0 : i32
    %dma_wait3A_1116 = tpu.memref_slice %arg13[%add3A_1055, %dma_wait3A_1115] : memref<10240x32xf32, #tpu.memory_space<vmem_shared>> -> memref<64x32xf32, #tpu.memory_space<vmem_shared>>
    tpu.wait_dma2 semaphore(%arg17 : memref<!tpu.dma_semaphore, #tpu.memory_space<semaphore_mem>>) src(%arg9 : memref<64x32xf32, #tpu.memory_space<vmem>>) dst(%dma_wait3A_1116 : memref<64x32xf32, #tpu.memory_space<vmem_shared>>)
    %dma_wait3A_1117 = tpu.memref_slice %arg14[%mul3A_1061] : memref<10240xf32, #tpu.memory_space<vmem_shared>> -> memref<640xf32, #tpu.memory_space<vmem_shared>>
    %dma_wait3A_1118 = tpu.memref_slice %arg14[%mul3A_1061] : memref<10240xf32, #tpu.memory_space<vmem_shared>> -> memref<640xf32, #tpu.memory_space<vmem_shared>>
    tpu.wait_dma2 semaphore(%arg17 : memref<!tpu.dma_semaphore, #tpu.memory_space<semaphore_mem>>) src(%arg10 : memref<640xf32, #tpu.memory_space<vmem>>) dst(%dma_wait3A_1118 : memref<640xf32, #tpu.memory_space<vmem_shared>>)
    %barrier3A = arith.constant 0 : index
    tpu.barrier barrier_id(%barrier3A)
    %scan3A = arith.constant 0 : i32
    %scan3A_1119 = arith.constant 0 : i32
    %scan3A_1120 = arith.constant 6 : i32
    %scan3A_1121 = arith.addi %scan3A_1119, %scan3A_1120 : i32
    %scan3A_1122 = arith.constant 1 : i32
    scf.for %scan3A_2033 = %scan3A_1119 to %scan3A_1121 step %scan3A_1122  : i32 {
      %mul3A_2034 = arith.constant 18 : i32
      %mul3A_2035 = arith.muli %scan3A_2033, %mul3A_2034 : i32
      %add3A_2036 = arith.constant 0 : i32
      %add3A_2037 = arith.addi %mul3A_2035, %add3A_2036 : i32
      %mul3A_2038 = arith.constant 80 : i32
      %mul3A_2039 = arith.muli %add3A_2037, %mul3A_2038 : i32
      %dma_start3A_2040 = arith.constant 0 : i32
      %dma_start3A_2041 = arith.constant 0 : i32
      %dma_start3A_2042 = arith.constant 0 : i32
      %dma_start3A_2043 = tpu.memref_slice %arg8[%dma_start3A_2040, %dma_start3A_2041, %dma_start3A_2042] : memref<18x80x32xf32, #tpu.memory_space<vmem>> -> memref<1x80x32xf32, #tpu.memory_space<vmem>>
      %dma_start3A_2044 = tpu.memref_squeeze %dma_start3A_2043 : memref<1x80x32xf32, #tpu.memory_space<vmem>> -> memref<80x32xf32, #tpu.memory_space<vmem>>
      %dma_start3A_2045 = tpu.memref_slice %arg6[%mul3A_2039] : memref<10000xi32, #tpu.memory_space<vmem>> -> memref<80xi32, #tpu.memory_space<vmem>>
      %dma_start3A_2046 = arith.constant 0 : i32
      %dma_start3A_2047 = arith.constant 0 : i32
      %dma_start3A_2048 = tpu.memref_slice %arg12[%dma_start3A_2046, %dma_start3A_2047] : memref<10000x32xf32, #tpu.memory_space<vmem_shared>> -> memref<10000x32xf32, #tpu.memory_space<vmem_shared>>
      tpu.enqueue_indirect_dma source(%dma_start3A_2048 : memref<10000x32xf32, #tpu.memory_space<vmem_shared>>) target(%dma_start3A_2044 : memref<80x32xf32, #tpu.memory_space<vmem>>) offsets(%dma_start3A_2045 : memref<80xi32, #tpu.memory_space<vmem>>) semaphore(%arg15 : memref<!tpu.dma_semaphore, #tpu.memory_space<semaphore_mem>>)
      %add3A_2049 = arith.constant 1 : i32
      %add3A_2050 = arith.addi %mul3A_2035, %add3A_2049 : i32
      %mul3A_2051 = arith.constant 80 : i32
      %mul3A_2052 = arith.muli %add3A_2050, %mul3A_2051 : i32
      %dma_start3A_2053 = arith.constant 1 : i32
      %dma_start3A_2054 = arith.constant 0 : i32
      %dma_start3A_2055 = arith.constant 0 : i32
      %dma_start3A_2056 = tpu.memref_slice %arg8[%dma_start3A_2053, %dma_start3A_2054, %dma_start3A_2055] : memref<18x80x32xf32, #tpu.memory_space<vmem>> -> memref<1x80x32xf32, #tpu.memory_space<vmem>>
      %dma_start3A_2057 = tpu.memref_squeeze %dma_start3A_2056 : memref<1x80x32xf32, #tpu.memory_space<vmem>> -> memref<80x32xf32, #tpu.memory_space<vmem>>
      %dma_start3A_2058 = tpu.memref_slice %arg6[%mul3A_2052] : memref<10000xi32, #tpu.memory_space<vmem>> -> memref<80xi32, #tpu.memory_space<vmem>>
      %dma_start3A_2059 = arith.constant 0 : i32
      %dma_start3A_2060 = arith.constant 0 : i32
      %dma_start3A_2061 = tpu.memref_slice %arg12[%dma_start3A_2059, %dma_start3A_2060] : memref<10000x32xf32, #tpu.memory_space<vmem_shared>> -> memref<10000x32xf32, #tpu.memory_space<vmem_shared>>
      tpu.enqueue_indirect_dma source(%dma_start3A_2061 : memref<10000x32xf32, #tpu.memory_space<vmem_shared>>) target(%dma_start3A_2057 : memref<80x32xf32, #tpu.memory_space<vmem>>) offsets(%dma_start3A_2058 : memref<80xi32, #tpu.memory_space<vmem>>) semaphore(%arg15 : memref<!tpu.dma_semaphore, #tpu.memory_space<semaphore_mem>>)
      %add3A_2062 = arith.constant 2 : i32
      %add3A_2063 = arith.addi %mul3A_2035, %add3A_2062 : i32
      %mul3A_2064 = arith.constant 80 : i32
      %mul3A_2065 = arith.muli %add3A_2063, %mul3A_2064 : i32
      %dma_start3A_2066 = arith.constant 2 : i32
      %dma_start3A_2067 = arith.constant 0 : i32
      %dma_start3A_2068 = arith.constant 0 : i32
      %dma_start3A_2069 = tpu.memref_slice %arg8[%dma_start3A_2066, %dma_start3A_2067, %dma_start3A_2068] : memref<18x80x32xf32, #tpu.memory_space<vmem>> -> memref<1x80x32xf32, #tpu.memory_space<vmem>>
      %dma_start3A_2070 = tpu.memref_squeeze %dma_start3A_2069 : memref<1x80x32xf32, #tpu.memory_space<vmem>> -> memref<80x32xf32, #tpu.memory_space<vmem>>
      %dma_start3A_2071 = tpu.memref_slice %arg6[%mul3A_2065] : memref<10000xi32, #tpu.memory_space<vmem>> -> memref<80xi32, #tpu.memory_space<vmem>>
      %dma_start3A_2072 = arith.constant 0 : i32
      %dma_start3A_2073 = arith.constant 0 : i32
      %dma_start3A_2074 = tpu.memref_slice %arg12[%dma_start3A_2072, %dma_start3A_2073] : memref<10000x32xf32, #tpu.memory_space<vmem_shared>> -> memref<10000x32xf32, #tpu.memory_space<vmem_shared>>
      tpu.enqueue_indirect_dma source(%dma_start3A_2074 : memref<10000x32xf32, #tpu.memory_space<vmem_shared>>) target(%dma_start3A_2070 : memref<80x32xf32, #tpu.memory_space<vmem>>) offsets(%dma_start3A_2071 : memref<80xi32, #tpu.memory_space<vmem>>) semaphore(%arg15 : memref<!tpu.dma_semaphore, #tpu.memory_space<semaphore_mem>>)
      %add3A_2075 = arith.constant 3 : i32
      %add3A_2076 = arith.addi %mul3A_2035, %add3A_2075 : i32
      %mul3A_2077 = arith.constant 80 : i32
      %mul3A_2078 = arith.muli %add3A_2076, %mul3A_2077 : i32
      %dma_start3A_2079 = arith.constant 3 : i32
      %dma_start3A_2080 = arith.constant 0 : i32
      %dma_start3A_2081 = arith.constant 0 : i32
      %dma_start3A_2082 = tpu.memref_slice %arg8[%dma_start3A_2079, %dma_start3A_2080, %dma_start3A_2081] : memref<18x80x32xf32, #tpu.memory_space<vmem>> -> memref<1x80x32xf32, #tpu.memory_space<vmem>>
      %dma_start3A_2083 = tpu.memref_squeeze %dma_start3A_2082 : memref<1x80x32xf32, #tpu.memory_space<vmem>> -> memref<80x32xf32, #tpu.memory_space<vmem>>
      %dma_start3A_2084 = tpu.memref_slice %arg6[%mul3A_2078] : memref<10000xi32, #tpu.memory_space<vmem>> -> memref<80xi32, #tpu.memory_space<vmem>>
      %dma_start3A_2085 = arith.constant 0 : i32
      %dma_start3A_2086 = arith.constant 0 : i32
      %dma_start3A_2087 = tpu.memref_slice %arg12[%dma_start3A_2085, %dma_start3A_2086] : memref<10000x32xf32, #tpu.memory_space<vmem_shared>> -> memref<10000x32xf32, #tpu.memory_space<vmem_shared>>
      tpu.enqueue_indirect_dma source(%dma_start3A_2087 : memref<10000x32xf32, #tpu.memory_space<vmem_shared>>) target(%dma_start3A_2083 : memref<80x32xf32, #tpu.memory_space<vmem>>) offsets(%dma_start3A_2084 : memref<80xi32, #tpu.memory_space<vmem>>) semaphore(%arg15 : memref<!tpu.dma_semaphore, #tpu.memory_space<semaphore_mem>>)
      %add3A_2088 = arith.constant 4 : i32
      %add3A_2089 = arith.addi %mul3A_2035, %add3A_2088 : i32
      %mul3A_2090 = arith.constant 80 : i32
      %mul3A_2091 = arith.muli %add3A_2089, %mul3A_2090 : i32
      %dma_start3A_2092 = arith.constant 4 : i32
      %dma_start3A_2093 = arith.constant 0 : i32
      %dma_start3A_2094 = arith.constant 0 : i32
      %dma_start3A_2095 = tpu.memref_slice %arg8[%dma_start3A_2092, %dma_start3A_2093, %dma_start3A_2094] : memref<18x80x32xf32, #tpu.memory_space<vmem>> -> memref<1x80x32xf32, #tpu.memory_space<vmem>>
      %dma_start3A_2096 = tpu.memref_squeeze %dma_start3A_2095 : memref<1x80x32xf32, #tpu.memory_space<vmem>> -> memref<80x32xf32, #tpu.memory_space<vmem>>
      %dma_start3A_2097 = tpu.memref_slice %arg6[%mul3A_2091] : memref<10000xi32, #tpu.memory_space<vmem>> -> memref<80xi32, #tpu.memory_space<vmem>>
      %dma_start3A_2098 = arith.constant 0 : i32
      %dma_start3A_2099 = arith.constant 0 : i32
      %dma_start3A_2100 = tpu.memref_slice %arg12[%dma_start3A_2098, %dma_start3A_2099] : memref<10000x32xf32, #tpu.memory_space<vmem_shared>> -> memref<10000x32xf32, #tpu.memory_space<vmem_shared>>
      tpu.enqueue_indirect_dma source(%dma_start3A_2100 : memref<10000x32xf32, #tpu.memory_space<vmem_shared>>) target(%dma_start3A_2096 : memref<80x32xf32, #tpu.memory_space<vmem>>) offsets(%dma_start3A_2097 : memref<80xi32, #tpu.memory_space<vmem>>) semaphore(%arg15 : memref<!tpu.dma_semaphore, #tpu.memory_space<semaphore_mem>>)
      %add3A_2101 = arith.constant 5 : i32
      %add3A_2102 = arith.addi %mul3A_2035, %add3A_2101 : i32
      %mul3A_2103 = arith.constant 80 : i32
      %mul3A_2104 = arith.muli %add3A_2102, %mul3A_2103 : i32
      %dma_start3A_2105 = arith.constant 5 : i32
      %dma_start3A_2106 = arith.constant 0 : i32
      %dma_start3A_2107 = arith.constant 0 : i32
      %dma_start3A_2108 = tpu.memref_slice %arg8[%dma_start3A_2105, %dma_start3A_2106, %dma_start3A_2107] : memref<18x80x32xf32, #tpu.memory_space<vmem>> -> memref<1x80x32xf32, #tpu.memory_space<vmem>>
      %dma_start3A_2109 = tpu.memref_squeeze %dma_start3A_2108 : memref<1x80x32xf32, #tpu.memory_space<vmem>> -> memref<80x32xf32, #tpu.memory_space<vmem>>
      %dma_start3A_2110 = tpu.memref_slice %arg6[%mul3A_2104] : memref<10000xi32, #tpu.memory_space<vmem>> -> memref<80xi32, #tpu.memory_space<vmem>>
      %dma_start3A_2111 = arith.constant 0 : i32
      %dma_start3A_2112 = arith.constant 0 : i32
      %dma_start3A_2113 = tpu.memref_slice %arg12[%dma_start3A_2111, %dma_start3A_2112] : memref<10000x32xf32, #tpu.memory_space<vmem_shared>> -> memref<10000x32xf32, #tpu.memory_space<vmem_shared>>
      tpu.enqueue_indirect_dma source(%dma_start3A_2113 : memref<10000x32xf32, #tpu.memory_space<vmem_shared>>) target(%dma_start3A_2109 : memref<80x32xf32, #tpu.memory_space<vmem>>) offsets(%dma_start3A_2110 : memref<80xi32, #tpu.memory_space<vmem>>) semaphore(%arg15 : memref<!tpu.dma_semaphore, #tpu.memory_space<semaphore_mem>>)
      %add3A_2114 = arith.constant 6 : i32
      %add3A_2115 = arith.addi %mul3A_2035, %add3A_2114 : i32
      %mul3A_2116 = arith.constant 80 : i32
      %mul3A_2117 = arith.muli %add3A_2115, %mul3A_2116 : i32
      %dma_start3A_2118 = arith.constant 6 : i32
      %dma_start3A_2119 = arith.constant 0 : i32
      %dma_start3A_2120 = arith.constant 0 : i32
      %dma_start3A_2121 = tpu.memref_slice %arg8[%dma_start3A_2118, %dma_start3A_2119, %dma_start3A_2120] : memref<18x80x32xf32, #tpu.memory_space<vmem>> -> memref<1x80x32xf32, #tpu.memory_space<vmem>>
      %dma_start3A_2122 = tpu.memref_squeeze %dma_start3A_2121 : memref<1x80x32xf32, #tpu.memory_space<vmem>> -> memref<80x32xf32, #tpu.memory_space<vmem>>
      %dma_start3A_2123 = tpu.memref_slice %arg6[%mul3A_2117] : memref<10000xi32, #tpu.memory_space<vmem>> -> memref<80xi32, #tpu.memory_space<vmem>>
      %dma_start3A_2124 = arith.constant 0 : i32
      %dma_start3A_2125 = arith.constant 0 : i32
      %dma_start3A_2126 = tpu.memref_slice %arg12[%dma_start3A_2124, %dma_start3A_2125] : memref<10000x32xf32, #tpu.memory_space<vmem_shared>> -> memref<10000x32xf32, #tpu.memory_space<vmem_shared>>
      tpu.enqueue_indirect_dma source(%dma_start3A_2126 : memref<10000x32xf32, #tpu.memory_space<vmem_shared>>) target(%dma_start3A_2122 : memref<80x32xf32, #tpu.memory_space<vmem>>) offsets(%dma_start3A_2123 : memref<80xi32, #tpu.memory_space<vmem>>) semaphore(%arg15 : memref<!tpu.dma_semaphore, #tpu.memory_space<semaphore_mem>>)
      %add3A_2127 = arith.constant 7 : i32
      %add3A_2128 = arith.addi %mul3A_2035, %add3A_2127 : i32
      %mul3A_2129 = arith.constant 80 : i32
      %mul3A_2130 = arith.muli %add3A_2128, %mul3A_2129 : i32
      %dma_start3A_2131 = arith.constant 7 : i32
      %dma_start3A_2132 = arith.constant 0 : i32
      %dma_start3A_2133 = arith.constant 0 : i32
      %dma_start3A_2134 = tpu.memref_slice %arg8[%dma_start3A_2131, %dma_start3A_2132, %dma_start3A_2133] : memref<18x80x32xf32, #tpu.memory_space<vmem>> -> memref<1x80x32xf32, #tpu.memory_space<vmem>>
      %dma_start3A_2135 = tpu.memref_squeeze %dma_start3A_2134 : memref<1x80x32xf32, #tpu.memory_space<vmem>> -> memref<80x32xf32, #tpu.memory_space<vmem>>
      %dma_start3A_2136 = tpu.memref_slice %arg6[%mul3A_2130] : memref<10000xi32, #tpu.memory_space<vmem>> -> memref<80xi32, #tpu.memory_space<vmem>>
      %dma_start3A_2137 = arith.constant 0 : i32
      %dma_start3A_2138 = arith.constant 0 : i32
      %dma_start3A_2139 = tpu.memref_slice %arg12[%dma_start3A_2137, %dma_start3A_2138] : memref<10000x32xf32, #tpu.memory_space<vmem_shared>> -> memref<10000x32xf32, #tpu.memory_space<vmem_shared>>
      tpu.enqueue_indirect_dma source(%dma_start3A_2139 : memref<10000x32xf32, #tpu.memory_space<vmem_shared>>) target(%dma_start3A_2135 : memref<80x32xf32, #tpu.memory_space<vmem>>) offsets(%dma_start3A_2136 : memref<80xi32, #tpu.memory_space<vmem>>) semaphore(%arg15 : memref<!tpu.dma_semaphore, #tpu.memory_space<semaphore_mem>>)
      %add3A_2140 = arith.constant 8 : i32
      %add3A_2141 = arith.addi %mul3A_2035, %add3A_2140 : i32
      %mul3A_2142 = arith.constant 80 : i32
      %mul3A_2143 = arith.muli %add3A_2141, %mul3A_2142 : i32
      %dma_start3A_2144 = arith.constant 8 : i32
      %dma_start3A_2145 = arith.constant 0 : i32
      %dma_start3A_2146 = arith.constant 0 : i32
      %dma_start3A_2147 = tpu.memref_slice %arg8[%dma_start3A_2144, %dma_start3A_2145, %dma_start3A_2146] : memref<18x80x32xf32, #tpu.memory_space<vmem>> -> memref<1x80x32xf32, #tpu.memory_space<vmem>>
      %dma_start3A_2148 = tpu.memref_squeeze %dma_start3A_2147 : memref<1x80x32xf32, #tpu.memory_space<vmem>> -> memref<80x32xf32, #tpu.memory_space<vmem>>
      %dma_start3A_2149 = tpu.memref_slice %arg6[%mul3A_2143] : memref<10000xi32, #tpu.memory_space<vmem>> -> memref<80xi32, #tpu.memory_space<vmem>>
      %dma_start3A_2150 = arith.constant 0 : i32
      %dma_start3A_2151 = arith.constant 0 : i32
      %dma_start3A_2152 = tpu.memref_slice %arg12[%dma_start3A_2150, %dma_start3A_2151] : memref<10000x32xf32, #tpu.memory_space<vmem_shared>> -> memref<10000x32xf32, #tpu.memory_space<vmem_shared>>
      tpu.enqueue_indirect_dma source(%dma_start3A_2152 : memref<10000x32xf32, #tpu.memory_space<vmem_shared>>) target(%dma_start3A_2148 : memref<80x32xf32, #tpu.memory_space<vmem>>) offsets(%dma_start3A_2149 : memref<80xi32, #tpu.memory_space<vmem>>) semaphore(%arg15 : memref<!tpu.dma_semaphore, #tpu.memory_space<semaphore_mem>>)
      %add3A_2153 = arith.constant 9 : i32
      %add3A_2154 = arith.addi %mul3A_2035, %add3A_2153 : i32
      %mul3A_2155 = arith.constant 80 : i32
      %mul3A_2156 = arith.muli %add3A_2154, %mul3A_2155 : i32
      %dma_start3A_2157 = arith.constant 9 : i32
      %dma_start3A_2158 = arith.constant 0 : i32
      %dma_start3A_2159 = arith.constant 0 : i32
      %dma_start3A_2160 = tpu.memref_slice %arg8[%dma_start3A_2157, %dma_start3A_2158, %dma_start3A_2159] : memref<18x80x32xf32, #tpu.memory_space<vmem>> -> memref<1x80x32xf32, #tpu.memory_space<vmem>>
      %dma_start3A_2161 = tpu.memref_squeeze %dma_start3A_2160 : memref<1x80x32xf32, #tpu.memory_space<vmem>> -> memref<80x32xf32, #tpu.memory_space<vmem>>
      %dma_start3A_2162 = tpu.memref_slice %arg6[%mul3A_2156] : memref<10000xi32, #tpu.memory_space<vmem>> -> memref<80xi32, #tpu.memory_space<vmem>>
      %dma_start3A_2163 = arith.constant 0 : i32
      %dma_start3A_2164 = arith.constant 0 : i32
      %dma_start3A_2165 = tpu.memref_slice %arg12[%dma_start3A_2163, %dma_start3A_2164] : memref<10000x32xf32, #tpu.memory_space<vmem_shared>> -> memref<10000x32xf32, #tpu.memory_space<vmem_shared>>
      tpu.enqueue_indirect_dma source(%dma_start3A_2165 : memref<10000x32xf32, #tpu.memory_space<vmem_shared>>) target(%dma_start3A_2161 : memref<80x32xf32, #tpu.memory_space<vmem>>) offsets(%dma_start3A_2162 : memref<80xi32, #tpu.memory_space<vmem>>) semaphore(%arg15 : memref<!tpu.dma_semaphore, #tpu.memory_space<semaphore_mem>>)
      %add3A_2166 = arith.constant 10 : i32
      %add3A_2167 = arith.addi %mul3A_2035, %add3A_2166 : i32
      %mul3A_2168 = arith.constant 80 : i32
      %mul3A_2169 = arith.muli %add3A_2167, %mul3A_2168 : i32
      %dma_start3A_2170 = arith.constant 10 : i32
      %dma_start3A_2171 = arith.constant 0 : i32
      %dma_start3A_2172 = arith.constant 0 : i32
      %dma_start3A_2173 = tpu.memref_slice %arg8[%dma_start3A_2170, %dma_start3A_2171, %dma_start3A_2172] : memref<18x80x32xf32, #tpu.memory_space<vmem>> -> memref<1x80x32xf32, #tpu.memory_space<vmem>>
      %dma_start3A_2174 = tpu.memref_squeeze %dma_start3A_2173 : memref<1x80x32xf32, #tpu.memory_space<vmem>> -> memref<80x32xf32, #tpu.memory_space<vmem>>
      %dma_start3A_2175 = tpu.memref_slice %arg6[%mul3A_2169] : memref<10000xi32, #tpu.memory_space<vmem>> -> memref<80xi32, #tpu.memory_space<vmem>>
      %dma_start3A_2176 = arith.constant 0 : i32
      %dma_start3A_2177 = arith.constant 0 : i32
      %dma_start3A_2178 = tpu.memref_slice %arg12[%dma_start3A_2176, %dma_start3A_2177] : memref<10000x32xf32, #tpu.memory_space<vmem_shared>> -> memref<10000x32xf32, #tpu.memory_space<vmem_shared>>
      tpu.enqueue_indirect_dma source(%dma_start3A_2178 : memref<10000x32xf32, #tpu.memory_space<vmem_shared>>) target(%dma_start3A_2174 : memref<80x32xf32, #tpu.memory_space<vmem>>) offsets(%dma_start3A_2175 : memref<80xi32, #tpu.memory_space<vmem>>) semaphore(%arg15 : memref<!tpu.dma_semaphore, #tpu.memory_space<semaphore_mem>>)
      %add3A_2179 = arith.constant 11 : i32
      %add3A_2180 = arith.addi %mul3A_2035, %add3A_2179 : i32
      %mul3A_2181 = arith.constant 80 : i32
      %mul3A_2182 = arith.muli %add3A_2180, %mul3A_2181 : i32
      %dma_start3A_2183 = arith.constant 11 : i32
      %dma_start3A_2184 = arith.constant 0 : i32
      %dma_start3A_2185 = arith.constant 0 : i32
      %dma_start3A_2186 = tpu.memref_slice %arg8[%dma_start3A_2183, %dma_start3A_2184, %dma_start3A_2185] : memref<18x80x32xf32, #tpu.memory_space<vmem>> -> memref<1x80x32xf32, #tpu.memory_space<vmem>>
      %dma_start3A_2187 = tpu.memref_squeeze %dma_start3A_2186 : memref<1x80x32xf32, #tpu.memory_space<vmem>> -> memref<80x32xf32, #tpu.memory_space<vmem>>
      %dma_start3A_2188 = tpu.memref_slice %arg6[%mul3A_2182] : memref<10000xi32, #tpu.memory_space<vmem>> -> memref<80xi32, #tpu.memory_space<vmem>>
      %dma_start3A_2189 = arith.constant 0 : i32
      %dma_start3A_2190 = arith.constant 0 : i32
      %dma_start3A_2191 = tpu.memref_slice %arg12[%dma_start3A_2189, %dma_start3A_2190] : memref<10000x32xf32, #tpu.memory_space<vmem_shared>> -> memref<10000x32xf32, #tpu.memory_space<vmem_shared>>
      tpu.enqueue_indirect_dma source(%dma_start3A_2191 : memref<10000x32xf32, #tpu.memory_space<vmem_shared>>) target(%dma_start3A_2187 : memref<80x32xf32, #tpu.memory_space<vmem>>) offsets(%dma_start3A_2188 : memref<80xi32, #tpu.memory_space<vmem>>) semaphore(%arg15 : memref<!tpu.dma_semaphore, #tpu.memory_space<semaphore_mem>>)
      %add3A_2192 = arith.constant 12 : i32
      %add3A_2193 = arith.addi %mul3A_2035, %add3A_2192 : i32
      %mul3A_2194 = arith.constant 80 : i32
      %mul3A_2195 = arith.muli %add3A_2193, %mul3A_2194 : i32
      %dma_start3A_2196 = arith.constant 12 : i32
      %dma_start3A_2197 = arith.constant 0 : i32
      %dma_start3A_2198 = arith.constant 0 : i32
      %dma_start3A_2199 = tpu.memref_slice %arg8[%dma_start3A_2196, %dma_start3A_2197, %dma_start3A_2198] : memref<18x80x32xf32, #tpu.memory_space<vmem>> -> memref<1x80x32xf32, #tpu.memory_space<vmem>>
      %dma_start3A_2200 = tpu.memref_squeeze %dma_start3A_2199 : memref<1x80x32xf32, #tpu.memory_space<vmem>> -> memref<80x32xf32, #tpu.memory_space<vmem>>
      %dma_start3A_2201 = tpu.memref_slice %arg6[%mul3A_2195] : memref<10000xi32, #tpu.memory_space<vmem>> -> memref<80xi32, #tpu.memory_space<vmem>>
      %dma_start3A_2202 = arith.constant 0 : i32
      %dma_start3A_2203 = arith.constant 0 : i32
      %dma_start3A_2204 = tpu.memref_slice %arg12[%dma_start3A_2202, %dma_start3A_2203] : memref<10000x32xf32, #tpu.memory_space<vmem_shared>> -> memref<10000x32xf32, #tpu.memory_space<vmem_shared>>
      tpu.enqueue_indirect_dma source(%dma_start3A_2204 : memref<10000x32xf32, #tpu.memory_space<vmem_shared>>) target(%dma_start3A_2200 : memref<80x32xf32, #tpu.memory_space<vmem>>) offsets(%dma_start3A_2201 : memref<80xi32, #tpu.memory_space<vmem>>) semaphore(%arg15 : memref<!tpu.dma_semaphore, #tpu.memory_space<semaphore_mem>>)
      %add3A_2205 = arith.constant 13 : i32
      %add3A_2206 = arith.addi %mul3A_2035, %add3A_2205 : i32
      %mul3A_2207 = arith.constant 80 : i32
      %mul3A_2208 = arith.muli %add3A_2206, %mul3A_2207 : i32
      %dma_start3A_2209 = arith.constant 13 : i32
      %dma_start3A_2210 = arith.constant 0 : i32
      %dma_start3A_2211 = arith.constant 0 : i32
      %dma_start3A_2212 = tpu.memref_slice %arg8[%dma_start3A_2209, %dma_start3A_2210, %dma_start3A_2211] : memref<18x80x32xf32, #tpu.memory_space<vmem>> -> memref<1x80x32xf32, #tpu.memory_space<vmem>>
      %dma_start3A_2213 = tpu.memref_squeeze %dma_start3A_2212 : memref<1x80x32xf32, #tpu.memory_space<vmem>> -> memref<80x32xf32, #tpu.memory_space<vmem>>
      %dma_start3A_2214 = tpu.memref_slice %arg6[%mul3A_2208] : memref<10000xi32, #tpu.memory_space<vmem>> -> memref<80xi32, #tpu.memory_space<vmem>>
      %dma_start3A_2215 = arith.constant 0 : i32
      %dma_start3A_2216 = arith.constant 0 : i32
      %dma_start3A_2217 = tpu.memref_slice %arg12[%dma_start3A_2215, %dma_start3A_2216] : memref<10000x32xf32, #tpu.memory_space<vmem_shared>> -> memref<10000x32xf32, #tpu.memory_space<vmem_shared>>
      tpu.enqueue_indirect_dma source(%dma_start3A_2217 : memref<10000x32xf32, #tpu.memory_space<vmem_shared>>) target(%dma_start3A_2213 : memref<80x32xf32, #tpu.memory_space<vmem>>) offsets(%dma_start3A_2214 : memref<80xi32, #tpu.memory_space<vmem>>) semaphore(%arg15 : memref<!tpu.dma_semaphore, #tpu.memory_space<semaphore_mem>>)
      %add3A_2218 = arith.constant 14 : i32
      %add3A_2219 = arith.addi %mul3A_2035, %add3A_2218 : i32
      %mul3A_2220 = arith.constant 80 : i32
      %mul3A_2221 = arith.muli %add3A_2219, %mul3A_2220 : i32
      %dma_start3A_2222 = arith.constant 14 : i32
      %dma_start3A_2223 = arith.constant 0 : i32
      %dma_start3A_2224 = arith.constant 0 : i32
      %dma_start3A_2225 = tpu.memref_slice %arg8[%dma_start3A_2222, %dma_start3A_2223, %dma_start3A_2224] : memref<18x80x32xf32, #tpu.memory_space<vmem>> -> memref<1x80x32xf32, #tpu.memory_space<vmem>>
      %dma_start3A_2226 = tpu.memref_squeeze %dma_start3A_2225 : memref<1x80x32xf32, #tpu.memory_space<vmem>> -> memref<80x32xf32, #tpu.memory_space<vmem>>
      %dma_start3A_2227 = tpu.memref_slice %arg6[%mul3A_2221] : memref<10000xi32, #tpu.memory_space<vmem>> -> memref<80xi32, #tpu.memory_space<vmem>>
      %dma_start3A_2228 = arith.constant 0 : i32
      %dma_start3A_2229 = arith.constant 0 : i32
      %dma_start3A_2230 = tpu.memref_slice %arg12[%dma_start3A_2228, %dma_start3A_2229] : memref<10000x32xf32, #tpu.memory_space<vmem_shared>> -> memref<10000x32xf32, #tpu.memory_space<vmem_shared>>
      tpu.enqueue_indirect_dma source(%dma_start3A_2230 : memref<10000x32xf32, #tpu.memory_space<vmem_shared>>) target(%dma_start3A_2226 : memref<80x32xf32, #tpu.memory_space<vmem>>) offsets(%dma_start3A_2227 : memref<80xi32, #tpu.memory_space<vmem>>) semaphore(%arg15 : memref<!tpu.dma_semaphore, #tpu.memory_space<semaphore_mem>>)
      %add3A_2231 = arith.constant 15 : i32
      %add3A_2232 = arith.addi %mul3A_2035, %add3A_2231 : i32
      %mul3A_2233 = arith.constant 80 : i32
      %mul3A_2234 = arith.muli %add3A_2232, %mul3A_2233 : i32
      %dma_start3A_2235 = arith.constant 15 : i32
      %dma_start3A_2236 = arith.constant 0 : i32
      %dma_start3A_2237 = arith.constant 0 : i32
      %dma_start3A_2238 = tpu.memref_slice %arg8[%dma_start3A_2235, %dma_start3A_2236, %dma_start3A_2237] : memref<18x80x32xf32, #tpu.memory_space<vmem>> -> memref<1x80x32xf32, #tpu.memory_space<vmem>>
      %dma_start3A_2239 = tpu.memref_squeeze %dma_start3A_2238 : memref<1x80x32xf32, #tpu.memory_space<vmem>> -> memref<80x32xf32, #tpu.memory_space<vmem>>
      %dma_start3A_2240 = tpu.memref_slice %arg6[%mul3A_2234] : memref<10000xi32, #tpu.memory_space<vmem>> -> memref<80xi32, #tpu.memory_space<vmem>>
      %dma_start3A_2241 = arith.constant 0 : i32
      %dma_start3A_2242 = arith.constant 0 : i32
      %dma_start3A_2243 = tpu.memref_slice %arg12[%dma_start3A_2241, %dma_start3A_2242] : memref<10000x32xf32, #tpu.memory_space<vmem_shared>> -> memref<10000x32xf32, #tpu.memory_space<vmem_shared>>
      tpu.enqueue_indirect_dma source(%dma_start3A_2243 : memref<10000x32xf32, #tpu.memory_space<vmem_shared>>) target(%dma_start3A_2239 : memref<80x32xf32, #tpu.memory_space<vmem>>) offsets(%dma_start3A_2240 : memref<80xi32, #tpu.memory_space<vmem>>) semaphore(%arg15 : memref<!tpu.dma_semaphore, #tpu.memory_space<semaphore_mem>>)
      %add3A_2244 = arith.constant 16 : i32
      %add3A_2245 = arith.addi %mul3A_2035, %add3A_2244 : i32
      %mul3A_2246 = arith.constant 80 : i32
      %mul3A_2247 = arith.muli %add3A_2245, %mul3A_2246 : i32
      %dma_start3A_2248 = arith.constant 16 : i32
      %dma_start3A_2249 = arith.constant 0 : i32
      %dma_start3A_2250 = arith.constant 0 : i32
      %dma_start3A_2251 = tpu.memref_slice %arg8[%dma_start3A_2248, %dma_start3A_2249, %dma_start3A_2250] : memref<18x80x32xf32, #tpu.memory_space<vmem>> -> memref<1x80x32xf32, #tpu.memory_space<vmem>>
      %dma_start3A_2252 = tpu.memref_squeeze %dma_start3A_2251 : memref<1x80x32xf32, #tpu.memory_space<vmem>> -> memref<80x32xf32, #tpu.memory_space<vmem>>
      %dma_start3A_2253 = tpu.memref_slice %arg6[%mul3A_2247] : memref<10000xi32, #tpu.memory_space<vmem>> -> memref<80xi32, #tpu.memory_space<vmem>>
      %dma_start3A_2254 = arith.constant 0 : i32
      %dma_start3A_2255 = arith.constant 0 : i32
      %dma_start3A_2256 = tpu.memref_slice %arg12[%dma_start3A_2254, %dma_start3A_2255] : memref<10000x32xf32, #tpu.memory_space<vmem_shared>> -> memref<10000x32xf32, #tpu.memory_space<vmem_shared>>
      tpu.enqueue_indirect_dma source(%dma_start3A_2256 : memref<10000x32xf32, #tpu.memory_space<vmem_shared>>) target(%dma_start3A_2252 : memref<80x32xf32, #tpu.memory_space<vmem>>) offsets(%dma_start3A_2253 : memref<80xi32, #tpu.memory_space<vmem>>) semaphore(%arg15 : memref<!tpu.dma_semaphore, #tpu.memory_space<semaphore_mem>>)
      %add3A_2257 = arith.constant 17 : i32
      %add3A_2258 = arith.addi %mul3A_2035, %add3A_2257 : i32
      %mul3A_2259 = arith.constant 80 : i32
      %mul3A_2260 = arith.muli %add3A_2258, %mul3A_2259 : i32
      %dma_start3A_2261 = arith.constant 17 : i32
      %dma_start3A_2262 = arith.constant 0 : i32
      %dma_start3A_2263 = arith.constant 0 : i32
      %dma_start3A_2264 = tpu.memref_slice %arg8[%dma_start3A_2261, %dma_start3A_2262, %dma_start3A_2263] : memref<18x80x32xf32, #tpu.memory_space<vmem>> -> memref<1x80x32xf32, #tpu.memory_space<vmem>>
      %dma_start3A_2265 = tpu.memref_squeeze %dma_start3A_2264 : memref<1x80x32xf32, #tpu.memory_space<vmem>> -> memref<80x32xf32, #tpu.memory_space<vmem>>
      %dma_start3A_2266 = tpu.memref_slice %arg6[%mul3A_2260] : memref<10000xi32, #tpu.memory_space<vmem>> -> memref<80xi32, #tpu.memory_space<vmem>>
      %dma_start3A_2267 = arith.constant 0 : i32
      %dma_start3A_2268 = arith.constant 0 : i32
      %dma_start3A_2269 = tpu.memref_slice %arg12[%dma_start3A_2267, %dma_start3A_2268] : memref<10000x32xf32, #tpu.memory_space<vmem_shared>> -> memref<10000x32xf32, #tpu.memory_space<vmem_shared>>
      tpu.enqueue_indirect_dma source(%dma_start3A_2269 : memref<10000x32xf32, #tpu.memory_space<vmem_shared>>) target(%dma_start3A_2265 : memref<80x32xf32, #tpu.memory_space<vmem>>) offsets(%dma_start3A_2266 : memref<80xi32, #tpu.memory_space<vmem>>) semaphore(%arg15 : memref<!tpu.dma_semaphore, #tpu.memory_space<semaphore_mem>>)
      %add3A_2270 = arith.constant 0 : i32
      %add3A_2271 = arith.addi %mul3A_2035, %add3A_2270 : i32
      %mul3A_2272 = arith.constant 80 : i32
      %mul3A_2273 = arith.muli %add3A_2271, %mul3A_2272 : i32
      %dma_start3A_2274 = arith.constant 0 : i32
      %dma_start3A_2275 = tpu.memref_slice %arg11[%dma_start3A_2274] : memref<112xf32, #tpu.memory_space<vmem>> -> memref<80xf32, #tpu.memory_space<vmem>>
      %dma_start3A_2276 = tpu.memref_slice %arg7[%mul3A_2273] : memref<10000xi32, #tpu.memory_space<vmem>> -> memref<80xi32, #tpu.memory_space<vmem>>
      %dma_start3A_2277 = arith.constant 0 : i32
      %dma_start3A_2278 = tpu.memref_slice %arg14[%dma_start3A_2277] : memref<10240xf32, #tpu.memory_space<vmem_shared>> -> memref<10240xf32, #tpu.memory_space<vmem_shared>>
      tpu.enqueue_indirect_dma source(%dma_start3A_2275 : memref<80xf32, #tpu.memory_space<vmem>>) target(%dma_start3A_2278 : memref<10240xf32, #tpu.memory_space<vmem_shared>>) offsets(%dma_start3A_2276 : memref<80xi32, #tpu.memory_space<vmem>>) semaphore(%arg17 : memref<!tpu.dma_semaphore, #tpu.memory_space<semaphore_mem>>) {add = true}
      %add3A_2279 = arith.constant 1 : i32
      %add3A_2280 = arith.addi %mul3A_2035, %add3A_2279 : i32
      %mul3A_2281 = arith.constant 80 : i32
      %mul3A_2282 = arith.muli %add3A_2280, %mul3A_2281 : i32
      %dma_start3A_2283 = arith.constant 0 : i32
      %dma_start3A_2284 = tpu.memref_slice %arg11[%dma_start3A_2283] : memref<112xf32, #tpu.memory_space<vmem>> -> memref<80xf32, #tpu.memory_space<vmem>>
      %dma_start3A_2285 = tpu.memref_slice %arg7[%mul3A_2282] : memref<10000xi32, #tpu.memory_space<vmem>> -> memref<80xi32, #tpu.memory_space<vmem>>
      %dma_start3A_2286 = arith.constant 0 : i32
      %dma_start3A_2287 = tpu.memref_slice %arg14[%dma_start3A_2286] : memref<10240xf32, #tpu.memory_space<vmem_shared>> -> memref<10240xf32, #tpu.memory_space<vmem_shared>>
      tpu.enqueue_indirect_dma source(%dma_start3A_2284 : memref<80xf32, #tpu.memory_space<vmem>>) target(%dma_start3A_2287 : memref<10240xf32, #tpu.memory_space<vmem_shared>>) offsets(%dma_start3A_2285 : memref<80xi32, #tpu.memory_space<vmem>>) semaphore(%arg17 : memref<!tpu.dma_semaphore, #tpu.memory_space<semaphore_mem>>) {add = true}
      %add3A_2288 = arith.constant 2 : i32
      %add3A_2289 = arith.addi %mul3A_2035, %add3A_2288 : i32
      %mul3A_2290 = arith.constant 80 : i32
      %mul3A_2291 = arith.muli %add3A_2289, %mul3A_2290 : i32
      %dma_start3A_2292 = arith.constant 0 : i32
      %dma_start3A_2293 = tpu.memref_slice %arg11[%dma_start3A_2292] : memref<112xf32, #tpu.memory_space<vmem>> -> memref<80xf32, #tpu.memory_space<vmem>>
      %dma_start3A_2294 = tpu.memref_slice %arg7[%mul3A_2291] : memref<10000xi32, #tpu.memory_space<vmem>> -> memref<80xi32, #tpu.memory_space<vmem>>
      %dma_start3A_2295 = arith.constant 0 : i32
      %dma_start3A_2296 = tpu.memref_slice %arg14[%dma_start3A_2295] : memref<10240xf32, #tpu.memory_space<vmem_shared>> -> memref<10240xf32, #tpu.memory_space<vmem_shared>>
      tpu.enqueue_indirect_dma source(%dma_start3A_2293 : memref<80xf32, #tpu.memory_space<vmem>>) target(%dma_start3A_2296 : memref<10240xf32, #tpu.memory_space<vmem_shared>>) offsets(%dma_start3A_2294 : memref<80xi32, #tpu.memory_space<vmem>>) semaphore(%arg17 : memref<!tpu.dma_semaphore, #tpu.memory_space<semaphore_mem>>) {add = true}
      %add3A_2297 = arith.constant 3 : i32
      %add3A_2298 = arith.addi %mul3A_2035, %add3A_2297 : i32
      %mul3A_2299 = arith.constant 80 : i32
      %mul3A_2300 = arith.muli %add3A_2298, %mul3A_2299 : i32
      %dma_start3A_2301 = arith.constant 0 : i32
      %dma_start3A_2302 = tpu.memref_slice %arg11[%dma_start3A_2301] : memref<112xf32, #tpu.memory_space<vmem>> -> memref<80xf32, #tpu.memory_space<vmem>>
      %dma_start3A_2303 = tpu.memref_slice %arg7[%mul3A_2300] : memref<10000xi32, #tpu.memory_space<vmem>> -> memref<80xi32, #tpu.memory_space<vmem>>
      %dma_start3A_2304 = arith.constant 0 : i32
      %dma_start3A_2305 = tpu.memref_slice %arg14[%dma_start3A_2304] : memref<10240xf32, #tpu.memory_space<vmem_shared>> -> memref<10240xf32, #tpu.memory_space<vmem_shared>>
      tpu.enqueue_indirect_dma source(%dma_start3A_2302 : memref<80xf32, #tpu.memory_space<vmem>>) target(%dma_start3A_2305 : memref<10240xf32, #tpu.memory_space<vmem_shared>>) offsets(%dma_start3A_2303 : memref<80xi32, #tpu.memory_space<vmem>>) semaphore(%arg17 : memref<!tpu.dma_semaphore, #tpu.memory_space<semaphore_mem>>) {add = true}
      %add3A_2306 = arith.constant 4 : i32
      %add3A_2307 = arith.addi %mul3A_2035, %add3A_2306 : i32
      %mul3A_2308 = arith.constant 80 : i32
      %mul3A_2309 = arith.muli %add3A_2307, %mul3A_2308 : i32
      %dma_start3A_2310 = arith.constant 0 : i32
      %dma_start3A_2311 = tpu.memref_slice %arg11[%dma_start3A_2310] : memref<112xf32, #tpu.memory_space<vmem>> -> memref<80xf32, #tpu.memory_space<vmem>>
      %dma_start3A_2312 = tpu.memref_slice %arg7[%mul3A_2309] : memref<10000xi32, #tpu.memory_space<vmem>> -> memref<80xi32, #tpu.memory_space<vmem>>
      %dma_start3A_2313 = arith.constant 0 : i32
      %dma_start3A_2314 = tpu.memref_slice %arg14[%dma_start3A_2313] : memref<10240xf32, #tpu.memory_space<vmem_shared>> -> memref<10240xf32, #tpu.memory_space<vmem_shared>>
      tpu.enqueue_indirect_dma source(%dma_start3A_2311 : memref<80xf32, #tpu.memory_space<vmem>>) target(%dma_start3A_2314 : memref<10240xf32, #tpu.memory_space<vmem_shared>>) offsets(%dma_start3A_2312 : memref<80xi32, #tpu.memory_space<vmem>>) semaphore(%arg17 : memref<!tpu.dma_semaphore, #tpu.memory_space<semaphore_mem>>) {add = true}
      %add3A_2315 = arith.constant 5 : i32
      %add3A_2316 = arith.addi %mul3A_2035, %add3A_2315 : i32
      %mul3A_2317 = arith.constant 80 : i32
      %mul3A_2318 = arith.muli %add3A_2316, %mul3A_2317 : i32
      %dma_start3A_2319 = arith.constant 0 : i32
      %dma_start3A_2320 = tpu.memref_slice %arg11[%dma_start3A_2319] : memref<112xf32, #tpu.memory_space<vmem>> -> memref<80xf32, #tpu.memory_space<vmem>>
      %dma_start3A_2321 = tpu.memref_slice %arg7[%mul3A_2318] : memref<10000xi32, #tpu.memory_space<vmem>> -> memref<80xi32, #tpu.memory_space<vmem>>
      %dma_start3A_2322 = arith.constant 0 : i32
      %dma_start3A_2323 = tpu.memref_slice %arg14[%dma_start3A_2322] : memref<10240xf32, #tpu.memory_space<vmem_shared>> -> memref<10240xf32, #tpu.memory_space<vmem_shared>>
      tpu.enqueue_indirect_dma source(%dma_start3A_2320 : memref<80xf32, #tpu.memory_space<vmem>>) target(%dma_start3A_2323 : memref<10240xf32, #tpu.memory_space<vmem_shared>>) offsets(%dma_start3A_2321 : memref<80xi32, #tpu.memory_space<vmem>>) semaphore(%arg17 : memref<!tpu.dma_semaphore, #tpu.memory_space<semaphore_mem>>) {add = true}
      %add3A_2324 = arith.constant 6 : i32
      %add3A_2325 = arith.addi %mul3A_2035, %add3A_2324 : i32
      %mul3A_2326 = arith.constant 80 : i32
      %mul3A_2327 = arith.muli %add3A_2325, %mul3A_2326 : i32
      %dma_start3A_2328 = arith.constant 0 : i32
      %dma_start3A_2329 = tpu.memref_slice %arg11[%dma_start3A_2328] : memref<112xf32, #tpu.memory_space<vmem>> -> memref<80xf32, #tpu.memory_space<vmem>>
      %dma_start3A_2330 = tpu.memref_slice %arg7[%mul3A_2327] : memref<10000xi32, #tpu.memory_space<vmem>> -> memref<80xi32, #tpu.memory_space<vmem>>
      %dma_start3A_2331 = arith.constant 0 : i32
      %dma_start3A_2332 = tpu.memref_slice %arg14[%dma_start3A_2331] : memref<10240xf32, #tpu.memory_space<vmem_shared>> -> memref<10240xf32, #tpu.memory_space<vmem_shared>>
      tpu.enqueue_indirect_dma source(%dma_start3A_2329 : memref<80xf32, #tpu.memory_space<vmem>>) target(%dma_start3A_2332 : memref<10240xf32, #tpu.memory_space<vmem_shared>>) offsets(%dma_start3A_2330 : memref<80xi32, #tpu.memory_space<vmem>>) semaphore(%arg17 : memref<!tpu.dma_semaphore, #tpu.memory_space<semaphore_mem>>) {add = true}
      %add3A_2333 = arith.constant 7 : i32
      %add3A_2334 = arith.addi %mul3A_2035, %add3A_2333 : i32
      %mul3A_2335 = arith.constant 80 : i32
      %mul3A_2336 = arith.muli %add3A_2334, %mul3A_2335 : i32
      %dma_start3A_2337 = arith.constant 0 : i32
      %dma_start3A_2338 = tpu.memref_slice %arg11[%dma_start3A_2337] : memref<112xf32, #tpu.memory_space<vmem>> -> memref<80xf32, #tpu.memory_space<vmem>>
      %dma_start3A_2339 = tpu.memref_slice %arg7[%mul3A_2336] : memref<10000xi32, #tpu.memory_space<vmem>> -> memref<80xi32, #tpu.memory_space<vmem>>
      %dma_start3A_2340 = arith.constant 0 : i32
      %dma_start3A_2341 = tpu.memref_slice %arg14[%dma_start3A_2340] : memref<10240xf32, #tpu.memory_space<vmem_shared>> -> memref<10240xf32, #tpu.memory_space<vmem_shared>>
      tpu.enqueue_indirect_dma source(%dma_start3A_2338 : memref<80xf32, #tpu.memory_space<vmem>>) target(%dma_start3A_2341 : memref<10240xf32, #tpu.memory_space<vmem_shared>>) offsets(%dma_start3A_2339 : memref<80xi32, #tpu.memory_space<vmem>>) semaphore(%arg17 : memref<!tpu.dma_semaphore, #tpu.memory_space<semaphore_mem>>) {add = true}
      %add3A_2342 = arith.constant 8 : i32
      %add3A_2343 = arith.addi %mul3A_2035, %add3A_2342 : i32
      %mul3A_2344 = arith.constant 80 : i32
      %mul3A_2345 = arith.muli %add3A_2343, %mul3A_2344 : i32
      %dma_start3A_2346 = arith.constant 0 : i32
      %dma_start3A_2347 = tpu.memref_slice %arg11[%dma_start3A_2346] : memref<112xf32, #tpu.memory_space<vmem>> -> memref<80xf32, #tpu.memory_space<vmem>>
      %dma_start3A_2348 = tpu.memref_slice %arg7[%mul3A_2345] : memref<10000xi32, #tpu.memory_space<vmem>> -> memref<80xi32, #tpu.memory_space<vmem>>
      %dma_start3A_2349 = arith.constant 0 : i32
      %dma_start3A_2350 = tpu.memref_slice %arg14[%dma_start3A_2349] : memref<10240xf32, #tpu.memory_space<vmem_shared>> -> memref<10240xf32, #tpu.memory_space<vmem_shared>>
      tpu.enqueue_indirect_dma source(%dma_start3A_2347 : memref<80xf32, #tpu.memory_space<vmem>>) target(%dma_start3A_2350 : memref<10240xf32, #tpu.memory_space<vmem_shared>>) offsets(%dma_start3A_2348 : memref<80xi32, #tpu.memory_space<vmem>>) semaphore(%arg17 : memref<!tpu.dma_semaphore, #tpu.memory_space<semaphore_mem>>) {add = true}
      %add3A_2351 = arith.constant 9 : i32
      %add3A_2352 = arith.addi %mul3A_2035, %add3A_2351 : i32
      %mul3A_2353 = arith.constant 80 : i32
      %mul3A_2354 = arith.muli %add3A_2352, %mul3A_2353 : i32
      %dma_start3A_2355 = arith.constant 0 : i32
      %dma_start3A_2356 = tpu.memref_slice %arg11[%dma_start3A_2355] : memref<112xf32, #tpu.memory_space<vmem>> -> memref<80xf32, #tpu.memory_space<vmem>>
      %dma_start3A_2357 = tpu.memref_slice %arg7[%mul3A_2354] : memref<10000xi32, #tpu.memory_space<vmem>> -> memref<80xi32, #tpu.memory_space<vmem>>
      %dma_start3A_2358 = arith.constant 0 : i32
      %dma_start3A_2359 = tpu.memref_slice %arg14[%dma_start3A_2358] : memref<10240xf32, #tpu.memory_space<vmem_shared>> -> memref<10240xf32, #tpu.memory_space<vmem_shared>>
      tpu.enqueue_indirect_dma source(%dma_start3A_2356 : memref<80xf32, #tpu.memory_space<vmem>>) target(%dma_start3A_2359 : memref<10240xf32, #tpu.memory_space<vmem_shared>>) offsets(%dma_start3A_2357 : memref<80xi32, #tpu.memory_space<vmem>>) semaphore(%arg17 : memref<!tpu.dma_semaphore, #tpu.memory_space<semaphore_mem>>) {add = true}
      %add3A_2360 = arith.constant 10 : i32
      %add3A_2361 = arith.addi %mul3A_2035, %add3A_2360 : i32
      %mul3A_2362 = arith.constant 80 : i32
      %mul3A_2363 = arith.muli %add3A_2361, %mul3A_2362 : i32
      %dma_start3A_2364 = arith.constant 0 : i32
      %dma_start3A_2365 = tpu.memref_slice %arg11[%dma_start3A_2364] : memref<112xf32, #tpu.memory_space<vmem>> -> memref<80xf32, #tpu.memory_space<vmem>>
      %dma_start3A_2366 = tpu.memref_slice %arg7[%mul3A_2363] : memref<10000xi32, #tpu.memory_space<vmem>> -> memref<80xi32, #tpu.memory_space<vmem>>
      %dma_start3A_2367 = arith.constant 0 : i32
      %dma_start3A_2368 = tpu.memref_slice %arg14[%dma_start3A_2367] : memref<10240xf32, #tpu.memory_space<vmem_shared>> -> memref<10240xf32, #tpu.memory_space<vmem_shared>>
      tpu.enqueue_indirect_dma source(%dma_start3A_2365 : memref<80xf32, #tpu.memory_space<vmem>>) target(%dma_start3A_2368 : memref<10240xf32, #tpu.memory_space<vmem_shared>>) offsets(%dma_start3A_2366 : memref<80xi32, #tpu.memory_space<vmem>>) semaphore(%arg17 : memref<!tpu.dma_semaphore, #tpu.memory_space<semaphore_mem>>) {add = true}
      %add3A_2369 = arith.constant 11 : i32
      %add3A_2370 = arith.addi %mul3A_2035, %add3A_2369 : i32
      %mul3A_2371 = arith.constant 80 : i32
      %mul3A_2372 = arith.muli %add3A_2370, %mul3A_2371 : i32
      %dma_start3A_2373 = arith.constant 0 : i32
      %dma_start3A_2374 = tpu.memref_slice %arg11[%dma_start3A_2373] : memref<112xf32, #tpu.memory_space<vmem>> -> memref<80xf32, #tpu.memory_space<vmem>>
      %dma_start3A_2375 = tpu.memref_slice %arg7[%mul3A_2372] : memref<10000xi32, #tpu.memory_space<vmem>> -> memref<80xi32, #tpu.memory_space<vmem>>
      %dma_start3A_2376 = arith.constant 0 : i32
      %dma_start3A_2377 = tpu.memref_slice %arg14[%dma_start3A_2376] : memref<10240xf32, #tpu.memory_space<vmem_shared>> -> memref<10240xf32, #tpu.memory_space<vmem_shared>>
      tpu.enqueue_indirect_dma source(%dma_start3A_2374 : memref<80xf32, #tpu.memory_space<vmem>>) target(%dma_start3A_2377 : memref<10240xf32, #tpu.memory_space<vmem_shared>>) offsets(%dma_start3A_2375 : memref<80xi32, #tpu.memory_space<vmem>>) semaphore(%arg17 : memref<!tpu.dma_semaphore, #tpu.memory_space<semaphore_mem>>) {add = true}
      %add3A_2378 = arith.constant 12 : i32
      %add3A_2379 = arith.addi %mul3A_2035, %add3A_2378 : i32
      %mul3A_2380 = arith.constant 80 : i32
      %mul3A_2381 = arith.muli %add3A_2379, %mul3A_2380 : i32
      %dma_start3A_2382 = arith.constant 0 : i32
      %dma_start3A_2383 = tpu.memref_slice %arg11[%dma_start3A_2382] : memref<112xf32, #tpu.memory_space<vmem>> -> memref<80xf32, #tpu.memory_space<vmem>>
      %dma_start3A_2384 = tpu.memref_slice %arg7[%mul3A_2381] : memref<10000xi32, #tpu.memory_space<vmem>> -> memref<80xi32, #tpu.memory_space<vmem>>
      %dma_start3A_2385 = arith.constant 0 : i32
      %dma_start3A_2386 = tpu.memref_slice %arg14[%dma_start3A_2385] : memref<10240xf32, #tpu.memory_space<vmem_shared>> -> memref<10240xf32, #tpu.memory_space<vmem_shared>>
      tpu.enqueue_indirect_dma source(%dma_start3A_2383 : memref<80xf32, #tpu.memory_space<vmem>>) target(%dma_start3A_2386 : memref<10240xf32, #tpu.memory_space<vmem_shared>>) offsets(%dma_start3A_2384 : memref<80xi32, #tpu.memory_space<vmem>>) semaphore(%arg17 : memref<!tpu.dma_semaphore, #tpu.memory_space<semaphore_mem>>) {add = true}
      %add3A_2387 = arith.constant 13 : i32
      %add3A_2388 = arith.addi %mul3A_2035, %add3A_2387 : i32
      %mul3A_2389 = arith.constant 80 : i32
      %mul3A_2390 = arith.muli %add3A_2388, %mul3A_2389 : i32
      %dma_start3A_2391 = arith.constant 0 : i32
      %dma_start3A_2392 = tpu.memref_slice %arg11[%dma_start3A_2391] : memref<112xf32, #tpu.memory_space<vmem>> -> memref<80xf32, #tpu.memory_space<vmem>>
      %dma_start3A_2393 = tpu.memref_slice %arg7[%mul3A_2390] : memref<10000xi32, #tpu.memory_space<vmem>> -> memref<80xi32, #tpu.memory_space<vmem>>
      %dma_start3A_2394 = arith.constant 0 : i32
      %dma_start3A_2395 = tpu.memref_slice %arg14[%dma_start3A_2394] : memref<10240xf32, #tpu.memory_space<vmem_shared>> -> memref<10240xf32, #tpu.memory_space<vmem_shared>>
      tpu.enqueue_indirect_dma source(%dma_start3A_2392 : memref<80xf32, #tpu.memory_space<vmem>>) target(%dma_start3A_2395 : memref<10240xf32, #tpu.memory_space<vmem_shared>>) offsets(%dma_start3A_2393 : memref<80xi32, #tpu.memory_space<vmem>>) semaphore(%arg17 : memref<!tpu.dma_semaphore, #tpu.memory_space<semaphore_mem>>) {add = true}
      %add3A_2396 = arith.constant 14 : i32
      %add3A_2397 = arith.addi %mul3A_2035, %add3A_2396 : i32
      %mul3A_2398 = arith.constant 80 : i32
      %mul3A_2399 = arith.muli %add3A_2397, %mul3A_2398 : i32
      %dma_start3A_2400 = arith.constant 0 : i32
      %dma_start3A_2401 = tpu.memref_slice %arg11[%dma_start3A_2400] : memref<112xf32, #tpu.memory_space<vmem>> -> memref<80xf32, #tpu.memory_space<vmem>>
      %dma_start3A_2402 = tpu.memref_slice %arg7[%mul3A_2399] : memref<10000xi32, #tpu.memory_space<vmem>> -> memref<80xi32, #tpu.memory_space<vmem>>
      %dma_start3A_2403 = arith.constant 0 : i32
      %dma_start3A_2404 = tpu.memref_slice %arg14[%dma_start3A_2403] : memref<10240xf32, #tpu.memory_space<vmem_shared>> -> memref<10240xf32, #tpu.memory_space<vmem_shared>>
      tpu.enqueue_indirect_dma source(%dma_start3A_2401 : memref<80xf32, #tpu.memory_space<vmem>>) target(%dma_start3A_2404 : memref<10240xf32, #tpu.memory_space<vmem_shared>>) offsets(%dma_start3A_2402 : memref<80xi32, #tpu.memory_space<vmem>>) semaphore(%arg17 : memref<!tpu.dma_semaphore, #tpu.memory_space<semaphore_mem>>) {add = true}
      %add3A_2405 = arith.constant 15 : i32
      %add3A_2406 = arith.addi %mul3A_2035, %add3A_2405 : i32
      %mul3A_2407 = arith.constant 80 : i32
      %mul3A_2408 = arith.muli %add3A_2406, %mul3A_2407 : i32
      %dma_start3A_2409 = arith.constant 0 : i32
      %dma_start3A_2410 = tpu.memref_slice %arg11[%dma_start3A_2409] : memref<112xf32, #tpu.memory_space<vmem>> -> memref<80xf32, #tpu.memory_space<vmem>>
      %dma_start3A_2411 = tpu.memref_slice %arg7[%mul3A_2408] : memref<10000xi32, #tpu.memory_space<vmem>> -> memref<80xi32, #tpu.memory_space<vmem>>
      %dma_start3A_2412 = arith.constant 0 : i32
      %dma_start3A_2413 = tpu.memref_slice %arg14[%dma_start3A_2412] : memref<10240xf32, #tpu.memory_space<vmem_shared>> -> memref<10240xf32, #tpu.memory_space<vmem_shared>>
      tpu.enqueue_indirect_dma source(%dma_start3A_2410 : memref<80xf32, #tpu.memory_space<vmem>>) target(%dma_start3A_2413 : memref<10240xf32, #tpu.memory_space<vmem_shared>>) offsets(%dma_start3A_2411 : memref<80xi32, #tpu.memory_space<vmem>>) semaphore(%arg17 : memref<!tpu.dma_semaphore, #tpu.memory_space<semaphore_mem>>) {add = true}
      %add3A_2414 = arith.constant 16 : i32
      %add3A_2415 = arith.addi %mul3A_2035, %add3A_2414 : i32
      %mul3A_2416 = arith.constant 80 : i32
      %mul3A_2417 = arith.muli %add3A_2415, %mul3A_2416 : i32
      %dma_start3A_2418 = arith.constant 0 : i32
      %dma_start3A_2419 = tpu.memref_slice %arg11[%dma_start3A_2418] : memref<112xf32, #tpu.memory_space<vmem>> -> memref<80xf32, #tpu.memory_space<vmem>>
      %dma_start3A_2420 = tpu.memref_slice %arg7[%mul3A_2417] : memref<10000xi32, #tpu.memory_space<vmem>> -> memref<80xi32, #tpu.memory_space<vmem>>
      %dma_start3A_2421 = arith.constant 0 : i32
      %dma_start3A_2422 = tpu.memref_slice %arg14[%dma_start3A_2421] : memref<10240xf32, #tpu.memory_space<vmem_shared>> -> memref<10240xf32, #tpu.memory_space<vmem_shared>>
      tpu.enqueue_indirect_dma source(%dma_start3A_2419 : memref<80xf32, #tpu.memory_space<vmem>>) target(%dma_start3A_2422 : memref<10240xf32, #tpu.memory_space<vmem_shared>>) offsets(%dma_start3A_2420 : memref<80xi32, #tpu.memory_space<vmem>>) semaphore(%arg17 : memref<!tpu.dma_semaphore, #tpu.memory_space<semaphore_mem>>) {add = true}
      %add3A_2423 = arith.constant 17 : i32
      %add3A_2424 = arith.addi %mul3A_2035, %add3A_2423 : i32
      %mul3A_2425 = arith.constant 80 : i32
      %mul3A_2426 = arith.muli %add3A_2424, %mul3A_2425 : i32
      %dma_start3A_2427 = arith.constant 0 : i32
      %dma_start3A_2428 = tpu.memref_slice %arg11[%dma_start3A_2427] : memref<112xf32, #tpu.memory_space<vmem>> -> memref<80xf32, #tpu.memory_space<vmem>>
      %dma_start3A_2429 = tpu.memref_slice %arg7[%mul3A_2426] : memref<10000xi32, #tpu.memory_space<vmem>> -> memref<80xi32, #tpu.memory_space<vmem>>
      %dma_start3A_2430 = arith.constant 0 : i32
      %dma_start3A_2431 = tpu.memref_slice %arg14[%dma_start3A_2430] : memref<10240xf32, #tpu.memory_space<vmem_shared>> -> memref<10240xf32, #tpu.memory_space<vmem_shared>>
      tpu.enqueue_indirect_dma source(%dma_start3A_2428 : memref<80xf32, #tpu.memory_space<vmem>>) target(%dma_start3A_2431 : memref<10240xf32, #tpu.memory_space<vmem_shared>>) offsets(%dma_start3A_2429 : memref<80xi32, #tpu.memory_space<vmem>>) semaphore(%arg17 : memref<!tpu.dma_semaphore, #tpu.memory_space<semaphore_mem>>) {add = true}
      %dma_wait3A_2432 = arith.constant 0 : i32
      %dma_wait3A_2433 = arith.constant 0 : i32
      %dma_wait3A_2434 = arith.constant 0 : i32
      %dma_wait3A_2435 = tpu.memref_slice %arg8[%dma_wait3A_2432, %dma_wait3A_2433, %dma_wait3A_2434] : memref<18x80x32xf32, #tpu.memory_space<vmem>> -> memref<1x80x32xf32, #tpu.memory_space<vmem>>
      %dma_wait3A_2436 = tpu.memref_squeeze %dma_wait3A_2435 : memref<1x80x32xf32, #tpu.memory_space<vmem>> -> memref<80x32xf32, #tpu.memory_space<vmem>>
      %dma_wait3A_2437 = tpu.memref_slice %arg6[%mul3A_2039] : memref<10000xi32, #tpu.memory_space<vmem>> -> memref<80xi32, #tpu.memory_space<vmem>>
      %dma_wait3A_2438 = arith.constant 0 : i32
      %dma_wait3A_2439 = arith.constant 0 : i32
      %dma_wait3A_2440 = tpu.memref_slice %arg12[%dma_wait3A_2438, %dma_wait3A_2439] : memref<10000x32xf32, #tpu.memory_space<vmem_shared>> -> memref<10000x32xf32, #tpu.memory_space<vmem_shared>>
      tpu.wait_indirect_dma semaphore(%arg15 : memref<!tpu.dma_semaphore, #tpu.memory_space<semaphore_mem>>) src(%dma_wait3A_2440 : memref<10000x32xf32, #tpu.memory_space<vmem_shared>>) dst(%dma_wait3A_2436 : memref<80x32xf32, #tpu.memory_space<vmem>>)
      %dma_wait3A_2441 = arith.constant 1 : i32
      %dma_wait3A_2442 = arith.constant 0 : i32
      %dma_wait3A_2443 = arith.constant 0 : i32
      %dma_wait3A_2444 = tpu.memref_slice %arg8[%dma_wait3A_2441, %dma_wait3A_2442, %dma_wait3A_2443] : memref<18x80x32xf32, #tpu.memory_space<vmem>> -> memref<1x80x32xf32, #tpu.memory_space<vmem>>
      %dma_wait3A_2445 = tpu.memref_squeeze %dma_wait3A_2444 : memref<1x80x32xf32, #tpu.memory_space<vmem>> -> memref<80x32xf32, #tpu.memory_space<vmem>>
      %dma_wait3A_2446 = tpu.memref_slice %arg6[%mul3A_2052] : memref<10000xi32, #tpu.memory_space<vmem>> -> memref<80xi32, #tpu.memory_space<vmem>>
      %dma_wait3A_2447 = arith.constant 0 : i32
      %dma_wait3A_2448 = arith.constant 0 : i32
      %dma_wait3A_2449 = tpu.memref_slice %arg12[%dma_wait3A_2447, %dma_wait3A_2448] : memref<10000x32xf32, #tpu.memory_space<vmem_shared>> -> memref<10000x32xf32, #tpu.memory_space<vmem_shared>>
      tpu.wait_indirect_dma semaphore(%arg15 : memref<!tpu.dma_semaphore, #tpu.memory_space<semaphore_mem>>) src(%dma_wait3A_2449 : memref<10000x32xf32, #tpu.memory_space<vmem_shared>>) dst(%dma_wait3A_2445 : memref<80x32xf32, #tpu.memory_space<vmem>>)
      %dma_wait3A_2450 = arith.constant 2 : i32
      %dma_wait3A_2451 = arith.constant 0 : i32
      %dma_wait3A_2452 = arith.constant 0 : i32
      %dma_wait3A_2453 = tpu.memref_slice %arg8[%dma_wait3A_2450, %dma_wait3A_2451, %dma_wait3A_2452] : memref<18x80x32xf32, #tpu.memory_space<vmem>> -> memref<1x80x32xf32, #tpu.memory_space<vmem>>
      %dma_wait3A_2454 = tpu.memref_squeeze %dma_wait3A_2453 : memref<1x80x32xf32, #tpu.memory_space<vmem>> -> memref<80x32xf32, #tpu.memory_space<vmem>>
      %dma_wait3A_2455 = tpu.memref_slice %arg6[%mul3A_2065] : memref<10000xi32, #tpu.memory_space<vmem>> -> memref<80xi32, #tpu.memory_space<vmem>>
      %dma_wait3A_2456 = arith.constant 0 : i32
      %dma_wait3A_2457 = arith.constant 0 : i32
      %dma_wait3A_2458 = tpu.memref_slice %arg12[%dma_wait3A_2456, %dma_wait3A_2457] : memref<10000x32xf32, #tpu.memory_space<vmem_shared>> -> memref<10000x32xf32, #tpu.memory_space<vmem_shared>>
      tpu.wait_indirect_dma semaphore(%arg15 : memref<!tpu.dma_semaphore, #tpu.memory_space<semaphore_mem>>) src(%dma_wait3A_2458 : memref<10000x32xf32, #tpu.memory_space<vmem_shared>>) dst(%dma_wait3A_2454 : memref<80x32xf32, #tpu.memory_space<vmem>>)
      %dma_wait3A_2459 = arith.constant 3 : i32
      %dma_wait3A_2460 = arith.constant 0 : i32
      %dma_wait3A_2461 = arith.constant 0 : i32
      %dma_wait3A_2462 = tpu.memref_slice %arg8[%dma_wait3A_2459, %dma_wait3A_2460, %dma_wait3A_2461] : memref<18x80x32xf32, #tpu.memory_space<vmem>> -> memref<1x80x32xf32, #tpu.memory_space<vmem>>
      %dma_wait3A_2463 = tpu.memref_squeeze %dma_wait3A_2462 : memref<1x80x32xf32, #tpu.memory_space<vmem>> -> memref<80x32xf32, #tpu.memory_space<vmem>>
      %dma_wait3A_2464 = tpu.memref_slice %arg6[%mul3A_2078] : memref<10000xi32, #tpu.memory_space<vmem>> -> memref<80xi32, #tpu.memory_space<vmem>>
      %dma_wait3A_2465 = arith.constant 0 : i32
      %dma_wait3A_2466 = arith.constant 0 : i32
      %dma_wait3A_2467 = tpu.memref_slice %arg12[%dma_wait3A_2465, %dma_wait3A_2466] : memref<10000x32xf32, #tpu.memory_space<vmem_shared>> -> memref<10000x32xf32, #tpu.memory_space<vmem_shared>>
      tpu.wait_indirect_dma semaphore(%arg15 : memref<!tpu.dma_semaphore, #tpu.memory_space<semaphore_mem>>) src(%dma_wait3A_2467 : memref<10000x32xf32, #tpu.memory_space<vmem_shared>>) dst(%dma_wait3A_2463 : memref<80x32xf32, #tpu.memory_space<vmem>>)
      %dma_wait3A_2468 = arith.constant 4 : i32
      %dma_wait3A_2469 = arith.constant 0 : i32
      %dma_wait3A_2470 = arith.constant 0 : i32
      %dma_wait3A_2471 = tpu.memref_slice %arg8[%dma_wait3A_2468, %dma_wait3A_2469, %dma_wait3A_2470] : memref<18x80x32xf32, #tpu.memory_space<vmem>> -> memref<1x80x32xf32, #tpu.memory_space<vmem>>
      %dma_wait3A_2472 = tpu.memref_squeeze %dma_wait3A_2471 : memref<1x80x32xf32, #tpu.memory_space<vmem>> -> memref<80x32xf32, #tpu.memory_space<vmem>>
      %dma_wait3A_2473 = tpu.memref_slice %arg6[%mul3A_2091] : memref<10000xi32, #tpu.memory_space<vmem>> -> memref<80xi32, #tpu.memory_space<vmem>>
      %dma_wait3A_2474 = arith.constant 0 : i32
      %dma_wait3A_2475 = arith.constant 0 : i32
      %dma_wait3A_2476 = tpu.memref_slice %arg12[%dma_wait3A_2474, %dma_wait3A_2475] : memref<10000x32xf32, #tpu.memory_space<vmem_shared>> -> memref<10000x32xf32, #tpu.memory_space<vmem_shared>>
      tpu.wait_indirect_dma semaphore(%arg15 : memref<!tpu.dma_semaphore, #tpu.memory_space<semaphore_mem>>) src(%dma_wait3A_2476 : memref<10000x32xf32, #tpu.memory_space<vmem_shared>>) dst(%dma_wait3A_2472 : memref<80x32xf32, #tpu.memory_space<vmem>>)
      %dma_wait3A_2477 = arith.constant 5 : i32
      %dma_wait3A_2478 = arith.constant 0 : i32
      %dma_wait3A_2479 = arith.constant 0 : i32
      %dma_wait3A_2480 = tpu.memref_slice %arg8[%dma_wait3A_2477, %dma_wait3A_2478, %dma_wait3A_2479] : memref<18x80x32xf32, #tpu.memory_space<vmem>> -> memref<1x80x32xf32, #tpu.memory_space<vmem>>
      %dma_wait3A_2481 = tpu.memref_squeeze %dma_wait3A_2480 : memref<1x80x32xf32, #tpu.memory_space<vmem>> -> memref<80x32xf32, #tpu.memory_space<vmem>>
      %dma_wait3A_2482 = tpu.memref_slice %arg6[%mul3A_2104] : memref<10000xi32, #tpu.memory_space<vmem>> -> memref<80xi32, #tpu.memory_space<vmem>>
      %dma_wait3A_2483 = arith.constant 0 : i32
      %dma_wait3A_2484 = arith.constant 0 : i32
      %dma_wait3A_2485 = tpu.memref_slice %arg12[%dma_wait3A_2483, %dma_wait3A_2484] : memref<10000x32xf32, #tpu.memory_space<vmem_shared>> -> memref<10000x32xf32, #tpu.memory_space<vmem_shared>>
      tpu.wait_indirect_dma semaphore(%arg15 : memref<!tpu.dma_semaphore, #tpu.memory_space<semaphore_mem>>) src(%dma_wait3A_2485 : memref<10000x32xf32, #tpu.memory_space<vmem_shared>>) dst(%dma_wait3A_2481 : memref<80x32xf32, #tpu.memory_space<vmem>>)
      %dma_wait3A_2486 = arith.constant 6 : i32
      %dma_wait3A_2487 = arith.constant 0 : i32
      %dma_wait3A_2488 = arith.constant 0 : i32
      %dma_wait3A_2489 = tpu.memref_slice %arg8[%dma_wait3A_2486, %dma_wait3A_2487, %dma_wait3A_2488] : memref<18x80x32xf32, #tpu.memory_space<vmem>> -> memref<1x80x32xf32, #tpu.memory_space<vmem>>
      %dma_wait3A_2490 = tpu.memref_squeeze %dma_wait3A_2489 : memref<1x80x32xf32, #tpu.memory_space<vmem>> -> memref<80x32xf32, #tpu.memory_space<vmem>>
      %dma_wait3A_2491 = tpu.memref_slice %arg6[%mul3A_2117] : memref<10000xi32, #tpu.memory_space<vmem>> -> memref<80xi32, #tpu.memory_space<vmem>>
      %dma_wait3A_2492 = arith.constant 0 : i32
      %dma_wait3A_2493 = arith.constant 0 : i32
      %dma_wait3A_2494 = tpu.memref_slice %arg12[%dma_wait3A_2492, %dma_wait3A_2493] : memref<10000x32xf32, #tpu.memory_space<vmem_shared>> -> memref<10000x32xf32, #tpu.memory_space<vmem_shared>>
      tpu.wait_indirect_dma semaphore(%arg15 : memref<!tpu.dma_semaphore, #tpu.memory_space<semaphore_mem>>) src(%dma_wait3A_2494 : memref<10000x32xf32, #tpu.memory_space<vmem_shared>>) dst(%dma_wait3A_2490 : memref<80x32xf32, #tpu.memory_space<vmem>>)
      %dma_wait3A_2495 = arith.constant 7 : i32
      %dma_wait3A_2496 = arith.constant 0 : i32
      %dma_wait3A_2497 = arith.constant 0 : i32
      %dma_wait3A_2498 = tpu.memref_slice %arg8[%dma_wait3A_2495, %dma_wait3A_2496, %dma_wait3A_2497] : memref<18x80x32xf32, #tpu.memory_space<vmem>> -> memref<1x80x32xf32, #tpu.memory_space<vmem>>
      %dma_wait3A_2499 = tpu.memref_squeeze %dma_wait3A_2498 : memref<1x80x32xf32, #tpu.memory_space<vmem>> -> memref<80x32xf32, #tpu.memory_space<vmem>>
      %dma_wait3A_2500 = tpu.memref_slice %arg6[%mul3A_2130] : memref<10000xi32, #tpu.memory_space<vmem>> -> memref<80xi32, #tpu.memory_space<vmem>>
      %dma_wait3A_2501 = arith.constant 0 : i32
      %dma_wait3A_2502 = arith.constant 0 : i32
      %dma_wait3A_2503 = tpu.memref_slice %arg12[%dma_wait3A_2501, %dma_wait3A_2502] : memref<10000x32xf32, #tpu.memory_space<vmem_shared>> -> memref<10000x32xf32, #tpu.memory_space<vmem_shared>>
      tpu.wait_indirect_dma semaphore(%arg15 : memref<!tpu.dma_semaphore, #tpu.memory_space<semaphore_mem>>) src(%dma_wait3A_2503 : memref<10000x32xf32, #tpu.memory_space<vmem_shared>>) dst(%dma_wait3A_2499 : memref<80x32xf32, #tpu.memory_space<vmem>>)
      %dma_wait3A_2504 = arith.constant 8 : i32
      %dma_wait3A_2505 = arith.constant 0 : i32
      %dma_wait3A_2506 = arith.constant 0 : i32
      %dma_wait3A_2507 = tpu.memref_slice %arg8[%dma_wait3A_2504, %dma_wait3A_2505, %dma_wait3A_2506] : memref<18x80x32xf32, #tpu.memory_space<vmem>> -> memref<1x80x32xf32, #tpu.memory_space<vmem>>
      %dma_wait3A_2508 = tpu.memref_squeeze %dma_wait3A_2507 : memref<1x80x32xf32, #tpu.memory_space<vmem>> -> memref<80x32xf32, #tpu.memory_space<vmem>>
      %dma_wait3A_2509 = tpu.memref_slice %arg6[%mul3A_2143] : memref<10000xi32, #tpu.memory_space<vmem>> -> memref<80xi32, #tpu.memory_space<vmem>>
      %dma_wait3A_2510 = arith.constant 0 : i32
      %dma_wait3A_2511 = arith.constant 0 : i32
      %dma_wait3A_2512 = tpu.memref_slice %arg12[%dma_wait3A_2510, %dma_wait3A_2511] : memref<10000x32xf32, #tpu.memory_space<vmem_shared>> -> memref<10000x32xf32, #tpu.memory_space<vmem_shared>>
      tpu.wait_indirect_dma semaphore(%arg15 : memref<!tpu.dma_semaphore, #tpu.memory_space<semaphore_mem>>) src(%dma_wait3A_2512 : memref<10000x32xf32, #tpu.memory_space<vmem_shared>>) dst(%dma_wait3A_2508 : memref<80x32xf32, #tpu.memory_space<vmem>>)
      %dma_wait3A_2513 = arith.constant 9 : i32
      %dma_wait3A_2514 = arith.constant 0 : i32
      %dma_wait3A_2515 = arith.constant 0 : i32
      %dma_wait3A_2516 = tpu.memref_slice %arg8[%dma_wait3A_2513, %dma_wait3A_2514, %dma_wait3A_2515] : memref<18x80x32xf32, #tpu.memory_space<vmem>> -> memref<1x80x32xf32, #tpu.memory_space<vmem>>
      %dma_wait3A_2517 = tpu.memref_squeeze %dma_wait3A_2516 : memref<1x80x32xf32, #tpu.memory_space<vmem>> -> memref<80x32xf32, #tpu.memory_space<vmem>>
      %dma_wait3A_2518 = tpu.memref_slice %arg6[%mul3A_2156] : memref<10000xi32, #tpu.memory_space<vmem>> -> memref<80xi32, #tpu.memory_space<vmem>>
      %dma_wait3A_2519 = arith.constant 0 : i32
      %dma_wait3A_2520 = arith.constant 0 : i32
      %dma_wait3A_2521 = tpu.memref_slice %arg12[%dma_wait3A_2519, %dma_wait3A_2520] : memref<10000x32xf32, #tpu.memory_space<vmem_shared>> -> memref<10000x32xf32, #tpu.memory_space<vmem_shared>>
      tpu.wait_indirect_dma semaphore(%arg15 : memref<!tpu.dma_semaphore, #tpu.memory_space<semaphore_mem>>) src(%dma_wait3A_2521 : memref<10000x32xf32, #tpu.memory_space<vmem_shared>>) dst(%dma_wait3A_2517 : memref<80x32xf32, #tpu.memory_space<vmem>>)
      %dma_wait3A_2522 = arith.constant 10 : i32
      %dma_wait3A_2523 = arith.constant 0 : i32
      %dma_wait3A_2524 = arith.constant 0 : i32
      %dma_wait3A_2525 = tpu.memref_slice %arg8[%dma_wait3A_2522, %dma_wait3A_2523, %dma_wait3A_2524] : memref<18x80x32xf32, #tpu.memory_space<vmem>> -> memref<1x80x32xf32, #tpu.memory_space<vmem>>
      %dma_wait3A_2526 = tpu.memref_squeeze %dma_wait3A_2525 : memref<1x80x32xf32, #tpu.memory_space<vmem>> -> memref<80x32xf32, #tpu.memory_space<vmem>>
      %dma_wait3A_2527 = tpu.memref_slice %arg6[%mul3A_2169] : memref<10000xi32, #tpu.memory_space<vmem>> -> memref<80xi32, #tpu.memory_space<vmem>>
      %dma_wait3A_2528 = arith.constant 0 : i32
      %dma_wait3A_2529 = arith.constant 0 : i32
      %dma_wait3A_2530 = tpu.memref_slice %arg12[%dma_wait3A_2528, %dma_wait3A_2529] : memref<10000x32xf32, #tpu.memory_space<vmem_shared>> -> memref<10000x32xf32, #tpu.memory_space<vmem_shared>>
      tpu.wait_indirect_dma semaphore(%arg15 : memref<!tpu.dma_semaphore, #tpu.memory_space<semaphore_mem>>) src(%dma_wait3A_2530 : memref<10000x32xf32, #tpu.memory_space<vmem_shared>>) dst(%dma_wait3A_2526 : memref<80x32xf32, #tpu.memory_space<vmem>>)
      %dma_wait3A_2531 = arith.constant 11 : i32
      %dma_wait3A_2532 = arith.constant 0 : i32
      %dma_wait3A_2533 = arith.constant 0 : i32
      %dma_wait3A_2534 = tpu.memref_slice %arg8[%dma_wait3A_2531, %dma_wait3A_2532, %dma_wait3A_2533] : memref<18x80x32xf32, #tpu.memory_space<vmem>> -> memref<1x80x32xf32, #tpu.memory_space<vmem>>
      %dma_wait3A_2535 = tpu.memref_squeeze %dma_wait3A_2534 : memref<1x80x32xf32, #tpu.memory_space<vmem>> -> memref<80x32xf32, #tpu.memory_space<vmem>>
      %dma_wait3A_2536 = tpu.memref_slice %arg6[%mul3A_2182] : memref<10000xi32, #tpu.memory_space<vmem>> -> memref<80xi32, #tpu.memory_space<vmem>>
      %dma_wait3A_2537 = arith.constant 0 : i32
      %dma_wait3A_2538 = arith.constant 0 : i32
      %dma_wait3A_2539 = tpu.memref_slice %arg12[%dma_wait3A_2537, %dma_wait3A_2538] : memref<10000x32xf32, #tpu.memory_space<vmem_shared>> -> memref<10000x32xf32, #tpu.memory_space<vmem_shared>>
      tpu.wait_indirect_dma semaphore(%arg15 : memref<!tpu.dma_semaphore, #tpu.memory_space<semaphore_mem>>) src(%dma_wait3A_2539 : memref<10000x32xf32, #tpu.memory_space<vmem_shared>>) dst(%dma_wait3A_2535 : memref<80x32xf32, #tpu.memory_space<vmem>>)
      %dma_wait3A_2540 = arith.constant 12 : i32
      %dma_wait3A_2541 = arith.constant 0 : i32
      %dma_wait3A_2542 = arith.constant 0 : i32
      %dma_wait3A_2543 = tpu.memref_slice %arg8[%dma_wait3A_2540, %dma_wait3A_2541, %dma_wait3A_2542] : memref<18x80x32xf32, #tpu.memory_space<vmem>> -> memref<1x80x32xf32, #tpu.memory_space<vmem>>
      %dma_wait3A_2544 = tpu.memref_squeeze %dma_wait3A_2543 : memref<1x80x32xf32, #tpu.memory_space<vmem>> -> memref<80x32xf32, #tpu.memory_space<vmem>>
      %dma_wait3A_2545 = tpu.memref_slice %arg6[%mul3A_2195] : memref<10000xi32, #tpu.memory_space<vmem>> -> memref<80xi32, #tpu.memory_space<vmem>>
      %dma_wait3A_2546 = arith.constant 0 : i32
      %dma_wait3A_2547 = arith.constant 0 : i32
      %dma_wait3A_2548 = tpu.memref_slice %arg12[%dma_wait3A_2546, %dma_wait3A_2547] : memref<10000x32xf32, #tpu.memory_space<vmem_shared>> -> memref<10000x32xf32, #tpu.memory_space<vmem_shared>>
      tpu.wait_indirect_dma semaphore(%arg15 : memref<!tpu.dma_semaphore, #tpu.memory_space<semaphore_mem>>) src(%dma_wait3A_2548 : memref<10000x32xf32, #tpu.memory_space<vmem_shared>>) dst(%dma_wait3A_2544 : memref<80x32xf32, #tpu.memory_space<vmem>>)
      %dma_wait3A_2549 = arith.constant 13 : i32
      %dma_wait3A_2550 = arith.constant 0 : i32
      %dma_wait3A_2551 = arith.constant 0 : i32
      %dma_wait3A_2552 = tpu.memref_slice %arg8[%dma_wait3A_2549, %dma_wait3A_2550, %dma_wait3A_2551] : memref<18x80x32xf32, #tpu.memory_space<vmem>> -> memref<1x80x32xf32, #tpu.memory_space<vmem>>
      %dma_wait3A_2553 = tpu.memref_squeeze %dma_wait3A_2552 : memref<1x80x32xf32, #tpu.memory_space<vmem>> -> memref<80x32xf32, #tpu.memory_space<vmem>>
      %dma_wait3A_2554 = tpu.memref_slice %arg6[%mul3A_2208] : memref<10000xi32, #tpu.memory_space<vmem>> -> memref<80xi32, #tpu.memory_space<vmem>>
      %dma_wait3A_2555 = arith.constant 0 : i32
      %dma_wait3A_2556 = arith.constant 0 : i32
      %dma_wait3A_2557 = tpu.memref_slice %arg12[%dma_wait3A_2555, %dma_wait3A_2556] : memref<10000x32xf32, #tpu.memory_space<vmem_shared>> -> memref<10000x32xf32, #tpu.memory_space<vmem_shared>>
      tpu.wait_indirect_dma semaphore(%arg15 : memref<!tpu.dma_semaphore, #tpu.memory_space<semaphore_mem>>) src(%dma_wait3A_2557 : memref<10000x32xf32, #tpu.memory_space<vmem_shared>>) dst(%dma_wait3A_2553 : memref<80x32xf32, #tpu.memory_space<vmem>>)
      %dma_wait3A_2558 = arith.constant 14 : i32
      %dma_wait3A_2559 = arith.constant 0 : i32
      %dma_wait3A_2560 = arith.constant 0 : i32
      %dma_wait3A_2561 = tpu.memref_slice %arg8[%dma_wait3A_2558, %dma_wait3A_2559, %dma_wait3A_2560] : memref<18x80x32xf32, #tpu.memory_space<vmem>> -> memref<1x80x32xf32, #tpu.memory_space<vmem>>
      %dma_wait3A_2562 = tpu.memref_squeeze %dma_wait3A_2561 : memref<1x80x32xf32, #tpu.memory_space<vmem>> -> memref<80x32xf32, #tpu.memory_space<vmem>>
      %dma_wait3A_2563 = tpu.memref_slice %arg6[%mul3A_2221] : memref<10000xi32, #tpu.memory_space<vmem>> -> memref<80xi32, #tpu.memory_space<vmem>>
      %dma_wait3A_2564 = arith.constant 0 : i32
      %dma_wait3A_2565 = arith.constant 0 : i32
      %dma_wait3A_2566 = tpu.memref_slice %arg12[%dma_wait3A_2564, %dma_wait3A_2565] : memref<10000x32xf32, #tpu.memory_space<vmem_shared>> -> memref<10000x32xf32, #tpu.memory_space<vmem_shared>>
      tpu.wait_indirect_dma semaphore(%arg15 : memref<!tpu.dma_semaphore, #tpu.memory_space<semaphore_mem>>) src(%dma_wait3A_2566 : memref<10000x32xf32, #tpu.memory_space<vmem_shared>>) dst(%dma_wait3A_2562 : memref<80x32xf32, #tpu.memory_space<vmem>>)
      %dma_wait3A_2567 = arith.constant 15 : i32
      %dma_wait3A_2568 = arith.constant 0 : i32
      %dma_wait3A_2569 = arith.constant 0 : i32
      %dma_wait3A_2570 = tpu.memref_slice %arg8[%dma_wait3A_2567, %dma_wait3A_2568, %dma_wait3A_2569] : memref<18x80x32xf32, #tpu.memory_space<vmem>> -> memref<1x80x32xf32, #tpu.memory_space<vmem>>
      %dma_wait3A_2571 = tpu.memref_squeeze %dma_wait3A_2570 : memref<1x80x32xf32, #tpu.memory_space<vmem>> -> memref<80x32xf32, #tpu.memory_space<vmem>>
      %dma_wait3A_2572 = tpu.memref_slice %arg6[%mul3A_2234] : memref<10000xi32, #tpu.memory_space<vmem>> -> memref<80xi32, #tpu.memory_space<vmem>>
      %dma_wait3A_2573 = arith.constant 0 : i32
      %dma_wait3A_2574 = arith.constant 0 : i32
      %dma_wait3A_2575 = tpu.memref_slice %arg12[%dma_wait3A_2573, %dma_wait3A_2574] : memref<10000x32xf32, #tpu.memory_space<vmem_shared>> -> memref<10000x32xf32, #tpu.memory_space<vmem_shared>>
      tpu.wait_indirect_dma semaphore(%arg15 : memref<!tpu.dma_semaphore, #tpu.memory_space<semaphore_mem>>) src(%dma_wait3A_2575 : memref<10000x32xf32, #tpu.memory_space<vmem_shared>>) dst(%dma_wait3A_2571 : memref<80x32xf32, #tpu.memory_space<vmem>>)
      %dma_wait3A_2576 = arith.constant 16 : i32
      %dma_wait3A_2577 = arith.constant 0 : i32
      %dma_wait3A_2578 = arith.constant 0 : i32
      %dma_wait3A_2579 = tpu.memref_slice %arg8[%dma_wait3A_2576, %dma_wait3A_2577, %dma_wait3A_2578] : memref<18x80x32xf32, #tpu.memory_space<vmem>> -> memref<1x80x32xf32, #tpu.memory_space<vmem>>
      %dma_wait3A_2580 = tpu.memref_squeeze %dma_wait3A_2579 : memref<1x80x32xf32, #tpu.memory_space<vmem>> -> memref<80x32xf32, #tpu.memory_space<vmem>>
      %dma_wait3A_2581 = tpu.memref_slice %arg6[%mul3A_2247] : memref<10000xi32, #tpu.memory_space<vmem>> -> memref<80xi32, #tpu.memory_space<vmem>>
      %dma_wait3A_2582 = arith.constant 0 : i32
      %dma_wait3A_2583 = arith.constant 0 : i32
      %dma_wait3A_2584 = tpu.memref_slice %arg12[%dma_wait3A_2582, %dma_wait3A_2583] : memref<10000x32xf32, #tpu.memory_space<vmem_shared>> -> memref<10000x32xf32, #tpu.memory_space<vmem_shared>>
      tpu.wait_indirect_dma semaphore(%arg15 : memref<!tpu.dma_semaphore, #tpu.memory_space<semaphore_mem>>) src(%dma_wait3A_2584 : memref<10000x32xf32, #tpu.memory_space<vmem_shared>>) dst(%dma_wait3A_2580 : memref<80x32xf32, #tpu.memory_space<vmem>>)
      %dma_wait3A_2585 = arith.constant 17 : i32
      %dma_wait3A_2586 = arith.constant 0 : i32
      %dma_wait3A_2587 = arith.constant 0 : i32
      %dma_wait3A_2588 = tpu.memref_slice %arg8[%dma_wait3A_2585, %dma_wait3A_2586, %dma_wait3A_2587] : memref<18x80x32xf32, #tpu.memory_space<vmem>> -> memref<1x80x32xf32, #tpu.memory_space<vmem>>
      %dma_wait3A_2589 = tpu.memref_squeeze %dma_wait3A_2588 : memref<1x80x32xf32, #tpu.memory_space<vmem>> -> memref<80x32xf32, #tpu.memory_space<vmem>>
      %dma_wait3A_2590 = tpu.memref_slice %arg6[%mul3A_2260] : memref<10000xi32, #tpu.memory_space<vmem>> -> memref<80xi32, #tpu.memory_space<vmem>>
      %dma_wait3A_2591 = arith.constant 0 : i32
      %dma_wait3A_2592 = arith.constant 0 : i32
      %dma_wait3A_2593 = tpu.memref_slice %arg12[%dma_wait3A_2591, %dma_wait3A_2592] : memref<10000x32xf32, #tpu.memory_space<vmem_shared>> -> memref<10000x32xf32, #tpu.memory_space<vmem_shared>>
      tpu.wait_indirect_dma semaphore(%arg15 : memref<!tpu.dma_semaphore, #tpu.memory_space<semaphore_mem>>) src(%dma_wait3A_2593 : memref<10000x32xf32, #tpu.memory_space<vmem_shared>>) dst(%dma_wait3A_2589 : memref<80x32xf32, #tpu.memory_space<vmem>>)
      %add3A_2594 = arith.constant 0 : i32
      %add3A_2595 = arith.addi %mul3A_2035, %add3A_2594 : i32
      %mul3A_2596 = arith.constant 80 : i32
      %mul3A_2597 = arith.muli %add3A_2595, %mul3A_2596 : i32
      %dma_start3A_2598 = arith.constant 0 : i32
      %dma_start3A_2599 = arith.constant 0 : i32
      %dma_start3A_2600 = arith.constant 0 : i32
      %dma_start3A_2601 = tpu.memref_slice %arg8[%dma_start3A_2598, %dma_start3A_2599, %dma_start3A_2600] : memref<18x80x32xf32, #tpu.memory_space<vmem>> -> memref<1x80x32xf32, #tpu.memory_space<vmem>>
      %dma_start3A_2602 = tpu.memref_squeeze %dma_start3A_2601 : memref<1x80x32xf32, #tpu.memory_space<vmem>> -> memref<80x32xf32, #tpu.memory_space<vmem>>
      %dma_start3A_2603 = tpu.memref_slice %arg7[%mul3A_2597] : memref<10000xi32, #tpu.memory_space<vmem>> -> memref<80xi32, #tpu.memory_space<vmem>>
      %dma_start3A_2604 = arith.constant 0 : i32
      %dma_start3A_2605 = arith.constant 0 : i32
      %dma_start3A_2606 = tpu.memref_slice %arg13[%dma_start3A_2604, %dma_start3A_2605] : memref<10240x32xf32, #tpu.memory_space<vmem_shared>> -> memref<10240x32xf32, #tpu.memory_space<vmem_shared>>
      tpu.enqueue_indirect_dma source(%dma_start3A_2602 : memref<80x32xf32, #tpu.memory_space<vmem>>) target(%dma_start3A_2606 : memref<10240x32xf32, #tpu.memory_space<vmem_shared>>) offsets(%dma_start3A_2603 : memref<80xi32, #tpu.memory_space<vmem>>) semaphore(%arg16 : memref<!tpu.dma_semaphore, #tpu.memory_space<semaphore_mem>>) {add = true}
      %add3A_2607 = arith.constant 1 : i32
      %add3A_2608 = arith.addi %mul3A_2035, %add3A_2607 : i32
      %mul3A_2609 = arith.constant 80 : i32
      %mul3A_2610 = arith.muli %add3A_2608, %mul3A_2609 : i32
      %dma_start3A_2611 = arith.constant 1 : i32
      %dma_start3A_2612 = arith.constant 0 : i32
      %dma_start3A_2613 = arith.constant 0 : i32
      %dma_start3A_2614 = tpu.memref_slice %arg8[%dma_start3A_2611, %dma_start3A_2612, %dma_start3A_2613] : memref<18x80x32xf32, #tpu.memory_space<vmem>> -> memref<1x80x32xf32, #tpu.memory_space<vmem>>
      %dma_start3A_2615 = tpu.memref_squeeze %dma_start3A_2614 : memref<1x80x32xf32, #tpu.memory_space<vmem>> -> memref<80x32xf32, #tpu.memory_space<vmem>>
      %dma_start3A_2616 = tpu.memref_slice %arg7[%mul3A_2610] : memref<10000xi32, #tpu.memory_space<vmem>> -> memref<80xi32, #tpu.memory_space<vmem>>
      %dma_start3A_2617 = arith.constant 0 : i32
      %dma_start3A_2618 = arith.constant 0 : i32
      %dma_start3A_2619 = tpu.memref_slice %arg13[%dma_start3A_2617, %dma_start3A_2618] : memref<10240x32xf32, #tpu.memory_space<vmem_shared>> -> memref<10240x32xf32, #tpu.memory_space<vmem_shared>>
      tpu.enqueue_indirect_dma source(%dma_start3A_2615 : memref<80x32xf32, #tpu.memory_space<vmem>>) target(%dma_start3A_2619 : memref<10240x32xf32, #tpu.memory_space<vmem_shared>>) offsets(%dma_start3A_2616 : memref<80xi32, #tpu.memory_space<vmem>>) semaphore(%arg16 : memref<!tpu.dma_semaphore, #tpu.memory_space<semaphore_mem>>) {add = true}
      %add3A_2620 = arith.constant 2 : i32
      %add3A_2621 = arith.addi %mul3A_2035, %add3A_2620 : i32
      %mul3A_2622 = arith.constant 80 : i32
      %mul3A_2623 = arith.muli %add3A_2621, %mul3A_2622 : i32
      %dma_start3A_2624 = arith.constant 2 : i32
      %dma_start3A_2625 = arith.constant 0 : i32
      %dma_start3A_2626 = arith.constant 0 : i32
      %dma_start3A_2627 = tpu.memref_slice %arg8[%dma_start3A_2624, %dma_start3A_2625, %dma_start3A_2626] : memref<18x80x32xf32, #tpu.memory_space<vmem>> -> memref<1x80x32xf32, #tpu.memory_space<vmem>>
      %dma_start3A_2628 = tpu.memref_squeeze %dma_start3A_2627 : memref<1x80x32xf32, #tpu.memory_space<vmem>> -> memref<80x32xf32, #tpu.memory_space<vmem>>
      %dma_start3A_2629 = tpu.memref_slice %arg7[%mul3A_2623] : memref<10000xi32, #tpu.memory_space<vmem>> -> memref<80xi32, #tpu.memory_space<vmem>>
      %dma_start3A_2630 = arith.constant 0 : i32
      %dma_start3A_2631 = arith.constant 0 : i32
      %dma_start3A_2632 = tpu.memref_slice %arg13[%dma_start3A_2630, %dma_start3A_2631] : memref<10240x32xf32, #tpu.memory_space<vmem_shared>> -> memref<10240x32xf32, #tpu.memory_space<vmem_shared>>
      tpu.enqueue_indirect_dma source(%dma_start3A_2628 : memref<80x32xf32, #tpu.memory_space<vmem>>) target(%dma_start3A_2632 : memref<10240x32xf32, #tpu.memory_space<vmem_shared>>) offsets(%dma_start3A_2629 : memref<80xi32, #tpu.memory_space<vmem>>) semaphore(%arg16 : memref<!tpu.dma_semaphore, #tpu.memory_space<semaphore_mem>>) {add = true}
      %add3A_2633 = arith.constant 3 : i32
      %add3A_2634 = arith.addi %mul3A_2035, %add3A_2633 : i32
      %mul3A_2635 = arith.constant 80 : i32
      %mul3A_2636 = arith.muli %add3A_2634, %mul3A_2635 : i32
      %dma_start3A_2637 = arith.constant 3 : i32
      %dma_start3A_2638 = arith.constant 0 : i32
      %dma_start3A_2639 = arith.constant 0 : i32
      %dma_start3A_2640 = tpu.memref_slice %arg8[%dma_start3A_2637, %dma_start3A_2638, %dma_start3A_2639] : memref<18x80x32xf32, #tpu.memory_space<vmem>> -> memref<1x80x32xf32, #tpu.memory_space<vmem>>
      %dma_start3A_2641 = tpu.memref_squeeze %dma_start3A_2640 : memref<1x80x32xf32, #tpu.memory_space<vmem>> -> memref<80x32xf32, #tpu.memory_space<vmem>>
      %dma_start3A_2642 = tpu.memref_slice %arg7[%mul3A_2636] : memref<10000xi32, #tpu.memory_space<vmem>> -> memref<80xi32, #tpu.memory_space<vmem>>
      %dma_start3A_2643 = arith.constant 0 : i32
      %dma_start3A_2644 = arith.constant 0 : i32
      %dma_start3A_2645 = tpu.memref_slice %arg13[%dma_start3A_2643, %dma_start3A_2644] : memref<10240x32xf32, #tpu.memory_space<vmem_shared>> -> memref<10240x32xf32, #tpu.memory_space<vmem_shared>>
      tpu.enqueue_indirect_dma source(%dma_start3A_2641 : memref<80x32xf32, #tpu.memory_space<vmem>>) target(%dma_start3A_2645 : memref<10240x32xf32, #tpu.memory_space<vmem_shared>>) offsets(%dma_start3A_2642 : memref<80xi32, #tpu.memory_space<vmem>>) semaphore(%arg16 : memref<!tpu.dma_semaphore, #tpu.memory_space<semaphore_mem>>) {add = true}
      %add3A_2646 = arith.constant 4 : i32
      %add3A_2647 = arith.addi %mul3A_2035, %add3A_2646 : i32
      %mul3A_2648 = arith.constant 80 : i32
      %mul3A_2649 = arith.muli %add3A_2647, %mul3A_2648 : i32
      %dma_start3A_2650 = arith.constant 4 : i32
      %dma_start3A_2651 = arith.constant 0 : i32
      %dma_start3A_2652 = arith.constant 0 : i32
      %dma_start3A_2653 = tpu.memref_slice %arg8[%dma_start3A_2650, %dma_start3A_2651, %dma_start3A_2652] : memref<18x80x32xf32, #tpu.memory_space<vmem>> -> memref<1x80x32xf32, #tpu.memory_space<vmem>>
      %dma_start3A_2654 = tpu.memref_squeeze %dma_start3A_2653 : memref<1x80x32xf32, #tpu.memory_space<vmem>> -> memref<80x32xf32, #tpu.memory_space<vmem>>
      %dma_start3A_2655 = tpu.memref_slice %arg7[%mul3A_2649] : memref<10000xi32, #tpu.memory_space<vmem>> -> memref<80xi32, #tpu.memory_space<vmem>>
      %dma_start3A_2656 = arith.constant 0 : i32
      %dma_start3A_2657 = arith.constant 0 : i32
      %dma_start3A_2658 = tpu.memref_slice %arg13[%dma_start3A_2656, %dma_start3A_2657] : memref<10240x32xf32, #tpu.memory_space<vmem_shared>> -> memref<10240x32xf32, #tpu.memory_space<vmem_shared>>
      tpu.enqueue_indirect_dma source(%dma_start3A_2654 : memref<80x32xf32, #tpu.memory_space<vmem>>) target(%dma_start3A_2658 : memref<10240x32xf32, #tpu.memory_space<vmem_shared>>) offsets(%dma_start3A_2655 : memref<80xi32, #tpu.memory_space<vmem>>) semaphore(%arg16 : memref<!tpu.dma_semaphore, #tpu.memory_space<semaphore_mem>>) {add = true}
      %add3A_2659 = arith.constant 5 : i32
      %add3A_2660 = arith.addi %mul3A_2035, %add3A_2659 : i32
      %mul3A_2661 = arith.constant 80 : i32
      %mul3A_2662 = arith.muli %add3A_2660, %mul3A_2661 : i32
      %dma_start3A_2663 = arith.constant 5 : i32
      %dma_start3A_2664 = arith.constant 0 : i32
      %dma_start3A_2665 = arith.constant 0 : i32
      %dma_start3A_2666 = tpu.memref_slice %arg8[%dma_start3A_2663, %dma_start3A_2664, %dma_start3A_2665] : memref<18x80x32xf32, #tpu.memory_space<vmem>> -> memref<1x80x32xf32, #tpu.memory_space<vmem>>
      %dma_start3A_2667 = tpu.memref_squeeze %dma_start3A_2666 : memref<1x80x32xf32, #tpu.memory_space<vmem>> -> memref<80x32xf32, #tpu.memory_space<vmem>>
      %dma_start3A_2668 = tpu.memref_slice %arg7[%mul3A_2662] : memref<10000xi32, #tpu.memory_space<vmem>> -> memref<80xi32, #tpu.memory_space<vmem>>
      %dma_start3A_2669 = arith.constant 0 : i32
      %dma_start3A_2670 = arith.constant 0 : i32
      %dma_start3A_2671 = tpu.memref_slice %arg13[%dma_start3A_2669, %dma_start3A_2670] : memref<10240x32xf32, #tpu.memory_space<vmem_shared>> -> memref<10240x32xf32, #tpu.memory_space<vmem_shared>>
      tpu.enqueue_indirect_dma source(%dma_start3A_2667 : memref<80x32xf32, #tpu.memory_space<vmem>>) target(%dma_start3A_2671 : memref<10240x32xf32, #tpu.memory_space<vmem_shared>>) offsets(%dma_start3A_2668 : memref<80xi32, #tpu.memory_space<vmem>>) semaphore(%arg16 : memref<!tpu.dma_semaphore, #tpu.memory_space<semaphore_mem>>) {add = true}
      %add3A_2672 = arith.constant 6 : i32
      %add3A_2673 = arith.addi %mul3A_2035, %add3A_2672 : i32
      %mul3A_2674 = arith.constant 80 : i32
      %mul3A_2675 = arith.muli %add3A_2673, %mul3A_2674 : i32
      %dma_start3A_2676 = arith.constant 6 : i32
      %dma_start3A_2677 = arith.constant 0 : i32
      %dma_start3A_2678 = arith.constant 0 : i32
      %dma_start3A_2679 = tpu.memref_slice %arg8[%dma_start3A_2676, %dma_start3A_2677, %dma_start3A_2678] : memref<18x80x32xf32, #tpu.memory_space<vmem>> -> memref<1x80x32xf32, #tpu.memory_space<vmem>>
      %dma_start3A_2680 = tpu.memref_squeeze %dma_start3A_2679 : memref<1x80x32xf32, #tpu.memory_space<vmem>> -> memref<80x32xf32, #tpu.memory_space<vmem>>
      %dma_start3A_2681 = tpu.memref_slice %arg7[%mul3A_2675] : memref<10000xi32, #tpu.memory_space<vmem>> -> memref<80xi32, #tpu.memory_space<vmem>>
      %dma_start3A_2682 = arith.constant 0 : i32
      %dma_start3A_2683 = arith.constant 0 : i32
      %dma_start3A_2684 = tpu.memref_slice %arg13[%dma_start3A_2682, %dma_start3A_2683] : memref<10240x32xf32, #tpu.memory_space<vmem_shared>> -> memref<10240x32xf32, #tpu.memory_space<vmem_shared>>
      tpu.enqueue_indirect_dma source(%dma_start3A_2680 : memref<80x32xf32, #tpu.memory_space<vmem>>) target(%dma_start3A_2684 : memref<10240x32xf32, #tpu.memory_space<vmem_shared>>) offsets(%dma_start3A_2681 : memref<80xi32, #tpu.memory_space<vmem>>) semaphore(%arg16 : memref<!tpu.dma_semaphore, #tpu.memory_space<semaphore_mem>>) {add = true}
      %add3A_2685 = arith.constant 7 : i32
      %add3A_2686 = arith.addi %mul3A_2035, %add3A_2685 : i32
      %mul3A_2687 = arith.constant 80 : i32
      %mul3A_2688 = arith.muli %add3A_2686, %mul3A_2687 : i32
      %dma_start3A_2689 = arith.constant 7 : i32
      %dma_start3A_2690 = arith.constant 0 : i32
      %dma_start3A_2691 = arith.constant 0 : i32
      %dma_start3A_2692 = tpu.memref_slice %arg8[%dma_start3A_2689, %dma_start3A_2690, %dma_start3A_2691] : memref<18x80x32xf32, #tpu.memory_space<vmem>> -> memref<1x80x32xf32, #tpu.memory_space<vmem>>
      %dma_start3A_2693 = tpu.memref_squeeze %dma_start3A_2692 : memref<1x80x32xf32, #tpu.memory_space<vmem>> -> memref<80x32xf32, #tpu.memory_space<vmem>>
      %dma_start3A_2694 = tpu.memref_slice %arg7[%mul3A_2688] : memref<10000xi32, #tpu.memory_space<vmem>> -> memref<80xi32, #tpu.memory_space<vmem>>
      %dma_start3A_2695 = arith.constant 0 : i32
      %dma_start3A_2696 = arith.constant 0 : i32
      %dma_start3A_2697 = tpu.memref_slice %arg13[%dma_start3A_2695, %dma_start3A_2696] : memref<10240x32xf32, #tpu.memory_space<vmem_shared>> -> memref<10240x32xf32, #tpu.memory_space<vmem_shared>>
      tpu.enqueue_indirect_dma source(%dma_start3A_2693 : memref<80x32xf32, #tpu.memory_space<vmem>>) target(%dma_start3A_2697 : memref<10240x32xf32, #tpu.memory_space<vmem_shared>>) offsets(%dma_start3A_2694 : memref<80xi32, #tpu.memory_space<vmem>>) semaphore(%arg16 : memref<!tpu.dma_semaphore, #tpu.memory_space<semaphore_mem>>) {add = true}
      %add3A_2698 = arith.constant 8 : i32
      %add3A_2699 = arith.addi %mul3A_2035, %add3A_2698 : i32
      %mul3A_2700 = arith.constant 80 : i32
      %mul3A_2701 = arith.muli %add3A_2699, %mul3A_2700 : i32
      %dma_start3A_2702 = arith.constant 8 : i32
      %dma_start3A_2703 = arith.constant 0 : i32
      %dma_start3A_2704 = arith.constant 0 : i32
      %dma_start3A_2705 = tpu.memref_slice %arg8[%dma_start3A_2702, %dma_start3A_2703, %dma_start3A_2704] : memref<18x80x32xf32, #tpu.memory_space<vmem>> -> memref<1x80x32xf32, #tpu.memory_space<vmem>>
      %dma_start3A_2706 = tpu.memref_squeeze %dma_start3A_2705 : memref<1x80x32xf32, #tpu.memory_space<vmem>> -> memref<80x32xf32, #tpu.memory_space<vmem>>
      %dma_start3A_2707 = tpu.memref_slice %arg7[%mul3A_2701] : memref<10000xi32, #tpu.memory_space<vmem>> -> memref<80xi32, #tpu.memory_space<vmem>>
      %dma_start3A_2708 = arith.constant 0 : i32
      %dma_start3A_2709 = arith.constant 0 : i32
      %dma_start3A_2710 = tpu.memref_slice %arg13[%dma_start3A_2708, %dma_start3A_2709] : memref<10240x32xf32, #tpu.memory_space<vmem_shared>> -> memref<10240x32xf32, #tpu.memory_space<vmem_shared>>
      tpu.enqueue_indirect_dma source(%dma_start3A_2706 : memref<80x32xf32, #tpu.memory_space<vmem>>) target(%dma_start3A_2710 : memref<10240x32xf32, #tpu.memory_space<vmem_shared>>) offsets(%dma_start3A_2707 : memref<80xi32, #tpu.memory_space<vmem>>) semaphore(%arg16 : memref<!tpu.dma_semaphore, #tpu.memory_space<semaphore_mem>>) {add = true}
      %add3A_2711 = arith.constant 9 : i32
      %add3A_2712 = arith.addi %mul3A_2035, %add3A_2711 : i32
      %mul3A_2713 = arith.constant 80 : i32
      %mul3A_2714 = arith.muli %add3A_2712, %mul3A_2713 : i32
      %dma_start3A_2715 = arith.constant 9 : i32
      %dma_start3A_2716 = arith.constant 0 : i32
      %dma_start3A_2717 = arith.constant 0 : i32
      %dma_start3A_2718 = tpu.memref_slice %arg8[%dma_start3A_2715, %dma_start3A_2716, %dma_start3A_2717] : memref<18x80x32xf32, #tpu.memory_space<vmem>> -> memref<1x80x32xf32, #tpu.memory_space<vmem>>
      %dma_start3A_2719 = tpu.memref_squeeze %dma_start3A_2718 : memref<1x80x32xf32, #tpu.memory_space<vmem>> -> memref<80x32xf32, #tpu.memory_space<vmem>>
      %dma_start3A_2720 = tpu.memref_slice %arg7[%mul3A_2714] : memref<10000xi32, #tpu.memory_space<vmem>> -> memref<80xi32, #tpu.memory_space<vmem>>
      %dma_start3A_2721 = arith.constant 0 : i32
      %dma_start3A_2722 = arith.constant 0 : i32
      %dma_start3A_2723 = tpu.memref_slice %arg13[%dma_start3A_2721, %dma_start3A_2722] : memref<10240x32xf32, #tpu.memory_space<vmem_shared>> -> memref<10240x32xf32, #tpu.memory_space<vmem_shared>>
      tpu.enqueue_indirect_dma source(%dma_start3A_2719 : memref<80x32xf32, #tpu.memory_space<vmem>>) target(%dma_start3A_2723 : memref<10240x32xf32, #tpu.memory_space<vmem_shared>>) offsets(%dma_start3A_2720 : memref<80xi32, #tpu.memory_space<vmem>>) semaphore(%arg16 : memref<!tpu.dma_semaphore, #tpu.memory_space<semaphore_mem>>) {add = true}
      %add3A_2724 = arith.constant 10 : i32
      %add3A_2725 = arith.addi %mul3A_2035, %add3A_2724 : i32
      %mul3A_2726 = arith.constant 80 : i32
      %mul3A_2727 = arith.muli %add3A_2725, %mul3A_2726 : i32
      %dma_start3A_2728 = arith.constant 10 : i32
      %dma_start3A_2729 = arith.constant 0 : i32
      %dma_start3A_2730 = arith.constant 0 : i32
      %dma_start3A_2731 = tpu.memref_slice %arg8[%dma_start3A_2728, %dma_start3A_2729, %dma_start3A_2730] : memref<18x80x32xf32, #tpu.memory_space<vmem>> -> memref<1x80x32xf32, #tpu.memory_space<vmem>>
      %dma_start3A_2732 = tpu.memref_squeeze %dma_start3A_2731 : memref<1x80x32xf32, #tpu.memory_space<vmem>> -> memref<80x32xf32, #tpu.memory_space<vmem>>
      %dma_start3A_2733 = tpu.memref_slice %arg7[%mul3A_2727] : memref<10000xi32, #tpu.memory_space<vmem>> -> memref<80xi32, #tpu.memory_space<vmem>>
      %dma_start3A_2734 = arith.constant 0 : i32
      %dma_start3A_2735 = arith.constant 0 : i32
      %dma_start3A_2736 = tpu.memref_slice %arg13[%dma_start3A_2734, %dma_start3A_2735] : memref<10240x32xf32, #tpu.memory_space<vmem_shared>> -> memref<10240x32xf32, #tpu.memory_space<vmem_shared>>
      tpu.enqueue_indirect_dma source(%dma_start3A_2732 : memref<80x32xf32, #tpu.memory_space<vmem>>) target(%dma_start3A_2736 : memref<10240x32xf32, #tpu.memory_space<vmem_shared>>) offsets(%dma_start3A_2733 : memref<80xi32, #tpu.memory_space<vmem>>) semaphore(%arg16 : memref<!tpu.dma_semaphore, #tpu.memory_space<semaphore_mem>>) {add = true}
      %add3A_2737 = arith.constant 11 : i32
      %add3A_2738 = arith.addi %mul3A_2035, %add3A_2737 : i32
      %mul3A_2739 = arith.constant 80 : i32
      %mul3A_2740 = arith.muli %add3A_2738, %mul3A_2739 : i32
      %dma_start3A_2741 = arith.constant 11 : i32
      %dma_start3A_2742 = arith.constant 0 : i32
      %dma_start3A_2743 = arith.constant 0 : i32
      %dma_start3A_2744 = tpu.memref_slice %arg8[%dma_start3A_2741, %dma_start3A_2742, %dma_start3A_2743] : memref<18x80x32xf32, #tpu.memory_space<vmem>> -> memref<1x80x32xf32, #tpu.memory_space<vmem>>
      %dma_start3A_2745 = tpu.memref_squeeze %dma_start3A_2744 : memref<1x80x32xf32, #tpu.memory_space<vmem>> -> memref<80x32xf32, #tpu.memory_space<vmem>>
      %dma_start3A_2746 = tpu.memref_slice %arg7[%mul3A_2740] : memref<10000xi32, #tpu.memory_space<vmem>> -> memref<80xi32, #tpu.memory_space<vmem>>
      %dma_start3A_2747 = arith.constant 0 : i32
      %dma_start3A_2748 = arith.constant 0 : i32
      %dma_start3A_2749 = tpu.memref_slice %arg13[%dma_start3A_2747, %dma_start3A_2748] : memref<10240x32xf32, #tpu.memory_space<vmem_shared>> -> memref<10240x32xf32, #tpu.memory_space<vmem_shared>>
      tpu.enqueue_indirect_dma source(%dma_start3A_2745 : memref<80x32xf32, #tpu.memory_space<vmem>>) target(%dma_start3A_2749 : memref<10240x32xf32, #tpu.memory_space<vmem_shared>>) offsets(%dma_start3A_2746 : memref<80xi32, #tpu.memory_space<vmem>>) semaphore(%arg16 : memref<!tpu.dma_semaphore, #tpu.memory_space<semaphore_mem>>) {add = true}
      %add3A_2750 = arith.constant 12 : i32
      %add3A_2751 = arith.addi %mul3A_2035, %add3A_2750 : i32
      %mul3A_2752 = arith.constant 80 : i32
      %mul3A_2753 = arith.muli %add3A_2751, %mul3A_2752 : i32
      %dma_start3A_2754 = arith.constant 12 : i32
      %dma_start3A_2755 = arith.constant 0 : i32
      %dma_start3A_2756 = arith.constant 0 : i32
      %dma_start3A_2757 = tpu.memref_slice %arg8[%dma_start3A_2754, %dma_start3A_2755, %dma_start3A_2756] : memref<18x80x32xf32, #tpu.memory_space<vmem>> -> memref<1x80x32xf32, #tpu.memory_space<vmem>>
      %dma_start3A_2758 = tpu.memref_squeeze %dma_start3A_2757 : memref<1x80x32xf32, #tpu.memory_space<vmem>> -> memref<80x32xf32, #tpu.memory_space<vmem>>
      %dma_start3A_2759 = tpu.memref_slice %arg7[%mul3A_2753] : memref<10000xi32, #tpu.memory_space<vmem>> -> memref<80xi32, #tpu.memory_space<vmem>>
      %dma_start3A_2760 = arith.constant 0 : i32
      %dma_start3A_2761 = arith.constant 0 : i32
      %dma_start3A_2762 = tpu.memref_slice %arg13[%dma_start3A_2760, %dma_start3A_2761] : memref<10240x32xf32, #tpu.memory_space<vmem_shared>> -> memref<10240x32xf32, #tpu.memory_space<vmem_shared>>
      tpu.enqueue_indirect_dma source(%dma_start3A_2758 : memref<80x32xf32, #tpu.memory_space<vmem>>) target(%dma_start3A_2762 : memref<10240x32xf32, #tpu.memory_space<vmem_shared>>) offsets(%dma_start3A_2759 : memref<80xi32, #tpu.memory_space<vmem>>) semaphore(%arg16 : memref<!tpu.dma_semaphore, #tpu.memory_space<semaphore_mem>>) {add = true}
      %add3A_2763 = arith.constant 13 : i32
      %add3A_2764 = arith.addi %mul3A_2035, %add3A_2763 : i32
      %mul3A_2765 = arith.constant 80 : i32
      %mul3A_2766 = arith.muli %add3A_2764, %mul3A_2765 : i32
      %dma_start3A_2767 = arith.constant 13 : i32
      %dma_start3A_2768 = arith.constant 0 : i32
      %dma_start3A_2769 = arith.constant 0 : i32
      %dma_start3A_2770 = tpu.memref_slice %arg8[%dma_start3A_2767, %dma_start3A_2768, %dma_start3A_2769] : memref<18x80x32xf32, #tpu.memory_space<vmem>> -> memref<1x80x32xf32, #tpu.memory_space<vmem>>
      %dma_start3A_2771 = tpu.memref_squeeze %dma_start3A_2770 : memref<1x80x32xf32, #tpu.memory_space<vmem>> -> memref<80x32xf32, #tpu.memory_space<vmem>>
      %dma_start3A_2772 = tpu.memref_slice %arg7[%mul3A_2766] : memref<10000xi32, #tpu.memory_space<vmem>> -> memref<80xi32, #tpu.memory_space<vmem>>
      %dma_start3A_2773 = arith.constant 0 : i32
      %dma_start3A_2774 = arith.constant 0 : i32
      %dma_start3A_2775 = tpu.memref_slice %arg13[%dma_start3A_2773, %dma_start3A_2774] : memref<10240x32xf32, #tpu.memory_space<vmem_shared>> -> memref<10240x32xf32, #tpu.memory_space<vmem_shared>>
      tpu.enqueue_indirect_dma source(%dma_start3A_2771 : memref<80x32xf32, #tpu.memory_space<vmem>>) target(%dma_start3A_2775 : memref<10240x32xf32, #tpu.memory_space<vmem_shared>>) offsets(%dma_start3A_2772 : memref<80xi32, #tpu.memory_space<vmem>>) semaphore(%arg16 : memref<!tpu.dma_semaphore, #tpu.memory_space<semaphore_mem>>) {add = true}
      %add3A_2776 = arith.constant 14 : i32
      %add3A_2777 = arith.addi %mul3A_2035, %add3A_2776 : i32
      %mul3A_2778 = arith.constant 80 : i32
      %mul3A_2779 = arith.muli %add3A_2777, %mul3A_2778 : i32
      %dma_start3A_2780 = arith.constant 14 : i32
      %dma_start3A_2781 = arith.constant 0 : i32
      %dma_start3A_2782 = arith.constant 0 : i32
      %dma_start3A_2783 = tpu.memref_slice %arg8[%dma_start3A_2780, %dma_start3A_2781, %dma_start3A_2782] : memref<18x80x32xf32, #tpu.memory_space<vmem>> -> memref<1x80x32xf32, #tpu.memory_space<vmem>>
      %dma_start3A_2784 = tpu.memref_squeeze %dma_start3A_2783 : memref<1x80x32xf32, #tpu.memory_space<vmem>> -> memref<80x32xf32, #tpu.memory_space<vmem>>
      %dma_start3A_2785 = tpu.memref_slice %arg7[%mul3A_2779] : memref<10000xi32, #tpu.memory_space<vmem>> -> memref<80xi32, #tpu.memory_space<vmem>>
      %dma_start3A_2786 = arith.constant 0 : i32
      %dma_start3A_2787 = arith.constant 0 : i32
      %dma_start3A_2788 = tpu.memref_slice %arg13[%dma_start3A_2786, %dma_start3A_2787] : memref<10240x32xf32, #tpu.memory_space<vmem_shared>> -> memref<10240x32xf32, #tpu.memory_space<vmem_shared>>
      tpu.enqueue_indirect_dma source(%dma_start3A_2784 : memref<80x32xf32, #tpu.memory_space<vmem>>) target(%dma_start3A_2788 : memref<10240x32xf32, #tpu.memory_space<vmem_shared>>) offsets(%dma_start3A_2785 : memref<80xi32, #tpu.memory_space<vmem>>) semaphore(%arg16 : memref<!tpu.dma_semaphore, #tpu.memory_space<semaphore_mem>>) {add = true}
      %add3A_2789 = arith.constant 15 : i32
      %add3A_2790 = arith.addi %mul3A_2035, %add3A_2789 : i32
      %mul3A_2791 = arith.constant 80 : i32
      %mul3A_2792 = arith.muli %add3A_2790, %mul3A_2791 : i32
      %dma_start3A_2793 = arith.constant 15 : i32
      %dma_start3A_2794 = arith.constant 0 : i32
      %dma_start3A_2795 = arith.constant 0 : i32
      %dma_start3A_2796 = tpu.memref_slice %arg8[%dma_start3A_2793, %dma_start3A_2794, %dma_start3A_2795] : memref<18x80x32xf32, #tpu.memory_space<vmem>> -> memref<1x80x32xf32, #tpu.memory_space<vmem>>
      %dma_start3A_2797 = tpu.memref_squeeze %dma_start3A_2796 : memref<1x80x32xf32, #tpu.memory_space<vmem>> -> memref<80x32xf32, #tpu.memory_space<vmem>>
      %dma_start3A_2798 = tpu.memref_slice %arg7[%mul3A_2792] : memref<10000xi32, #tpu.memory_space<vmem>> -> memref<80xi32, #tpu.memory_space<vmem>>
      %dma_start3A_2799 = arith.constant 0 : i32
      %dma_start3A_2800 = arith.constant 0 : i32
      %dma_start3A_2801 = tpu.memref_slice %arg13[%dma_start3A_2799, %dma_start3A_2800] : memref<10240x32xf32, #tpu.memory_space<vmem_shared>> -> memref<10240x32xf32, #tpu.memory_space<vmem_shared>>
      tpu.enqueue_indirect_dma source(%dma_start3A_2797 : memref<80x32xf32, #tpu.memory_space<vmem>>) target(%dma_start3A_2801 : memref<10240x32xf32, #tpu.memory_space<vmem_shared>>) offsets(%dma_start3A_2798 : memref<80xi32, #tpu.memory_space<vmem>>) semaphore(%arg16 : memref<!tpu.dma_semaphore, #tpu.memory_space<semaphore_mem>>) {add = true}
      %add3A_2802 = arith.constant 16 : i32
      %add3A_2803 = arith.addi %mul3A_2035, %add3A_2802 : i32
      %mul3A_2804 = arith.constant 80 : i32
      %mul3A_2805 = arith.muli %add3A_2803, %mul3A_2804 : i32
      %dma_start3A_2806 = arith.constant 16 : i32
      %dma_start3A_2807 = arith.constant 0 : i32
      %dma_start3A_2808 = arith.constant 0 : i32
      %dma_start3A_2809 = tpu.memref_slice %arg8[%dma_start3A_2806, %dma_start3A_2807, %dma_start3A_2808] : memref<18x80x32xf32, #tpu.memory_space<vmem>> -> memref<1x80x32xf32, #tpu.memory_space<vmem>>
      %dma_start3A_2810 = tpu.memref_squeeze %dma_start3A_2809 : memref<1x80x32xf32, #tpu.memory_space<vmem>> -> memref<80x32xf32, #tpu.memory_space<vmem>>
      %dma_start3A_2811 = tpu.memref_slice %arg7[%mul3A_2805] : memref<10000xi32, #tpu.memory_space<vmem>> -> memref<80xi32, #tpu.memory_space<vmem>>
      %dma_start3A_2812 = arith.constant 0 : i32
      %dma_start3A_2813 = arith.constant 0 : i32
      %dma_start3A_2814 = tpu.memref_slice %arg13[%dma_start3A_2812, %dma_start3A_2813] : memref<10240x32xf32, #tpu.memory_space<vmem_shared>> -> memref<10240x32xf32, #tpu.memory_space<vmem_shared>>
      tpu.enqueue_indirect_dma source(%dma_start3A_2810 : memref<80x32xf32, #tpu.memory_space<vmem>>) target(%dma_start3A_2814 : memref<10240x32xf32, #tpu.memory_space<vmem_shared>>) offsets(%dma_start3A_2811 : memref<80xi32, #tpu.memory_space<vmem>>) semaphore(%arg16 : memref<!tpu.dma_semaphore, #tpu.memory_space<semaphore_mem>>) {add = true}
      %add3A_2815 = arith.constant 17 : i32
      %add3A_2816 = arith.addi %mul3A_2035, %add3A_2815 : i32
      %mul3A_2817 = arith.constant 80 : i32
      %mul3A_2818 = arith.muli %add3A_2816, %mul3A_2817 : i32
      %dma_start3A_2819 = arith.constant 17 : i32
      %dma_start3A_2820 = arith.constant 0 : i32
      %dma_start3A_2821 = arith.constant 0 : i32
      %dma_start3A_2822 = tpu.memref_slice %arg8[%dma_start3A_2819, %dma_start3A_2820, %dma_start3A_2821] : memref<18x80x32xf32, #tpu.memory_space<vmem>> -> memref<1x80x32xf32, #tpu.memory_space<vmem>>
      %dma_start3A_2823 = tpu.memref_squeeze %dma_start3A_2822 : memref<1x80x32xf32, #tpu.memory_space<vmem>> -> memref<80x32xf32, #tpu.memory_space<vmem>>
      %dma_start3A_2824 = tpu.memref_slice %arg7[%mul3A_2818] : memref<10000xi32, #tpu.memory_space<vmem>> -> memref<80xi32, #tpu.memory_space<vmem>>
      %dma_start3A_2825 = arith.constant 0 : i32
      %dma_start3A_2826 = arith.constant 0 : i32
      %dma_start3A_2827 = tpu.memref_slice %arg13[%dma_start3A_2825, %dma_start3A_2826] : memref<10240x32xf32, #tpu.memory_space<vmem_shared>> -> memref<10240x32xf32, #tpu.memory_space<vmem_shared>>
      tpu.enqueue_indirect_dma source(%dma_start3A_2823 : memref<80x32xf32, #tpu.memory_space<vmem>>) target(%dma_start3A_2827 : memref<10240x32xf32, #tpu.memory_space<vmem_shared>>) offsets(%dma_start3A_2824 : memref<80xi32, #tpu.memory_space<vmem>>) semaphore(%arg16 : memref<!tpu.dma_semaphore, #tpu.memory_space<semaphore_mem>>) {add = true}
      %dma_wait3A_2828 = arith.constant 0 : i32
      %dma_wait3A_2829 = arith.constant 0 : i32
      %dma_wait3A_2830 = arith.constant 0 : i32
      %dma_wait3A_2831 = tpu.memref_slice %arg8[%dma_wait3A_2828, %dma_wait3A_2829, %dma_wait3A_2830] : memref<18x80x32xf32, #tpu.memory_space<vmem>> -> memref<1x80x32xf32, #tpu.memory_space<vmem>>
      %dma_wait3A_2832 = tpu.memref_squeeze %dma_wait3A_2831 : memref<1x80x32xf32, #tpu.memory_space<vmem>> -> memref<80x32xf32, #tpu.memory_space<vmem>>
      %dma_wait3A_2833 = tpu.memref_slice %arg7[%mul3A_2597] : memref<10000xi32, #tpu.memory_space<vmem>> -> memref<80xi32, #tpu.memory_space<vmem>>
      %dma_wait3A_2834 = arith.constant 0 : i32
      %dma_wait3A_2835 = arith.constant 0 : i32
      %dma_wait3A_2836 = tpu.memref_slice %arg13[%dma_wait3A_2834, %dma_wait3A_2835] : memref<10240x32xf32, #tpu.memory_space<vmem_shared>> -> memref<10240x32xf32, #tpu.memory_space<vmem_shared>>
      tpu.wait_indirect_dma semaphore(%arg16 : memref<!tpu.dma_semaphore, #tpu.memory_space<semaphore_mem>>) src(%dma_wait3A_2832 : memref<80x32xf32, #tpu.memory_space<vmem>>) dst(%dma_wait3A_2836 : memref<10240x32xf32, #tpu.memory_space<vmem_shared>>)
      %dma_wait3A_2837 = arith.constant 1 : i32
      %dma_wait3A_2838 = arith.constant 0 : i32
      %dma_wait3A_2839 = arith.constant 0 : i32
      %dma_wait3A_2840 = tpu.memref_slice %arg8[%dma_wait3A_2837, %dma_wait3A_2838, %dma_wait3A_2839] : memref<18x80x32xf32, #tpu.memory_space<vmem>> -> memref<1x80x32xf32, #tpu.memory_space<vmem>>
      %dma_wait3A_2841 = tpu.memref_squeeze %dma_wait3A_2840 : memref<1x80x32xf32, #tpu.memory_space<vmem>> -> memref<80x32xf32, #tpu.memory_space<vmem>>
      %dma_wait3A_2842 = tpu.memref_slice %arg7[%mul3A_2610] : memref<10000xi32, #tpu.memory_space<vmem>> -> memref<80xi32, #tpu.memory_space<vmem>>
      %dma_wait3A_2843 = arith.constant 0 : i32
      %dma_wait3A_2844 = arith.constant 0 : i32
      %dma_wait3A_2845 = tpu.memref_slice %arg13[%dma_wait3A_2843, %dma_wait3A_2844] : memref<10240x32xf32, #tpu.memory_space<vmem_shared>> -> memref<10240x32xf32, #tpu.memory_space<vmem_shared>>
      tpu.wait_indirect_dma semaphore(%arg16 : memref<!tpu.dma_semaphore, #tpu.memory_space<semaphore_mem>>) src(%dma_wait3A_2841 : memref<80x32xf32, #tpu.memory_space<vmem>>) dst(%dma_wait3A_2845 : memref<10240x32xf32, #tpu.memory_space<vmem_shared>>)
      %dma_wait3A_2846 = arith.constant 2 : i32
      %dma_wait3A_2847 = arith.constant 0 : i32
      %dma_wait3A_2848 = arith.constant 0 : i32
      %dma_wait3A_2849 = tpu.memref_slice %arg8[%dma_wait3A_2846, %dma_wait3A_2847, %dma_wait3A_2848] : memref<18x80x32xf32, #tpu.memory_space<vmem>> -> memref<1x80x32xf32, #tpu.memory_space<vmem>>
      %dma_wait3A_2850 = tpu.memref_squeeze %dma_wait3A_2849 : memref<1x80x32xf32, #tpu.memory_space<vmem>> -> memref<80x32xf32, #tpu.memory_space<vmem>>
      %dma_wait3A_2851 = tpu.memref_slice %arg7[%mul3A_2623] : memref<10000xi32, #tpu.memory_space<vmem>> -> memref<80xi32, #tpu.memory_space<vmem>>
      %dma_wait3A_2852 = arith.constant 0 : i32
      %dma_wait3A_2853 = arith.constant 0 : i32
      %dma_wait3A_2854 = tpu.memref_slice %arg13[%dma_wait3A_2852, %dma_wait3A_2853] : memref<10240x32xf32, #tpu.memory_space<vmem_shared>> -> memref<10240x32xf32, #tpu.memory_space<vmem_shared>>
      tpu.wait_indirect_dma semaphore(%arg16 : memref<!tpu.dma_semaphore, #tpu.memory_space<semaphore_mem>>) src(%dma_wait3A_2850 : memref<80x32xf32, #tpu.memory_space<vmem>>) dst(%dma_wait3A_2854 : memref<10240x32xf32, #tpu.memory_space<vmem_shared>>)
      %dma_wait3A_2855 = arith.constant 3 : i32
      %dma_wait3A_2856 = arith.constant 0 : i32
      %dma_wait3A_2857 = arith.constant 0 : i32
      %dma_wait3A_2858 = tpu.memref_slice %arg8[%dma_wait3A_2855, %dma_wait3A_2856, %dma_wait3A_2857] : memref<18x80x32xf32, #tpu.memory_space<vmem>> -> memref<1x80x32xf32, #tpu.memory_space<vmem>>
      %dma_wait3A_2859 = tpu.memref_squeeze %dma_wait3A_2858 : memref<1x80x32xf32, #tpu.memory_space<vmem>> -> memref<80x32xf32, #tpu.memory_space<vmem>>
      %dma_wait3A_2860 = tpu.memref_slice %arg7[%mul3A_2636] : memref<10000xi32, #tpu.memory_space<vmem>> -> memref<80xi32, #tpu.memory_space<vmem>>
      %dma_wait3A_2861 = arith.constant 0 : i32
      %dma_wait3A_2862 = arith.constant 0 : i32
      %dma_wait3A_2863 = tpu.memref_slice %arg13[%dma_wait3A_2861, %dma_wait3A_2862] : memref<10240x32xf32, #tpu.memory_space<vmem_shared>> -> memref<10240x32xf32, #tpu.memory_space<vmem_shared>>
      tpu.wait_indirect_dma semaphore(%arg16 : memref<!tpu.dma_semaphore, #tpu.memory_space<semaphore_mem>>) src(%dma_wait3A_2859 : memref<80x32xf32, #tpu.memory_space<vmem>>) dst(%dma_wait3A_2863 : memref<10240x32xf32, #tpu.memory_space<vmem_shared>>)
      %dma_wait3A_2864 = arith.constant 4 : i32
      %dma_wait3A_2865 = arith.constant 0 : i32
      %dma_wait3A_2866 = arith.constant 0 : i32
      %dma_wait3A_2867 = tpu.memref_slice %arg8[%dma_wait3A_2864, %dma_wait3A_2865, %dma_wait3A_2866] : memref<18x80x32xf32, #tpu.memory_space<vmem>> -> memref<1x80x32xf32, #tpu.memory_space<vmem>>
      %dma_wait3A_2868 = tpu.memref_squeeze %dma_wait3A_2867 : memref<1x80x32xf32, #tpu.memory_space<vmem>> -> memref<80x32xf32, #tpu.memory_space<vmem>>
      %dma_wait3A_2869 = tpu.memref_slice %arg7[%mul3A_2649] : memref<10000xi32, #tpu.memory_space<vmem>> -> memref<80xi32, #tpu.memory_space<vmem>>
      %dma_wait3A_2870 = arith.constant 0 : i32
      %dma_wait3A_2871 = arith.constant 0 : i32
      %dma_wait3A_2872 = tpu.memref_slice %arg13[%dma_wait3A_2870, %dma_wait3A_2871] : memref<10240x32xf32, #tpu.memory_space<vmem_shared>> -> memref<10240x32xf32, #tpu.memory_space<vmem_shared>>
      tpu.wait_indirect_dma semaphore(%arg16 : memref<!tpu.dma_semaphore, #tpu.memory_space<semaphore_mem>>) src(%dma_wait3A_2868 : memref<80x32xf32, #tpu.memory_space<vmem>>) dst(%dma_wait3A_2872 : memref<10240x32xf32, #tpu.memory_space<vmem_shared>>)
      %dma_wait3A_2873 = arith.constant 5 : i32
      %dma_wait3A_2874 = arith.constant 0 : i32
      %dma_wait3A_2875 = arith.constant 0 : i32
      %dma_wait3A_2876 = tpu.memref_slice %arg8[%dma_wait3A_2873, %dma_wait3A_2874, %dma_wait3A_2875] : memref<18x80x32xf32, #tpu.memory_space<vmem>> -> memref<1x80x32xf32, #tpu.memory_space<vmem>>
      %dma_wait3A_2877 = tpu.memref_squeeze %dma_wait3A_2876 : memref<1x80x32xf32, #tpu.memory_space<vmem>> -> memref<80x32xf32, #tpu.memory_space<vmem>>
      %dma_wait3A_2878 = tpu.memref_slice %arg7[%mul3A_2662] : memref<10000xi32, #tpu.memory_space<vmem>> -> memref<80xi32, #tpu.memory_space<vmem>>
      %dma_wait3A_2879 = arith.constant 0 : i32
      %dma_wait3A_2880 = arith.constant 0 : i32
      %dma_wait3A_2881 = tpu.memref_slice %arg13[%dma_wait3A_2879, %dma_wait3A_2880] : memref<10240x32xf32, #tpu.memory_space<vmem_shared>> -> memref<10240x32xf32, #tpu.memory_space<vmem_shared>>
      tpu.wait_indirect_dma semaphore(%arg16 : memref<!tpu.dma_semaphore, #tpu.memory_space<semaphore_mem>>) src(%dma_wait3A_2877 : memref<80x32xf32, #tpu.memory_space<vmem>>) dst(%dma_wait3A_2881 : memref<10240x32xf32, #tpu.memory_space<vmem_shared>>)
      %dma_wait3A_2882 = arith.constant 6 : i32
      %dma_wait3A_2883 = arith.constant 0 : i32
      %dma_wait3A_2884 = arith.constant 0 : i32
      %dma_wait3A_2885 = tpu.memref_slice %arg8[%dma_wait3A_2882, %dma_wait3A_2883, %dma_wait3A_2884] : memref<18x80x32xf32, #tpu.memory_space<vmem>> -> memref<1x80x32xf32, #tpu.memory_space<vmem>>
      %dma_wait3A_2886 = tpu.memref_squeeze %dma_wait3A_2885 : memref<1x80x32xf32, #tpu.memory_space<vmem>> -> memref<80x32xf32, #tpu.memory_space<vmem>>
      %dma_wait3A_2887 = tpu.memref_slice %arg7[%mul3A_2675] : memref<10000xi32, #tpu.memory_space<vmem>> -> memref<80xi32, #tpu.memory_space<vmem>>
      %dma_wait3A_2888 = arith.constant 0 : i32
      %dma_wait3A_2889 = arith.constant 0 : i32
      %dma_wait3A_2890 = tpu.memref_slice %arg13[%dma_wait3A_2888, %dma_wait3A_2889] : memref<10240x32xf32, #tpu.memory_space<vmem_shared>> -> memref<10240x32xf32, #tpu.memory_space<vmem_shared>>
      tpu.wait_indirect_dma semaphore(%arg16 : memref<!tpu.dma_semaphore, #tpu.memory_space<semaphore_mem>>) src(%dma_wait3A_2886 : memref<80x32xf32, #tpu.memory_space<vmem>>) dst(%dma_wait3A_2890 : memref<10240x32xf32, #tpu.memory_space<vmem_shared>>)
      %dma_wait3A_2891 = arith.constant 7 : i32
      %dma_wait3A_2892 = arith.constant 0 : i32
      %dma_wait3A_2893 = arith.constant 0 : i32
      %dma_wait3A_2894 = tpu.memref_slice %arg8[%dma_wait3A_2891, %dma_wait3A_2892, %dma_wait3A_2893] : memref<18x80x32xf32, #tpu.memory_space<vmem>> -> memref<1x80x32xf32, #tpu.memory_space<vmem>>
      %dma_wait3A_2895 = tpu.memref_squeeze %dma_wait3A_2894 : memref<1x80x32xf32, #tpu.memory_space<vmem>> -> memref<80x32xf32, #tpu.memory_space<vmem>>
      %dma_wait3A_2896 = tpu.memref_slice %arg7[%mul3A_2688] : memref<10000xi32, #tpu.memory_space<vmem>> -> memref<80xi32, #tpu.memory_space<vmem>>
      %dma_wait3A_2897 = arith.constant 0 : i32
      %dma_wait3A_2898 = arith.constant 0 : i32
      %dma_wait3A_2899 = tpu.memref_slice %arg13[%dma_wait3A_2897, %dma_wait3A_2898] : memref<10240x32xf32, #tpu.memory_space<vmem_shared>> -> memref<10240x32xf32, #tpu.memory_space<vmem_shared>>
      tpu.wait_indirect_dma semaphore(%arg16 : memref<!tpu.dma_semaphore, #tpu.memory_space<semaphore_mem>>) src(%dma_wait3A_2895 : memref<80x32xf32, #tpu.memory_space<vmem>>) dst(%dma_wait3A_2899 : memref<10240x32xf32, #tpu.memory_space<vmem_shared>>)
      %dma_wait3A_2900 = arith.constant 8 : i32
      %dma_wait3A_2901 = arith.constant 0 : i32
      %dma_wait3A_2902 = arith.constant 0 : i32
      %dma_wait3A_2903 = tpu.memref_slice %arg8[%dma_wait3A_2900, %dma_wait3A_2901, %dma_wait3A_2902] : memref<18x80x32xf32, #tpu.memory_space<vmem>> -> memref<1x80x32xf32, #tpu.memory_space<vmem>>
      %dma_wait3A_2904 = tpu.memref_squeeze %dma_wait3A_2903 : memref<1x80x32xf32, #tpu.memory_space<vmem>> -> memref<80x32xf32, #tpu.memory_space<vmem>>
      %dma_wait3A_2905 = tpu.memref_slice %arg7[%mul3A_2701] : memref<10000xi32, #tpu.memory_space<vmem>> -> memref<80xi32, #tpu.memory_space<vmem>>
      %dma_wait3A_2906 = arith.constant 0 : i32
      %dma_wait3A_2907 = arith.constant 0 : i32
      %dma_wait3A_2908 = tpu.memref_slice %arg13[%dma_wait3A_2906, %dma_wait3A_2907] : memref<10240x32xf32, #tpu.memory_space<vmem_shared>> -> memref<10240x32xf32, #tpu.memory_space<vmem_shared>>
      tpu.wait_indirect_dma semaphore(%arg16 : memref<!tpu.dma_semaphore, #tpu.memory_space<semaphore_mem>>) src(%dma_wait3A_2904 : memref<80x32xf32, #tpu.memory_space<vmem>>) dst(%dma_wait3A_2908 : memref<10240x32xf32, #tpu.memory_space<vmem_shared>>)
      %dma_wait3A_2909 = arith.constant 9 : i32
      %dma_wait3A_2910 = arith.constant 0 : i32
      %dma_wait3A_2911 = arith.constant 0 : i32
      %dma_wait3A_2912 = tpu.memref_slice %arg8[%dma_wait3A_2909, %dma_wait3A_2910, %dma_wait3A_2911] : memref<18x80x32xf32, #tpu.memory_space<vmem>> -> memref<1x80x32xf32, #tpu.memory_space<vmem>>
      %dma_wait3A_2913 = tpu.memref_squeeze %dma_wait3A_2912 : memref<1x80x32xf32, #tpu.memory_space<vmem>> -> memref<80x32xf32, #tpu.memory_space<vmem>>
      %dma_wait3A_2914 = tpu.memref_slice %arg7[%mul3A_2714] : memref<10000xi32, #tpu.memory_space<vmem>> -> memref<80xi32, #tpu.memory_space<vmem>>
      %dma_wait3A_2915 = arith.constant 0 : i32
      %dma_wait3A_2916 = arith.constant 0 : i32
      %dma_wait3A_2917 = tpu.memref_slice %arg13[%dma_wait3A_2915, %dma_wait3A_2916] : memref<10240x32xf32, #tpu.memory_space<vmem_shared>> -> memref<10240x32xf32, #tpu.memory_space<vmem_shared>>
      tpu.wait_indirect_dma semaphore(%arg16 : memref<!tpu.dma_semaphore, #tpu.memory_space<semaphore_mem>>) src(%dma_wait3A_2913 : memref<80x32xf32, #tpu.memory_space<vmem>>) dst(%dma_wait3A_2917 : memref<10240x32xf32, #tpu.memory_space<vmem_shared>>)
      %dma_wait3A_2918 = arith.constant 10 : i32
      %dma_wait3A_2919 = arith.constant 0 : i32
      %dma_wait3A_2920 = arith.constant 0 : i32
      %dma_wait3A_2921 = tpu.memref_slice %arg8[%dma_wait3A_2918, %dma_wait3A_2919, %dma_wait3A_2920] : memref<18x80x32xf32, #tpu.memory_space<vmem>> -> memref<1x80x32xf32, #tpu.memory_space<vmem>>
      %dma_wait3A_2922 = tpu.memref_squeeze %dma_wait3A_2921 : memref<1x80x32xf32, #tpu.memory_space<vmem>> -> memref<80x32xf32, #tpu.memory_space<vmem>>
      %dma_wait3A_2923 = tpu.memref_slice %arg7[%mul3A_2727] : memref<10000xi32, #tpu.memory_space<vmem>> -> memref<80xi32, #tpu.memory_space<vmem>>
      %dma_wait3A_2924 = arith.constant 0 : i32
      %dma_wait3A_2925 = arith.constant 0 : i32
      %dma_wait3A_2926 = tpu.memref_slice %arg13[%dma_wait3A_2924, %dma_wait3A_2925] : memref<10240x32xf32, #tpu.memory_space<vmem_shared>> -> memref<10240x32xf32, #tpu.memory_space<vmem_shared>>
      tpu.wait_indirect_dma semaphore(%arg16 : memref<!tpu.dma_semaphore, #tpu.memory_space<semaphore_mem>>) src(%dma_wait3A_2922 : memref<80x32xf32, #tpu.memory_space<vmem>>) dst(%dma_wait3A_2926 : memref<10240x32xf32, #tpu.memory_space<vmem_shared>>)
      %dma_wait3A_2927 = arith.constant 11 : i32
      %dma_wait3A_2928 = arith.constant 0 : i32
      %dma_wait3A_2929 = arith.constant 0 : i32
      %dma_wait3A_2930 = tpu.memref_slice %arg8[%dma_wait3A_2927, %dma_wait3A_2928, %dma_wait3A_2929] : memref<18x80x32xf32, #tpu.memory_space<vmem>> -> memref<1x80x32xf32, #tpu.memory_space<vmem>>
      %dma_wait3A_2931 = tpu.memref_squeeze %dma_wait3A_2930 : memref<1x80x32xf32, #tpu.memory_space<vmem>> -> memref<80x32xf32, #tpu.memory_space<vmem>>
      %dma_wait3A_2932 = tpu.memref_slice %arg7[%mul3A_2740] : memref<10000xi32, #tpu.memory_space<vmem>> -> memref<80xi32, #tpu.memory_space<vmem>>
      %dma_wait3A_2933 = arith.constant 0 : i32
      %dma_wait3A_2934 = arith.constant 0 : i32
      %dma_wait3A_2935 = tpu.memref_slice %arg13[%dma_wait3A_2933, %dma_wait3A_2934] : memref<10240x32xf32, #tpu.memory_space<vmem_shared>> -> memref<10240x32xf32, #tpu.memory_space<vmem_shared>>
      tpu.wait_indirect_dma semaphore(%arg16 : memref<!tpu.dma_semaphore, #tpu.memory_space<semaphore_mem>>) src(%dma_wait3A_2931 : memref<80x32xf32, #tpu.memory_space<vmem>>) dst(%dma_wait3A_2935 : memref<10240x32xf32, #tpu.memory_space<vmem_shared>>)
      %dma_wait3A_2936 = arith.constant 12 : i32
      %dma_wait3A_2937 = arith.constant 0 : i32
      %dma_wait3A_2938 = arith.constant 0 : i32
      %dma_wait3A_2939 = tpu.memref_slice %arg8[%dma_wait3A_2936, %dma_wait3A_2937, %dma_wait3A_2938] : memref<18x80x32xf32, #tpu.memory_space<vmem>> -> memref<1x80x32xf32, #tpu.memory_space<vmem>>
      %dma_wait3A_2940 = tpu.memref_squeeze %dma_wait3A_2939 : memref<1x80x32xf32, #tpu.memory_space<vmem>> -> memref<80x32xf32, #tpu.memory_space<vmem>>
      %dma_wait3A_2941 = tpu.memref_slice %arg7[%mul3A_2753] : memref<10000xi32, #tpu.memory_space<vmem>> -> memref<80xi32, #tpu.memory_space<vmem>>
      %dma_wait3A_2942 = arith.constant 0 : i32
      %dma_wait3A_2943 = arith.constant 0 : i32
      %dma_wait3A_2944 = tpu.memref_slice %arg13[%dma_wait3A_2942, %dma_wait3A_2943] : memref<10240x32xf32, #tpu.memory_space<vmem_shared>> -> memref<10240x32xf32, #tpu.memory_space<vmem_shared>>
      tpu.wait_indirect_dma semaphore(%arg16 : memref<!tpu.dma_semaphore, #tpu.memory_space<semaphore_mem>>) src(%dma_wait3A_2940 : memref<80x32xf32, #tpu.memory_space<vmem>>) dst(%dma_wait3A_2944 : memref<10240x32xf32, #tpu.memory_space<vmem_shared>>)
      %dma_wait3A_2945 = arith.constant 13 : i32
      %dma_wait3A_2946 = arith.constant 0 : i32
      %dma_wait3A_2947 = arith.constant 0 : i32
      %dma_wait3A_2948 = tpu.memref_slice %arg8[%dma_wait3A_2945, %dma_wait3A_2946, %dma_wait3A_2947] : memref<18x80x32xf32, #tpu.memory_space<vmem>> -> memref<1x80x32xf32, #tpu.memory_space<vmem>>
      %dma_wait3A_2949 = tpu.memref_squeeze %dma_wait3A_2948 : memref<1x80x32xf32, #tpu.memory_space<vmem>> -> memref<80x32xf32, #tpu.memory_space<vmem>>
      %dma_wait3A_2950 = tpu.memref_slice %arg7[%mul3A_2766] : memref<10000xi32, #tpu.memory_space<vmem>> -> memref<80xi32, #tpu.memory_space<vmem>>
      %dma_wait3A_2951 = arith.constant 0 : i32
      %dma_wait3A_2952 = arith.constant 0 : i32
      %dma_wait3A_2953 = tpu.memref_slice %arg13[%dma_wait3A_2951, %dma_wait3A_2952] : memref<10240x32xf32, #tpu.memory_space<vmem_shared>> -> memref<10240x32xf32, #tpu.memory_space<vmem_shared>>
      tpu.wait_indirect_dma semaphore(%arg16 : memref<!tpu.dma_semaphore, #tpu.memory_space<semaphore_mem>>) src(%dma_wait3A_2949 : memref<80x32xf32, #tpu.memory_space<vmem>>) dst(%dma_wait3A_2953 : memref<10240x32xf32, #tpu.memory_space<vmem_shared>>)
      %dma_wait3A_2954 = arith.constant 14 : i32
      %dma_wait3A_2955 = arith.constant 0 : i32
      %dma_wait3A_2956 = arith.constant 0 : i32
      %dma_wait3A_2957 = tpu.memref_slice %arg8[%dma_wait3A_2954, %dma_wait3A_2955, %dma_wait3A_2956] : memref<18x80x32xf32, #tpu.memory_space<vmem>> -> memref<1x80x32xf32, #tpu.memory_space<vmem>>
      %dma_wait3A_2958 = tpu.memref_squeeze %dma_wait3A_2957 : memref<1x80x32xf32, #tpu.memory_space<vmem>> -> memref<80x32xf32, #tpu.memory_space<vmem>>
      %dma_wait3A_2959 = tpu.memref_slice %arg7[%mul3A_2779] : memref<10000xi32, #tpu.memory_space<vmem>> -> memref<80xi32, #tpu.memory_space<vmem>>
      %dma_wait3A_2960 = arith.constant 0 : i32
      %dma_wait3A_2961 = arith.constant 0 : i32
      %dma_wait3A_2962 = tpu.memref_slice %arg13[%dma_wait3A_2960, %dma_wait3A_2961] : memref<10240x32xf32, #tpu.memory_space<vmem_shared>> -> memref<10240x32xf32, #tpu.memory_space<vmem_shared>>
      tpu.wait_indirect_dma semaphore(%arg16 : memref<!tpu.dma_semaphore, #tpu.memory_space<semaphore_mem>>) src(%dma_wait3A_2958 : memref<80x32xf32, #tpu.memory_space<vmem>>) dst(%dma_wait3A_2962 : memref<10240x32xf32, #tpu.memory_space<vmem_shared>>)
      %dma_wait3A_2963 = arith.constant 15 : i32
      %dma_wait3A_2964 = arith.constant 0 : i32
      %dma_wait3A_2965 = arith.constant 0 : i32
      %dma_wait3A_2966 = tpu.memref_slice %arg8[%dma_wait3A_2963, %dma_wait3A_2964, %dma_wait3A_2965] : memref<18x80x32xf32, #tpu.memory_space<vmem>> -> memref<1x80x32xf32, #tpu.memory_space<vmem>>
      %dma_wait3A_2967 = tpu.memref_squeeze %dma_wait3A_2966 : memref<1x80x32xf32, #tpu.memory_space<vmem>> -> memref<80x32xf32, #tpu.memory_space<vmem>>
      %dma_wait3A_2968 = tpu.memref_slice %arg7[%mul3A_2792] : memref<10000xi32, #tpu.memory_space<vmem>> -> memref<80xi32, #tpu.memory_space<vmem>>
      %dma_wait3A_2969 = arith.constant 0 : i32
      %dma_wait3A_2970 = arith.constant 0 : i32
      %dma_wait3A_2971 = tpu.memref_slice %arg13[%dma_wait3A_2969, %dma_wait3A_2970] : memref<10240x32xf32, #tpu.memory_space<vmem_shared>> -> memref<10240x32xf32, #tpu.memory_space<vmem_shared>>
      tpu.wait_indirect_dma semaphore(%arg16 : memref<!tpu.dma_semaphore, #tpu.memory_space<semaphore_mem>>) src(%dma_wait3A_2967 : memref<80x32xf32, #tpu.memory_space<vmem>>) dst(%dma_wait3A_2971 : memref<10240x32xf32, #tpu.memory_space<vmem_shared>>)
      %dma_wait3A_2972 = arith.constant 16 : i32
      %dma_wait3A_2973 = arith.constant 0 : i32
      %dma_wait3A_2974 = arith.constant 0 : i32
      %dma_wait3A_2975 = tpu.memref_slice %arg8[%dma_wait3A_2972, %dma_wait3A_2973, %dma_wait3A_2974] : memref<18x80x32xf32, #tpu.memory_space<vmem>> -> memref<1x80x32xf32, #tpu.memory_space<vmem>>
      %dma_wait3A_2976 = tpu.memref_squeeze %dma_wait3A_2975 : memref<1x80x32xf32, #tpu.memory_space<vmem>> -> memref<80x32xf32, #tpu.memory_space<vmem>>
      %dma_wait3A_2977 = tpu.memref_slice %arg7[%mul3A_2805] : memref<10000xi32, #tpu.memory_space<vmem>> -> memref<80xi32, #tpu.memory_space<vmem>>
      %dma_wait3A_2978 = arith.constant 0 : i32
      %dma_wait3A_2979 = arith.constant 0 : i32
      %dma_wait3A_2980 = tpu.memref_slice %arg13[%dma_wait3A_2978, %dma_wait3A_2979] : memref<10240x32xf32, #tpu.memory_space<vmem_shared>> -> memref<10240x32xf32, #tpu.memory_space<vmem_shared>>
      tpu.wait_indirect_dma semaphore(%arg16 : memref<!tpu.dma_semaphore, #tpu.memory_space<semaphore_mem>>) src(%dma_wait3A_2976 : memref<80x32xf32, #tpu.memory_space<vmem>>) dst(%dma_wait3A_2980 : memref<10240x32xf32, #tpu.memory_space<vmem_shared>>)
      %dma_wait3A_2981 = arith.constant 17 : i32
      %dma_wait3A_2982 = arith.constant 0 : i32
      %dma_wait3A_2983 = arith.constant 0 : i32
      %dma_wait3A_2984 = tpu.memref_slice %arg8[%dma_wait3A_2981, %dma_wait3A_2982, %dma_wait3A_2983] : memref<18x80x32xf32, #tpu.memory_space<vmem>> -> memref<1x80x32xf32, #tpu.memory_space<vmem>>
      %dma_wait3A_2985 = tpu.memref_squeeze %dma_wait3A_2984 : memref<1x80x32xf32, #tpu.memory_space<vmem>> -> memref<80x32xf32, #tpu.memory_space<vmem>>
      %dma_wait3A_2986 = tpu.memref_slice %arg7[%mul3A_2818] : memref<10000xi32, #tpu.memory_space<vmem>> -> memref<80xi32, #tpu.memory_space<vmem>>
      %dma_wait3A_2987 = arith.constant 0 : i32
      %dma_wait3A_2988 = arith.constant 0 : i32
      %dma_wait3A_2989 = tpu.memref_slice %arg13[%dma_wait3A_2987, %dma_wait3A_2988] : memref<10240x32xf32, #tpu.memory_space<vmem_shared>> -> memref<10240x32xf32, #tpu.memory_space<vmem_shared>>
      tpu.wait_indirect_dma semaphore(%arg16 : memref<!tpu.dma_semaphore, #tpu.memory_space<semaphore_mem>>) src(%dma_wait3A_2985 : memref<80x32xf32, #tpu.memory_space<vmem>>) dst(%dma_wait3A_2989 : memref<10240x32xf32, #tpu.memory_space<vmem_shared>>)
      %dma_wait3A_2990 = arith.constant 0 : i32
      %dma_wait3A_2991 = tpu.memref_slice %arg11[%dma_wait3A_2990] : memref<112xf32, #tpu.memory_space<vmem>> -> memref<80xf32, #tpu.memory_space<vmem>>
      %dma_wait3A_2992 = tpu.memref_slice %arg7[%mul3A_2273] : memref<10000xi32, #tpu.memory_space<vmem>> -> memref<80xi32, #tpu.memory_space<vmem>>
      %dma_wait3A_2993 = arith.constant 0 : i32
      %dma_wait3A_2994 = tpu.memref_slice %arg14[%dma_wait3A_2993] : memref<10240xf32, #tpu.memory_space<vmem_shared>> -> memref<10240xf32, #tpu.memory_space<vmem_shared>>
      tpu.wait_indirect_dma semaphore(%arg17 : memref<!tpu.dma_semaphore, #tpu.memory_space<semaphore_mem>>) src(%dma_wait3A_2991 : memref<80xf32, #tpu.memory_space<vmem>>) dst(%dma_wait3A_2994 : memref<10240xf32, #tpu.memory_space<vmem_shared>>)
      %dma_wait3A_2995 = arith.constant 0 : i32
      %dma_wait3A_2996 = tpu.memref_slice %arg11[%dma_wait3A_2995] : memref<112xf32, #tpu.memory_space<vmem>> -> memref<80xf32, #tpu.memory_space<vmem>>
      %dma_wait3A_2997 = tpu.memref_slice %arg7[%mul3A_2282] : memref<10000xi32, #tpu.memory_space<vmem>> -> memref<80xi32, #tpu.memory_space<vmem>>
      %dma_wait3A_2998 = arith.constant 0 : i32
      %dma_wait3A_2999 = tpu.memref_slice %arg14[%dma_wait3A_2998] : memref<10240xf32, #tpu.memory_space<vmem_shared>> -> memref<10240xf32, #tpu.memory_space<vmem_shared>>
      tpu.wait_indirect_dma semaphore(%arg17 : memref<!tpu.dma_semaphore, #tpu.memory_space<semaphore_mem>>) src(%dma_wait3A_2996 : memref<80xf32, #tpu.memory_space<vmem>>) dst(%dma_wait3A_2999 : memref<10240xf32, #tpu.memory_space<vmem_shared>>)
      %dma_wait3A_3000 = arith.constant 0 : i32
      %dma_wait3A_3001 = tpu.memref_slice %arg11[%dma_wait3A_3000] : memref<112xf32, #tpu.memory_space<vmem>> -> memref<80xf32, #tpu.memory_space<vmem>>
      %dma_wait3A_3002 = tpu.memref_slice %arg7[%mul3A_2291] : memref<10000xi32, #tpu.memory_space<vmem>> -> memref<80xi32, #tpu.memory_space<vmem>>
      %dma_wait3A_3003 = arith.constant 0 : i32
      %dma_wait3A_3004 = tpu.memref_slice %arg14[%dma_wait3A_3003] : memref<10240xf32, #tpu.memory_space<vmem_shared>> -> memref<10240xf32, #tpu.memory_space<vmem_shared>>
      tpu.wait_indirect_dma semaphore(%arg17 : memref<!tpu.dma_semaphore, #tpu.memory_space<semaphore_mem>>) src(%dma_wait3A_3001 : memref<80xf32, #tpu.memory_space<vmem>>) dst(%dma_wait3A_3004 : memref<10240xf32, #tpu.memory_space<vmem_shared>>)
      %dma_wait3A_3005 = arith.constant 0 : i32
      %dma_wait3A_3006 = tpu.memref_slice %arg11[%dma_wait3A_3005] : memref<112xf32, #tpu.memory_space<vmem>> -> memref<80xf32, #tpu.memory_space<vmem>>
      %dma_wait3A_3007 = tpu.memref_slice %arg7[%mul3A_2300] : memref<10000xi32, #tpu.memory_space<vmem>> -> memref<80xi32, #tpu.memory_space<vmem>>
      %dma_wait3A_3008 = arith.constant 0 : i32
      %dma_wait3A_3009 = tpu.memref_slice %arg14[%dma_wait3A_3008] : memref<10240xf32, #tpu.memory_space<vmem_shared>> -> memref<10240xf32, #tpu.memory_space<vmem_shared>>
      tpu.wait_indirect_dma semaphore(%arg17 : memref<!tpu.dma_semaphore, #tpu.memory_space<semaphore_mem>>) src(%dma_wait3A_3006 : memref<80xf32, #tpu.memory_space<vmem>>) dst(%dma_wait3A_3009 : memref<10240xf32, #tpu.memory_space<vmem_shared>>)
      %dma_wait3A_3010 = arith.constant 0 : i32
      %dma_wait3A_3011 = tpu.memref_slice %arg11[%dma_wait3A_3010] : memref<112xf32, #tpu.memory_space<vmem>> -> memref<80xf32, #tpu.memory_space<vmem>>
      %dma_wait3A_3012 = tpu.memref_slice %arg7[%mul3A_2309] : memref<10000xi32, #tpu.memory_space<vmem>> -> memref<80xi32, #tpu.memory_space<vmem>>
      %dma_wait3A_3013 = arith.constant 0 : i32
      %dma_wait3A_3014 = tpu.memref_slice %arg14[%dma_wait3A_3013] : memref<10240xf32, #tpu.memory_space<vmem_shared>> -> memref<10240xf32, #tpu.memory_space<vmem_shared>>
      tpu.wait_indirect_dma semaphore(%arg17 : memref<!tpu.dma_semaphore, #tpu.memory_space<semaphore_mem>>) src(%dma_wait3A_3011 : memref<80xf32, #tpu.memory_space<vmem>>) dst(%dma_wait3A_3014 : memref<10240xf32, #tpu.memory_space<vmem_shared>>)
      %dma_wait3A_3015 = arith.constant 0 : i32
      %dma_wait3A_3016 = tpu.memref_slice %arg11[%dma_wait3A_3015] : memref<112xf32, #tpu.memory_space<vmem>> -> memref<80xf32, #tpu.memory_space<vmem>>
      %dma_wait3A_3017 = tpu.memref_slice %arg7[%mul3A_2318] : memref<10000xi32, #tpu.memory_space<vmem>> -> memref<80xi32, #tpu.memory_space<vmem>>
      %dma_wait3A_3018 = arith.constant 0 : i32
      %dma_wait3A_3019 = tpu.memref_slice %arg14[%dma_wait3A_3018] : memref<10240xf32, #tpu.memory_space<vmem_shared>> -> memref<10240xf32, #tpu.memory_space<vmem_shared>>
      tpu.wait_indirect_dma semaphore(%arg17 : memref<!tpu.dma_semaphore, #tpu.memory_space<semaphore_mem>>) src(%dma_wait3A_3016 : memref<80xf32, #tpu.memory_space<vmem>>) dst(%dma_wait3A_3019 : memref<10240xf32, #tpu.memory_space<vmem_shared>>)
      %dma_wait3A_3020 = arith.constant 0 : i32
      %dma_wait3A_3021 = tpu.memref_slice %arg11[%dma_wait3A_3020] : memref<112xf32, #tpu.memory_space<vmem>> -> memref<80xf32, #tpu.memory_space<vmem>>
      %dma_wait3A_3022 = tpu.memref_slice %arg7[%mul3A_2327] : memref<10000xi32, #tpu.memory_space<vmem>> -> memref<80xi32, #tpu.memory_space<vmem>>
      %dma_wait3A_3023 = arith.constant 0 : i32
      %dma_wait3A_3024 = tpu.memref_slice %arg14[%dma_wait3A_3023] : memref<10240xf32, #tpu.memory_space<vmem_shared>> -> memref<10240xf32, #tpu.memory_space<vmem_shared>>
      tpu.wait_indirect_dma semaphore(%arg17 : memref<!tpu.dma_semaphore, #tpu.memory_space<semaphore_mem>>) src(%dma_wait3A_3021 : memref<80xf32, #tpu.memory_space<vmem>>) dst(%dma_wait3A_3024 : memref<10240xf32, #tpu.memory_space<vmem_shared>>)
      %dma_wait3A_3025 = arith.constant 0 : i32
      %dma_wait3A_3026 = tpu.memref_slice %arg11[%dma_wait3A_3025] : memref<112xf32, #tpu.memory_space<vmem>> -> memref<80xf32, #tpu.memory_space<vmem>>
      %dma_wait3A_3027 = tpu.memref_slice %arg7[%mul3A_2336] : memref<10000xi32, #tpu.memory_space<vmem>> -> memref<80xi32, #tpu.memory_space<vmem>>
      %dma_wait3A_3028 = arith.constant 0 : i32
      %dma_wait3A_3029 = tpu.memref_slice %arg14[%dma_wait3A_3028] : memref<10240xf32, #tpu.memory_space<vmem_shared>> -> memref<10240xf32, #tpu.memory_space<vmem_shared>>
      tpu.wait_indirect_dma semaphore(%arg17 : memref<!tpu.dma_semaphore, #tpu.memory_space<semaphore_mem>>) src(%dma_wait3A_3026 : memref<80xf32, #tpu.memory_space<vmem>>) dst(%dma_wait3A_3029 : memref<10240xf32, #tpu.memory_space<vmem_shared>>)
      %dma_wait3A_3030 = arith.constant 0 : i32
      %dma_wait3A_3031 = tpu.memref_slice %arg11[%dma_wait3A_3030] : memref<112xf32, #tpu.memory_space<vmem>> -> memref<80xf32, #tpu.memory_space<vmem>>
      %dma_wait3A_3032 = tpu.memref_slice %arg7[%mul3A_2345] : memref<10000xi32, #tpu.memory_space<vmem>> -> memref<80xi32, #tpu.memory_space<vmem>>
      %dma_wait3A_3033 = arith.constant 0 : i32
      %dma_wait3A_3034 = tpu.memref_slice %arg14[%dma_wait3A_3033] : memref<10240xf32, #tpu.memory_space<vmem_shared>> -> memref<10240xf32, #tpu.memory_space<vmem_shared>>
      tpu.wait_indirect_dma semaphore(%arg17 : memref<!tpu.dma_semaphore, #tpu.memory_space<semaphore_mem>>) src(%dma_wait3A_3031 : memref<80xf32, #tpu.memory_space<vmem>>) dst(%dma_wait3A_3034 : memref<10240xf32, #tpu.memory_space<vmem_shared>>)
      %dma_wait3A_3035 = arith.constant 0 : i32
      %dma_wait3A_3036 = tpu.memref_slice %arg11[%dma_wait3A_3035] : memref<112xf32, #tpu.memory_space<vmem>> -> memref<80xf32, #tpu.memory_space<vmem>>
      %dma_wait3A_3037 = tpu.memref_slice %arg7[%mul3A_2354] : memref<10000xi32, #tpu.memory_space<vmem>> -> memref<80xi32, #tpu.memory_space<vmem>>
      %dma_wait3A_3038 = arith.constant 0 : i32
      %dma_wait3A_3039 = tpu.memref_slice %arg14[%dma_wait3A_3038] : memref<10240xf32, #tpu.memory_space<vmem_shared>> -> memref<10240xf32, #tpu.memory_space<vmem_shared>>
      tpu.wait_indirect_dma semaphore(%arg17 : memref<!tpu.dma_semaphore, #tpu.memory_space<semaphore_mem>>) src(%dma_wait3A_3036 : memref<80xf32, #tpu.memory_space<vmem>>) dst(%dma_wait3A_3039 : memref<10240xf32, #tpu.memory_space<vmem_shared>>)
      %dma_wait3A_3040 = arith.constant 0 : i32
      %dma_wait3A_3041 = tpu.memref_slice %arg11[%dma_wait3A_3040] : memref<112xf32, #tpu.memory_space<vmem>> -> memref<80xf32, #tpu.memory_space<vmem>>
      %dma_wait3A_3042 = tpu.memref_slice %arg7[%mul3A_2363] : memref<10000xi32, #tpu.memory_space<vmem>> -> memref<80xi32, #tpu.memory_space<vmem>>
      %dma_wait3A_3043 = arith.constant 0 : i32
      %dma_wait3A_3044 = tpu.memref_slice %arg14[%dma_wait3A_3043] : memref<10240xf32, #tpu.memory_space<vmem_shared>> -> memref<10240xf32, #tpu.memory_space<vmem_shared>>
      tpu.wait_indirect_dma semaphore(%arg17 : memref<!tpu.dma_semaphore, #tpu.memory_space<semaphore_mem>>) src(%dma_wait3A_3041 : memref<80xf32, #tpu.memory_space<vmem>>) dst(%dma_wait3A_3044 : memref<10240xf32, #tpu.memory_space<vmem_shared>>)
      %dma_wait3A_3045 = arith.constant 0 : i32
      %dma_wait3A_3046 = tpu.memref_slice %arg11[%dma_wait3A_3045] : memref<112xf32, #tpu.memory_space<vmem>> -> memref<80xf32, #tpu.memory_space<vmem>>
      %dma_wait3A_3047 = tpu.memref_slice %arg7[%mul3A_2372] : memref<10000xi32, #tpu.memory_space<vmem>> -> memref<80xi32, #tpu.memory_space<vmem>>
      %dma_wait3A_3048 = arith.constant 0 : i32
      %dma_wait3A_3049 = tpu.memref_slice %arg14[%dma_wait3A_3048] : memref<10240xf32, #tpu.memory_space<vmem_shared>> -> memref<10240xf32, #tpu.memory_space<vmem_shared>>
      tpu.wait_indirect_dma semaphore(%arg17 : memref<!tpu.dma_semaphore, #tpu.memory_space<semaphore_mem>>) src(%dma_wait3A_3046 : memref<80xf32, #tpu.memory_space<vmem>>) dst(%dma_wait3A_3049 : memref<10240xf32, #tpu.memory_space<vmem_shared>>)
      %dma_wait3A_3050 = arith.constant 0 : i32
      %dma_wait3A_3051 = tpu.memref_slice %arg11[%dma_wait3A_3050] : memref<112xf32, #tpu.memory_space<vmem>> -> memref<80xf32, #tpu.memory_space<vmem>>
      %dma_wait3A_3052 = tpu.memref_slice %arg7[%mul3A_2381] : memref<10000xi32, #tpu.memory_space<vmem>> -> memref<80xi32, #tpu.memory_space<vmem>>
      %dma_wait3A_3053 = arith.constant 0 : i32
      %dma_wait3A_3054 = tpu.memref_slice %arg14[%dma_wait3A_3053] : memref<10240xf32, #tpu.memory_space<vmem_shared>> -> memref<10240xf32, #tpu.memory_space<vmem_shared>>
      tpu.wait_indirect_dma semaphore(%arg17 : memref<!tpu.dma_semaphore, #tpu.memory_space<semaphore_mem>>) src(%dma_wait3A_3051 : memref<80xf32, #tpu.memory_space<vmem>>) dst(%dma_wait3A_3054 : memref<10240xf32, #tpu.memory_space<vmem_shared>>)
      %dma_wait3A_3055 = arith.constant 0 : i32
      %dma_wait3A_3056 = tpu.memref_slice %arg11[%dma_wait3A_3055] : memref<112xf32, #tpu.memory_space<vmem>> -> memref<80xf32, #tpu.memory_space<vmem>>
      %dma_wait3A_3057 = tpu.memref_slice %arg7[%mul3A_2390] : memref<10000xi32, #tpu.memory_space<vmem>> -> memref<80xi32, #tpu.memory_space<vmem>>
      %dma_wait3A_3058 = arith.constant 0 : i32
      %dma_wait3A_3059 = tpu.memref_slice %arg14[%dma_wait3A_3058] : memref<10240xf32, #tpu.memory_space<vmem_shared>> -> memref<10240xf32, #tpu.memory_space<vmem_shared>>
      tpu.wait_indirect_dma semaphore(%arg17 : memref<!tpu.dma_semaphore, #tpu.memory_space<semaphore_mem>>) src(%dma_wait3A_3056 : memref<80xf32, #tpu.memory_space<vmem>>) dst(%dma_wait3A_3059 : memref<10240xf32, #tpu.memory_space<vmem_shared>>)
      %dma_wait3A_3060 = arith.constant 0 : i32
      %dma_wait3A_3061 = tpu.memref_slice %arg11[%dma_wait3A_3060] : memref<112xf32, #tpu.memory_space<vmem>> -> memref<80xf32, #tpu.memory_space<vmem>>
      %dma_wait3A_3062 = tpu.memref_slice %arg7[%mul3A_2399] : memref<10000xi32, #tpu.memory_space<vmem>> -> memref<80xi32, #tpu.memory_space<vmem>>
      %dma_wait3A_3063 = arith.constant 0 : i32
      %dma_wait3A_3064 = tpu.memref_slice %arg14[%dma_wait3A_3063] : memref<10240xf32, #tpu.memory_space<vmem_shared>> -> memref<10240xf32, #tpu.memory_space<vmem_shared>>
      tpu.wait_indirect_dma semaphore(%arg17 : memref<!tpu.dma_semaphore, #tpu.memory_space<semaphore_mem>>) src(%dma_wait3A_3061 : memref<80xf32, #tpu.memory_space<vmem>>) dst(%dma_wait3A_3064 : memref<10240xf32, #tpu.memory_space<vmem_shared>>)
      %dma_wait3A_3065 = arith.constant 0 : i32
      %dma_wait3A_3066 = tpu.memref_slice %arg11[%dma_wait3A_3065] : memref<112xf32, #tpu.memory_space<vmem>> -> memref<80xf32, #tpu.memory_space<vmem>>
      %dma_wait3A_3067 = tpu.memref_slice %arg7[%mul3A_2408] : memref<10000xi32, #tpu.memory_space<vmem>> -> memref<80xi32, #tpu.memory_space<vmem>>
      %dma_wait3A_3068 = arith.constant 0 : i32
      %dma_wait3A_3069 = tpu.memref_slice %arg14[%dma_wait3A_3068] : memref<10240xf32, #tpu.memory_space<vmem_shared>> -> memref<10240xf32, #tpu.memory_space<vmem_shared>>
      tpu.wait_indirect_dma semaphore(%arg17 : memref<!tpu.dma_semaphore, #tpu.memory_space<semaphore_mem>>) src(%dma_wait3A_3066 : memref<80xf32, #tpu.memory_space<vmem>>) dst(%dma_wait3A_3069 : memref<10240xf32, #tpu.memory_space<vmem_shared>>)
      %dma_wait3A_3070 = arith.constant 0 : i32
      %dma_wait3A_3071 = tpu.memref_slice %arg11[%dma_wait3A_3070] : memref<112xf32, #tpu.memory_space<vmem>> -> memref<80xf32, #tpu.memory_space<vmem>>
      %dma_wait3A_3072 = tpu.memref_slice %arg7[%mul3A_2417] : memref<10000xi32, #tpu.memory_space<vmem>> -> memref<80xi32, #tpu.memory_space<vmem>>
      %dma_wait3A_3073 = arith.constant 0 : i32
      %dma_wait3A_3074 = tpu.memref_slice %arg14[%dma_wait3A_3073] : memref<10240xf32, #tpu.memory_space<vmem_shared>> -> memref<10240xf32, #tpu.memory_space<vmem_shared>>
      tpu.wait_indirect_dma semaphore(%arg17 : memref<!tpu.dma_semaphore, #tpu.memory_space<semaphore_mem>>) src(%dma_wait3A_3071 : memref<80xf32, #tpu.memory_space<vmem>>) dst(%dma_wait3A_3074 : memref<10240xf32, #tpu.memory_space<vmem_shared>>)
      %dma_wait3A_3075 = arith.constant 0 : i32
      %dma_wait3A_3076 = tpu.memref_slice %arg11[%dma_wait3A_3075] : memref<112xf32, #tpu.memory_space<vmem>> -> memref<80xf32, #tpu.memory_space<vmem>>
      %dma_wait3A_3077 = tpu.memref_slice %arg7[%mul3A_2426] : memref<10000xi32, #tpu.memory_space<vmem>> -> memref<80xi32, #tpu.memory_space<vmem>>
      %dma_wait3A_3078 = arith.constant 0 : i32
      %dma_wait3A_3079 = tpu.memref_slice %arg14[%dma_wait3A_3078] : memref<10240xf32, #tpu.memory_space<vmem_shared>> -> memref<10240xf32, #tpu.memory_space<vmem_shared>>
      tpu.wait_indirect_dma semaphore(%arg17 : memref<!tpu.dma_semaphore, #tpu.memory_space<semaphore_mem>>) src(%dma_wait3A_3076 : memref<80xf32, #tpu.memory_space<vmem>>) dst(%dma_wait3A_3079 : memref<10240xf32, #tpu.memory_space<vmem_shared>>)
    }
    %scan3A_1123 = arith.constant 6 : i32
    %dma_start3A_1124 = arith.constant 0 : i32
    %dma_start3A_1125 = arith.constant 0 : i32
    %dma_start3A_1126 = arith.constant 0 : i32
    %dma_start3A_1127 = tpu.memref_slice %arg8[%dma_start3A_1124, %dma_start3A_1125, %dma_start3A_1126] : memref<18x80x32xf32, #tpu.memory_space<vmem>> -> memref<1x80x32xf32, #tpu.memory_space<vmem>>
    %dma_start3A_1128 = tpu.memref_squeeze %dma_start3A_1127 : memref<1x80x32xf32, #tpu.memory_space<vmem>> -> memref<80x32xf32, #tpu.memory_space<vmem>>
    %dma_start3A_1129 = arith.constant 8640 : i32
    %dma_start3A_1130 = tpu.memref_slice %arg6[%dma_start3A_1129] : memref<10000xi32, #tpu.memory_space<vmem>> -> memref<80xi32, #tpu.memory_space<vmem>>
    %dma_start3A_1131 = arith.constant 0 : i32
    %dma_start3A_1132 = arith.constant 0 : i32
    %dma_start3A_1133 = tpu.memref_slice %arg12[%dma_start3A_1131, %dma_start3A_1132] : memref<10000x32xf32, #tpu.memory_space<vmem_shared>> -> memref<10000x32xf32, #tpu.memory_space<vmem_shared>>
    tpu.enqueue_indirect_dma source(%dma_start3A_1133 : memref<10000x32xf32, #tpu.memory_space<vmem_shared>>) target(%dma_start3A_1128 : memref<80x32xf32, #tpu.memory_space<vmem>>) offsets(%dma_start3A_1130 : memref<80xi32, #tpu.memory_space<vmem>>) semaphore(%arg15 : memref<!tpu.dma_semaphore, #tpu.memory_space<semaphore_mem>>)
    %dma_start3A_1134 = arith.constant 1 : i32
    %dma_start3A_1135 = arith.constant 0 : i32
    %dma_start3A_1136 = arith.constant 0 : i32
    %dma_start3A_1137 = tpu.memref_slice %arg8[%dma_start3A_1134, %dma_start3A_1135, %dma_start3A_1136] : memref<18x80x32xf32, #tpu.memory_space<vmem>> -> memref<1x80x32xf32, #tpu.memory_space<vmem>>
    %dma_start3A_1138 = tpu.memref_squeeze %dma_start3A_1137 : memref<1x80x32xf32, #tpu.memory_space<vmem>> -> memref<80x32xf32, #tpu.memory_space<vmem>>
    %dma_start3A_1139 = arith.constant 8720 : i32
    %dma_start3A_1140 = tpu.memref_slice %arg6[%dma_start3A_1139] : memref<10000xi32, #tpu.memory_space<vmem>> -> memref<80xi32, #tpu.memory_space<vmem>>
    %dma_start3A_1141 = arith.constant 0 : i32
    %dma_start3A_1142 = arith.constant 0 : i32
    %dma_start3A_1143 = tpu.memref_slice %arg12[%dma_start3A_1141, %dma_start3A_1142] : memref<10000x32xf32, #tpu.memory_space<vmem_shared>> -> memref<10000x32xf32, #tpu.memory_space<vmem_shared>>
    tpu.enqueue_indirect_dma source(%dma_start3A_1143 : memref<10000x32xf32, #tpu.memory_space<vmem_shared>>) target(%dma_start3A_1138 : memref<80x32xf32, #tpu.memory_space<vmem>>) offsets(%dma_start3A_1140 : memref<80xi32, #tpu.memory_space<vmem>>) semaphore(%arg15 : memref<!tpu.dma_semaphore, #tpu.memory_space<semaphore_mem>>)
    %dma_start3A_1144 = arith.constant 2 : i32
    %dma_start3A_1145 = arith.constant 0 : i32
    %dma_start3A_1146 = arith.constant 0 : i32
    %dma_start3A_1147 = tpu.memref_slice %arg8[%dma_start3A_1144, %dma_start3A_1145, %dma_start3A_1146] : memref<18x80x32xf32, #tpu.memory_space<vmem>> -> memref<1x80x32xf32, #tpu.memory_space<vmem>>
    %dma_start3A_1148 = tpu.memref_squeeze %dma_start3A_1147 : memref<1x80x32xf32, #tpu.memory_space<vmem>> -> memref<80x32xf32, #tpu.memory_space<vmem>>
    %dma_start3A_1149 = arith.constant 8800 : i32
    %dma_start3A_1150 = tpu.memref_slice %arg6[%dma_start3A_1149] : memref<10000xi32, #tpu.memory_space<vmem>> -> memref<80xi32, #tpu.memory_space<vmem>>
    %dma_start3A_1151 = arith.constant 0 : i32
    %dma_start3A_1152 = arith.constant 0 : i32
    %dma_start3A_1153 = tpu.memref_slice %arg12[%dma_start3A_1151, %dma_start3A_1152] : memref<10000x32xf32, #tpu.memory_space<vmem_shared>> -> memref<10000x32xf32, #tpu.memory_space<vmem_shared>>
    tpu.enqueue_indirect_dma source(%dma_start3A_1153 : memref<10000x32xf32, #tpu.memory_space<vmem_shared>>) target(%dma_start3A_1148 : memref<80x32xf32, #tpu.memory_space<vmem>>) offsets(%dma_start3A_1150 : memref<80xi32, #tpu.memory_space<vmem>>) semaphore(%arg15 : memref<!tpu.dma_semaphore, #tpu.memory_space<semaphore_mem>>)
    %dma_start3A_1154 = arith.constant 3 : i32
    %dma_start3A_1155 = arith.constant 0 : i32
    %dma_start3A_1156 = arith.constant 0 : i32
    %dma_start3A_1157 = tpu.memref_slice %arg8[%dma_start3A_1154, %dma_start3A_1155, %dma_start3A_1156] : memref<18x80x32xf32, #tpu.memory_space<vmem>> -> memref<1x80x32xf32, #tpu.memory_space<vmem>>
    %dma_start3A_1158 = tpu.memref_squeeze %dma_start3A_1157 : memref<1x80x32xf32, #tpu.memory_space<vmem>> -> memref<80x32xf32, #tpu.memory_space<vmem>>
    %dma_start3A_1159 = arith.constant 8880 : i32
    %dma_start3A_1160 = tpu.memref_slice %arg6[%dma_start3A_1159] : memref<10000xi32, #tpu.memory_space<vmem>> -> memref<80xi32, #tpu.memory_space<vmem>>
    %dma_start3A_1161 = arith.constant 0 : i32
    %dma_start3A_1162 = arith.constant 0 : i32
    %dma_start3A_1163 = tpu.memref_slice %arg12[%dma_start3A_1161, %dma_start3A_1162] : memref<10000x32xf32, #tpu.memory_space<vmem_shared>> -> memref<10000x32xf32, #tpu.memory_space<vmem_shared>>
    tpu.enqueue_indirect_dma source(%dma_start3A_1163 : memref<10000x32xf32, #tpu.memory_space<vmem_shared>>) target(%dma_start3A_1158 : memref<80x32xf32, #tpu.memory_space<vmem>>) offsets(%dma_start3A_1160 : memref<80xi32, #tpu.memory_space<vmem>>) semaphore(%arg15 : memref<!tpu.dma_semaphore, #tpu.memory_space<semaphore_mem>>)
    %dma_start3A_1164 = arith.constant 4 : i32
    %dma_start3A_1165 = arith.constant 0 : i32
    %dma_start3A_1166 = arith.constant 0 : i32
    %dma_start3A_1167 = tpu.memref_slice %arg8[%dma_start3A_1164, %dma_start3A_1165, %dma_start3A_1166] : memref<18x80x32xf32, #tpu.memory_space<vmem>> -> memref<1x80x32xf32, #tpu.memory_space<vmem>>
    %dma_start3A_1168 = tpu.memref_squeeze %dma_start3A_1167 : memref<1x80x32xf32, #tpu.memory_space<vmem>> -> memref<80x32xf32, #tpu.memory_space<vmem>>
    %dma_start3A_1169 = arith.constant 8960 : i32
    %dma_start3A_1170 = tpu.memref_slice %arg6[%dma_start3A_1169] : memref<10000xi32, #tpu.memory_space<vmem>> -> memref<80xi32, #tpu.memory_space<vmem>>
    %dma_start3A_1171 = arith.constant 0 : i32
    %dma_start3A_1172 = arith.constant 0 : i32
    %dma_start3A_1173 = tpu.memref_slice %arg12[%dma_start3A_1171, %dma_start3A_1172] : memref<10000x32xf32, #tpu.memory_space<vmem_shared>> -> memref<10000x32xf32, #tpu.memory_space<vmem_shared>>
    tpu.enqueue_indirect_dma source(%dma_start3A_1173 : memref<10000x32xf32, #tpu.memory_space<vmem_shared>>) target(%dma_start3A_1168 : memref<80x32xf32, #tpu.memory_space<vmem>>) offsets(%dma_start3A_1170 : memref<80xi32, #tpu.memory_space<vmem>>) semaphore(%arg15 : memref<!tpu.dma_semaphore, #tpu.memory_space<semaphore_mem>>)
    %dma_start3A_1174 = arith.constant 5 : i32
    %dma_start3A_1175 = arith.constant 0 : i32
    %dma_start3A_1176 = arith.constant 0 : i32
    %dma_start3A_1177 = tpu.memref_slice %arg8[%dma_start3A_1174, %dma_start3A_1175, %dma_start3A_1176] : memref<18x80x32xf32, #tpu.memory_space<vmem>> -> memref<1x80x32xf32, #tpu.memory_space<vmem>>
    %dma_start3A_1178 = tpu.memref_squeeze %dma_start3A_1177 : memref<1x80x32xf32, #tpu.memory_space<vmem>> -> memref<80x32xf32, #tpu.memory_space<vmem>>
    %dma_start3A_1179 = arith.constant 9040 : i32
    %dma_start3A_1180 = tpu.memref_slice %arg6[%dma_start3A_1179] : memref<10000xi32, #tpu.memory_space<vmem>> -> memref<80xi32, #tpu.memory_space<vmem>>
    %dma_start3A_1181 = arith.constant 0 : i32
    %dma_start3A_1182 = arith.constant 0 : i32
    %dma_start3A_1183 = tpu.memref_slice %arg12[%dma_start3A_1181, %dma_start3A_1182] : memref<10000x32xf32, #tpu.memory_space<vmem_shared>> -> memref<10000x32xf32, #tpu.memory_space<vmem_shared>>
    tpu.enqueue_indirect_dma source(%dma_start3A_1183 : memref<10000x32xf32, #tpu.memory_space<vmem_shared>>) target(%dma_start3A_1178 : memref<80x32xf32, #tpu.memory_space<vmem>>) offsets(%dma_start3A_1180 : memref<80xi32, #tpu.memory_space<vmem>>) semaphore(%arg15 : memref<!tpu.dma_semaphore, #tpu.memory_space<semaphore_mem>>)
    %dma_start3A_1184 = arith.constant 6 : i32
    %dma_start3A_1185 = arith.constant 0 : i32
    %dma_start3A_1186 = arith.constant 0 : i32
    %dma_start3A_1187 = tpu.memref_slice %arg8[%dma_start3A_1184, %dma_start3A_1185, %dma_start3A_1186] : memref<18x80x32xf32, #tpu.memory_space<vmem>> -> memref<1x80x32xf32, #tpu.memory_space<vmem>>
    %dma_start3A_1188 = tpu.memref_squeeze %dma_start3A_1187 : memref<1x80x32xf32, #tpu.memory_space<vmem>> -> memref<80x32xf32, #tpu.memory_space<vmem>>
    %dma_start3A_1189 = arith.constant 9120 : i32
    %dma_start3A_1190 = tpu.memref_slice %arg6[%dma_start3A_1189] : memref<10000xi32, #tpu.memory_space<vmem>> -> memref<80xi32, #tpu.memory_space<vmem>>
    %dma_start3A_1191 = arith.constant 0 : i32
    %dma_start3A_1192 = arith.constant 0 : i32
    %dma_start3A_1193 = tpu.memref_slice %arg12[%dma_start3A_1191, %dma_start3A_1192] : memref<10000x32xf32, #tpu.memory_space<vmem_shared>> -> memref<10000x32xf32, #tpu.memory_space<vmem_shared>>
    tpu.enqueue_indirect_dma source(%dma_start3A_1193 : memref<10000x32xf32, #tpu.memory_space<vmem_shared>>) target(%dma_start3A_1188 : memref<80x32xf32, #tpu.memory_space<vmem>>) offsets(%dma_start3A_1190 : memref<80xi32, #tpu.memory_space<vmem>>) semaphore(%arg15 : memref<!tpu.dma_semaphore, #tpu.memory_space<semaphore_mem>>)
    %dma_start3A_1194 = arith.constant 7 : i32
    %dma_start3A_1195 = arith.constant 0 : i32
    %dma_start3A_1196 = arith.constant 0 : i32
    %dma_start3A_1197 = tpu.memref_slice %arg8[%dma_start3A_1194, %dma_start3A_1195, %dma_start3A_1196] : memref<18x80x32xf32, #tpu.memory_space<vmem>> -> memref<1x80x32xf32, #tpu.memory_space<vmem>>
    %dma_start3A_1198 = tpu.memref_squeeze %dma_start3A_1197 : memref<1x80x32xf32, #tpu.memory_space<vmem>> -> memref<80x32xf32, #tpu.memory_space<vmem>>
    %dma_start3A_1199 = arith.constant 9200 : i32
    %dma_start3A_1200 = tpu.memref_slice %arg6[%dma_start3A_1199] : memref<10000xi32, #tpu.memory_space<vmem>> -> memref<80xi32, #tpu.memory_space<vmem>>
    %dma_start3A_1201 = arith.constant 0 : i32
    %dma_start3A_1202 = arith.constant 0 : i32
    %dma_start3A_1203 = tpu.memref_slice %arg12[%dma_start3A_1201, %dma_start3A_1202] : memref<10000x32xf32, #tpu.memory_space<vmem_shared>> -> memref<10000x32xf32, #tpu.memory_space<vmem_shared>>
    tpu.enqueue_indirect_dma source(%dma_start3A_1203 : memref<10000x32xf32, #tpu.memory_space<vmem_shared>>) target(%dma_start3A_1198 : memref<80x32xf32, #tpu.memory_space<vmem>>) offsets(%dma_start3A_1200 : memref<80xi32, #tpu.memory_space<vmem>>) semaphore(%arg15 : memref<!tpu.dma_semaphore, #tpu.memory_space<semaphore_mem>>)
    %dma_start3A_1204 = arith.constant 8 : i32
    %dma_start3A_1205 = arith.constant 0 : i32
    %dma_start3A_1206 = arith.constant 0 : i32
    %dma_start3A_1207 = tpu.memref_slice %arg8[%dma_start3A_1204, %dma_start3A_1205, %dma_start3A_1206] : memref<18x80x32xf32, #tpu.memory_space<vmem>> -> memref<1x80x32xf32, #tpu.memory_space<vmem>>
    %dma_start3A_1208 = tpu.memref_squeeze %dma_start3A_1207 : memref<1x80x32xf32, #tpu.memory_space<vmem>> -> memref<80x32xf32, #tpu.memory_space<vmem>>
    %dma_start3A_1209 = arith.constant 9280 : i32
    %dma_start3A_1210 = tpu.memref_slice %arg6[%dma_start3A_1209] : memref<10000xi32, #tpu.memory_space<vmem>> -> memref<80xi32, #tpu.memory_space<vmem>>
    %dma_start3A_1211 = arith.constant 0 : i32
    %dma_start3A_1212 = arith.constant 0 : i32
    %dma_start3A_1213 = tpu.memref_slice %arg12[%dma_start3A_1211, %dma_start3A_1212] : memref<10000x32xf32, #tpu.memory_space<vmem_shared>> -> memref<10000x32xf32, #tpu.memory_space<vmem_shared>>
    tpu.enqueue_indirect_dma source(%dma_start3A_1213 : memref<10000x32xf32, #tpu.memory_space<vmem_shared>>) target(%dma_start3A_1208 : memref<80x32xf32, #tpu.memory_space<vmem>>) offsets(%dma_start3A_1210 : memref<80xi32, #tpu.memory_space<vmem>>) semaphore(%arg15 : memref<!tpu.dma_semaphore, #tpu.memory_space<semaphore_mem>>)
    %dma_start3A_1214 = arith.constant 9 : i32
    %dma_start3A_1215 = arith.constant 0 : i32
    %dma_start3A_1216 = arith.constant 0 : i32
    %dma_start3A_1217 = tpu.memref_slice %arg8[%dma_start3A_1214, %dma_start3A_1215, %dma_start3A_1216] : memref<18x80x32xf32, #tpu.memory_space<vmem>> -> memref<1x80x32xf32, #tpu.memory_space<vmem>>
    %dma_start3A_1218 = tpu.memref_squeeze %dma_start3A_1217 : memref<1x80x32xf32, #tpu.memory_space<vmem>> -> memref<80x32xf32, #tpu.memory_space<vmem>>
    %dma_start3A_1219 = arith.constant 9360 : i32
    %dma_start3A_1220 = tpu.memref_slice %arg6[%dma_start3A_1219] : memref<10000xi32, #tpu.memory_space<vmem>> -> memref<80xi32, #tpu.memory_space<vmem>>
    %dma_start3A_1221 = arith.constant 0 : i32
    %dma_start3A_1222 = arith.constant 0 : i32
    %dma_start3A_1223 = tpu.memref_slice %arg12[%dma_start3A_1221, %dma_start3A_1222] : memref<10000x32xf32, #tpu.memory_space<vmem_shared>> -> memref<10000x32xf32, #tpu.memory_space<vmem_shared>>
    tpu.enqueue_indirect_dma source(%dma_start3A_1223 : memref<10000x32xf32, #tpu.memory_space<vmem_shared>>) target(%dma_start3A_1218 : memref<80x32xf32, #tpu.memory_space<vmem>>) offsets(%dma_start3A_1220 : memref<80xi32, #tpu.memory_space<vmem>>) semaphore(%arg15 : memref<!tpu.dma_semaphore, #tpu.memory_space<semaphore_mem>>)
    %dma_start3A_1224 = arith.constant 10 : i32
    %dma_start3A_1225 = arith.constant 0 : i32
    %dma_start3A_1226 = arith.constant 0 : i32
    %dma_start3A_1227 = tpu.memref_slice %arg8[%dma_start3A_1224, %dma_start3A_1225, %dma_start3A_1226] : memref<18x80x32xf32, #tpu.memory_space<vmem>> -> memref<1x80x32xf32, #tpu.memory_space<vmem>>
    %dma_start3A_1228 = tpu.memref_squeeze %dma_start3A_1227 : memref<1x80x32xf32, #tpu.memory_space<vmem>> -> memref<80x32xf32, #tpu.memory_space<vmem>>
    %dma_start3A_1229 = arith.constant 9440 : i32
    %dma_start3A_1230 = tpu.memref_slice %arg6[%dma_start3A_1229] : memref<10000xi32, #tpu.memory_space<vmem>> -> memref<80xi32, #tpu.memory_space<vmem>>
    %dma_start3A_1231 = arith.constant 0 : i32
    %dma_start3A_1232 = arith.constant 0 : i32
    %dma_start3A_1233 = tpu.memref_slice %arg12[%dma_start3A_1231, %dma_start3A_1232] : memref<10000x32xf32, #tpu.memory_space<vmem_shared>> -> memref<10000x32xf32, #tpu.memory_space<vmem_shared>>
    tpu.enqueue_indirect_dma source(%dma_start3A_1233 : memref<10000x32xf32, #tpu.memory_space<vmem_shared>>) target(%dma_start3A_1228 : memref<80x32xf32, #tpu.memory_space<vmem>>) offsets(%dma_start3A_1230 : memref<80xi32, #tpu.memory_space<vmem>>) semaphore(%arg15 : memref<!tpu.dma_semaphore, #tpu.memory_space<semaphore_mem>>)
    %dma_start3A_1234 = arith.constant 11 : i32
    %dma_start3A_1235 = arith.constant 0 : i32
    %dma_start3A_1236 = arith.constant 0 : i32
    %dma_start3A_1237 = tpu.memref_slice %arg8[%dma_start3A_1234, %dma_start3A_1235, %dma_start3A_1236] : memref<18x80x32xf32, #tpu.memory_space<vmem>> -> memref<1x80x32xf32, #tpu.memory_space<vmem>>
    %dma_start3A_1238 = tpu.memref_squeeze %dma_start3A_1237 : memref<1x80x32xf32, #tpu.memory_space<vmem>> -> memref<80x32xf32, #tpu.memory_space<vmem>>
    %dma_start3A_1239 = arith.constant 9520 : i32
    %dma_start3A_1240 = tpu.memref_slice %arg6[%dma_start3A_1239] : memref<10000xi32, #tpu.memory_space<vmem>> -> memref<80xi32, #tpu.memory_space<vmem>>
    %dma_start3A_1241 = arith.constant 0 : i32
    %dma_start3A_1242 = arith.constant 0 : i32
    %dma_start3A_1243 = tpu.memref_slice %arg12[%dma_start3A_1241, %dma_start3A_1242] : memref<10000x32xf32, #tpu.memory_space<vmem_shared>> -> memref<10000x32xf32, #tpu.memory_space<vmem_shared>>
    tpu.enqueue_indirect_dma source(%dma_start3A_1243 : memref<10000x32xf32, #tpu.memory_space<vmem_shared>>) target(%dma_start3A_1238 : memref<80x32xf32, #tpu.memory_space<vmem>>) offsets(%dma_start3A_1240 : memref<80xi32, #tpu.memory_space<vmem>>) semaphore(%arg15 : memref<!tpu.dma_semaphore, #tpu.memory_space<semaphore_mem>>)
    %dma_start3A_1244 = arith.constant 12 : i32
    %dma_start3A_1245 = arith.constant 0 : i32
    %dma_start3A_1246 = arith.constant 0 : i32
    %dma_start3A_1247 = tpu.memref_slice %arg8[%dma_start3A_1244, %dma_start3A_1245, %dma_start3A_1246] : memref<18x80x32xf32, #tpu.memory_space<vmem>> -> memref<1x80x32xf32, #tpu.memory_space<vmem>>
    %dma_start3A_1248 = tpu.memref_squeeze %dma_start3A_1247 : memref<1x80x32xf32, #tpu.memory_space<vmem>> -> memref<80x32xf32, #tpu.memory_space<vmem>>
    %dma_start3A_1249 = arith.constant 9600 : i32
    %dma_start3A_1250 = tpu.memref_slice %arg6[%dma_start3A_1249] : memref<10000xi32, #tpu.memory_space<vmem>> -> memref<80xi32, #tpu.memory_space<vmem>>
    %dma_start3A_1251 = arith.constant 0 : i32
    %dma_start3A_1252 = arith.constant 0 : i32
    %dma_start3A_1253 = tpu.memref_slice %arg12[%dma_start3A_1251, %dma_start3A_1252] : memref<10000x32xf32, #tpu.memory_space<vmem_shared>> -> memref<10000x32xf32, #tpu.memory_space<vmem_shared>>
    tpu.enqueue_indirect_dma source(%dma_start3A_1253 : memref<10000x32xf32, #tpu.memory_space<vmem_shared>>) target(%dma_start3A_1248 : memref<80x32xf32, #tpu.memory_space<vmem>>) offsets(%dma_start3A_1250 : memref<80xi32, #tpu.memory_space<vmem>>) semaphore(%arg15 : memref<!tpu.dma_semaphore, #tpu.memory_space<semaphore_mem>>)
    %dma_start3A_1254 = arith.constant 13 : i32
    %dma_start3A_1255 = arith.constant 0 : i32
    %dma_start3A_1256 = arith.constant 0 : i32
    %dma_start3A_1257 = tpu.memref_slice %arg8[%dma_start3A_1254, %dma_start3A_1255, %dma_start3A_1256] : memref<18x80x32xf32, #tpu.memory_space<vmem>> -> memref<1x80x32xf32, #tpu.memory_space<vmem>>
    %dma_start3A_1258 = tpu.memref_squeeze %dma_start3A_1257 : memref<1x80x32xf32, #tpu.memory_space<vmem>> -> memref<80x32xf32, #tpu.memory_space<vmem>>
    %dma_start3A_1259 = arith.constant 9680 : i32
    %dma_start3A_1260 = tpu.memref_slice %arg6[%dma_start3A_1259] : memref<10000xi32, #tpu.memory_space<vmem>> -> memref<80xi32, #tpu.memory_space<vmem>>
    %dma_start3A_1261 = arith.constant 0 : i32
    %dma_start3A_1262 = arith.constant 0 : i32
    %dma_start3A_1263 = tpu.memref_slice %arg12[%dma_start3A_1261, %dma_start3A_1262] : memref<10000x32xf32, #tpu.memory_space<vmem_shared>> -> memref<10000x32xf32, #tpu.memory_space<vmem_shared>>
    tpu.enqueue_indirect_dma source(%dma_start3A_1263 : memref<10000x32xf32, #tpu.memory_space<vmem_shared>>) target(%dma_start3A_1258 : memref<80x32xf32, #tpu.memory_space<vmem>>) offsets(%dma_start3A_1260 : memref<80xi32, #tpu.memory_space<vmem>>) semaphore(%arg15 : memref<!tpu.dma_semaphore, #tpu.memory_space<semaphore_mem>>)
    %dma_start3A_1264 = arith.constant 14 : i32
    %dma_start3A_1265 = arith.constant 0 : i32
    %dma_start3A_1266 = arith.constant 0 : i32
    %dma_start3A_1267 = tpu.memref_slice %arg8[%dma_start3A_1264, %dma_start3A_1265, %dma_start3A_1266] : memref<18x80x32xf32, #tpu.memory_space<vmem>> -> memref<1x80x32xf32, #tpu.memory_space<vmem>>
    %dma_start3A_1268 = tpu.memref_squeeze %dma_start3A_1267 : memref<1x80x32xf32, #tpu.memory_space<vmem>> -> memref<80x32xf32, #tpu.memory_space<vmem>>
    %dma_start3A_1269 = arith.constant 9760 : i32
    %dma_start3A_1270 = tpu.memref_slice %arg6[%dma_start3A_1269] : memref<10000xi32, #tpu.memory_space<vmem>> -> memref<80xi32, #tpu.memory_space<vmem>>
    %dma_start3A_1271 = arith.constant 0 : i32
    %dma_start3A_1272 = arith.constant 0 : i32
    %dma_start3A_1273 = tpu.memref_slice %arg12[%dma_start3A_1271, %dma_start3A_1272] : memref<10000x32xf32, #tpu.memory_space<vmem_shared>> -> memref<10000x32xf32, #tpu.memory_space<vmem_shared>>
    tpu.enqueue_indirect_dma source(%dma_start3A_1273 : memref<10000x32xf32, #tpu.memory_space<vmem_shared>>) target(%dma_start3A_1268 : memref<80x32xf32, #tpu.memory_space<vmem>>) offsets(%dma_start3A_1270 : memref<80xi32, #tpu.memory_space<vmem>>) semaphore(%arg15 : memref<!tpu.dma_semaphore, #tpu.memory_space<semaphore_mem>>)
    %dma_start3A_1274 = arith.constant 15 : i32
    %dma_start3A_1275 = arith.constant 0 : i32
    %dma_start3A_1276 = arith.constant 0 : i32
    %dma_start3A_1277 = tpu.memref_slice %arg8[%dma_start3A_1274, %dma_start3A_1275, %dma_start3A_1276] : memref<18x80x32xf32, #tpu.memory_space<vmem>> -> memref<1x80x32xf32, #tpu.memory_space<vmem>>
    %dma_start3A_1278 = tpu.memref_squeeze %dma_start3A_1277 : memref<1x80x32xf32, #tpu.memory_space<vmem>> -> memref<80x32xf32, #tpu.memory_space<vmem>>
    %dma_start3A_1279 = arith.constant 9840 : i32
    %dma_start3A_1280 = tpu.memref_slice %arg6[%dma_start3A_1279] : memref<10000xi32, #tpu.memory_space<vmem>> -> memref<80xi32, #tpu.memory_space<vmem>>
    %dma_start3A_1281 = arith.constant 0 : i32
    %dma_start3A_1282 = arith.constant 0 : i32
    %dma_start3A_1283 = tpu.memref_slice %arg12[%dma_start3A_1281, %dma_start3A_1282] : memref<10000x32xf32, #tpu.memory_space<vmem_shared>> -> memref<10000x32xf32, #tpu.memory_space<vmem_shared>>
    tpu.enqueue_indirect_dma source(%dma_start3A_1283 : memref<10000x32xf32, #tpu.memory_space<vmem_shared>>) target(%dma_start3A_1278 : memref<80x32xf32, #tpu.memory_space<vmem>>) offsets(%dma_start3A_1280 : memref<80xi32, #tpu.memory_space<vmem>>) semaphore(%arg15 : memref<!tpu.dma_semaphore, #tpu.memory_space<semaphore_mem>>)
    %dma_start3A_1284 = arith.constant 16 : i32
    %dma_start3A_1285 = arith.constant 0 : i32
    %dma_start3A_1286 = arith.constant 0 : i32
    %dma_start3A_1287 = tpu.memref_slice %arg8[%dma_start3A_1284, %dma_start3A_1285, %dma_start3A_1286] : memref<18x80x32xf32, #tpu.memory_space<vmem>> -> memref<1x80x32xf32, #tpu.memory_space<vmem>>
    %dma_start3A_1288 = tpu.memref_squeeze %dma_start3A_1287 : memref<1x80x32xf32, #tpu.memory_space<vmem>> -> memref<80x32xf32, #tpu.memory_space<vmem>>
    %dma_start3A_1289 = arith.constant 9920 : i32
    %dma_start3A_1290 = tpu.memref_slice %arg6[%dma_start3A_1289] : memref<10000xi32, #tpu.memory_space<vmem>> -> memref<80xi32, #tpu.memory_space<vmem>>
    %dma_start3A_1291 = arith.constant 0 : i32
    %dma_start3A_1292 = arith.constant 0 : i32
    %dma_start3A_1293 = tpu.memref_slice %arg12[%dma_start3A_1291, %dma_start3A_1292] : memref<10000x32xf32, #tpu.memory_space<vmem_shared>> -> memref<10000x32xf32, #tpu.memory_space<vmem_shared>>
    tpu.enqueue_indirect_dma source(%dma_start3A_1293 : memref<10000x32xf32, #tpu.memory_space<vmem_shared>>) target(%dma_start3A_1288 : memref<80x32xf32, #tpu.memory_space<vmem>>) offsets(%dma_start3A_1290 : memref<80xi32, #tpu.memory_space<vmem>>) semaphore(%arg15 : memref<!tpu.dma_semaphore, #tpu.memory_space<semaphore_mem>>)
    %dma_start3A_1294 = arith.constant 0 : i32
    %dma_start3A_1295 = tpu.memref_slice %arg11[%dma_start3A_1294] : memref<112xf32, #tpu.memory_space<vmem>> -> memref<80xf32, #tpu.memory_space<vmem>>
    %dma_start3A_1296 = arith.constant 8640 : i32
    %dma_start3A_1297 = tpu.memref_slice %arg7[%dma_start3A_1296] : memref<10000xi32, #tpu.memory_space<vmem>> -> memref<80xi32, #tpu.memory_space<vmem>>
    %dma_start3A_1298 = arith.constant 0 : i32
    %dma_start3A_1299 = tpu.memref_slice %arg14[%dma_start3A_1298] : memref<10240xf32, #tpu.memory_space<vmem_shared>> -> memref<10240xf32, #tpu.memory_space<vmem_shared>>
    tpu.enqueue_indirect_dma source(%dma_start3A_1295 : memref<80xf32, #tpu.memory_space<vmem>>) target(%dma_start3A_1299 : memref<10240xf32, #tpu.memory_space<vmem_shared>>) offsets(%dma_start3A_1297 : memref<80xi32, #tpu.memory_space<vmem>>) semaphore(%arg17 : memref<!tpu.dma_semaphore, #tpu.memory_space<semaphore_mem>>) {add = true}
    %dma_start3A_1300 = arith.constant 0 : i32
    %dma_start3A_1301 = tpu.memref_slice %arg11[%dma_start3A_1300] : memref<112xf32, #tpu.memory_space<vmem>> -> memref<80xf32, #tpu.memory_space<vmem>>
    %dma_start3A_1302 = arith.constant 8720 : i32
    %dma_start3A_1303 = tpu.memref_slice %arg7[%dma_start3A_1302] : memref<10000xi32, #tpu.memory_space<vmem>> -> memref<80xi32, #tpu.memory_space<vmem>>
    %dma_start3A_1304 = arith.constant 0 : i32
    %dma_start3A_1305 = tpu.memref_slice %arg14[%dma_start3A_1304] : memref<10240xf32, #tpu.memory_space<vmem_shared>> -> memref<10240xf32, #tpu.memory_space<vmem_shared>>
    tpu.enqueue_indirect_dma source(%dma_start3A_1301 : memref<80xf32, #tpu.memory_space<vmem>>) target(%dma_start3A_1305 : memref<10240xf32, #tpu.memory_space<vmem_shared>>) offsets(%dma_start3A_1303 : memref<80xi32, #tpu.memory_space<vmem>>) semaphore(%arg17 : memref<!tpu.dma_semaphore, #tpu.memory_space<semaphore_mem>>) {add = true}
    %dma_start3A_1306 = arith.constant 0 : i32
    %dma_start3A_1307 = tpu.memref_slice %arg11[%dma_start3A_1306] : memref<112xf32, #tpu.memory_space<vmem>> -> memref<80xf32, #tpu.memory_space<vmem>>
    %dma_start3A_1308 = arith.constant 8800 : i32
    %dma_start3A_1309 = tpu.memref_slice %arg7[%dma_start3A_1308] : memref<10000xi32, #tpu.memory_space<vmem>> -> memref<80xi32, #tpu.memory_space<vmem>>
    %dma_start3A_1310 = arith.constant 0 : i32
    %dma_start3A_1311 = tpu.memref_slice %arg14[%dma_start3A_1310] : memref<10240xf32, #tpu.memory_space<vmem_shared>> -> memref<10240xf32, #tpu.memory_space<vmem_shared>>
    tpu.enqueue_indirect_dma source(%dma_start3A_1307 : memref<80xf32, #tpu.memory_space<vmem>>) target(%dma_start3A_1311 : memref<10240xf32, #tpu.memory_space<vmem_shared>>) offsets(%dma_start3A_1309 : memref<80xi32, #tpu.memory_space<vmem>>) semaphore(%arg17 : memref<!tpu.dma_semaphore, #tpu.memory_space<semaphore_mem>>) {add = true}
    %dma_start3A_1312 = arith.constant 0 : i32
    %dma_start3A_1313 = tpu.memref_slice %arg11[%dma_start3A_1312] : memref<112xf32, #tpu.memory_space<vmem>> -> memref<80xf32, #tpu.memory_space<vmem>>
    %dma_start3A_1314 = arith.constant 8880 : i32
    %dma_start3A_1315 = tpu.memref_slice %arg7[%dma_start3A_1314] : memref<10000xi32, #tpu.memory_space<vmem>> -> memref<80xi32, #tpu.memory_space<vmem>>
    %dma_start3A_1316 = arith.constant 0 : i32
    %dma_start3A_1317 = tpu.memref_slice %arg14[%dma_start3A_1316] : memref<10240xf32, #tpu.memory_space<vmem_shared>> -> memref<10240xf32, #tpu.memory_space<vmem_shared>>
    tpu.enqueue_indirect_dma source(%dma_start3A_1313 : memref<80xf32, #tpu.memory_space<vmem>>) target(%dma_start3A_1317 : memref<10240xf32, #tpu.memory_space<vmem_shared>>) offsets(%dma_start3A_1315 : memref<80xi32, #tpu.memory_space<vmem>>) semaphore(%arg17 : memref<!tpu.dma_semaphore, #tpu.memory_space<semaphore_mem>>) {add = true}
    %dma_start3A_1318 = arith.constant 0 : i32
    %dma_start3A_1319 = tpu.memref_slice %arg11[%dma_start3A_1318] : memref<112xf32, #tpu.memory_space<vmem>> -> memref<80xf32, #tpu.memory_space<vmem>>
    %dma_start3A_1320 = arith.constant 8960 : i32
    %dma_start3A_1321 = tpu.memref_slice %arg7[%dma_start3A_1320] : memref<10000xi32, #tpu.memory_space<vmem>> -> memref<80xi32, #tpu.memory_space<vmem>>
    %dma_start3A_1322 = arith.constant 0 : i32
    %dma_start3A_1323 = tpu.memref_slice %arg14[%dma_start3A_1322] : memref<10240xf32, #tpu.memory_space<vmem_shared>> -> memref<10240xf32, #tpu.memory_space<vmem_shared>>
    tpu.enqueue_indirect_dma source(%dma_start3A_1319 : memref<80xf32, #tpu.memory_space<vmem>>) target(%dma_start3A_1323 : memref<10240xf32, #tpu.memory_space<vmem_shared>>) offsets(%dma_start3A_1321 : memref<80xi32, #tpu.memory_space<vmem>>) semaphore(%arg17 : memref<!tpu.dma_semaphore, #tpu.memory_space<semaphore_mem>>) {add = true}
    %dma_start3A_1324 = arith.constant 0 : i32
    %dma_start3A_1325 = tpu.memref_slice %arg11[%dma_start3A_1324] : memref<112xf32, #tpu.memory_space<vmem>> -> memref<80xf32, #tpu.memory_space<vmem>>
    %dma_start3A_1326 = arith.constant 9040 : i32
    %dma_start3A_1327 = tpu.memref_slice %arg7[%dma_start3A_1326] : memref<10000xi32, #tpu.memory_space<vmem>> -> memref<80xi32, #tpu.memory_space<vmem>>
    %dma_start3A_1328 = arith.constant 0 : i32
    %dma_start3A_1329 = tpu.memref_slice %arg14[%dma_start3A_1328] : memref<10240xf32, #tpu.memory_space<vmem_shared>> -> memref<10240xf32, #tpu.memory_space<vmem_shared>>
    tpu.enqueue_indirect_dma source(%dma_start3A_1325 : memref<80xf32, #tpu.memory_space<vmem>>) target(%dma_start3A_1329 : memref<10240xf32, #tpu.memory_space<vmem_shared>>) offsets(%dma_start3A_1327 : memref<80xi32, #tpu.memory_space<vmem>>) semaphore(%arg17 : memref<!tpu.dma_semaphore, #tpu.memory_space<semaphore_mem>>) {add = true}
    %dma_start3A_1330 = arith.constant 0 : i32
    %dma_start3A_1331 = tpu.memref_slice %arg11[%dma_start3A_1330] : memref<112xf32, #tpu.memory_space<vmem>> -> memref<80xf32, #tpu.memory_space<vmem>>
    %dma_start3A_1332 = arith.constant 9120 : i32
    %dma_start3A_1333 = tpu.memref_slice %arg7[%dma_start3A_1332] : memref<10000xi32, #tpu.memory_space<vmem>> -> memref<80xi32, #tpu.memory_space<vmem>>
    %dma_start3A_1334 = arith.constant 0 : i32
    %dma_start3A_1335 = tpu.memref_slice %arg14[%dma_start3A_1334] : memref<10240xf32, #tpu.memory_space<vmem_shared>> -> memref<10240xf32, #tpu.memory_space<vmem_shared>>
    tpu.enqueue_indirect_dma source(%dma_start3A_1331 : memref<80xf32, #tpu.memory_space<vmem>>) target(%dma_start3A_1335 : memref<10240xf32, #tpu.memory_space<vmem_shared>>) offsets(%dma_start3A_1333 : memref<80xi32, #tpu.memory_space<vmem>>) semaphore(%arg17 : memref<!tpu.dma_semaphore, #tpu.memory_space<semaphore_mem>>) {add = true}
    %dma_start3A_1336 = arith.constant 0 : i32
    %dma_start3A_1337 = tpu.memref_slice %arg11[%dma_start3A_1336] : memref<112xf32, #tpu.memory_space<vmem>> -> memref<80xf32, #tpu.memory_space<vmem>>
    %dma_start3A_1338 = arith.constant 9200 : i32
    %dma_start3A_1339 = tpu.memref_slice %arg7[%dma_start3A_1338] : memref<10000xi32, #tpu.memory_space<vmem>> -> memref<80xi32, #tpu.memory_space<vmem>>
    %dma_start3A_1340 = arith.constant 0 : i32
    %dma_start3A_1341 = tpu.memref_slice %arg14[%dma_start3A_1340] : memref<10240xf32, #tpu.memory_space<vmem_shared>> -> memref<10240xf32, #tpu.memory_space<vmem_shared>>
    tpu.enqueue_indirect_dma source(%dma_start3A_1337 : memref<80xf32, #tpu.memory_space<vmem>>) target(%dma_start3A_1341 : memref<10240xf32, #tpu.memory_space<vmem_shared>>) offsets(%dma_start3A_1339 : memref<80xi32, #tpu.memory_space<vmem>>) semaphore(%arg17 : memref<!tpu.dma_semaphore, #tpu.memory_space<semaphore_mem>>) {add = true}
    %dma_start3A_1342 = arith.constant 0 : i32
    %dma_start3A_1343 = tpu.memref_slice %arg11[%dma_start3A_1342] : memref<112xf32, #tpu.memory_space<vmem>> -> memref<80xf32, #tpu.memory_space<vmem>>
    %dma_start3A_1344 = arith.constant 9280 : i32
    %dma_start3A_1345 = tpu.memref_slice %arg7[%dma_start3A_1344] : memref<10000xi32, #tpu.memory_space<vmem>> -> memref<80xi32, #tpu.memory_space<vmem>>
    %dma_start3A_1346 = arith.constant 0 : i32
    %dma_start3A_1347 = tpu.memref_slice %arg14[%dma_start3A_1346] : memref<10240xf32, #tpu.memory_space<vmem_shared>> -> memref<10240xf32, #tpu.memory_space<vmem_shared>>
    tpu.enqueue_indirect_dma source(%dma_start3A_1343 : memref<80xf32, #tpu.memory_space<vmem>>) target(%dma_start3A_1347 : memref<10240xf32, #tpu.memory_space<vmem_shared>>) offsets(%dma_start3A_1345 : memref<80xi32, #tpu.memory_space<vmem>>) semaphore(%arg17 : memref<!tpu.dma_semaphore, #tpu.memory_space<semaphore_mem>>) {add = true}
    %dma_start3A_1348 = arith.constant 0 : i32
    %dma_start3A_1349 = tpu.memref_slice %arg11[%dma_start3A_1348] : memref<112xf32, #tpu.memory_space<vmem>> -> memref<80xf32, #tpu.memory_space<vmem>>
    %dma_start3A_1350 = arith.constant 9360 : i32
    %dma_start3A_1351 = tpu.memref_slice %arg7[%dma_start3A_1350] : memref<10000xi32, #tpu.memory_space<vmem>> -> memref<80xi32, #tpu.memory_space<vmem>>
    %dma_start3A_1352 = arith.constant 0 : i32
    %dma_start3A_1353 = tpu.memref_slice %arg14[%dma_start3A_1352] : memref<10240xf32, #tpu.memory_space<vmem_shared>> -> memref<10240xf32, #tpu.memory_space<vmem_shared>>
    tpu.enqueue_indirect_dma source(%dma_start3A_1349 : memref<80xf32, #tpu.memory_space<vmem>>) target(%dma_start3A_1353 : memref<10240xf32, #tpu.memory_space<vmem_shared>>) offsets(%dma_start3A_1351 : memref<80xi32, #tpu.memory_space<vmem>>) semaphore(%arg17 : memref<!tpu.dma_semaphore, #tpu.memory_space<semaphore_mem>>) {add = true}
    %dma_start3A_1354 = arith.constant 0 : i32
    %dma_start3A_1355 = tpu.memref_slice %arg11[%dma_start3A_1354] : memref<112xf32, #tpu.memory_space<vmem>> -> memref<80xf32, #tpu.memory_space<vmem>>
    %dma_start3A_1356 = arith.constant 9440 : i32
    %dma_start3A_1357 = tpu.memref_slice %arg7[%dma_start3A_1356] : memref<10000xi32, #tpu.memory_space<vmem>> -> memref<80xi32, #tpu.memory_space<vmem>>
    %dma_start3A_1358 = arith.constant 0 : i32
    %dma_start3A_1359 = tpu.memref_slice %arg14[%dma_start3A_1358] : memref<10240xf32, #tpu.memory_space<vmem_shared>> -> memref<10240xf32, #tpu.memory_space<vmem_shared>>
    tpu.enqueue_indirect_dma source(%dma_start3A_1355 : memref<80xf32, #tpu.memory_space<vmem>>) target(%dma_start3A_1359 : memref<10240xf32, #tpu.memory_space<vmem_shared>>) offsets(%dma_start3A_1357 : memref<80xi32, #tpu.memory_space<vmem>>) semaphore(%arg17 : memref<!tpu.dma_semaphore, #tpu.memory_space<semaphore_mem>>) {add = true}
    %dma_start3A_1360 = arith.constant 0 : i32
    %dma_start3A_1361 = tpu.memref_slice %arg11[%dma_start3A_1360] : memref<112xf32, #tpu.memory_space<vmem>> -> memref<80xf32, #tpu.memory_space<vmem>>
    %dma_start3A_1362 = arith.constant 9520 : i32
    %dma_start3A_1363 = tpu.memref_slice %arg7[%dma_start3A_1362] : memref<10000xi32, #tpu.memory_space<vmem>> -> memref<80xi32, #tpu.memory_space<vmem>>
    %dma_start3A_1364 = arith.constant 0 : i32
    %dma_start3A_1365 = tpu.memref_slice %arg14[%dma_start3A_1364] : memref<10240xf32, #tpu.memory_space<vmem_shared>> -> memref<10240xf32, #tpu.memory_space<vmem_shared>>
    tpu.enqueue_indirect_dma source(%dma_start3A_1361 : memref<80xf32, #tpu.memory_space<vmem>>) target(%dma_start3A_1365 : memref<10240xf32, #tpu.memory_space<vmem_shared>>) offsets(%dma_start3A_1363 : memref<80xi32, #tpu.memory_space<vmem>>) semaphore(%arg17 : memref<!tpu.dma_semaphore, #tpu.memory_space<semaphore_mem>>) {add = true}
    %dma_start3A_1366 = arith.constant 0 : i32
    %dma_start3A_1367 = tpu.memref_slice %arg11[%dma_start3A_1366] : memref<112xf32, #tpu.memory_space<vmem>> -> memref<80xf32, #tpu.memory_space<vmem>>
    %dma_start3A_1368 = arith.constant 9600 : i32
    %dma_start3A_1369 = tpu.memref_slice %arg7[%dma_start3A_1368] : memref<10000xi32, #tpu.memory_space<vmem>> -> memref<80xi32, #tpu.memory_space<vmem>>
    %dma_start3A_1370 = arith.constant 0 : i32
    %dma_start3A_1371 = tpu.memref_slice %arg14[%dma_start3A_1370] : memref<10240xf32, #tpu.memory_space<vmem_shared>> -> memref<10240xf32, #tpu.memory_space<vmem_shared>>
    tpu.enqueue_indirect_dma source(%dma_start3A_1367 : memref<80xf32, #tpu.memory_space<vmem>>) target(%dma_start3A_1371 : memref<10240xf32, #tpu.memory_space<vmem_shared>>) offsets(%dma_start3A_1369 : memref<80xi32, #tpu.memory_space<vmem>>) semaphore(%arg17 : memref<!tpu.dma_semaphore, #tpu.memory_space<semaphore_mem>>) {add = true}
    %dma_start3A_1372 = arith.constant 0 : i32
    %dma_start3A_1373 = tpu.memref_slice %arg11[%dma_start3A_1372] : memref<112xf32, #tpu.memory_space<vmem>> -> memref<80xf32, #tpu.memory_space<vmem>>
    %dma_start3A_1374 = arith.constant 9680 : i32
    %dma_start3A_1375 = tpu.memref_slice %arg7[%dma_start3A_1374] : memref<10000xi32, #tpu.memory_space<vmem>> -> memref<80xi32, #tpu.memory_space<vmem>>
    %dma_start3A_1376 = arith.constant 0 : i32
    %dma_start3A_1377 = tpu.memref_slice %arg14[%dma_start3A_1376] : memref<10240xf32, #tpu.memory_space<vmem_shared>> -> memref<10240xf32, #tpu.memory_space<vmem_shared>>
    tpu.enqueue_indirect_dma source(%dma_start3A_1373 : memref<80xf32, #tpu.memory_space<vmem>>) target(%dma_start3A_1377 : memref<10240xf32, #tpu.memory_space<vmem_shared>>) offsets(%dma_start3A_1375 : memref<80xi32, #tpu.memory_space<vmem>>) semaphore(%arg17 : memref<!tpu.dma_semaphore, #tpu.memory_space<semaphore_mem>>) {add = true}
    %dma_start3A_1378 = arith.constant 0 : i32
    %dma_start3A_1379 = tpu.memref_slice %arg11[%dma_start3A_1378] : memref<112xf32, #tpu.memory_space<vmem>> -> memref<80xf32, #tpu.memory_space<vmem>>
    %dma_start3A_1380 = arith.constant 9760 : i32
    %dma_start3A_1381 = tpu.memref_slice %arg7[%dma_start3A_1380] : memref<10000xi32, #tpu.memory_space<vmem>> -> memref<80xi32, #tpu.memory_space<vmem>>
    %dma_start3A_1382 = arith.constant 0 : i32
    %dma_start3A_1383 = tpu.memref_slice %arg14[%dma_start3A_1382] : memref<10240xf32, #tpu.memory_space<vmem_shared>> -> memref<10240xf32, #tpu.memory_space<vmem_shared>>
    tpu.enqueue_indirect_dma source(%dma_start3A_1379 : memref<80xf32, #tpu.memory_space<vmem>>) target(%dma_start3A_1383 : memref<10240xf32, #tpu.memory_space<vmem_shared>>) offsets(%dma_start3A_1381 : memref<80xi32, #tpu.memory_space<vmem>>) semaphore(%arg17 : memref<!tpu.dma_semaphore, #tpu.memory_space<semaphore_mem>>) {add = true}
    %dma_start3A_1384 = arith.constant 0 : i32
    %dma_start3A_1385 = tpu.memref_slice %arg11[%dma_start3A_1384] : memref<112xf32, #tpu.memory_space<vmem>> -> memref<80xf32, #tpu.memory_space<vmem>>
    %dma_start3A_1386 = arith.constant 9840 : i32
    %dma_start3A_1387 = tpu.memref_slice %arg7[%dma_start3A_1386] : memref<10000xi32, #tpu.memory_space<vmem>> -> memref<80xi32, #tpu.memory_space<vmem>>
    %dma_start3A_1388 = arith.constant 0 : i32
    %dma_start3A_1389 = tpu.memref_slice %arg14[%dma_start3A_1388] : memref<10240xf32, #tpu.memory_space<vmem_shared>> -> memref<10240xf32, #tpu.memory_space<vmem_shared>>
    tpu.enqueue_indirect_dma source(%dma_start3A_1385 : memref<80xf32, #tpu.memory_space<vmem>>) target(%dma_start3A_1389 : memref<10240xf32, #tpu.memory_space<vmem_shared>>) offsets(%dma_start3A_1387 : memref<80xi32, #tpu.memory_space<vmem>>) semaphore(%arg17 : memref<!tpu.dma_semaphore, #tpu.memory_space<semaphore_mem>>) {add = true}
    %dma_start3A_1390 = arith.constant 0 : i32
    %dma_start3A_1391 = tpu.memref_slice %arg11[%dma_start3A_1390] : memref<112xf32, #tpu.memory_space<vmem>> -> memref<80xf32, #tpu.memory_space<vmem>>
    %dma_start3A_1392 = arith.constant 9920 : i32
    %dma_start3A_1393 = tpu.memref_slice %arg7[%dma_start3A_1392] : memref<10000xi32, #tpu.memory_space<vmem>> -> memref<80xi32, #tpu.memory_space<vmem>>
    %dma_start3A_1394 = arith.constant 0 : i32
    %dma_start3A_1395 = tpu.memref_slice %arg14[%dma_start3A_1394] : memref<10240xf32, #tpu.memory_space<vmem_shared>> -> memref<10240xf32, #tpu.memory_space<vmem_shared>>
    tpu.enqueue_indirect_dma source(%dma_start3A_1391 : memref<80xf32, #tpu.memory_space<vmem>>) target(%dma_start3A_1395 : memref<10240xf32, #tpu.memory_space<vmem_shared>>) offsets(%dma_start3A_1393 : memref<80xi32, #tpu.memory_space<vmem>>) semaphore(%arg17 : memref<!tpu.dma_semaphore, #tpu.memory_space<semaphore_mem>>) {add = true}
    %dma_wait3A_1396 = arith.constant 0 : i32
    %dma_wait3A_1397 = arith.constant 0 : i32
    %dma_wait3A_1398 = arith.constant 0 : i32
    %dma_wait3A_1399 = tpu.memref_slice %arg8[%dma_wait3A_1396, %dma_wait3A_1397, %dma_wait3A_1398] : memref<18x80x32xf32, #tpu.memory_space<vmem>> -> memref<1x80x32xf32, #tpu.memory_space<vmem>>
    %dma_wait3A_1400 = tpu.memref_squeeze %dma_wait3A_1399 : memref<1x80x32xf32, #tpu.memory_space<vmem>> -> memref<80x32xf32, #tpu.memory_space<vmem>>
    %dma_wait3A_1401 = arith.constant 8640 : i32
    %dma_wait3A_1402 = tpu.memref_slice %arg6[%dma_wait3A_1401] : memref<10000xi32, #tpu.memory_space<vmem>> -> memref<80xi32, #tpu.memory_space<vmem>>
    %dma_wait3A_1403 = arith.constant 0 : i32
    %dma_wait3A_1404 = arith.constant 0 : i32
    %dma_wait3A_1405 = tpu.memref_slice %arg12[%dma_wait3A_1403, %dma_wait3A_1404] : memref<10000x32xf32, #tpu.memory_space<vmem_shared>> -> memref<10000x32xf32, #tpu.memory_space<vmem_shared>>
    tpu.wait_indirect_dma semaphore(%arg15 : memref<!tpu.dma_semaphore, #tpu.memory_space<semaphore_mem>>) src(%dma_wait3A_1405 : memref<10000x32xf32, #tpu.memory_space<vmem_shared>>) dst(%dma_wait3A_1400 : memref<80x32xf32, #tpu.memory_space<vmem>>)
    %dma_wait3A_1406 = arith.constant 1 : i32
    %dma_wait3A_1407 = arith.constant 0 : i32
    %dma_wait3A_1408 = arith.constant 0 : i32
    %dma_wait3A_1409 = tpu.memref_slice %arg8[%dma_wait3A_1406, %dma_wait3A_1407, %dma_wait3A_1408] : memref<18x80x32xf32, #tpu.memory_space<vmem>> -> memref<1x80x32xf32, #tpu.memory_space<vmem>>
    %dma_wait3A_1410 = tpu.memref_squeeze %dma_wait3A_1409 : memref<1x80x32xf32, #tpu.memory_space<vmem>> -> memref<80x32xf32, #tpu.memory_space<vmem>>
    %dma_wait3A_1411 = arith.constant 8720 : i32
    %dma_wait3A_1412 = tpu.memref_slice %arg6[%dma_wait3A_1411] : memref<10000xi32, #tpu.memory_space<vmem>> -> memref<80xi32, #tpu.memory_space<vmem>>
    %dma_wait3A_1413 = arith.constant 0 : i32
    %dma_wait3A_1414 = arith.constant 0 : i32
    %dma_wait3A_1415 = tpu.memref_slice %arg12[%dma_wait3A_1413, %dma_wait3A_1414] : memref<10000x32xf32, #tpu.memory_space<vmem_shared>> -> memref<10000x32xf32, #tpu.memory_space<vmem_shared>>
    tpu.wait_indirect_dma semaphore(%arg15 : memref<!tpu.dma_semaphore, #tpu.memory_space<semaphore_mem>>) src(%dma_wait3A_1415 : memref<10000x32xf32, #tpu.memory_space<vmem_shared>>) dst(%dma_wait3A_1410 : memref<80x32xf32, #tpu.memory_space<vmem>>)
    %dma_wait3A_1416 = arith.constant 2 : i32
    %dma_wait3A_1417 = arith.constant 0 : i32
    %dma_wait3A_1418 = arith.constant 0 : i32
    %dma_wait3A_1419 = tpu.memref_slice %arg8[%dma_wait3A_1416, %dma_wait3A_1417, %dma_wait3A_1418] : memref<18x80x32xf32, #tpu.memory_space<vmem>> -> memref<1x80x32xf32, #tpu.memory_space<vmem>>
    %dma_wait3A_1420 = tpu.memref_squeeze %dma_wait3A_1419 : memref<1x80x32xf32, #tpu.memory_space<vmem>> -> memref<80x32xf32, #tpu.memory_space<vmem>>
    %dma_wait3A_1421 = arith.constant 8800 : i32
    %dma_wait3A_1422 = tpu.memref_slice %arg6[%dma_wait3A_1421] : memref<10000xi32, #tpu.memory_space<vmem>> -> memref<80xi32, #tpu.memory_space<vmem>>
    %dma_wait3A_1423 = arith.constant 0 : i32
    %dma_wait3A_1424 = arith.constant 0 : i32
    %dma_wait3A_1425 = tpu.memref_slice %arg12[%dma_wait3A_1423, %dma_wait3A_1424] : memref<10000x32xf32, #tpu.memory_space<vmem_shared>> -> memref<10000x32xf32, #tpu.memory_space<vmem_shared>>
    tpu.wait_indirect_dma semaphore(%arg15 : memref<!tpu.dma_semaphore, #tpu.memory_space<semaphore_mem>>) src(%dma_wait3A_1425 : memref<10000x32xf32, #tpu.memory_space<vmem_shared>>) dst(%dma_wait3A_1420 : memref<80x32xf32, #tpu.memory_space<vmem>>)
    %dma_wait3A_1426 = arith.constant 3 : i32
    %dma_wait3A_1427 = arith.constant 0 : i32
    %dma_wait3A_1428 = arith.constant 0 : i32
    %dma_wait3A_1429 = tpu.memref_slice %arg8[%dma_wait3A_1426, %dma_wait3A_1427, %dma_wait3A_1428] : memref<18x80x32xf32, #tpu.memory_space<vmem>> -> memref<1x80x32xf32, #tpu.memory_space<vmem>>
    %dma_wait3A_1430 = tpu.memref_squeeze %dma_wait3A_1429 : memref<1x80x32xf32, #tpu.memory_space<vmem>> -> memref<80x32xf32, #tpu.memory_space<vmem>>
    %dma_wait3A_1431 = arith.constant 8880 : i32
    %dma_wait3A_1432 = tpu.memref_slice %arg6[%dma_wait3A_1431] : memref<10000xi32, #tpu.memory_space<vmem>> -> memref<80xi32, #tpu.memory_space<vmem>>
    %dma_wait3A_1433 = arith.constant 0 : i32
    %dma_wait3A_1434 = arith.constant 0 : i32
    %dma_wait3A_1435 = tpu.memref_slice %arg12[%dma_wait3A_1433, %dma_wait3A_1434] : memref<10000x32xf32, #tpu.memory_space<vmem_shared>> -> memref<10000x32xf32, #tpu.memory_space<vmem_shared>>
    tpu.wait_indirect_dma semaphore(%arg15 : memref<!tpu.dma_semaphore, #tpu.memory_space<semaphore_mem>>) src(%dma_wait3A_1435 : memref<10000x32xf32, #tpu.memory_space<vmem_shared>>) dst(%dma_wait3A_1430 : memref<80x32xf32, #tpu.memory_space<vmem>>)
    %dma_wait3A_1436 = arith.constant 4 : i32
    %dma_wait3A_1437 = arith.constant 0 : i32
    %dma_wait3A_1438 = arith.constant 0 : i32
    %dma_wait3A_1439 = tpu.memref_slice %arg8[%dma_wait3A_1436, %dma_wait3A_1437, %dma_wait3A_1438] : memref<18x80x32xf32, #tpu.memory_space<vmem>> -> memref<1x80x32xf32, #tpu.memory_space<vmem>>
    %dma_wait3A_1440 = tpu.memref_squeeze %dma_wait3A_1439 : memref<1x80x32xf32, #tpu.memory_space<vmem>> -> memref<80x32xf32, #tpu.memory_space<vmem>>
    %dma_wait3A_1441 = arith.constant 8960 : i32
    %dma_wait3A_1442 = tpu.memref_slice %arg6[%dma_wait3A_1441] : memref<10000xi32, #tpu.memory_space<vmem>> -> memref<80xi32, #tpu.memory_space<vmem>>
    %dma_wait3A_1443 = arith.constant 0 : i32
    %dma_wait3A_1444 = arith.constant 0 : i32
    %dma_wait3A_1445 = tpu.memref_slice %arg12[%dma_wait3A_1443, %dma_wait3A_1444] : memref<10000x32xf32, #tpu.memory_space<vmem_shared>> -> memref<10000x32xf32, #tpu.memory_space<vmem_shared>>
    tpu.wait_indirect_dma semaphore(%arg15 : memref<!tpu.dma_semaphore, #tpu.memory_space<semaphore_mem>>) src(%dma_wait3A_1445 : memref<10000x32xf32, #tpu.memory_space<vmem_shared>>) dst(%dma_wait3A_1440 : memref<80x32xf32, #tpu.memory_space<vmem>>)
    %dma_wait3A_1446 = arith.constant 5 : i32
    %dma_wait3A_1447 = arith.constant 0 : i32
    %dma_wait3A_1448 = arith.constant 0 : i32
    %dma_wait3A_1449 = tpu.memref_slice %arg8[%dma_wait3A_1446, %dma_wait3A_1447, %dma_wait3A_1448] : memref<18x80x32xf32, #tpu.memory_space<vmem>> -> memref<1x80x32xf32, #tpu.memory_space<vmem>>
    %dma_wait3A_1450 = tpu.memref_squeeze %dma_wait3A_1449 : memref<1x80x32xf32, #tpu.memory_space<vmem>> -> memref<80x32xf32, #tpu.memory_space<vmem>>
    %dma_wait3A_1451 = arith.constant 9040 : i32
    %dma_wait3A_1452 = tpu.memref_slice %arg6[%dma_wait3A_1451] : memref<10000xi32, #tpu.memory_space<vmem>> -> memref<80xi32, #tpu.memory_space<vmem>>
    %dma_wait3A_1453 = arith.constant 0 : i32
    %dma_wait3A_1454 = arith.constant 0 : i32
    %dma_wait3A_1455 = tpu.memref_slice %arg12[%dma_wait3A_1453, %dma_wait3A_1454] : memref<10000x32xf32, #tpu.memory_space<vmem_shared>> -> memref<10000x32xf32, #tpu.memory_space<vmem_shared>>
    tpu.wait_indirect_dma semaphore(%arg15 : memref<!tpu.dma_semaphore, #tpu.memory_space<semaphore_mem>>) src(%dma_wait3A_1455 : memref<10000x32xf32, #tpu.memory_space<vmem_shared>>) dst(%dma_wait3A_1450 : memref<80x32xf32, #tpu.memory_space<vmem>>)
    %dma_wait3A_1456 = arith.constant 6 : i32
    %dma_wait3A_1457 = arith.constant 0 : i32
    %dma_wait3A_1458 = arith.constant 0 : i32
    %dma_wait3A_1459 = tpu.memref_slice %arg8[%dma_wait3A_1456, %dma_wait3A_1457, %dma_wait3A_1458] : memref<18x80x32xf32, #tpu.memory_space<vmem>> -> memref<1x80x32xf32, #tpu.memory_space<vmem>>
    %dma_wait3A_1460 = tpu.memref_squeeze %dma_wait3A_1459 : memref<1x80x32xf32, #tpu.memory_space<vmem>> -> memref<80x32xf32, #tpu.memory_space<vmem>>
    %dma_wait3A_1461 = arith.constant 9120 : i32
    %dma_wait3A_1462 = tpu.memref_slice %arg6[%dma_wait3A_1461] : memref<10000xi32, #tpu.memory_space<vmem>> -> memref<80xi32, #tpu.memory_space<vmem>>
    %dma_wait3A_1463 = arith.constant 0 : i32
    %dma_wait3A_1464 = arith.constant 0 : i32
    %dma_wait3A_1465 = tpu.memref_slice %arg12[%dma_wait3A_1463, %dma_wait3A_1464] : memref<10000x32xf32, #tpu.memory_space<vmem_shared>> -> memref<10000x32xf32, #tpu.memory_space<vmem_shared>>
    tpu.wait_indirect_dma semaphore(%arg15 : memref<!tpu.dma_semaphore, #tpu.memory_space<semaphore_mem>>) src(%dma_wait3A_1465 : memref<10000x32xf32, #tpu.memory_space<vmem_shared>>) dst(%dma_wait3A_1460 : memref<80x32xf32, #tpu.memory_space<vmem>>)
    %dma_wait3A_1466 = arith.constant 7 : i32
    %dma_wait3A_1467 = arith.constant 0 : i32
    %dma_wait3A_1468 = arith.constant 0 : i32
    %dma_wait3A_1469 = tpu.memref_slice %arg8[%dma_wait3A_1466, %dma_wait3A_1467, %dma_wait3A_1468] : memref<18x80x32xf32, #tpu.memory_space<vmem>> -> memref<1x80x32xf32, #tpu.memory_space<vmem>>
    %dma_wait3A_1470 = tpu.memref_squeeze %dma_wait3A_1469 : memref<1x80x32xf32, #tpu.memory_space<vmem>> -> memref<80x32xf32, #tpu.memory_space<vmem>>
    %dma_wait3A_1471 = arith.constant 9200 : i32
    %dma_wait3A_1472 = tpu.memref_slice %arg6[%dma_wait3A_1471] : memref<10000xi32, #tpu.memory_space<vmem>> -> memref<80xi32, #tpu.memory_space<vmem>>
    %dma_wait3A_1473 = arith.constant 0 : i32
    %dma_wait3A_1474 = arith.constant 0 : i32
    %dma_wait3A_1475 = tpu.memref_slice %arg12[%dma_wait3A_1473, %dma_wait3A_1474] : memref<10000x32xf32, #tpu.memory_space<vmem_shared>> -> memref<10000x32xf32, #tpu.memory_space<vmem_shared>>
    tpu.wait_indirect_dma semaphore(%arg15 : memref<!tpu.dma_semaphore, #tpu.memory_space<semaphore_mem>>) src(%dma_wait3A_1475 : memref<10000x32xf32, #tpu.memory_space<vmem_shared>>) dst(%dma_wait3A_1470 : memref<80x32xf32, #tpu.memory_space<vmem>>)
    %dma_wait3A_1476 = arith.constant 8 : i32
    %dma_wait3A_1477 = arith.constant 0 : i32
    %dma_wait3A_1478 = arith.constant 0 : i32
    %dma_wait3A_1479 = tpu.memref_slice %arg8[%dma_wait3A_1476, %dma_wait3A_1477, %dma_wait3A_1478] : memref<18x80x32xf32, #tpu.memory_space<vmem>> -> memref<1x80x32xf32, #tpu.memory_space<vmem>>
    %dma_wait3A_1480 = tpu.memref_squeeze %dma_wait3A_1479 : memref<1x80x32xf32, #tpu.memory_space<vmem>> -> memref<80x32xf32, #tpu.memory_space<vmem>>
    %dma_wait3A_1481 = arith.constant 9280 : i32
    %dma_wait3A_1482 = tpu.memref_slice %arg6[%dma_wait3A_1481] : memref<10000xi32, #tpu.memory_space<vmem>> -> memref<80xi32, #tpu.memory_space<vmem>>
    %dma_wait3A_1483 = arith.constant 0 : i32
    %dma_wait3A_1484 = arith.constant 0 : i32
    %dma_wait3A_1485 = tpu.memref_slice %arg12[%dma_wait3A_1483, %dma_wait3A_1484] : memref<10000x32xf32, #tpu.memory_space<vmem_shared>> -> memref<10000x32xf32, #tpu.memory_space<vmem_shared>>
    tpu.wait_indirect_dma semaphore(%arg15 : memref<!tpu.dma_semaphore, #tpu.memory_space<semaphore_mem>>) src(%dma_wait3A_1485 : memref<10000x32xf32, #tpu.memory_space<vmem_shared>>) dst(%dma_wait3A_1480 : memref<80x32xf32, #tpu.memory_space<vmem>>)
    %dma_wait3A_1486 = arith.constant 9 : i32
    %dma_wait3A_1487 = arith.constant 0 : i32
    %dma_wait3A_1488 = arith.constant 0 : i32
    %dma_wait3A_1489 = tpu.memref_slice %arg8[%dma_wait3A_1486, %dma_wait3A_1487, %dma_wait3A_1488] : memref<18x80x32xf32, #tpu.memory_space<vmem>> -> memref<1x80x32xf32, #tpu.memory_space<vmem>>
    %dma_wait3A_1490 = tpu.memref_squeeze %dma_wait3A_1489 : memref<1x80x32xf32, #tpu.memory_space<vmem>> -> memref<80x32xf32, #tpu.memory_space<vmem>>
    %dma_wait3A_1491 = arith.constant 9360 : i32
    %dma_wait3A_1492 = tpu.memref_slice %arg6[%dma_wait3A_1491] : memref<10000xi32, #tpu.memory_space<vmem>> -> memref<80xi32, #tpu.memory_space<vmem>>
    %dma_wait3A_1493 = arith.constant 0 : i32
    %dma_wait3A_1494 = arith.constant 0 : i32
    %dma_wait3A_1495 = tpu.memref_slice %arg12[%dma_wait3A_1493, %dma_wait3A_1494] : memref<10000x32xf32, #tpu.memory_space<vmem_shared>> -> memref<10000x32xf32, #tpu.memory_space<vmem_shared>>
    tpu.wait_indirect_dma semaphore(%arg15 : memref<!tpu.dma_semaphore, #tpu.memory_space<semaphore_mem>>) src(%dma_wait3A_1495 : memref<10000x32xf32, #tpu.memory_space<vmem_shared>>) dst(%dma_wait3A_1490 : memref<80x32xf32, #tpu.memory_space<vmem>>)
    %dma_wait3A_1496 = arith.constant 10 : i32
    %dma_wait3A_1497 = arith.constant 0 : i32
    %dma_wait3A_1498 = arith.constant 0 : i32
    %dma_wait3A_1499 = tpu.memref_slice %arg8[%dma_wait3A_1496, %dma_wait3A_1497, %dma_wait3A_1498] : memref<18x80x32xf32, #tpu.memory_space<vmem>> -> memref<1x80x32xf32, #tpu.memory_space<vmem>>
    %dma_wait3A_1500 = tpu.memref_squeeze %dma_wait3A_1499 : memref<1x80x32xf32, #tpu.memory_space<vmem>> -> memref<80x32xf32, #tpu.memory_space<vmem>>
    %dma_wait3A_1501 = arith.constant 9440 : i32
    %dma_wait3A_1502 = tpu.memref_slice %arg6[%dma_wait3A_1501] : memref<10000xi32, #tpu.memory_space<vmem>> -> memref<80xi32, #tpu.memory_space<vmem>>
    %dma_wait3A_1503 = arith.constant 0 : i32
    %dma_wait3A_1504 = arith.constant 0 : i32
    %dma_wait3A_1505 = tpu.memref_slice %arg12[%dma_wait3A_1503, %dma_wait3A_1504] : memref<10000x32xf32, #tpu.memory_space<vmem_shared>> -> memref<10000x32xf32, #tpu.memory_space<vmem_shared>>
    tpu.wait_indirect_dma semaphore(%arg15 : memref<!tpu.dma_semaphore, #tpu.memory_space<semaphore_mem>>) src(%dma_wait3A_1505 : memref<10000x32xf32, #tpu.memory_space<vmem_shared>>) dst(%dma_wait3A_1500 : memref<80x32xf32, #tpu.memory_space<vmem>>)
    %dma_wait3A_1506 = arith.constant 11 : i32
    %dma_wait3A_1507 = arith.constant 0 : i32
    %dma_wait3A_1508 = arith.constant 0 : i32
    %dma_wait3A_1509 = tpu.memref_slice %arg8[%dma_wait3A_1506, %dma_wait3A_1507, %dma_wait3A_1508] : memref<18x80x32xf32, #tpu.memory_space<vmem>> -> memref<1x80x32xf32, #tpu.memory_space<vmem>>
    %dma_wait3A_1510 = tpu.memref_squeeze %dma_wait3A_1509 : memref<1x80x32xf32, #tpu.memory_space<vmem>> -> memref<80x32xf32, #tpu.memory_space<vmem>>
    %dma_wait3A_1511 = arith.constant 9520 : i32
    %dma_wait3A_1512 = tpu.memref_slice %arg6[%dma_wait3A_1511] : memref<10000xi32, #tpu.memory_space<vmem>> -> memref<80xi32, #tpu.memory_space<vmem>>
    %dma_wait3A_1513 = arith.constant 0 : i32
    %dma_wait3A_1514 = arith.constant 0 : i32
    %dma_wait3A_1515 = tpu.memref_slice %arg12[%dma_wait3A_1513, %dma_wait3A_1514] : memref<10000x32xf32, #tpu.memory_space<vmem_shared>> -> memref<10000x32xf32, #tpu.memory_space<vmem_shared>>
    tpu.wait_indirect_dma semaphore(%arg15 : memref<!tpu.dma_semaphore, #tpu.memory_space<semaphore_mem>>) src(%dma_wait3A_1515 : memref<10000x32xf32, #tpu.memory_space<vmem_shared>>) dst(%dma_wait3A_1510 : memref<80x32xf32, #tpu.memory_space<vmem>>)
    %dma_wait3A_1516 = arith.constant 12 : i32
    %dma_wait3A_1517 = arith.constant 0 : i32
    %dma_wait3A_1518 = arith.constant 0 : i32
    %dma_wait3A_1519 = tpu.memref_slice %arg8[%dma_wait3A_1516, %dma_wait3A_1517, %dma_wait3A_1518] : memref<18x80x32xf32, #tpu.memory_space<vmem>> -> memref<1x80x32xf32, #tpu.memory_space<vmem>>
    %dma_wait3A_1520 = tpu.memref_squeeze %dma_wait3A_1519 : memref<1x80x32xf32, #tpu.memory_space<vmem>> -> memref<80x32xf32, #tpu.memory_space<vmem>>
    %dma_wait3A_1521 = arith.constant 9600 : i32
    %dma_wait3A_1522 = tpu.memref_slice %arg6[%dma_wait3A_1521] : memref<10000xi32, #tpu.memory_space<vmem>> -> memref<80xi32, #tpu.memory_space<vmem>>
    %dma_wait3A_1523 = arith.constant 0 : i32
    %dma_wait3A_1524 = arith.constant 0 : i32
    %dma_wait3A_1525 = tpu.memref_slice %arg12[%dma_wait3A_1523, %dma_wait3A_1524] : memref<10000x32xf32, #tpu.memory_space<vmem_shared>> -> memref<10000x32xf32, #tpu.memory_space<vmem_shared>>
    tpu.wait_indirect_dma semaphore(%arg15 : memref<!tpu.dma_semaphore, #tpu.memory_space<semaphore_mem>>) src(%dma_wait3A_1525 : memref<10000x32xf32, #tpu.memory_space<vmem_shared>>) dst(%dma_wait3A_1520 : memref<80x32xf32, #tpu.memory_space<vmem>>)
    %dma_wait3A_1526 = arith.constant 13 : i32
    %dma_wait3A_1527 = arith.constant 0 : i32
    %dma_wait3A_1528 = arith.constant 0 : i32
    %dma_wait3A_1529 = tpu.memref_slice %arg8[%dma_wait3A_1526, %dma_wait3A_1527, %dma_wait3A_1528] : memref<18x80x32xf32, #tpu.memory_space<vmem>> -> memref<1x80x32xf32, #tpu.memory_space<vmem>>
    %dma_wait3A_1530 = tpu.memref_squeeze %dma_wait3A_1529 : memref<1x80x32xf32, #tpu.memory_space<vmem>> -> memref<80x32xf32, #tpu.memory_space<vmem>>
    %dma_wait3A_1531 = arith.constant 9680 : i32
    %dma_wait3A_1532 = tpu.memref_slice %arg6[%dma_wait3A_1531] : memref<10000xi32, #tpu.memory_space<vmem>> -> memref<80xi32, #tpu.memory_space<vmem>>
    %dma_wait3A_1533 = arith.constant 0 : i32
    %dma_wait3A_1534 = arith.constant 0 : i32
    %dma_wait3A_1535 = tpu.memref_slice %arg12[%dma_wait3A_1533, %dma_wait3A_1534] : memref<10000x32xf32, #tpu.memory_space<vmem_shared>> -> memref<10000x32xf32, #tpu.memory_space<vmem_shared>>
    tpu.wait_indirect_dma semaphore(%arg15 : memref<!tpu.dma_semaphore, #tpu.memory_space<semaphore_mem>>) src(%dma_wait3A_1535 : memref<10000x32xf32, #tpu.memory_space<vmem_shared>>) dst(%dma_wait3A_1530 : memref<80x32xf32, #tpu.memory_space<vmem>>)
    %dma_wait3A_1536 = arith.constant 14 : i32
    %dma_wait3A_1537 = arith.constant 0 : i32
    %dma_wait3A_1538 = arith.constant 0 : i32
    %dma_wait3A_1539 = tpu.memref_slice %arg8[%dma_wait3A_1536, %dma_wait3A_1537, %dma_wait3A_1538] : memref<18x80x32xf32, #tpu.memory_space<vmem>> -> memref<1x80x32xf32, #tpu.memory_space<vmem>>
    %dma_wait3A_1540 = tpu.memref_squeeze %dma_wait3A_1539 : memref<1x80x32xf32, #tpu.memory_space<vmem>> -> memref<80x32xf32, #tpu.memory_space<vmem>>
    %dma_wait3A_1541 = arith.constant 9760 : i32
    %dma_wait3A_1542 = tpu.memref_slice %arg6[%dma_wait3A_1541] : memref<10000xi32, #tpu.memory_space<vmem>> -> memref<80xi32, #tpu.memory_space<vmem>>
    %dma_wait3A_1543 = arith.constant 0 : i32
    %dma_wait3A_1544 = arith.constant 0 : i32
    %dma_wait3A_1545 = tpu.memref_slice %arg12[%dma_wait3A_1543, %dma_wait3A_1544] : memref<10000x32xf32, #tpu.memory_space<vmem_shared>> -> memref<10000x32xf32, #tpu.memory_space<vmem_shared>>
    tpu.wait_indirect_dma semaphore(%arg15 : memref<!tpu.dma_semaphore, #tpu.memory_space<semaphore_mem>>) src(%dma_wait3A_1545 : memref<10000x32xf32, #tpu.memory_space<vmem_shared>>) dst(%dma_wait3A_1540 : memref<80x32xf32, #tpu.memory_space<vmem>>)
    %dma_wait3A_1546 = arith.constant 15 : i32
    %dma_wait3A_1547 = arith.constant 0 : i32
    %dma_wait3A_1548 = arith.constant 0 : i32
    %dma_wait3A_1549 = tpu.memref_slice %arg8[%dma_wait3A_1546, %dma_wait3A_1547, %dma_wait3A_1548] : memref<18x80x32xf32, #tpu.memory_space<vmem>> -> memref<1x80x32xf32, #tpu.memory_space<vmem>>
    %dma_wait3A_1550 = tpu.memref_squeeze %dma_wait3A_1549 : memref<1x80x32xf32, #tpu.memory_space<vmem>> -> memref<80x32xf32, #tpu.memory_space<vmem>>
    %dma_wait3A_1551 = arith.constant 9840 : i32
    %dma_wait3A_1552 = tpu.memref_slice %arg6[%dma_wait3A_1551] : memref<10000xi32, #tpu.memory_space<vmem>> -> memref<80xi32, #tpu.memory_space<vmem>>
    %dma_wait3A_1553 = arith.constant 0 : i32
    %dma_wait3A_1554 = arith.constant 0 : i32
    %dma_wait3A_1555 = tpu.memref_slice %arg12[%dma_wait3A_1553, %dma_wait3A_1554] : memref<10000x32xf32, #tpu.memory_space<vmem_shared>> -> memref<10000x32xf32, #tpu.memory_space<vmem_shared>>
    tpu.wait_indirect_dma semaphore(%arg15 : memref<!tpu.dma_semaphore, #tpu.memory_space<semaphore_mem>>) src(%dma_wait3A_1555 : memref<10000x32xf32, #tpu.memory_space<vmem_shared>>) dst(%dma_wait3A_1550 : memref<80x32xf32, #tpu.memory_space<vmem>>)
    %dma_wait3A_1556 = arith.constant 16 : i32
    %dma_wait3A_1557 = arith.constant 0 : i32
    %dma_wait3A_1558 = arith.constant 0 : i32
    %dma_wait3A_1559 = tpu.memref_slice %arg8[%dma_wait3A_1556, %dma_wait3A_1557, %dma_wait3A_1558] : memref<18x80x32xf32, #tpu.memory_space<vmem>> -> memref<1x80x32xf32, #tpu.memory_space<vmem>>
    %dma_wait3A_1560 = tpu.memref_squeeze %dma_wait3A_1559 : memref<1x80x32xf32, #tpu.memory_space<vmem>> -> memref<80x32xf32, #tpu.memory_space<vmem>>
    %dma_wait3A_1561 = arith.constant 9920 : i32
    %dma_wait3A_1562 = tpu.memref_slice %arg6[%dma_wait3A_1561] : memref<10000xi32, #tpu.memory_space<vmem>> -> memref<80xi32, #tpu.memory_space<vmem>>
    %dma_wait3A_1563 = arith.constant 0 : i32
    %dma_wait3A_1564 = arith.constant 0 : i32
    %dma_wait3A_1565 = tpu.memref_slice %arg12[%dma_wait3A_1563, %dma_wait3A_1564] : memref<10000x32xf32, #tpu.memory_space<vmem_shared>> -> memref<10000x32xf32, #tpu.memory_space<vmem_shared>>
    tpu.wait_indirect_dma semaphore(%arg15 : memref<!tpu.dma_semaphore, #tpu.memory_space<semaphore_mem>>) src(%dma_wait3A_1565 : memref<10000x32xf32, #tpu.memory_space<vmem_shared>>) dst(%dma_wait3A_1560 : memref<80x32xf32, #tpu.memory_space<vmem>>)
    %dma_start3A_1566 = arith.constant 0 : i32
    %dma_start3A_1567 = arith.constant 0 : i32
    %dma_start3A_1568 = arith.constant 0 : i32
    %dma_start3A_1569 = tpu.memref_slice %arg8[%dma_start3A_1566, %dma_start3A_1567, %dma_start3A_1568] : memref<18x80x32xf32, #tpu.memory_space<vmem>> -> memref<1x80x32xf32, #tpu.memory_space<vmem>>
    %dma_start3A_1570 = tpu.memref_squeeze %dma_start3A_1569 : memref<1x80x32xf32, #tpu.memory_space<vmem>> -> memref<80x32xf32, #tpu.memory_space<vmem>>
    %dma_start3A_1571 = arith.constant 8640 : i32
    %dma_start3A_1572 = tpu.memref_slice %arg7[%dma_start3A_1571] : memref<10000xi32, #tpu.memory_space<vmem>> -> memref<80xi32, #tpu.memory_space<vmem>>
    %dma_start3A_1573 = arith.constant 0 : i32
    %dma_start3A_1574 = arith.constant 0 : i32
    %dma_start3A_1575 = tpu.memref_slice %arg13[%dma_start3A_1573, %dma_start3A_1574] : memref<10240x32xf32, #tpu.memory_space<vmem_shared>> -> memref<10240x32xf32, #tpu.memory_space<vmem_shared>>
    tpu.enqueue_indirect_dma source(%dma_start3A_1570 : memref<80x32xf32, #tpu.memory_space<vmem>>) target(%dma_start3A_1575 : memref<10240x32xf32, #tpu.memory_space<vmem_shared>>) offsets(%dma_start3A_1572 : memref<80xi32, #tpu.memory_space<vmem>>) semaphore(%arg16 : memref<!tpu.dma_semaphore, #tpu.memory_space<semaphore_mem>>) {add = true}
    %dma_start3A_1576 = arith.constant 1 : i32
    %dma_start3A_1577 = arith.constant 0 : i32
    %dma_start3A_1578 = arith.constant 0 : i32
    %dma_start3A_1579 = tpu.memref_slice %arg8[%dma_start3A_1576, %dma_start3A_1577, %dma_start3A_1578] : memref<18x80x32xf32, #tpu.memory_space<vmem>> -> memref<1x80x32xf32, #tpu.memory_space<vmem>>
    %dma_start3A_1580 = tpu.memref_squeeze %dma_start3A_1579 : memref<1x80x32xf32, #tpu.memory_space<vmem>> -> memref<80x32xf32, #tpu.memory_space<vmem>>
    %dma_start3A_1581 = arith.constant 8720 : i32
    %dma_start3A_1582 = tpu.memref_slice %arg7[%dma_start3A_1581] : memref<10000xi32, #tpu.memory_space<vmem>> -> memref<80xi32, #tpu.memory_space<vmem>>
    %dma_start3A_1583 = arith.constant 0 : i32
    %dma_start3A_1584 = arith.constant 0 : i32
    %dma_start3A_1585 = tpu.memref_slice %arg13[%dma_start3A_1583, %dma_start3A_1584] : memref<10240x32xf32, #tpu.memory_space<vmem_shared>> -> memref<10240x32xf32, #tpu.memory_space<vmem_shared>>
    tpu.enqueue_indirect_dma source(%dma_start3A_1580 : memref<80x32xf32, #tpu.memory_space<vmem>>) target(%dma_start3A_1585 : memref<10240x32xf32, #tpu.memory_space<vmem_shared>>) offsets(%dma_start3A_1582 : memref<80xi32, #tpu.memory_space<vmem>>) semaphore(%arg16 : memref<!tpu.dma_semaphore, #tpu.memory_space<semaphore_mem>>) {add = true}
    %dma_start3A_1586 = arith.constant 2 : i32
    %dma_start3A_1587 = arith.constant 0 : i32
    %dma_start3A_1588 = arith.constant 0 : i32
    %dma_start3A_1589 = tpu.memref_slice %arg8[%dma_start3A_1586, %dma_start3A_1587, %dma_start3A_1588] : memref<18x80x32xf32, #tpu.memory_space<vmem>> -> memref<1x80x32xf32, #tpu.memory_space<vmem>>
    %dma_start3A_1590 = tpu.memref_squeeze %dma_start3A_1589 : memref<1x80x32xf32, #tpu.memory_space<vmem>> -> memref<80x32xf32, #tpu.memory_space<vmem>>
    %dma_start3A_1591 = arith.constant 8800 : i32
    %dma_start3A_1592 = tpu.memref_slice %arg7[%dma_start3A_1591] : memref<10000xi32, #tpu.memory_space<vmem>> -> memref<80xi32, #tpu.memory_space<vmem>>
    %dma_start3A_1593 = arith.constant 0 : i32
    %dma_start3A_1594 = arith.constant 0 : i32
    %dma_start3A_1595 = tpu.memref_slice %arg13[%dma_start3A_1593, %dma_start3A_1594] : memref<10240x32xf32, #tpu.memory_space<vmem_shared>> -> memref<10240x32xf32, #tpu.memory_space<vmem_shared>>
    tpu.enqueue_indirect_dma source(%dma_start3A_1590 : memref<80x32xf32, #tpu.memory_space<vmem>>) target(%dma_start3A_1595 : memref<10240x32xf32, #tpu.memory_space<vmem_shared>>) offsets(%dma_start3A_1592 : memref<80xi32, #tpu.memory_space<vmem>>) semaphore(%arg16 : memref<!tpu.dma_semaphore, #tpu.memory_space<semaphore_mem>>) {add = true}
    %dma_start3A_1596 = arith.constant 3 : i32
    %dma_start3A_1597 = arith.constant 0 : i32
    %dma_start3A_1598 = arith.constant 0 : i32
    %dma_start3A_1599 = tpu.memref_slice %arg8[%dma_start3A_1596, %dma_start3A_1597, %dma_start3A_1598] : memref<18x80x32xf32, #tpu.memory_space<vmem>> -> memref<1x80x32xf32, #tpu.memory_space<vmem>>
    %dma_start3A_1600 = tpu.memref_squeeze %dma_start3A_1599 : memref<1x80x32xf32, #tpu.memory_space<vmem>> -> memref<80x32xf32, #tpu.memory_space<vmem>>
    %dma_start3A_1601 = arith.constant 8880 : i32
    %dma_start3A_1602 = tpu.memref_slice %arg7[%dma_start3A_1601] : memref<10000xi32, #tpu.memory_space<vmem>> -> memref<80xi32, #tpu.memory_space<vmem>>
    %dma_start3A_1603 = arith.constant 0 : i32
    %dma_start3A_1604 = arith.constant 0 : i32
    %dma_start3A_1605 = tpu.memref_slice %arg13[%dma_start3A_1603, %dma_start3A_1604] : memref<10240x32xf32, #tpu.memory_space<vmem_shared>> -> memref<10240x32xf32, #tpu.memory_space<vmem_shared>>
    tpu.enqueue_indirect_dma source(%dma_start3A_1600 : memref<80x32xf32, #tpu.memory_space<vmem>>) target(%dma_start3A_1605 : memref<10240x32xf32, #tpu.memory_space<vmem_shared>>) offsets(%dma_start3A_1602 : memref<80xi32, #tpu.memory_space<vmem>>) semaphore(%arg16 : memref<!tpu.dma_semaphore, #tpu.memory_space<semaphore_mem>>) {add = true}
    %dma_start3A_1606 = arith.constant 4 : i32
    %dma_start3A_1607 = arith.constant 0 : i32
    %dma_start3A_1608 = arith.constant 0 : i32
    %dma_start3A_1609 = tpu.memref_slice %arg8[%dma_start3A_1606, %dma_start3A_1607, %dma_start3A_1608] : memref<18x80x32xf32, #tpu.memory_space<vmem>> -> memref<1x80x32xf32, #tpu.memory_space<vmem>>
    %dma_start3A_1610 = tpu.memref_squeeze %dma_start3A_1609 : memref<1x80x32xf32, #tpu.memory_space<vmem>> -> memref<80x32xf32, #tpu.memory_space<vmem>>
    %dma_start3A_1611 = arith.constant 8960 : i32
    %dma_start3A_1612 = tpu.memref_slice %arg7[%dma_start3A_1611] : memref<10000xi32, #tpu.memory_space<vmem>> -> memref<80xi32, #tpu.memory_space<vmem>>
    %dma_start3A_1613 = arith.constant 0 : i32
    %dma_start3A_1614 = arith.constant 0 : i32
    %dma_start3A_1615 = tpu.memref_slice %arg13[%dma_start3A_1613, %dma_start3A_1614] : memref<10240x32xf32, #tpu.memory_space<vmem_shared>> -> memref<10240x32xf32, #tpu.memory_space<vmem_shared>>
    tpu.enqueue_indirect_dma source(%dma_start3A_1610 : memref<80x32xf32, #tpu.memory_space<vmem>>) target(%dma_start3A_1615 : memref<10240x32xf32, #tpu.memory_space<vmem_shared>>) offsets(%dma_start3A_1612 : memref<80xi32, #tpu.memory_space<vmem>>) semaphore(%arg16 : memref<!tpu.dma_semaphore, #tpu.memory_space<semaphore_mem>>) {add = true}
    %dma_start3A_1616 = arith.constant 5 : i32
    %dma_start3A_1617 = arith.constant 0 : i32
    %dma_start3A_1618 = arith.constant 0 : i32
    %dma_start3A_1619 = tpu.memref_slice %arg8[%dma_start3A_1616, %dma_start3A_1617, %dma_start3A_1618] : memref<18x80x32xf32, #tpu.memory_space<vmem>> -> memref<1x80x32xf32, #tpu.memory_space<vmem>>
    %dma_start3A_1620 = tpu.memref_squeeze %dma_start3A_1619 : memref<1x80x32xf32, #tpu.memory_space<vmem>> -> memref<80x32xf32, #tpu.memory_space<vmem>>
    %dma_start3A_1621 = arith.constant 9040 : i32
    %dma_start3A_1622 = tpu.memref_slice %arg7[%dma_start3A_1621] : memref<10000xi32, #tpu.memory_space<vmem>> -> memref<80xi32, #tpu.memory_space<vmem>>
    %dma_start3A_1623 = arith.constant 0 : i32
    %dma_start3A_1624 = arith.constant 0 : i32
    %dma_start3A_1625 = tpu.memref_slice %arg13[%dma_start3A_1623, %dma_start3A_1624] : memref<10240x32xf32, #tpu.memory_space<vmem_shared>> -> memref<10240x32xf32, #tpu.memory_space<vmem_shared>>
    tpu.enqueue_indirect_dma source(%dma_start3A_1620 : memref<80x32xf32, #tpu.memory_space<vmem>>) target(%dma_start3A_1625 : memref<10240x32xf32, #tpu.memory_space<vmem_shared>>) offsets(%dma_start3A_1622 : memref<80xi32, #tpu.memory_space<vmem>>) semaphore(%arg16 : memref<!tpu.dma_semaphore, #tpu.memory_space<semaphore_mem>>) {add = true}
    %dma_start3A_1626 = arith.constant 6 : i32
    %dma_start3A_1627 = arith.constant 0 : i32
    %dma_start3A_1628 = arith.constant 0 : i32
    %dma_start3A_1629 = tpu.memref_slice %arg8[%dma_start3A_1626, %dma_start3A_1627, %dma_start3A_1628] : memref<18x80x32xf32, #tpu.memory_space<vmem>> -> memref<1x80x32xf32, #tpu.memory_space<vmem>>
    %dma_start3A_1630 = tpu.memref_squeeze %dma_start3A_1629 : memref<1x80x32xf32, #tpu.memory_space<vmem>> -> memref<80x32xf32, #tpu.memory_space<vmem>>
    %dma_start3A_1631 = arith.constant 9120 : i32
    %dma_start3A_1632 = tpu.memref_slice %arg7[%dma_start3A_1631] : memref<10000xi32, #tpu.memory_space<vmem>> -> memref<80xi32, #tpu.memory_space<vmem>>
    %dma_start3A_1633 = arith.constant 0 : i32
    %dma_start3A_1634 = arith.constant 0 : i32
    %dma_start3A_1635 = tpu.memref_slice %arg13[%dma_start3A_1633, %dma_start3A_1634] : memref<10240x32xf32, #tpu.memory_space<vmem_shared>> -> memref<10240x32xf32, #tpu.memory_space<vmem_shared>>
    tpu.enqueue_indirect_dma source(%dma_start3A_1630 : memref<80x32xf32, #tpu.memory_space<vmem>>) target(%dma_start3A_1635 : memref<10240x32xf32, #tpu.memory_space<vmem_shared>>) offsets(%dma_start3A_1632 : memref<80xi32, #tpu.memory_space<vmem>>) semaphore(%arg16 : memref<!tpu.dma_semaphore, #tpu.memory_space<semaphore_mem>>) {add = true}
    %dma_start3A_1636 = arith.constant 7 : i32
    %dma_start3A_1637 = arith.constant 0 : i32
    %dma_start3A_1638 = arith.constant 0 : i32
    %dma_start3A_1639 = tpu.memref_slice %arg8[%dma_start3A_1636, %dma_start3A_1637, %dma_start3A_1638] : memref<18x80x32xf32, #tpu.memory_space<vmem>> -> memref<1x80x32xf32, #tpu.memory_space<vmem>>
    %dma_start3A_1640 = tpu.memref_squeeze %dma_start3A_1639 : memref<1x80x32xf32, #tpu.memory_space<vmem>> -> memref<80x32xf32, #tpu.memory_space<vmem>>
    %dma_start3A_1641 = arith.constant 9200 : i32
    %dma_start3A_1642 = tpu.memref_slice %arg7[%dma_start3A_1641] : memref<10000xi32, #tpu.memory_space<vmem>> -> memref<80xi32, #tpu.memory_space<vmem>>
    %dma_start3A_1643 = arith.constant 0 : i32
    %dma_start3A_1644 = arith.constant 0 : i32
    %dma_start3A_1645 = tpu.memref_slice %arg13[%dma_start3A_1643, %dma_start3A_1644] : memref<10240x32xf32, #tpu.memory_space<vmem_shared>> -> memref<10240x32xf32, #tpu.memory_space<vmem_shared>>
    tpu.enqueue_indirect_dma source(%dma_start3A_1640 : memref<80x32xf32, #tpu.memory_space<vmem>>) target(%dma_start3A_1645 : memref<10240x32xf32, #tpu.memory_space<vmem_shared>>) offsets(%dma_start3A_1642 : memref<80xi32, #tpu.memory_space<vmem>>) semaphore(%arg16 : memref<!tpu.dma_semaphore, #tpu.memory_space<semaphore_mem>>) {add = true}
    %dma_start3A_1646 = arith.constant 8 : i32
    %dma_start3A_1647 = arith.constant 0 : i32
    %dma_start3A_1648 = arith.constant 0 : i32
    %dma_start3A_1649 = tpu.memref_slice %arg8[%dma_start3A_1646, %dma_start3A_1647, %dma_start3A_1648] : memref<18x80x32xf32, #tpu.memory_space<vmem>> -> memref<1x80x32xf32, #tpu.memory_space<vmem>>
    %dma_start3A_1650 = tpu.memref_squeeze %dma_start3A_1649 : memref<1x80x32xf32, #tpu.memory_space<vmem>> -> memref<80x32xf32, #tpu.memory_space<vmem>>
    %dma_start3A_1651 = arith.constant 9280 : i32
    %dma_start3A_1652 = tpu.memref_slice %arg7[%dma_start3A_1651] : memref<10000xi32, #tpu.memory_space<vmem>> -> memref<80xi32, #tpu.memory_space<vmem>>
    %dma_start3A_1653 = arith.constant 0 : i32
    %dma_start3A_1654 = arith.constant 0 : i32
    %dma_start3A_1655 = tpu.memref_slice %arg13[%dma_start3A_1653, %dma_start3A_1654] : memref<10240x32xf32, #tpu.memory_space<vmem_shared>> -> memref<10240x32xf32, #tpu.memory_space<vmem_shared>>
    tpu.enqueue_indirect_dma source(%dma_start3A_1650 : memref<80x32xf32, #tpu.memory_space<vmem>>) target(%dma_start3A_1655 : memref<10240x32xf32, #tpu.memory_space<vmem_shared>>) offsets(%dma_start3A_1652 : memref<80xi32, #tpu.memory_space<vmem>>) semaphore(%arg16 : memref<!tpu.dma_semaphore, #tpu.memory_space<semaphore_mem>>) {add = true}
    %dma_start3A_1656 = arith.constant 9 : i32
    %dma_start3A_1657 = arith.constant 0 : i32
    %dma_start3A_1658 = arith.constant 0 : i32
    %dma_start3A_1659 = tpu.memref_slice %arg8[%dma_start3A_1656, %dma_start3A_1657, %dma_start3A_1658] : memref<18x80x32xf32, #tpu.memory_space<vmem>> -> memref<1x80x32xf32, #tpu.memory_space<vmem>>
    %dma_start3A_1660 = tpu.memref_squeeze %dma_start3A_1659 : memref<1x80x32xf32, #tpu.memory_space<vmem>> -> memref<80x32xf32, #tpu.memory_space<vmem>>
    %dma_start3A_1661 = arith.constant 9360 : i32
    %dma_start3A_1662 = tpu.memref_slice %arg7[%dma_start3A_1661] : memref<10000xi32, #tpu.memory_space<vmem>> -> memref<80xi32, #tpu.memory_space<vmem>>
    %dma_start3A_1663 = arith.constant 0 : i32
    %dma_start3A_1664 = arith.constant 0 : i32
    %dma_start3A_1665 = tpu.memref_slice %arg13[%dma_start3A_1663, %dma_start3A_1664] : memref<10240x32xf32, #tpu.memory_space<vmem_shared>> -> memref<10240x32xf32, #tpu.memory_space<vmem_shared>>
    tpu.enqueue_indirect_dma source(%dma_start3A_1660 : memref<80x32xf32, #tpu.memory_space<vmem>>) target(%dma_start3A_1665 : memref<10240x32xf32, #tpu.memory_space<vmem_shared>>) offsets(%dma_start3A_1662 : memref<80xi32, #tpu.memory_space<vmem>>) semaphore(%arg16 : memref<!tpu.dma_semaphore, #tpu.memory_space<semaphore_mem>>) {add = true}
    %dma_start3A_1666 = arith.constant 10 : i32
    %dma_start3A_1667 = arith.constant 0 : i32
    %dma_start3A_1668 = arith.constant 0 : i32
    %dma_start3A_1669 = tpu.memref_slice %arg8[%dma_start3A_1666, %dma_start3A_1667, %dma_start3A_1668] : memref<18x80x32xf32, #tpu.memory_space<vmem>> -> memref<1x80x32xf32, #tpu.memory_space<vmem>>
    %dma_start3A_1670 = tpu.memref_squeeze %dma_start3A_1669 : memref<1x80x32xf32, #tpu.memory_space<vmem>> -> memref<80x32xf32, #tpu.memory_space<vmem>>
    %dma_start3A_1671 = arith.constant 9440 : i32
    %dma_start3A_1672 = tpu.memref_slice %arg7[%dma_start3A_1671] : memref<10000xi32, #tpu.memory_space<vmem>> -> memref<80xi32, #tpu.memory_space<vmem>>
    %dma_start3A_1673 = arith.constant 0 : i32
    %dma_start3A_1674 = arith.constant 0 : i32
    %dma_start3A_1675 = tpu.memref_slice %arg13[%dma_start3A_1673, %dma_start3A_1674] : memref<10240x32xf32, #tpu.memory_space<vmem_shared>> -> memref<10240x32xf32, #tpu.memory_space<vmem_shared>>
    tpu.enqueue_indirect_dma source(%dma_start3A_1670 : memref<80x32xf32, #tpu.memory_space<vmem>>) target(%dma_start3A_1675 : memref<10240x32xf32, #tpu.memory_space<vmem_shared>>) offsets(%dma_start3A_1672 : memref<80xi32, #tpu.memory_space<vmem>>) semaphore(%arg16 : memref<!tpu.dma_semaphore, #tpu.memory_space<semaphore_mem>>) {add = true}
    %dma_start3A_1676 = arith.constant 11 : i32
    %dma_start3A_1677 = arith.constant 0 : i32
    %dma_start3A_1678 = arith.constant 0 : i32
    %dma_start3A_1679 = tpu.memref_slice %arg8[%dma_start3A_1676, %dma_start3A_1677, %dma_start3A_1678] : memref<18x80x32xf32, #tpu.memory_space<vmem>> -> memref<1x80x32xf32, #tpu.memory_space<vmem>>
    %dma_start3A_1680 = tpu.memref_squeeze %dma_start3A_1679 : memref<1x80x32xf32, #tpu.memory_space<vmem>> -> memref<80x32xf32, #tpu.memory_space<vmem>>
    %dma_start3A_1681 = arith.constant 9520 : i32
    %dma_start3A_1682 = tpu.memref_slice %arg7[%dma_start3A_1681] : memref<10000xi32, #tpu.memory_space<vmem>> -> memref<80xi32, #tpu.memory_space<vmem>>
    %dma_start3A_1683 = arith.constant 0 : i32
    %dma_start3A_1684 = arith.constant 0 : i32
    %dma_start3A_1685 = tpu.memref_slice %arg13[%dma_start3A_1683, %dma_start3A_1684] : memref<10240x32xf32, #tpu.memory_space<vmem_shared>> -> memref<10240x32xf32, #tpu.memory_space<vmem_shared>>
    tpu.enqueue_indirect_dma source(%dma_start3A_1680 : memref<80x32xf32, #tpu.memory_space<vmem>>) target(%dma_start3A_1685 : memref<10240x32xf32, #tpu.memory_space<vmem_shared>>) offsets(%dma_start3A_1682 : memref<80xi32, #tpu.memory_space<vmem>>) semaphore(%arg16 : memref<!tpu.dma_semaphore, #tpu.memory_space<semaphore_mem>>) {add = true}
    %dma_start3A_1686 = arith.constant 12 : i32
    %dma_start3A_1687 = arith.constant 0 : i32
    %dma_start3A_1688 = arith.constant 0 : i32
    %dma_start3A_1689 = tpu.memref_slice %arg8[%dma_start3A_1686, %dma_start3A_1687, %dma_start3A_1688] : memref<18x80x32xf32, #tpu.memory_space<vmem>> -> memref<1x80x32xf32, #tpu.memory_space<vmem>>
    %dma_start3A_1690 = tpu.memref_squeeze %dma_start3A_1689 : memref<1x80x32xf32, #tpu.memory_space<vmem>> -> memref<80x32xf32, #tpu.memory_space<vmem>>
    %dma_start3A_1691 = arith.constant 9600 : i32
    %dma_start3A_1692 = tpu.memref_slice %arg7[%dma_start3A_1691] : memref<10000xi32, #tpu.memory_space<vmem>> -> memref<80xi32, #tpu.memory_space<vmem>>
    %dma_start3A_1693 = arith.constant 0 : i32
    %dma_start3A_1694 = arith.constant 0 : i32
    %dma_start3A_1695 = tpu.memref_slice %arg13[%dma_start3A_1693, %dma_start3A_1694] : memref<10240x32xf32, #tpu.memory_space<vmem_shared>> -> memref<10240x32xf32, #tpu.memory_space<vmem_shared>>
    tpu.enqueue_indirect_dma source(%dma_start3A_1690 : memref<80x32xf32, #tpu.memory_space<vmem>>) target(%dma_start3A_1695 : memref<10240x32xf32, #tpu.memory_space<vmem_shared>>) offsets(%dma_start3A_1692 : memref<80xi32, #tpu.memory_space<vmem>>) semaphore(%arg16 : memref<!tpu.dma_semaphore, #tpu.memory_space<semaphore_mem>>) {add = true}
    %dma_start3A_1696 = arith.constant 13 : i32
    %dma_start3A_1697 = arith.constant 0 : i32
    %dma_start3A_1698 = arith.constant 0 : i32
    %dma_start3A_1699 = tpu.memref_slice %arg8[%dma_start3A_1696, %dma_start3A_1697, %dma_start3A_1698] : memref<18x80x32xf32, #tpu.memory_space<vmem>> -> memref<1x80x32xf32, #tpu.memory_space<vmem>>
    %dma_start3A_1700 = tpu.memref_squeeze %dma_start3A_1699 : memref<1x80x32xf32, #tpu.memory_space<vmem>> -> memref<80x32xf32, #tpu.memory_space<vmem>>
    %dma_start3A_1701 = arith.constant 9680 : i32
    %dma_start3A_1702 = tpu.memref_slice %arg7[%dma_start3A_1701] : memref<10000xi32, #tpu.memory_space<vmem>> -> memref<80xi32, #tpu.memory_space<vmem>>
    %dma_start3A_1703 = arith.constant 0 : i32
    %dma_start3A_1704 = arith.constant 0 : i32
    %dma_start3A_1705 = tpu.memref_slice %arg13[%dma_start3A_1703, %dma_start3A_1704] : memref<10240x32xf32, #tpu.memory_space<vmem_shared>> -> memref<10240x32xf32, #tpu.memory_space<vmem_shared>>
    tpu.enqueue_indirect_dma source(%dma_start3A_1700 : memref<80x32xf32, #tpu.memory_space<vmem>>) target(%dma_start3A_1705 : memref<10240x32xf32, #tpu.memory_space<vmem_shared>>) offsets(%dma_start3A_1702 : memref<80xi32, #tpu.memory_space<vmem>>) semaphore(%arg16 : memref<!tpu.dma_semaphore, #tpu.memory_space<semaphore_mem>>) {add = true}
    %dma_start3A_1706 = arith.constant 14 : i32
    %dma_start3A_1707 = arith.constant 0 : i32
    %dma_start3A_1708 = arith.constant 0 : i32
    %dma_start3A_1709 = tpu.memref_slice %arg8[%dma_start3A_1706, %dma_start3A_1707, %dma_start3A_1708] : memref<18x80x32xf32, #tpu.memory_space<vmem>> -> memref<1x80x32xf32, #tpu.memory_space<vmem>>
    %dma_start3A_1710 = tpu.memref_squeeze %dma_start3A_1709 : memref<1x80x32xf32, #tpu.memory_space<vmem>> -> memref<80x32xf32, #tpu.memory_space<vmem>>
    %dma_start3A_1711 = arith.constant 9760 : i32
    %dma_start3A_1712 = tpu.memref_slice %arg7[%dma_start3A_1711] : memref<10000xi32, #tpu.memory_space<vmem>> -> memref<80xi32, #tpu.memory_space<vmem>>
    %dma_start3A_1713 = arith.constant 0 : i32
    %dma_start3A_1714 = arith.constant 0 : i32
    %dma_start3A_1715 = tpu.memref_slice %arg13[%dma_start3A_1713, %dma_start3A_1714] : memref<10240x32xf32, #tpu.memory_space<vmem_shared>> -> memref<10240x32xf32, #tpu.memory_space<vmem_shared>>
    tpu.enqueue_indirect_dma source(%dma_start3A_1710 : memref<80x32xf32, #tpu.memory_space<vmem>>) target(%dma_start3A_1715 : memref<10240x32xf32, #tpu.memory_space<vmem_shared>>) offsets(%dma_start3A_1712 : memref<80xi32, #tpu.memory_space<vmem>>) semaphore(%arg16 : memref<!tpu.dma_semaphore, #tpu.memory_space<semaphore_mem>>) {add = true}
    %dma_start3A_1716 = arith.constant 15 : i32
    %dma_start3A_1717 = arith.constant 0 : i32
    %dma_start3A_1718 = arith.constant 0 : i32
    %dma_start3A_1719 = tpu.memref_slice %arg8[%dma_start3A_1716, %dma_start3A_1717, %dma_start3A_1718] : memref<18x80x32xf32, #tpu.memory_space<vmem>> -> memref<1x80x32xf32, #tpu.memory_space<vmem>>
    %dma_start3A_1720 = tpu.memref_squeeze %dma_start3A_1719 : memref<1x80x32xf32, #tpu.memory_space<vmem>> -> memref<80x32xf32, #tpu.memory_space<vmem>>
    %dma_start3A_1721 = arith.constant 9840 : i32
    %dma_start3A_1722 = tpu.memref_slice %arg7[%dma_start3A_1721] : memref<10000xi32, #tpu.memory_space<vmem>> -> memref<80xi32, #tpu.memory_space<vmem>>
    %dma_start3A_1723 = arith.constant 0 : i32
    %dma_start3A_1724 = arith.constant 0 : i32
    %dma_start3A_1725 = tpu.memref_slice %arg13[%dma_start3A_1723, %dma_start3A_1724] : memref<10240x32xf32, #tpu.memory_space<vmem_shared>> -> memref<10240x32xf32, #tpu.memory_space<vmem_shared>>
    tpu.enqueue_indirect_dma source(%dma_start3A_1720 : memref<80x32xf32, #tpu.memory_space<vmem>>) target(%dma_start3A_1725 : memref<10240x32xf32, #tpu.memory_space<vmem_shared>>) offsets(%dma_start3A_1722 : memref<80xi32, #tpu.memory_space<vmem>>) semaphore(%arg16 : memref<!tpu.dma_semaphore, #tpu.memory_space<semaphore_mem>>) {add = true}
    %dma_start3A_1726 = arith.constant 16 : i32
    %dma_start3A_1727 = arith.constant 0 : i32
    %dma_start3A_1728 = arith.constant 0 : i32
    %dma_start3A_1729 = tpu.memref_slice %arg8[%dma_start3A_1726, %dma_start3A_1727, %dma_start3A_1728] : memref<18x80x32xf32, #tpu.memory_space<vmem>> -> memref<1x80x32xf32, #tpu.memory_space<vmem>>
    %dma_start3A_1730 = tpu.memref_squeeze %dma_start3A_1729 : memref<1x80x32xf32, #tpu.memory_space<vmem>> -> memref<80x32xf32, #tpu.memory_space<vmem>>
    %dma_start3A_1731 = arith.constant 9920 : i32
    %dma_start3A_1732 = tpu.memref_slice %arg7[%dma_start3A_1731] : memref<10000xi32, #tpu.memory_space<vmem>> -> memref<80xi32, #tpu.memory_space<vmem>>
    %dma_start3A_1733 = arith.constant 0 : i32
    %dma_start3A_1734 = arith.constant 0 : i32
    %dma_start3A_1735 = tpu.memref_slice %arg13[%dma_start3A_1733, %dma_start3A_1734] : memref<10240x32xf32, #tpu.memory_space<vmem_shared>> -> memref<10240x32xf32, #tpu.memory_space<vmem_shared>>
    tpu.enqueue_indirect_dma source(%dma_start3A_1730 : memref<80x32xf32, #tpu.memory_space<vmem>>) target(%dma_start3A_1735 : memref<10240x32xf32, #tpu.memory_space<vmem_shared>>) offsets(%dma_start3A_1732 : memref<80xi32, #tpu.memory_space<vmem>>) semaphore(%arg16 : memref<!tpu.dma_semaphore, #tpu.memory_space<semaphore_mem>>) {add = true}
    %dma_wait3A_1736 = arith.constant 0 : i32
    %dma_wait3A_1737 = arith.constant 0 : i32
    %dma_wait3A_1738 = arith.constant 0 : i32
    %dma_wait3A_1739 = tpu.memref_slice %arg8[%dma_wait3A_1736, %dma_wait3A_1737, %dma_wait3A_1738] : memref<18x80x32xf32, #tpu.memory_space<vmem>> -> memref<1x80x32xf32, #tpu.memory_space<vmem>>
    %dma_wait3A_1740 = tpu.memref_squeeze %dma_wait3A_1739 : memref<1x80x32xf32, #tpu.memory_space<vmem>> -> memref<80x32xf32, #tpu.memory_space<vmem>>
    %dma_wait3A_1741 = arith.constant 8640 : i32
    %dma_wait3A_1742 = tpu.memref_slice %arg7[%dma_wait3A_1741] : memref<10000xi32, #tpu.memory_space<vmem>> -> memref<80xi32, #tpu.memory_space<vmem>>
    %dma_wait3A_1743 = arith.constant 0 : i32
    %dma_wait3A_1744 = arith.constant 0 : i32
    %dma_wait3A_1745 = tpu.memref_slice %arg13[%dma_wait3A_1743, %dma_wait3A_1744] : memref<10240x32xf32, #tpu.memory_space<vmem_shared>> -> memref<10240x32xf32, #tpu.memory_space<vmem_shared>>
    tpu.wait_indirect_dma semaphore(%arg16 : memref<!tpu.dma_semaphore, #tpu.memory_space<semaphore_mem>>) src(%dma_wait3A_1740 : memref<80x32xf32, #tpu.memory_space<vmem>>) dst(%dma_wait3A_1745 : memref<10240x32xf32, #tpu.memory_space<vmem_shared>>)
    %dma_wait3A_1746 = arith.constant 1 : i32
    %dma_wait3A_1747 = arith.constant 0 : i32
    %dma_wait3A_1748 = arith.constant 0 : i32
    %dma_wait3A_1749 = tpu.memref_slice %arg8[%dma_wait3A_1746, %dma_wait3A_1747, %dma_wait3A_1748] : memref<18x80x32xf32, #tpu.memory_space<vmem>> -> memref<1x80x32xf32, #tpu.memory_space<vmem>>
    %dma_wait3A_1750 = tpu.memref_squeeze %dma_wait3A_1749 : memref<1x80x32xf32, #tpu.memory_space<vmem>> -> memref<80x32xf32, #tpu.memory_space<vmem>>
    %dma_wait3A_1751 = arith.constant 8720 : i32
    %dma_wait3A_1752 = tpu.memref_slice %arg7[%dma_wait3A_1751] : memref<10000xi32, #tpu.memory_space<vmem>> -> memref<80xi32, #tpu.memory_space<vmem>>
    %dma_wait3A_1753 = arith.constant 0 : i32
    %dma_wait3A_1754 = arith.constant 0 : i32
    %dma_wait3A_1755 = tpu.memref_slice %arg13[%dma_wait3A_1753, %dma_wait3A_1754] : memref<10240x32xf32, #tpu.memory_space<vmem_shared>> -> memref<10240x32xf32, #tpu.memory_space<vmem_shared>>
    tpu.wait_indirect_dma semaphore(%arg16 : memref<!tpu.dma_semaphore, #tpu.memory_space<semaphore_mem>>) src(%dma_wait3A_1750 : memref<80x32xf32, #tpu.memory_space<vmem>>) dst(%dma_wait3A_1755 : memref<10240x32xf32, #tpu.memory_space<vmem_shared>>)
    %dma_wait3A_1756 = arith.constant 2 : i32
    %dma_wait3A_1757 = arith.constant 0 : i32
    %dma_wait3A_1758 = arith.constant 0 : i32
    %dma_wait3A_1759 = tpu.memref_slice %arg8[%dma_wait3A_1756, %dma_wait3A_1757, %dma_wait3A_1758] : memref<18x80x32xf32, #tpu.memory_space<vmem>> -> memref<1x80x32xf32, #tpu.memory_space<vmem>>
    %dma_wait3A_1760 = tpu.memref_squeeze %dma_wait3A_1759 : memref<1x80x32xf32, #tpu.memory_space<vmem>> -> memref<80x32xf32, #tpu.memory_space<vmem>>
    %dma_wait3A_1761 = arith.constant 8800 : i32
    %dma_wait3A_1762 = tpu.memref_slice %arg7[%dma_wait3A_1761] : memref<10000xi32, #tpu.memory_space<vmem>> -> memref<80xi32, #tpu.memory_space<vmem>>
    %dma_wait3A_1763 = arith.constant 0 : i32
    %dma_wait3A_1764 = arith.constant 0 : i32
    %dma_wait3A_1765 = tpu.memref_slice %arg13[%dma_wait3A_1763, %dma_wait3A_1764] : memref<10240x32xf32, #tpu.memory_space<vmem_shared>> -> memref<10240x32xf32, #tpu.memory_space<vmem_shared>>
    tpu.wait_indirect_dma semaphore(%arg16 : memref<!tpu.dma_semaphore, #tpu.memory_space<semaphore_mem>>) src(%dma_wait3A_1760 : memref<80x32xf32, #tpu.memory_space<vmem>>) dst(%dma_wait3A_1765 : memref<10240x32xf32, #tpu.memory_space<vmem_shared>>)
    %dma_wait3A_1766 = arith.constant 3 : i32
    %dma_wait3A_1767 = arith.constant 0 : i32
    %dma_wait3A_1768 = arith.constant 0 : i32
    %dma_wait3A_1769 = tpu.memref_slice %arg8[%dma_wait3A_1766, %dma_wait3A_1767, %dma_wait3A_1768] : memref<18x80x32xf32, #tpu.memory_space<vmem>> -> memref<1x80x32xf32, #tpu.memory_space<vmem>>
    %dma_wait3A_1770 = tpu.memref_squeeze %dma_wait3A_1769 : memref<1x80x32xf32, #tpu.memory_space<vmem>> -> memref<80x32xf32, #tpu.memory_space<vmem>>
    %dma_wait3A_1771 = arith.constant 8880 : i32
    %dma_wait3A_1772 = tpu.memref_slice %arg7[%dma_wait3A_1771] : memref<10000xi32, #tpu.memory_space<vmem>> -> memref<80xi32, #tpu.memory_space<vmem>>
    %dma_wait3A_1773 = arith.constant 0 : i32
    %dma_wait3A_1774 = arith.constant 0 : i32
    %dma_wait3A_1775 = tpu.memref_slice %arg13[%dma_wait3A_1773, %dma_wait3A_1774] : memref<10240x32xf32, #tpu.memory_space<vmem_shared>> -> memref<10240x32xf32, #tpu.memory_space<vmem_shared>>
    tpu.wait_indirect_dma semaphore(%arg16 : memref<!tpu.dma_semaphore, #tpu.memory_space<semaphore_mem>>) src(%dma_wait3A_1770 : memref<80x32xf32, #tpu.memory_space<vmem>>) dst(%dma_wait3A_1775 : memref<10240x32xf32, #tpu.memory_space<vmem_shared>>)
    %dma_wait3A_1776 = arith.constant 4 : i32
    %dma_wait3A_1777 = arith.constant 0 : i32
    %dma_wait3A_1778 = arith.constant 0 : i32
    %dma_wait3A_1779 = tpu.memref_slice %arg8[%dma_wait3A_1776, %dma_wait3A_1777, %dma_wait3A_1778] : memref<18x80x32xf32, #tpu.memory_space<vmem>> -> memref<1x80x32xf32, #tpu.memory_space<vmem>>
    %dma_wait3A_1780 = tpu.memref_squeeze %dma_wait3A_1779 : memref<1x80x32xf32, #tpu.memory_space<vmem>> -> memref<80x32xf32, #tpu.memory_space<vmem>>
    %dma_wait3A_1781 = arith.constant 8960 : i32
    %dma_wait3A_1782 = tpu.memref_slice %arg7[%dma_wait3A_1781] : memref<10000xi32, #tpu.memory_space<vmem>> -> memref<80xi32, #tpu.memory_space<vmem>>
    %dma_wait3A_1783 = arith.constant 0 : i32
    %dma_wait3A_1784 = arith.constant 0 : i32
    %dma_wait3A_1785 = tpu.memref_slice %arg13[%dma_wait3A_1783, %dma_wait3A_1784] : memref<10240x32xf32, #tpu.memory_space<vmem_shared>> -> memref<10240x32xf32, #tpu.memory_space<vmem_shared>>
    tpu.wait_indirect_dma semaphore(%arg16 : memref<!tpu.dma_semaphore, #tpu.memory_space<semaphore_mem>>) src(%dma_wait3A_1780 : memref<80x32xf32, #tpu.memory_space<vmem>>) dst(%dma_wait3A_1785 : memref<10240x32xf32, #tpu.memory_space<vmem_shared>>)
    %dma_wait3A_1786 = arith.constant 5 : i32
    %dma_wait3A_1787 = arith.constant 0 : i32
    %dma_wait3A_1788 = arith.constant 0 : i32
    %dma_wait3A_1789 = tpu.memref_slice %arg8[%dma_wait3A_1786, %dma_wait3A_1787, %dma_wait3A_1788] : memref<18x80x32xf32, #tpu.memory_space<vmem>> -> memref<1x80x32xf32, #tpu.memory_space<vmem>>
    %dma_wait3A_1790 = tpu.memref_squeeze %dma_wait3A_1789 : memref<1x80x32xf32, #tpu.memory_space<vmem>> -> memref<80x32xf32, #tpu.memory_space<vmem>>
    %dma_wait3A_1791 = arith.constant 9040 : i32
    %dma_wait3A_1792 = tpu.memref_slice %arg7[%dma_wait3A_1791] : memref<10000xi32, #tpu.memory_space<vmem>> -> memref<80xi32, #tpu.memory_space<vmem>>
    %dma_wait3A_1793 = arith.constant 0 : i32
    %dma_wait3A_1794 = arith.constant 0 : i32
    %dma_wait3A_1795 = tpu.memref_slice %arg13[%dma_wait3A_1793, %dma_wait3A_1794] : memref<10240x32xf32, #tpu.memory_space<vmem_shared>> -> memref<10240x32xf32, #tpu.memory_space<vmem_shared>>
    tpu.wait_indirect_dma semaphore(%arg16 : memref<!tpu.dma_semaphore, #tpu.memory_space<semaphore_mem>>) src(%dma_wait3A_1790 : memref<80x32xf32, #tpu.memory_space<vmem>>) dst(%dma_wait3A_1795 : memref<10240x32xf32, #tpu.memory_space<vmem_shared>>)
    %dma_wait3A_1796 = arith.constant 6 : i32
    %dma_wait3A_1797 = arith.constant 0 : i32
    %dma_wait3A_1798 = arith.constant 0 : i32
    %dma_wait3A_1799 = tpu.memref_slice %arg8[%dma_wait3A_1796, %dma_wait3A_1797, %dma_wait3A_1798] : memref<18x80x32xf32, #tpu.memory_space<vmem>> -> memref<1x80x32xf32, #tpu.memory_space<vmem>>
    %dma_wait3A_1800 = tpu.memref_squeeze %dma_wait3A_1799 : memref<1x80x32xf32, #tpu.memory_space<vmem>> -> memref<80x32xf32, #tpu.memory_space<vmem>>
    %dma_wait3A_1801 = arith.constant 9120 : i32
    %dma_wait3A_1802 = tpu.memref_slice %arg7[%dma_wait3A_1801] : memref<10000xi32, #tpu.memory_space<vmem>> -> memref<80xi32, #tpu.memory_space<vmem>>
    %dma_wait3A_1803 = arith.constant 0 : i32
    %dma_wait3A_1804 = arith.constant 0 : i32
    %dma_wait3A_1805 = tpu.memref_slice %arg13[%dma_wait3A_1803, %dma_wait3A_1804] : memref<10240x32xf32, #tpu.memory_space<vmem_shared>> -> memref<10240x32xf32, #tpu.memory_space<vmem_shared>>
    tpu.wait_indirect_dma semaphore(%arg16 : memref<!tpu.dma_semaphore, #tpu.memory_space<semaphore_mem>>) src(%dma_wait3A_1800 : memref<80x32xf32, #tpu.memory_space<vmem>>) dst(%dma_wait3A_1805 : memref<10240x32xf32, #tpu.memory_space<vmem_shared>>)
    %dma_wait3A_1806 = arith.constant 7 : i32
    %dma_wait3A_1807 = arith.constant 0 : i32
    %dma_wait3A_1808 = arith.constant 0 : i32
    %dma_wait3A_1809 = tpu.memref_slice %arg8[%dma_wait3A_1806, %dma_wait3A_1807, %dma_wait3A_1808] : memref<18x80x32xf32, #tpu.memory_space<vmem>> -> memref<1x80x32xf32, #tpu.memory_space<vmem>>
    %dma_wait3A_1810 = tpu.memref_squeeze %dma_wait3A_1809 : memref<1x80x32xf32, #tpu.memory_space<vmem>> -> memref<80x32xf32, #tpu.memory_space<vmem>>
    %dma_wait3A_1811 = arith.constant 9200 : i32
    %dma_wait3A_1812 = tpu.memref_slice %arg7[%dma_wait3A_1811] : memref<10000xi32, #tpu.memory_space<vmem>> -> memref<80xi32, #tpu.memory_space<vmem>>
    %dma_wait3A_1813 = arith.constant 0 : i32
    %dma_wait3A_1814 = arith.constant 0 : i32
    %dma_wait3A_1815 = tpu.memref_slice %arg13[%dma_wait3A_1813, %dma_wait3A_1814] : memref<10240x32xf32, #tpu.memory_space<vmem_shared>> -> memref<10240x32xf32, #tpu.memory_space<vmem_shared>>
    tpu.wait_indirect_dma semaphore(%arg16 : memref<!tpu.dma_semaphore, #tpu.memory_space<semaphore_mem>>) src(%dma_wait3A_1810 : memref<80x32xf32, #tpu.memory_space<vmem>>) dst(%dma_wait3A_1815 : memref<10240x32xf32, #tpu.memory_space<vmem_shared>>)
    %dma_wait3A_1816 = arith.constant 8 : i32
    %dma_wait3A_1817 = arith.constant 0 : i32
    %dma_wait3A_1818 = arith.constant 0 : i32
    %dma_wait3A_1819 = tpu.memref_slice %arg8[%dma_wait3A_1816, %dma_wait3A_1817, %dma_wait3A_1818] : memref<18x80x32xf32, #tpu.memory_space<vmem>> -> memref<1x80x32xf32, #tpu.memory_space<vmem>>
    %dma_wait3A_1820 = tpu.memref_squeeze %dma_wait3A_1819 : memref<1x80x32xf32, #tpu.memory_space<vmem>> -> memref<80x32xf32, #tpu.memory_space<vmem>>
    %dma_wait3A_1821 = arith.constant 9280 : i32
    %dma_wait3A_1822 = tpu.memref_slice %arg7[%dma_wait3A_1821] : memref<10000xi32, #tpu.memory_space<vmem>> -> memref<80xi32, #tpu.memory_space<vmem>>
    %dma_wait3A_1823 = arith.constant 0 : i32
    %dma_wait3A_1824 = arith.constant 0 : i32
    %dma_wait3A_1825 = tpu.memref_slice %arg13[%dma_wait3A_1823, %dma_wait3A_1824] : memref<10240x32xf32, #tpu.memory_space<vmem_shared>> -> memref<10240x32xf32, #tpu.memory_space<vmem_shared>>
    tpu.wait_indirect_dma semaphore(%arg16 : memref<!tpu.dma_semaphore, #tpu.memory_space<semaphore_mem>>) src(%dma_wait3A_1820 : memref<80x32xf32, #tpu.memory_space<vmem>>) dst(%dma_wait3A_1825 : memref<10240x32xf32, #tpu.memory_space<vmem_shared>>)
    %dma_wait3A_1826 = arith.constant 9 : i32
    %dma_wait3A_1827 = arith.constant 0 : i32
    %dma_wait3A_1828 = arith.constant 0 : i32
    %dma_wait3A_1829 = tpu.memref_slice %arg8[%dma_wait3A_1826, %dma_wait3A_1827, %dma_wait3A_1828] : memref<18x80x32xf32, #tpu.memory_space<vmem>> -> memref<1x80x32xf32, #tpu.memory_space<vmem>>
    %dma_wait3A_1830 = tpu.memref_squeeze %dma_wait3A_1829 : memref<1x80x32xf32, #tpu.memory_space<vmem>> -> memref<80x32xf32, #tpu.memory_space<vmem>>
    %dma_wait3A_1831 = arith.constant 9360 : i32
    %dma_wait3A_1832 = tpu.memref_slice %arg7[%dma_wait3A_1831] : memref<10000xi32, #tpu.memory_space<vmem>> -> memref<80xi32, #tpu.memory_space<vmem>>
    %dma_wait3A_1833 = arith.constant 0 : i32
    %dma_wait3A_1834 = arith.constant 0 : i32
    %dma_wait3A_1835 = tpu.memref_slice %arg13[%dma_wait3A_1833, %dma_wait3A_1834] : memref<10240x32xf32, #tpu.memory_space<vmem_shared>> -> memref<10240x32xf32, #tpu.memory_space<vmem_shared>>
    tpu.wait_indirect_dma semaphore(%arg16 : memref<!tpu.dma_semaphore, #tpu.memory_space<semaphore_mem>>) src(%dma_wait3A_1830 : memref<80x32xf32, #tpu.memory_space<vmem>>) dst(%dma_wait3A_1835 : memref<10240x32xf32, #tpu.memory_space<vmem_shared>>)
    %dma_wait3A_1836 = arith.constant 10 : i32
    %dma_wait3A_1837 = arith.constant 0 : i32
    %dma_wait3A_1838 = arith.constant 0 : i32
    %dma_wait3A_1839 = tpu.memref_slice %arg8[%dma_wait3A_1836, %dma_wait3A_1837, %dma_wait3A_1838] : memref<18x80x32xf32, #tpu.memory_space<vmem>> -> memref<1x80x32xf32, #tpu.memory_space<vmem>>
    %dma_wait3A_1840 = tpu.memref_squeeze %dma_wait3A_1839 : memref<1x80x32xf32, #tpu.memory_space<vmem>> -> memref<80x32xf32, #tpu.memory_space<vmem>>
    %dma_wait3A_1841 = arith.constant 9440 : i32
    %dma_wait3A_1842 = tpu.memref_slice %arg7[%dma_wait3A_1841] : memref<10000xi32, #tpu.memory_space<vmem>> -> memref<80xi32, #tpu.memory_space<vmem>>
    %dma_wait3A_1843 = arith.constant 0 : i32
    %dma_wait3A_1844 = arith.constant 0 : i32
    %dma_wait3A_1845 = tpu.memref_slice %arg13[%dma_wait3A_1843, %dma_wait3A_1844] : memref<10240x32xf32, #tpu.memory_space<vmem_shared>> -> memref<10240x32xf32, #tpu.memory_space<vmem_shared>>
    tpu.wait_indirect_dma semaphore(%arg16 : memref<!tpu.dma_semaphore, #tpu.memory_space<semaphore_mem>>) src(%dma_wait3A_1840 : memref<80x32xf32, #tpu.memory_space<vmem>>) dst(%dma_wait3A_1845 : memref<10240x32xf32, #tpu.memory_space<vmem_shared>>)
    %dma_wait3A_1846 = arith.constant 11 : i32
    %dma_wait3A_1847 = arith.constant 0 : i32
    %dma_wait3A_1848 = arith.constant 0 : i32
    %dma_wait3A_1849 = tpu.memref_slice %arg8[%dma_wait3A_1846, %dma_wait3A_1847, %dma_wait3A_1848] : memref<18x80x32xf32, #tpu.memory_space<vmem>> -> memref<1x80x32xf32, #tpu.memory_space<vmem>>
    %dma_wait3A_1850 = tpu.memref_squeeze %dma_wait3A_1849 : memref<1x80x32xf32, #tpu.memory_space<vmem>> -> memref<80x32xf32, #tpu.memory_space<vmem>>
    %dma_wait3A_1851 = arith.constant 9520 : i32
    %dma_wait3A_1852 = tpu.memref_slice %arg7[%dma_wait3A_1851] : memref<10000xi32, #tpu.memory_space<vmem>> -> memref<80xi32, #tpu.memory_space<vmem>>
    %dma_wait3A_1853 = arith.constant 0 : i32
    %dma_wait3A_1854 = arith.constant 0 : i32
    %dma_wait3A_1855 = tpu.memref_slice %arg13[%dma_wait3A_1853, %dma_wait3A_1854] : memref<10240x32xf32, #tpu.memory_space<vmem_shared>> -> memref<10240x32xf32, #tpu.memory_space<vmem_shared>>
    tpu.wait_indirect_dma semaphore(%arg16 : memref<!tpu.dma_semaphore, #tpu.memory_space<semaphore_mem>>) src(%dma_wait3A_1850 : memref<80x32xf32, #tpu.memory_space<vmem>>) dst(%dma_wait3A_1855 : memref<10240x32xf32, #tpu.memory_space<vmem_shared>>)
    %dma_wait3A_1856 = arith.constant 12 : i32
    %dma_wait3A_1857 = arith.constant 0 : i32
    %dma_wait3A_1858 = arith.constant 0 : i32
    %dma_wait3A_1859 = tpu.memref_slice %arg8[%dma_wait3A_1856, %dma_wait3A_1857, %dma_wait3A_1858] : memref<18x80x32xf32, #tpu.memory_space<vmem>> -> memref<1x80x32xf32, #tpu.memory_space<vmem>>
    %dma_wait3A_1860 = tpu.memref_squeeze %dma_wait3A_1859 : memref<1x80x32xf32, #tpu.memory_space<vmem>> -> memref<80x32xf32, #tpu.memory_space<vmem>>
    %dma_wait3A_1861 = arith.constant 9600 : i32
    %dma_wait3A_1862 = tpu.memref_slice %arg7[%dma_wait3A_1861] : memref<10000xi32, #tpu.memory_space<vmem>> -> memref<80xi32, #tpu.memory_space<vmem>>
    %dma_wait3A_1863 = arith.constant 0 : i32
    %dma_wait3A_1864 = arith.constant 0 : i32
    %dma_wait3A_1865 = tpu.memref_slice %arg13[%dma_wait3A_1863, %dma_wait3A_1864] : memref<10240x32xf32, #tpu.memory_space<vmem_shared>> -> memref<10240x32xf32, #tpu.memory_space<vmem_shared>>
    tpu.wait_indirect_dma semaphore(%arg16 : memref<!tpu.dma_semaphore, #tpu.memory_space<semaphore_mem>>) src(%dma_wait3A_1860 : memref<80x32xf32, #tpu.memory_space<vmem>>) dst(%dma_wait3A_1865 : memref<10240x32xf32, #tpu.memory_space<vmem_shared>>)
    %dma_wait3A_1866 = arith.constant 13 : i32
    %dma_wait3A_1867 = arith.constant 0 : i32
    %dma_wait3A_1868 = arith.constant 0 : i32
    %dma_wait3A_1869 = tpu.memref_slice %arg8[%dma_wait3A_1866, %dma_wait3A_1867, %dma_wait3A_1868] : memref<18x80x32xf32, #tpu.memory_space<vmem>> -> memref<1x80x32xf32, #tpu.memory_space<vmem>>
    %dma_wait3A_1870 = tpu.memref_squeeze %dma_wait3A_1869 : memref<1x80x32xf32, #tpu.memory_space<vmem>> -> memref<80x32xf32, #tpu.memory_space<vmem>>
    %dma_wait3A_1871 = arith.constant 9680 : i32
    %dma_wait3A_1872 = tpu.memref_slice %arg7[%dma_wait3A_1871] : memref<10000xi32, #tpu.memory_space<vmem>> -> memref<80xi32, #tpu.memory_space<vmem>>
    %dma_wait3A_1873 = arith.constant 0 : i32
    %dma_wait3A_1874 = arith.constant 0 : i32
    %dma_wait3A_1875 = tpu.memref_slice %arg13[%dma_wait3A_1873, %dma_wait3A_1874] : memref<10240x32xf32, #tpu.memory_space<vmem_shared>> -> memref<10240x32xf32, #tpu.memory_space<vmem_shared>>
    tpu.wait_indirect_dma semaphore(%arg16 : memref<!tpu.dma_semaphore, #tpu.memory_space<semaphore_mem>>) src(%dma_wait3A_1870 : memref<80x32xf32, #tpu.memory_space<vmem>>) dst(%dma_wait3A_1875 : memref<10240x32xf32, #tpu.memory_space<vmem_shared>>)
    %dma_wait3A_1876 = arith.constant 14 : i32
    %dma_wait3A_1877 = arith.constant 0 : i32
    %dma_wait3A_1878 = arith.constant 0 : i32
    %dma_wait3A_1879 = tpu.memref_slice %arg8[%dma_wait3A_1876, %dma_wait3A_1877, %dma_wait3A_1878] : memref<18x80x32xf32, #tpu.memory_space<vmem>> -> memref<1x80x32xf32, #tpu.memory_space<vmem>>
    %dma_wait3A_1880 = tpu.memref_squeeze %dma_wait3A_1879 : memref<1x80x32xf32, #tpu.memory_space<vmem>> -> memref<80x32xf32, #tpu.memory_space<vmem>>
    %dma_wait3A_1881 = arith.constant 9760 : i32
    %dma_wait3A_1882 = tpu.memref_slice %arg7[%dma_wait3A_1881] : memref<10000xi32, #tpu.memory_space<vmem>> -> memref<80xi32, #tpu.memory_space<vmem>>
    %dma_wait3A_1883 = arith.constant 0 : i32
    %dma_wait3A_1884 = arith.constant 0 : i32
    %dma_wait3A_1885 = tpu.memref_slice %arg13[%dma_wait3A_1883, %dma_wait3A_1884] : memref<10240x32xf32, #tpu.memory_space<vmem_shared>> -> memref<10240x32xf32, #tpu.memory_space<vmem_shared>>
    tpu.wait_indirect_dma semaphore(%arg16 : memref<!tpu.dma_semaphore, #tpu.memory_space<semaphore_mem>>) src(%dma_wait3A_1880 : memref<80x32xf32, #tpu.memory_space<vmem>>) dst(%dma_wait3A_1885 : memref<10240x32xf32, #tpu.memory_space<vmem_shared>>)
    %dma_wait3A_1886 = arith.constant 15 : i32
    %dma_wait3A_1887 = arith.constant 0 : i32
    %dma_wait3A_1888 = arith.constant 0 : i32
    %dma_wait3A_1889 = tpu.memref_slice %arg8[%dma_wait3A_1886, %dma_wait3A_1887, %dma_wait3A_1888] : memref<18x80x32xf32, #tpu.memory_space<vmem>> -> memref<1x80x32xf32, #tpu.memory_space<vmem>>
    %dma_wait3A_1890 = tpu.memref_squeeze %dma_wait3A_1889 : memref<1x80x32xf32, #tpu.memory_space<vmem>> -> memref<80x32xf32, #tpu.memory_space<vmem>>
    %dma_wait3A_1891 = arith.constant 9840 : i32
    %dma_wait3A_1892 = tpu.memref_slice %arg7[%dma_wait3A_1891] : memref<10000xi32, #tpu.memory_space<vmem>> -> memref<80xi32, #tpu.memory_space<vmem>>
    %dma_wait3A_1893 = arith.constant 0 : i32
    %dma_wait3A_1894 = arith.constant 0 : i32
    %dma_wait3A_1895 = tpu.memref_slice %arg13[%dma_wait3A_1893, %dma_wait3A_1894] : memref<10240x32xf32, #tpu.memory_space<vmem_shared>> -> memref<10240x32xf32, #tpu.memory_space<vmem_shared>>
    tpu.wait_indirect_dma semaphore(%arg16 : memref<!tpu.dma_semaphore, #tpu.memory_space<semaphore_mem>>) src(%dma_wait3A_1890 : memref<80x32xf32, #tpu.memory_space<vmem>>) dst(%dma_wait3A_1895 : memref<10240x32xf32, #tpu.memory_space<vmem_shared>>)
    %dma_wait3A_1896 = arith.constant 16 : i32
    %dma_wait3A_1897 = arith.constant 0 : i32
    %dma_wait3A_1898 = arith.constant 0 : i32
    %dma_wait3A_1899 = tpu.memref_slice %arg8[%dma_wait3A_1896, %dma_wait3A_1897, %dma_wait3A_1898] : memref<18x80x32xf32, #tpu.memory_space<vmem>> -> memref<1x80x32xf32, #tpu.memory_space<vmem>>
    %dma_wait3A_1900 = tpu.memref_squeeze %dma_wait3A_1899 : memref<1x80x32xf32, #tpu.memory_space<vmem>> -> memref<80x32xf32, #tpu.memory_space<vmem>>
    %dma_wait3A_1901 = arith.constant 9920 : i32
    %dma_wait3A_1902 = tpu.memref_slice %arg7[%dma_wait3A_1901] : memref<10000xi32, #tpu.memory_space<vmem>> -> memref<80xi32, #tpu.memory_space<vmem>>
    %dma_wait3A_1903 = arith.constant 0 : i32
    %dma_wait3A_1904 = arith.constant 0 : i32
    %dma_wait3A_1905 = tpu.memref_slice %arg13[%dma_wait3A_1903, %dma_wait3A_1904] : memref<10240x32xf32, #tpu.memory_space<vmem_shared>> -> memref<10240x32xf32, #tpu.memory_space<vmem_shared>>
    tpu.wait_indirect_dma semaphore(%arg16 : memref<!tpu.dma_semaphore, #tpu.memory_space<semaphore_mem>>) src(%dma_wait3A_1900 : memref<80x32xf32, #tpu.memory_space<vmem>>) dst(%dma_wait3A_1905 : memref<10240x32xf32, #tpu.memory_space<vmem_shared>>)
    %dma_wait3A_1906 = arith.constant 0 : i32
    %dma_wait3A_1907 = tpu.memref_slice %arg11[%dma_wait3A_1906] : memref<112xf32, #tpu.memory_space<vmem>> -> memref<80xf32, #tpu.memory_space<vmem>>
    %dma_wait3A_1908 = arith.constant 8640 : i32
    %dma_wait3A_1909 = tpu.memref_slice %arg7[%dma_wait3A_1908] : memref<10000xi32, #tpu.memory_space<vmem>> -> memref<80xi32, #tpu.memory_space<vmem>>
    %dma_wait3A_1910 = arith.constant 0 : i32
    %dma_wait3A_1911 = tpu.memref_slice %arg14[%dma_wait3A_1910] : memref<10240xf32, #tpu.memory_space<vmem_shared>> -> memref<10240xf32, #tpu.memory_space<vmem_shared>>
    tpu.wait_indirect_dma semaphore(%arg17 : memref<!tpu.dma_semaphore, #tpu.memory_space<semaphore_mem>>) src(%dma_wait3A_1907 : memref<80xf32, #tpu.memory_space<vmem>>) dst(%dma_wait3A_1911 : memref<10240xf32, #tpu.memory_space<vmem_shared>>)
    %dma_wait3A_1912 = arith.constant 0 : i32
    %dma_wait3A_1913 = tpu.memref_slice %arg11[%dma_wait3A_1912] : memref<112xf32, #tpu.memory_space<vmem>> -> memref<80xf32, #tpu.memory_space<vmem>>
    %dma_wait3A_1914 = arith.constant 8720 : i32
    %dma_wait3A_1915 = tpu.memref_slice %arg7[%dma_wait3A_1914] : memref<10000xi32, #tpu.memory_space<vmem>> -> memref<80xi32, #tpu.memory_space<vmem>>
    %dma_wait3A_1916 = arith.constant 0 : i32
    %dma_wait3A_1917 = tpu.memref_slice %arg14[%dma_wait3A_1916] : memref<10240xf32, #tpu.memory_space<vmem_shared>> -> memref<10240xf32, #tpu.memory_space<vmem_shared>>
    tpu.wait_indirect_dma semaphore(%arg17 : memref<!tpu.dma_semaphore, #tpu.memory_space<semaphore_mem>>) src(%dma_wait3A_1913 : memref<80xf32, #tpu.memory_space<vmem>>) dst(%dma_wait3A_1917 : memref<10240xf32, #tpu.memory_space<vmem_shared>>)
    %dma_wait3A_1918 = arith.constant 0 : i32
    %dma_wait3A_1919 = tpu.memref_slice %arg11[%dma_wait3A_1918] : memref<112xf32, #tpu.memory_space<vmem>> -> memref<80xf32, #tpu.memory_space<vmem>>
    %dma_wait3A_1920 = arith.constant 8800 : i32
    %dma_wait3A_1921 = tpu.memref_slice %arg7[%dma_wait3A_1920] : memref<10000xi32, #tpu.memory_space<vmem>> -> memref<80xi32, #tpu.memory_space<vmem>>
    %dma_wait3A_1922 = arith.constant 0 : i32
    %dma_wait3A_1923 = tpu.memref_slice %arg14[%dma_wait3A_1922] : memref<10240xf32, #tpu.memory_space<vmem_shared>> -> memref<10240xf32, #tpu.memory_space<vmem_shared>>
    tpu.wait_indirect_dma semaphore(%arg17 : memref<!tpu.dma_semaphore, #tpu.memory_space<semaphore_mem>>) src(%dma_wait3A_1919 : memref<80xf32, #tpu.memory_space<vmem>>) dst(%dma_wait3A_1923 : memref<10240xf32, #tpu.memory_space<vmem_shared>>)
    %dma_wait3A_1924 = arith.constant 0 : i32
    %dma_wait3A_1925 = tpu.memref_slice %arg11[%dma_wait3A_1924] : memref<112xf32, #tpu.memory_space<vmem>> -> memref<80xf32, #tpu.memory_space<vmem>>
    %dma_wait3A_1926 = arith.constant 8880 : i32
    %dma_wait3A_1927 = tpu.memref_slice %arg7[%dma_wait3A_1926] : memref<10000xi32, #tpu.memory_space<vmem>> -> memref<80xi32, #tpu.memory_space<vmem>>
    %dma_wait3A_1928 = arith.constant 0 : i32
    %dma_wait3A_1929 = tpu.memref_slice %arg14[%dma_wait3A_1928] : memref<10240xf32, #tpu.memory_space<vmem_shared>> -> memref<10240xf32, #tpu.memory_space<vmem_shared>>
    tpu.wait_indirect_dma semaphore(%arg17 : memref<!tpu.dma_semaphore, #tpu.memory_space<semaphore_mem>>) src(%dma_wait3A_1925 : memref<80xf32, #tpu.memory_space<vmem>>) dst(%dma_wait3A_1929 : memref<10240xf32, #tpu.memory_space<vmem_shared>>)
    %dma_wait3A_1930 = arith.constant 0 : i32
    %dma_wait3A_1931 = tpu.memref_slice %arg11[%dma_wait3A_1930] : memref<112xf32, #tpu.memory_space<vmem>> -> memref<80xf32, #tpu.memory_space<vmem>>
    %dma_wait3A_1932 = arith.constant 8960 : i32
    %dma_wait3A_1933 = tpu.memref_slice %arg7[%dma_wait3A_1932] : memref<10000xi32, #tpu.memory_space<vmem>> -> memref<80xi32, #tpu.memory_space<vmem>>
    %dma_wait3A_1934 = arith.constant 0 : i32
    %dma_wait3A_1935 = tpu.memref_slice %arg14[%dma_wait3A_1934] : memref<10240xf32, #tpu.memory_space<vmem_shared>> -> memref<10240xf32, #tpu.memory_space<vmem_shared>>
    tpu.wait_indirect_dma semaphore(%arg17 : memref<!tpu.dma_semaphore, #tpu.memory_space<semaphore_mem>>) src(%dma_wait3A_1931 : memref<80xf32, #tpu.memory_space<vmem>>) dst(%dma_wait3A_1935 : memref<10240xf32, #tpu.memory_space<vmem_shared>>)
    %dma_wait3A_1936 = arith.constant 0 : i32
    %dma_wait3A_1937 = tpu.memref_slice %arg11[%dma_wait3A_1936] : memref<112xf32, #tpu.memory_space<vmem>> -> memref<80xf32, #tpu.memory_space<vmem>>
    %dma_wait3A_1938 = arith.constant 9040 : i32
    %dma_wait3A_1939 = tpu.memref_slice %arg7[%dma_wait3A_1938] : memref<10000xi32, #tpu.memory_space<vmem>> -> memref<80xi32, #tpu.memory_space<vmem>>
    %dma_wait3A_1940 = arith.constant 0 : i32
    %dma_wait3A_1941 = tpu.memref_slice %arg14[%dma_wait3A_1940] : memref<10240xf32, #tpu.memory_space<vmem_shared>> -> memref<10240xf32, #tpu.memory_space<vmem_shared>>
    tpu.wait_indirect_dma semaphore(%arg17 : memref<!tpu.dma_semaphore, #tpu.memory_space<semaphore_mem>>) src(%dma_wait3A_1937 : memref<80xf32, #tpu.memory_space<vmem>>) dst(%dma_wait3A_1941 : memref<10240xf32, #tpu.memory_space<vmem_shared>>)
    %dma_wait3A_1942 = arith.constant 0 : i32
    %dma_wait3A_1943 = tpu.memref_slice %arg11[%dma_wait3A_1942] : memref<112xf32, #tpu.memory_space<vmem>> -> memref<80xf32, #tpu.memory_space<vmem>>
    %dma_wait3A_1944 = arith.constant 9120 : i32
    %dma_wait3A_1945 = tpu.memref_slice %arg7[%dma_wait3A_1944] : memref<10000xi32, #tpu.memory_space<vmem>> -> memref<80xi32, #tpu.memory_space<vmem>>
    %dma_wait3A_1946 = arith.constant 0 : i32
    %dma_wait3A_1947 = tpu.memref_slice %arg14[%dma_wait3A_1946] : memref<10240xf32, #tpu.memory_space<vmem_shared>> -> memref<10240xf32, #tpu.memory_space<vmem_shared>>
    tpu.wait_indirect_dma semaphore(%arg17 : memref<!tpu.dma_semaphore, #tpu.memory_space<semaphore_mem>>) src(%dma_wait3A_1943 : memref<80xf32, #tpu.memory_space<vmem>>) dst(%dma_wait3A_1947 : memref<10240xf32, #tpu.memory_space<vmem_shared>>)
    %dma_wait3A_1948 = arith.constant 0 : i32
    %dma_wait3A_1949 = tpu.memref_slice %arg11[%dma_wait3A_1948] : memref<112xf32, #tpu.memory_space<vmem>> -> memref<80xf32, #tpu.memory_space<vmem>>
    %dma_wait3A_1950 = arith.constant 9200 : i32
    %dma_wait3A_1951 = tpu.memref_slice %arg7[%dma_wait3A_1950] : memref<10000xi32, #tpu.memory_space<vmem>> -> memref<80xi32, #tpu.memory_space<vmem>>
    %dma_wait3A_1952 = arith.constant 0 : i32
    %dma_wait3A_1953 = tpu.memref_slice %arg14[%dma_wait3A_1952] : memref<10240xf32, #tpu.memory_space<vmem_shared>> -> memref<10240xf32, #tpu.memory_space<vmem_shared>>
    tpu.wait_indirect_dma semaphore(%arg17 : memref<!tpu.dma_semaphore, #tpu.memory_space<semaphore_mem>>) src(%dma_wait3A_1949 : memref<80xf32, #tpu.memory_space<vmem>>) dst(%dma_wait3A_1953 : memref<10240xf32, #tpu.memory_space<vmem_shared>>)
    %dma_wait3A_1954 = arith.constant 0 : i32
    %dma_wait3A_1955 = tpu.memref_slice %arg11[%dma_wait3A_1954] : memref<112xf32, #tpu.memory_space<vmem>> -> memref<80xf32, #tpu.memory_space<vmem>>
    %dma_wait3A_1956 = arith.constant 9280 : i32
    %dma_wait3A_1957 = tpu.memref_slice %arg7[%dma_wait3A_1956] : memref<10000xi32, #tpu.memory_space<vmem>> -> memref<80xi32, #tpu.memory_space<vmem>>
    %dma_wait3A_1958 = arith.constant 0 : i32
    %dma_wait3A_1959 = tpu.memref_slice %arg14[%dma_wait3A_1958] : memref<10240xf32, #tpu.memory_space<vmem_shared>> -> memref<10240xf32, #tpu.memory_space<vmem_shared>>
    tpu.wait_indirect_dma semaphore(%arg17 : memref<!tpu.dma_semaphore, #tpu.memory_space<semaphore_mem>>) src(%dma_wait3A_1955 : memref<80xf32, #tpu.memory_space<vmem>>) dst(%dma_wait3A_1959 : memref<10240xf32, #tpu.memory_space<vmem_shared>>)
    %dma_wait3A_1960 = arith.constant 0 : i32
    %dma_wait3A_1961 = tpu.memref_slice %arg11[%dma_wait3A_1960] : memref<112xf32, #tpu.memory_space<vmem>> -> memref<80xf32, #tpu.memory_space<vmem>>
    %dma_wait3A_1962 = arith.constant 9360 : i32
    %dma_wait3A_1963 = tpu.memref_slice %arg7[%dma_wait3A_1962] : memref<10000xi32, #tpu.memory_space<vmem>> -> memref<80xi32, #tpu.memory_space<vmem>>
    %dma_wait3A_1964 = arith.constant 0 : i32
    %dma_wait3A_1965 = tpu.memref_slice %arg14[%dma_wait3A_1964] : memref<10240xf32, #tpu.memory_space<vmem_shared>> -> memref<10240xf32, #tpu.memory_space<vmem_shared>>
    tpu.wait_indirect_dma semaphore(%arg17 : memref<!tpu.dma_semaphore, #tpu.memory_space<semaphore_mem>>) src(%dma_wait3A_1961 : memref<80xf32, #tpu.memory_space<vmem>>) dst(%dma_wait3A_1965 : memref<10240xf32, #tpu.memory_space<vmem_shared>>)
    %dma_wait3A_1966 = arith.constant 0 : i32
    %dma_wait3A_1967 = tpu.memref_slice %arg11[%dma_wait3A_1966] : memref<112xf32, #tpu.memory_space<vmem>> -> memref<80xf32, #tpu.memory_space<vmem>>
    %dma_wait3A_1968 = arith.constant 9440 : i32
    %dma_wait3A_1969 = tpu.memref_slice %arg7[%dma_wait3A_1968] : memref<10000xi32, #tpu.memory_space<vmem>> -> memref<80xi32, #tpu.memory_space<vmem>>
    %dma_wait3A_1970 = arith.constant 0 : i32
    %dma_wait3A_1971 = tpu.memref_slice %arg14[%dma_wait3A_1970] : memref<10240xf32, #tpu.memory_space<vmem_shared>> -> memref<10240xf32, #tpu.memory_space<vmem_shared>>
    tpu.wait_indirect_dma semaphore(%arg17 : memref<!tpu.dma_semaphore, #tpu.memory_space<semaphore_mem>>) src(%dma_wait3A_1967 : memref<80xf32, #tpu.memory_space<vmem>>) dst(%dma_wait3A_1971 : memref<10240xf32, #tpu.memory_space<vmem_shared>>)
    %dma_wait3A_1972 = arith.constant 0 : i32
    %dma_wait3A_1973 = tpu.memref_slice %arg11[%dma_wait3A_1972] : memref<112xf32, #tpu.memory_space<vmem>> -> memref<80xf32, #tpu.memory_space<vmem>>
    %dma_wait3A_1974 = arith.constant 9520 : i32
    %dma_wait3A_1975 = tpu.memref_slice %arg7[%dma_wait3A_1974] : memref<10000xi32, #tpu.memory_space<vmem>> -> memref<80xi32, #tpu.memory_space<vmem>>
    %dma_wait3A_1976 = arith.constant 0 : i32
    %dma_wait3A_1977 = tpu.memref_slice %arg14[%dma_wait3A_1976] : memref<10240xf32, #tpu.memory_space<vmem_shared>> -> memref<10240xf32, #tpu.memory_space<vmem_shared>>
    tpu.wait_indirect_dma semaphore(%arg17 : memref<!tpu.dma_semaphore, #tpu.memory_space<semaphore_mem>>) src(%dma_wait3A_1973 : memref<80xf32, #tpu.memory_space<vmem>>) dst(%dma_wait3A_1977 : memref<10240xf32, #tpu.memory_space<vmem_shared>>)
    %dma_wait3A_1978 = arith.constant 0 : i32
    %dma_wait3A_1979 = tpu.memref_slice %arg11[%dma_wait3A_1978] : memref<112xf32, #tpu.memory_space<vmem>> -> memref<80xf32, #tpu.memory_space<vmem>>
    %dma_wait3A_1980 = arith.constant 9600 : i32
    %dma_wait3A_1981 = tpu.memref_slice %arg7[%dma_wait3A_1980] : memref<10000xi32, #tpu.memory_space<vmem>> -> memref<80xi32, #tpu.memory_space<vmem>>
    %dma_wait3A_1982 = arith.constant 0 : i32
    %dma_wait3A_1983 = tpu.memref_slice %arg14[%dma_wait3A_1982] : memref<10240xf32, #tpu.memory_space<vmem_shared>> -> memref<10240xf32, #tpu.memory_space<vmem_shared>>
    tpu.wait_indirect_dma semaphore(%arg17 : memref<!tpu.dma_semaphore, #tpu.memory_space<semaphore_mem>>) src(%dma_wait3A_1979 : memref<80xf32, #tpu.memory_space<vmem>>) dst(%dma_wait3A_1983 : memref<10240xf32, #tpu.memory_space<vmem_shared>>)
    %dma_wait3A_1984 = arith.constant 0 : i32
    %dma_wait3A_1985 = tpu.memref_slice %arg11[%dma_wait3A_1984] : memref<112xf32, #tpu.memory_space<vmem>> -> memref<80xf32, #tpu.memory_space<vmem>>
    %dma_wait3A_1986 = arith.constant 9680 : i32
    %dma_wait3A_1987 = tpu.memref_slice %arg7[%dma_wait3A_1986] : memref<10000xi32, #tpu.memory_space<vmem>> -> memref<80xi32, #tpu.memory_space<vmem>>
    %dma_wait3A_1988 = arith.constant 0 : i32
    %dma_wait3A_1989 = tpu.memref_slice %arg14[%dma_wait3A_1988] : memref<10240xf32, #tpu.memory_space<vmem_shared>> -> memref<10240xf32, #tpu.memory_space<vmem_shared>>
    tpu.wait_indirect_dma semaphore(%arg17 : memref<!tpu.dma_semaphore, #tpu.memory_space<semaphore_mem>>) src(%dma_wait3A_1985 : memref<80xf32, #tpu.memory_space<vmem>>) dst(%dma_wait3A_1989 : memref<10240xf32, #tpu.memory_space<vmem_shared>>)
    %dma_wait3A_1990 = arith.constant 0 : i32
    %dma_wait3A_1991 = tpu.memref_slice %arg11[%dma_wait3A_1990] : memref<112xf32, #tpu.memory_space<vmem>> -> memref<80xf32, #tpu.memory_space<vmem>>
    %dma_wait3A_1992 = arith.constant 9760 : i32
    %dma_wait3A_1993 = tpu.memref_slice %arg7[%dma_wait3A_1992] : memref<10000xi32, #tpu.memory_space<vmem>> -> memref<80xi32, #tpu.memory_space<vmem>>
    %dma_wait3A_1994 = arith.constant 0 : i32
    %dma_wait3A_1995 = tpu.memref_slice %arg14[%dma_wait3A_1994] : memref<10240xf32, #tpu.memory_space<vmem_shared>> -> memref<10240xf32, #tpu.memory_space<vmem_shared>>
    tpu.wait_indirect_dma semaphore(%arg17 : memref<!tpu.dma_semaphore, #tpu.memory_space<semaphore_mem>>) src(%dma_wait3A_1991 : memref<80xf32, #tpu.memory_space<vmem>>) dst(%dma_wait3A_1995 : memref<10240xf32, #tpu.memory_space<vmem_shared>>)
    %dma_wait3A_1996 = arith.constant 0 : i32
    %dma_wait3A_1997 = tpu.memref_slice %arg11[%dma_wait3A_1996] : memref<112xf32, #tpu.memory_space<vmem>> -> memref<80xf32, #tpu.memory_space<vmem>>
    %dma_wait3A_1998 = arith.constant 9840 : i32
    %dma_wait3A_1999 = tpu.memref_slice %arg7[%dma_wait3A_1998] : memref<10000xi32, #tpu.memory_space<vmem>> -> memref<80xi32, #tpu.memory_space<vmem>>
    %dma_wait3A_2000 = arith.constant 0 : i32
    %dma_wait3A_2001 = tpu.memref_slice %arg14[%dma_wait3A_2000] : memref<10240xf32, #tpu.memory_space<vmem_shared>> -> memref<10240xf32, #tpu.memory_space<vmem_shared>>
    tpu.wait_indirect_dma semaphore(%arg17 : memref<!tpu.dma_semaphore, #tpu.memory_space<semaphore_mem>>) src(%dma_wait3A_1997 : memref<80xf32, #tpu.memory_space<vmem>>) dst(%dma_wait3A_2001 : memref<10240xf32, #tpu.memory_space<vmem_shared>>)
    %dma_wait3A_2002 = arith.constant 0 : i32
    %dma_wait3A_2003 = tpu.memref_slice %arg11[%dma_wait3A_2002] : memref<112xf32, #tpu.memory_space<vmem>> -> memref<80xf32, #tpu.memory_space<vmem>>
    %dma_wait3A_2004 = arith.constant 9920 : i32
    %dma_wait3A_2005 = tpu.memref_slice %arg7[%dma_wait3A_2004] : memref<10000xi32, #tpu.memory_space<vmem>> -> memref<80xi32, #tpu.memory_space<vmem>>
    %dma_wait3A_2006 = arith.constant 0 : i32
    %dma_wait3A_2007 = tpu.memref_slice %arg14[%dma_wait3A_2006] : memref<10240xf32, #tpu.memory_space<vmem_shared>> -> memref<10240xf32, #tpu.memory_space<vmem_shared>>
    tpu.wait_indirect_dma semaphore(%arg17 : memref<!tpu.dma_semaphore, #tpu.memory_space<semaphore_mem>>) src(%dma_wait3A_2003 : memref<80xf32, #tpu.memory_space<vmem>>) dst(%dma_wait3A_2007 : memref<10240xf32, #tpu.memory_space<vmem_shared>>)
    %barrier3A_2008 = arith.constant 0 : index
    tpu.barrier barrier_id(%barrier3A_2008)
    %mul3A_2009 = arith.constant 640 : i32
    %mul3A_2010 = arith.muli %arg1, %mul3A_2009 : i32
    %mul3A_2011 = arith.constant 640 : i32
    %mul3A_2012 = arith.muli %arg1, %mul3A_2011 : i32
    %dma_start3A_2013 = arith.constant 0 : i32
    %dma_start3A_2014 = tpu.memref_slice %arg4[%arg0, %mul3A_2012, %dma_start3A_2013] : memref<2x10240x32xf32, #tpu.memory_space<hbm>> -> memref<1x640x32xf32, #tpu.memory_space<hbm>>
    %dma_start3A_2015 = tpu.memref_squeeze %dma_start3A_2014 : memref<1x640x32xf32, #tpu.memory_space<hbm>> -> memref<640x32xf32, #tpu.memory_space<hbm>>
    %dma_start3A_2016 = arith.constant 0 : i32
    %dma_start3A_2017 = tpu.memref_slice %arg13[%mul3A_2010, %dma_start3A_2016] : memref<10240x32xf32, #tpu.memory_space<vmem_shared>> -> memref<640x32xf32, #tpu.memory_space<vmem_shared>>
    tpu.enqueue_dma source(%dma_start3A_2017 : memref<640x32xf32, #tpu.memory_space<vmem_shared>>) target(%dma_start3A_2015 : memref<640x32xf32, #tpu.memory_space<hbm>>) target_semaphore(%arg15 : memref<!tpu.dma_semaphore, #tpu.memory_space<semaphore_mem>>)
    %mul3A_2018 = arith.constant 640 : i32
    %mul3A_2019 = arith.muli %arg1, %mul3A_2018 : i32
    %mul3A_2020 = arith.constant 640 : i32
    %mul3A_2021 = arith.muli %arg1, %mul3A_2020 : i32
    %dma_start3A_2022 = tpu.memref_slice %arg5[%arg0, %mul3A_2021] : memref<2x10240xf32, #tpu.memory_space<hbm>> -> memref<1x640xf32, #tpu.memory_space<hbm>>
    %dma_start3A_2023 = tpu.memref_squeeze %dma_start3A_2022 : memref<1x640xf32, #tpu.memory_space<hbm>> -> memref<640xf32, #tpu.memory_space<hbm>>
    %dma_start3A_2024 = tpu.memref_slice %arg14[%mul3A_2019] : memref<10240xf32, #tpu.memory_space<vmem_shared>> -> memref<640xf32, #tpu.memory_space<vmem_shared>>
    tpu.enqueue_dma source(%dma_start3A_2024 : memref<640xf32, #tpu.memory_space<vmem_shared>>) target(%dma_start3A_2023 : memref<640xf32, #tpu.memory_space<hbm>>) target_semaphore(%arg16 : memref<!tpu.dma_semaphore, #tpu.memory_space<semaphore_mem>>)
    %dma_wait3A_2025 = arith.constant 0 : i32
    %dma_wait3A_2026 = tpu.memref_slice %arg4[%arg0, %mul3A_2012, %dma_wait3A_2025] : memref<2x10240x32xf32, #tpu.memory_space<hbm>> -> memref<1x640x32xf32, #tpu.memory_space<hbm>>
    %dma_wait3A_2027 = tpu.memref_squeeze %dma_wait3A_2026 : memref<1x640x32xf32, #tpu.memory_space<hbm>> -> memref<640x32xf32, #tpu.memory_space<hbm>>
    %dma_wait3A_2028 = arith.constant 0 : i32
    %dma_wait3A_2029 = tpu.memref_slice %arg13[%mul3A_2010, %dma_wait3A_2028] : memref<10240x32xf32, #tpu.memory_space<vmem_shared>> -> memref<640x32xf32, #tpu.memory_space<vmem_shared>>
    tpu.wait_dma2 semaphore(%arg15 : memref<!tpu.dma_semaphore, #tpu.memory_space<semaphore_mem>>) src(%dma_wait3A_2029 : memref<640x32xf32, #tpu.memory_space<vmem_shared>>) dst(%dma_wait3A_2027 : memref<640x32xf32, #tpu.memory_space<hbm>>)
    %dma_wait3A_2030 = tpu.memref_slice %arg5[%arg0, %mul3A_2021] : memref<2x10240xf32, #tpu.memory_space<hbm>> -> memref<1x640xf32, #tpu.memory_space<hbm>>
    %dma_wait3A_2031 = tpu.memref_squeeze %dma_wait3A_2030 : memref<1x640xf32, #tpu.memory_space<hbm>> -> memref<640xf32, #tpu.memory_space<hbm>>
    %dma_wait3A_2032 = tpu.memref_slice %arg14[%mul3A_2019] : memref<10240xf32, #tpu.memory_space<vmem_shared>> -> memref<640xf32, #tpu.memory_space<vmem_shared>>
    tpu.wait_dma2 semaphore(%arg16 : memref<!tpu.dma_semaphore, #tpu.memory_space<semaphore_mem>>) src(%dma_wait3A_2032 : memref<640xf32, #tpu.memory_space<vmem_shared>>) dst(%dma_wait3A_2031 : memref<640xf32, #tpu.memory_space<hbm>>)
    return
  }
}

module attributes {stable_mosaic.version = 14 : i64} {
  func.func @body(%arg0: i32, %arg1: memref<2000x128xf32, #tpu.memory_space<vmem>>, %arg2: memref<128x32xf32, #tpu.memory_space<vmem>>, %arg3: memref<2000x32xf32, #tpu.memory_space<vmem>>) attributes {dimension_semantics = [#tpu.dimension_semantics<arbitrary>], iteration_bounds = array<i64: 5>, scalar_prefetch = 0 : i64, scratch_operands = 0 : i64, tpu.core_type = #tpu.core_type<tc>, window_params = [{transform_indices = @transform_0, window_bounds = array<i64: 2000, 128>}, {pipeline_mode = #tpu.pipeline_mode<synchronous>, transform_indices = @transform_1, window_bounds = array<i64: 128, 32>}, {transform_indices = @transform_2, window_bounds = array<i64: 2000, 32>}]} {
    %get3A = arith.constant 0 : index
    %get3A_0 = arith.constant 0 : index
    %get3A_1 = vector.load %arg1[%get3A, %get3A_0] : memref<2000x128xf32, #tpu.memory_space<vmem>>, vector<2000x128xf32>
    %get3A_2 = arith.constant 0 : index
    %get3A_3 = arith.constant 0 : index
    %get3A_4 = vector.load %arg2[%get3A_2, %get3A_3] : memref<128x32xf32, #tpu.memory_space<vmem>>, vector<128x32xf32>
    %dot_general3A = arith.constant dense<0.000000e+00> : vector<2000x32xf32>
    %dot_general3A_5 = tpu.matmul %get3A_1, %get3A_4, %dot_general3A {dimension_numbers = #tpu.dot_dimension_numbers<[1], [0], [0], [1], [0, 0, 1, 1], [], []>, transpose_lhs_hint = false} : vector<2000x128xf32>, vector<128x32xf32>, vector<2000x32xf32> -> vector<2000x32xf32>
    %swap3A = arith.constant 0 : index
    %swap3A_6 = arith.constant 0 : index
    %swap3A_7 = vector.load %arg3[%swap3A, %swap3A_6] : memref<2000x32xf32, #tpu.memory_space<vmem>>, vector<2000x32xf32>
    tpu.vector_store %arg3[%swap3A, %swap3A_6], %dot_general3A_5 {strides = array<i32>} : memref<2000x32xf32, #tpu.memory_space<vmem>>, vector<2000x32xf32>,
    return
  }
  func.func @transform_0(%arg0: i32) -> (i32, i32) {
    %c0_i32 = arith.constant 0 : i32
    %c0_i32_0 = arith.constant 0 : i32
    return %arg0, %c0_i32 : i32, i32
  }
  func.func @transform_1(%arg0: i32) -> (i32, i32) {
    %c0_i32 = arith.constant 0 : i32
    %c0_i32_0 = arith.constant 0 : i32
    %c0_i32_1 = arith.constant 0 : i32
    return %c0_i32, %c0_i32_0 : i32, i32
  }
  func.func @transform_2(%arg0: i32) -> (i32, i32) {
    %c0_i32 = arith.constant 0 : i32
    %c0_i32_0 = arith.constant 0 : i32
    return %arg0, %c0_i32 : i32, i32
  }
}

module attributes {stable_mosaic.version = 14 : i64} {
  func.func @body(%arg0: i32, %arg1: memref<2x2000x32xf32, #tpu.memory_space<vmem>>, %arg2: memref<2x2000x1xf32, #tpu.memory_space<vmem>>, %arg3: memref<32xf32, #tpu.memory_space<vmem>>, %arg4: memref<32x64xf32, #tpu.memory_space<vmem>>, %arg5: memref<64xf32, #tpu.memory_space<vmem>>, %arg6: memref<64x64xf32, #tpu.memory_space<vmem>>, %arg7: memref<64xf32, #tpu.memory_space<vmem>>, %arg8: memref<64x10xf32, #tpu.memory_space<vmem>>, %arg9: memref<10xf32, #tpu.memory_space<vmem>>, %arg10: memref<2000x10xf32, #tpu.memory_space<vmem>>) attributes {dimension_semantics = [#tpu.dimension_semantics<arbitrary>], iteration_bounds = array<i64: 5>, scalar_prefetch = 0 : i64, scratch_operands = 0 : i64, tpu.core_type = #tpu.core_type<tc>, window_params = [{transform_indices = @transform_0, window_bounds = array<i64: 2, 2000, 32>}, {transform_indices = @transform_1, window_bounds = array<i64: 2, 2000, 1>}, {pipeline_mode = #tpu.pipeline_mode<synchronous>, transform_indices = @transform_2, window_bounds = array<i64: 32>}, {pipeline_mode = #tpu.pipeline_mode<synchronous>, transform_indices = @transform_3, window_bounds = array<i64: 32, 64>}, {pipeline_mode = #tpu.pipeline_mode<synchronous>, transform_indices = @transform_4, window_bounds = array<i64: 64>}, {pipeline_mode = #tpu.pipeline_mode<synchronous>, transform_indices = @transform_5, window_bounds = array<i64: 64, 64>}, {pipeline_mode = #tpu.pipeline_mode<synchronous>, transform_indices = @transform_6, window_bounds = array<i64: 64>}, {pipeline_mode = #tpu.pipeline_mode<synchronous>, transform_indices = @transform_7, window_bounds = array<i64: 64, 10>}, {pipeline_mode = #tpu.pipeline_mode<synchronous>, transform_indices = @transform_8, window_bounds = array<i64: 10>}, {transform_indices = @transform_9, window_bounds = array<i64: 2000, 10>}]} {
    %get3A = arith.constant 0 : index
    %get3A_0 = arith.constant 0 : index
    %get3A_1 = arith.constant 0 : index
    %get3A_2 = vector.load %arg1[%get3A, %get3A_0, %get3A_1] : memref<2x2000x32xf32, #tpu.memory_space<vmem>>, vector<1x2000x32xf32>
    %get3A_3 = vector.shape_cast %get3A_2 : vector<1x2000x32xf32> to vector<2000x32xf32>
    %get3A_4 = arith.constant 1 : index
    %get3A_5 = arith.constant 0 : index
    %get3A_6 = arith.constant 0 : index
    %get3A_7 = vector.load %arg1[%get3A_4, %get3A_5, %get3A_6] : memref<2x2000x32xf32, #tpu.memory_space<vmem>>, vector<1x2000x32xf32>
    %get3A_8 = vector.shape_cast %get3A_7 : vector<1x2000x32xf32> to vector<2000x32xf32>
    %add3A = arith.addf %get3A_3, %get3A_8 : vector<2000x32xf32>
    %get3A_9 = arith.constant 0 : index
    %get3A_10 = arith.constant 0 : index
    %get3A_11 = arith.constant 0 : index
    %get3A_12 = vector.load %arg2[%get3A_9, %get3A_10, %get3A_11] : memref<2x2000x1xf32, #tpu.memory_space<vmem>>, vector<1x2000x1xf32>
    %get3A_13 = vector.shape_cast %get3A_12 : vector<1x2000x1xf32> to vector<2000x1xf32>
    %get3A_14 = arith.constant 1 : index
    %get3A_15 = arith.constant 0 : index
    %get3A_16 = arith.constant 0 : index
    %get3A_17 = vector.load %arg2[%get3A_14, %get3A_15, %get3A_16] : memref<2x2000x1xf32, #tpu.memory_space<vmem>>, vector<1x2000x1xf32>
    %get3A_18 = vector.shape_cast %get3A_17 : vector<1x2000x1xf32> to vector<2000x1xf32>
    %add3A_19 = arith.addf %get3A_13, %get3A_18 : vector<2000x1xf32>
    %max3A = arith.constant 1.000000e+00 : f32
    %max3A_20 = vector.broadcast %max3A : f32 to vector<2000x1xf32>
    %max3A_21 = arith.maximumf %add3A_19, %max3A_20 : vector<2000x1xf32>
    %div3A = vector.broadcast %max3A_21 : vector<2000x1xf32> to vector<2000x32xf32>
    %div3A_22 = arith.divf %add3A, %div3A : vector<2000x32xf32>
    %get3A_23 = arith.constant 0 : index
    %get3A_24 = vector.load %arg3[%get3A_23] : memref<32xf32, #tpu.memory_space<vmem>>, vector<32xf32>
    %broadcast_in_dim3A = vector.shape_cast %get3A_24 : vector<32xf32> to vector<1x32xf32>
    %add3A_25 = vector.broadcast %broadcast_in_dim3A : vector<1x32xf32> to vector<2000x32xf32>
    %add3A_26 = arith.addf %div3A_22, %add3A_25 : vector<2000x32xf32>
    %ge3A = arith.constant 0.000000e+00 : f32
    %ge3A_27 = vector.broadcast %ge3A : f32 to vector<2000x32xf32>
    %ge3A_28 = arith.cmpf oge, %add3A_26, %ge3A_27 : vector<2000x32xf32>
    %mul3A = arith.constant 0.00999999977 : f32
    %mul3A_29 = vector.broadcast %mul3A : f32 to vector<2000x32xf32>
    %mul3A_30 = arith.mulf %mul3A_29, %add3A_26 : vector<2000x32xf32>
    %select_n3A = arith.select %ge3A_28, %add3A_26, %mul3A_30 : vector<2000x32xi1>, vector<2000x32xf32>
    %get3A_31 = arith.constant 0 : index
    %get3A_32 = arith.constant 0 : index
    %get3A_33 = vector.load %arg4[%get3A_31, %get3A_32] : memref<32x64xf32, #tpu.memory_space<vmem>>, vector<32x64xf32>
    %dot_general3A = arith.constant dense<0.000000e+00> : vector<2000x64xf32>
    %dot_general3A_34 = tpu.matmul %select_n3A, %get3A_33, %dot_general3A {dimension_numbers = #tpu.dot_dimension_numbers<[1], [0], [0], [1], [0, 0, 1, 1], [], []>, transpose_lhs_hint = false} : vector<2000x32xf32>, vector<32x64xf32>, vector<2000x64xf32> -> vector<2000x64xf32>
    %get3A_35 = arith.constant 0 : index
    %get3A_36 = vector.load %arg5[%get3A_35] : memref<64xf32, #tpu.memory_space<vmem>>, vector<64xf32>
    %broadcast_in_dim3A_37 = vector.shape_cast %get3A_36 : vector<64xf32> to vector<1x64xf32>
    %add3A_38 = vector.broadcast %broadcast_in_dim3A_37 : vector<1x64xf32> to vector<2000x64xf32>
    %add3A_39 = arith.addf %dot_general3A_34, %add3A_38 : vector<2000x64xf32>
    %ge3A_40 = arith.constant 0.000000e+00 : f32
    %ge3A_41 = vector.broadcast %ge3A_40 : f32 to vector<2000x64xf32>
    %ge3A_42 = arith.cmpf oge, %add3A_39, %ge3A_41 : vector<2000x64xf32>
    %mul3A_43 = arith.constant 0.00999999977 : f32
    %mul3A_44 = vector.broadcast %mul3A_43 : f32 to vector<2000x64xf32>
    %mul3A_45 = arith.mulf %mul3A_44, %add3A_39 : vector<2000x64xf32>
    %select_n3A_46 = arith.select %ge3A_42, %add3A_39, %mul3A_45 : vector<2000x64xi1>, vector<2000x64xf32>
    %get3A_47 = arith.constant 0 : index
    %get3A_48 = arith.constant 0 : index
    %get3A_49 = vector.load %arg6[%get3A_47, %get3A_48] : memref<64x64xf32, #tpu.memory_space<vmem>>, vector<64x64xf32>
    %dot_general3A_50 = arith.constant dense<0.000000e+00> : vector<2000x64xf32>
    %dot_general3A_51 = tpu.matmul %select_n3A_46, %get3A_49, %dot_general3A_50 {dimension_numbers = #tpu.dot_dimension_numbers<[1], [0], [0], [1], [0, 0, 1, 1], [], []>, transpose_lhs_hint = false} : vector<2000x64xf32>, vector<64x64xf32>, vector<2000x64xf32> -> vector<2000x64xf32>
    %get3A_52 = arith.constant 0 : index
    %get3A_53 = vector.load %arg7[%get3A_52] : memref<64xf32, #tpu.memory_space<vmem>>, vector<64xf32>
    %broadcast_in_dim3A_54 = vector.shape_cast %get3A_53 : vector<64xf32> to vector<1x64xf32>
    %add3A_55 = vector.broadcast %broadcast_in_dim3A_54 : vector<1x64xf32> to vector<2000x64xf32>
    %add3A_56 = arith.addf %dot_general3A_51, %add3A_55 : vector<2000x64xf32>
    %ge3A_57 = arith.constant 0.000000e+00 : f32
    %ge3A_58 = vector.broadcast %ge3A_57 : f32 to vector<2000x64xf32>
    %ge3A_59 = arith.cmpf oge, %add3A_56, %ge3A_58 : vector<2000x64xf32>
    %mul3A_60 = arith.constant 0.00999999977 : f32
    %mul3A_61 = vector.broadcast %mul3A_60 : f32 to vector<2000x64xf32>
    %mul3A_62 = arith.mulf %mul3A_61, %add3A_56 : vector<2000x64xf32>
    %select_n3A_63 = arith.select %ge3A_59, %add3A_56, %mul3A_62 : vector<2000x64xi1>, vector<2000x64xf32>
    %get3A_64 = arith.constant 0 : index
    %get3A_65 = arith.constant 0 : index
    %get3A_66 = vector.load %arg8[%get3A_64, %get3A_65] : memref<64x10xf32, #tpu.memory_space<vmem>>, vector<64x10xf32>
    %dot_general3A_67 = arith.constant dense<0.000000e+00> : vector<2000x10xf32>
    %dot_general3A_68 = tpu.matmul %select_n3A_63, %get3A_66, %dot_general3A_67 {dimension_numbers = #tpu.dot_dimension_numbers<[1], [0], [0], [1], [0, 0, 1, 1], [], []>, transpose_lhs_hint = false} : vector<2000x64xf32>, vector<64x10xf32>, vector<2000x10xf32> -> vector<2000x10xf32>
    %get3A_69 = arith.constant 0 : index
    %get3A_70 = vector.load %arg9[%get3A_69] : memref<10xf32, #tpu.memory_space<vmem>>, vector<10xf32>
    %broadcast_in_dim3A_71 = vector.shape_cast %get3A_70 : vector<10xf32> to vector<1x10xf32>
    %add3A_72 = vector.broadcast %broadcast_in_dim3A_71 : vector<1x10xf32> to vector<2000x10xf32>
    %add3A_73 = arith.addf %dot_general3A_68, %add3A_72 : vector<2000x10xf32>
    %swap3A = arith.constant 0 : index
    %swap3A_74 = arith.constant 0 : index
    %swap3A_75 = vector.load %arg10[%swap3A, %swap3A_74] : memref<2000x10xf32, #tpu.memory_space<vmem>>, vector<2000x10xf32>
    tpu.vector_store %arg10[%swap3A, %swap3A_74], %add3A_73 {strides = array<i32>} : memref<2000x10xf32, #tpu.memory_space<vmem>>, vector<2000x10xf32>,
    return
  }
  func.func @transform_0(%arg0: i32) -> (i32, i32, i32) {
    %c0_i32 = arith.constant 0 : i32
    %c0_i32_0 = arith.constant 0 : i32
    %c0_i32_1 = arith.constant 0 : i32
    return %c0_i32, %arg0, %c0_i32_0 : i32, i32, i32
  }
  func.func @transform_1(%arg0: i32) -> (i32, i32, i32) {
    %c0_i32 = arith.constant 0 : i32
    %c0_i32_0 = arith.constant 0 : i32
    %c0_i32_1 = arith.constant 0 : i32
    return %c0_i32, %arg0, %c0_i32_0 : i32, i32, i32
  }
  func.func @transform_2(%arg0: i32) -> i32 {
    %c0_i32 = arith.constant 0 : i32
    %c0_i32_0 = arith.constant 0 : i32
    return %c0_i32 : i32
  }
  func.func @transform_3(%arg0: i32) -> (i32, i32) {
    %c0_i32 = arith.constant 0 : i32
    %c0_i32_0 = arith.constant 0 : i32
    %c0_i32_1 = arith.constant 0 : i32
    return %c0_i32, %c0_i32_0 : i32, i32
  }
  func.func @transform_4(%arg0: i32) -> i32 {
    %c0_i32 = arith.constant 0 : i32
    %c0_i32_0 = arith.constant 0 : i32
    return %c0_i32 : i32
  }
  func.func @transform_5(%arg0: i32) -> (i32, i32) {
    %c0_i32 = arith.constant 0 : i32
    %c0_i32_0 = arith.constant 0 : i32
    %c0_i32_1 = arith.constant 0 : i32
    return %c0_i32, %c0_i32_0 : i32, i32
  }
  func.func @transform_6(%arg0: i32) -> i32 {
    %c0_i32 = arith.constant 0 : i32
    %c0_i32_0 = arith.constant 0 : i32
    return %c0_i32 : i32
  }
  func.func @transform_7(%arg0: i32) -> (i32, i32) {
    %c0_i32 = arith.constant 0 : i32
    %c0_i32_0 = arith.constant 0 : i32
    %c0_i32_1 = arith.constant 0 : i32
    return %c0_i32, %c0_i32_0 : i32, i32
  }
  func.func @transform_8(%arg0: i32) -> i32 {
    %c0_i32 = arith.constant 0 : i32
    %c0_i32_0 = arith.constant 0 : i32
    return %c0_i32 : i32
  }
  func.func @transform_9(%arg0: i32) -> (i32, i32) {
    %c0_i32 = arith.constant 0 : i32
    %c0_i32_0 = arith.constant 0 : i32
    return %arg0, %c0_i32 : i32, i32
  }
}

</mosaic_0001>

<sc_bundles>
// kernel: kernel.5.cloned.1.call-start
scs
__scs_entry_jumppad:
0x0: {  	(pc) =	sbr.rel $0x88, $3  }
0x1: {  	(tag) =	ssettag $0x0;
	lr =	simm.s32 $0x1  }
0x2: {  	[smem:$0x3F97] =	sst lr;
	_ =	strace $0xD0000000  }
0x3: {  	_ = 	snop  }
0x4: {  	_ = 	snop  }
0x5: {  	_ = 	snop  }
0x6: {  	_ = 	snop  }
0x7: {  	_ = 	snop  }
__scs_overlays_trampoline_lowered:
0x8: {  	[smem:$0x3FA6] =	sst s0  }
0x9: {  	[smem:$0x3FA7] =	sst s1  }
0xa: {  	[smem:$0x3FA8] =	sst s2  }
0xb: {  	[smem:$0x3FA9] =	sst s3  }
0xc: {  	[smem:$0x3FAA] =	sst s4  }
0xd: {  	[smem:$0x3FAB] =	sst s5  }
0xe: {  	[smem:$0x3FAC] =	sst s6  }
0xf: {  	[smem:$0x3FAD] =	sst s7  }
0x10: {  	[smem:$0x3FAE] =	sst s8  }
0x11: {  	[smem:$0x3FAF] =	sst s9;
	s0 =	simm.s32 @!p0 $0x0  }
0x12: {  	s1 =	sld [smem:$0x3F95];
	s0 =	simm.s32 @p0 $0x1  }
0x13: {  	[smem:$0x3FB0] =	sst s0;
	s0 =	simm.s32 @!p1 $0x0  }
0x14: {  	s2 =	sld [smem:$0x3F94];
	s0 =	simm.s32 @p1 $0x1  }
0x15: {  	[smem:$0x3FB1] =	sst s0;
	s0 =	simm.s32 @!p2 $0x0  }
0x16: {  	s3 =	sld [smem:$0x3FDB];
	s0 =	simm.s32 @p2 $0x1  }
0x17: {  	s4 =	simm.s32 $0x1BF5;
	[smem:$0x3FB3] =	sst s0  }
0x18: {  	s0 =	sld [smem:$0x3F96];
	_ =	swait.ge [sflag:s4], $0x0  }
0x19: {  	s7 =	sld [smem:$0x3F97]  }
0x1a: {  	s8 =	sadd.s32 $0xFFFFE003, lr  }
0x1b: {  	s9 =	sadd.s32 $0xFFFFFEF7, lr;
	s5 =	simm.s32 $0xFFFFFFFF;
	p2 =	slt.u32 s8, $0xFFFFF086  }
0x1c: {  	p1 =	slt.u32 s9, $0xF7A;
	s5 =	simm.s32 @!p2 $0x0  }
0x1d: {  	s5 =	simm.s32 @p1 $0x1;
	p0 =	seq.s32 s7, s2  }
0x1e: {  	s7 =	smul.u32 @!p0 $0xF7A, s2;
	p2 =	seq.s32 @!p0 s5, $0x0  }
0x1f: {  	s9 =	smul.u32 $0xF7A, s1;
	s8 =	simm.s32 @!p0 $0x1BF5;
	p2 =	por !p2, p0  }
0x20: {  	[sflag:s8] =	ssyncset.s32 @!p0 $0xFFFFF086;
	s6 =	sadd.s32 @!p0 s3, s7;
	s7 =	simm.s32 @!p0 $0x108  }
0x21: {  	s3 =	sadd.s32 s3, s9;
	s6 =	sadd.s32 @!p0 $0x88, s6;
	s7 =	simm.s32 @p2 $0x1082  }
0x22: {  	[simem:s7], [sflag:s8] =	dma.local @!p0 [hbm:s6], $0xF7A  }
0x23: {  	s9 =	sor.u32 $0xD0000000, s2;
	s6 =	simm.s32 $0x108;
	_ =	swait.ge @!p0 [sflag:s8], $0x0  }
0x24: {  	s3 =	sadd.s32 $0x88, s3;
	s6 =	simm.s32 @!p1 $0x1082;
	[sflag:s4] =	ssyncset.s32 $0xFFFFF086  }
0x25: {  	[simem:s6], [sflag:s4] =	dma.local [hbm:s3], $0xF7A  }
0x26: {  	[smem:$0x3F97] =	sst s1;
	(tag) =	ssettag s2;
	_ =	strace s9  }
0x27: {  	s1 =	sld [smem:$0x3FA7]  }
0x28: {  	s2 =	sld [smem:$0x3FA8]  }
0x29: {  	s4 =	sld [smem:$0x3FAA]  }
0x2a: {  	p0 =	seq.s32 s5, $0x0;
	s5 =	sld [smem:$0x3FAB]  }
0x2b: {  	s6 =	sld [smem:$0x3FAC]  }
0x2c: {  	s7 =	sld [smem:$0x3FAD]  }
0x2d: {  	s3 =	simm.s32 $0x108;
	s8 =	sld [smem:$0x3FAE]  }
0x2e: {  	s3 =	simm.s32 @!p0 $0x1082;
	s9 =	sld [smem:$0x3FAF]  }
0x2f: {  	lr =	sadd.s32 s0, s3;
	s0 =	sld [smem:$0x3FA6]  }
0x30: {  	s3 =	sld [smem:$0x3FA9]  }
0x31: {  	[smem:$0x3FB2] =	sst s10  }
0x32: {  	s10 =	sld [smem:$0x3FB0];
	_ =	sdelay $0x3  }
0x33: {  	p0 =	seq.s32 s10, $0x1;
	s10 =	sld [smem:$0x3FB2];
	_ =	sdelay $0x3  }
0x34: {  	[smem:$0x3FB2] =	sst s10  }
0x35: {  	s10 =	sld [smem:$0x3FB1];
	_ =	sdelay $0x3  }
0x36: {  	p1 =	seq.s32 s10, $0x1;
	s10 =	sld [smem:$0x3FB2];
	_ =	sdelay $0x3  }
0x37: {  	[smem:$0x3FB2] =	sst s10  }
0x38: {  	s10 =	sld [smem:$0x3FB3]  }
0x39: {  	_ = 	snop;
	(pc) =	sbr.ind lr, $3  }
0x3a: {  	_ = 	snop  }
0x3b: {  	_ = 	snop  }
0x3c: {  	p2 =	seq.s32 s10, $0x1;
	s10 =	sld [smem:$0x3FB2]  }
0x3d: {  	_ =	shalt  }
0x3e: {  	_ =	shalt  }
0x3f: {  	_ =	shalt  }
0x40: {  	_ =	shalt  }
0x41: {  	_ =	shalt  }
0x42: {  	_ =	shalt  }
0x43: {  	_ =	shalt  }
0x44: {  	_ =	shalt  }
0x45: {  	_ =	shalt  }
0x46: {  	_ =	shalt  }
0x47: {  	_ =	shalt  }
0x48: {  	_ =	shalt  }
0x49: {  	_ =	shalt  }
0x4a: {  	_ =	shalt  }
0x4b: {  	_ =	shalt  }
0x4c: {  	_ =	shalt  }
0x4d: {  	_ =	shalt  }
0x4e: {  	_ =	shalt  }
0x4f: {  	_ =	shalt  }
0x50: {  	_ =	shalt  }
0x51: {  	_ =	shalt  }
0x52: {  	_ =	shalt  }
0x53: {  	_ =	shalt  }
0x54: {  	_ =	shalt  }
0x55: {  	_ =	shalt  }
0x56: {  	_ =	shalt  }
0x57: {  	_ =	shalt  }
0x58: {  	_ =	shalt  }
0x59: {  	_ =	shalt  }
0x5a: {  	_ =	shalt  }
0x5b: {  	_ =	shalt  }
0x5c: {  	_ =	shalt  }
0x5d: {  	_ =	shalt  }
0x5e: {  	_ =	shalt  }
0x5f: {  	_ =	shalt  }
0x60: {  	_ =	shalt  }
0x61: {  	_ =	shalt  }
0x62: {  	_ =	shalt  }
0x63: {  	_ =	shalt  }
0x64: {  	_ =	shalt  }
0x65: {  	_ =	shalt  }
0x66: {  	_ =	shalt  }
0x67: {  	_ =	shalt  }
0x68: {  	_ =	shalt  }
0x69: {  	_ =	shalt  }
0x6a: {  	_ =	shalt  }
0x6b: {  	_ =	shalt  }
0x6c: {  	_ =	shalt  }
0x6d: {  	_ =	shalt  }
0x6e: {  	_ =	shalt  }
0x6f: {  	_ =	shalt  }
0x70: {  	_ =	shalt  }
0x71: {  	_ =	shalt  }
0x72: {  	_ =	shalt  }
0x73: {  	_ =	shalt  }
0x74: {  	_ =	shalt  }
0x75: {  	_ =	shalt  }
0x76: {  	_ =	shalt  }
0x77: {  	_ =	shalt  }
0x78: {  	_ =	shalt  }
0x79: {  	_ =	shalt  }
0x7a: {  	_ =	shalt  }
0x7b: {  	_ =	shalt  }
0x7c: {  	_ =	shalt  }
0x7d: {  	_ =	shalt  }
0x7e: {  	_ =	shalt  }
0x7f: {  	_ =	shalt  }
0x80: {  	_ =	shalt  }
0x81: {  	_ =	shalt  }
0x82: {  	_ =	shalt  }
0x83: {  	_ =	shalt  }
0x84: {  	_ =	shalt  }
0x85: {  	_ =	shalt  }
0x86: {  	_ =	shalt  }
0x87: {  	_ =	shalt  }
.Lfunc_end0:
.L_simem_size_0:
called_computation_lowered:
.L_overlay_start_0:
0x88: {  	s2 =	sld [smem:$0x3FD9]  }
0x89: {  	s3 =	sld [smem:$0x3FFE];
	_ =	sdelay $0x1  }
0x8a: {  	s1 =	srdreg.scid  }
0x8b: {  	s0 =	sand.u32 $0x1, s1  }
0x8c: {  	s17 =	sshll.u32 s0, $0xA;
	s2 =	sadd.s32 s3, s2  }
0x8d: {  	s2 =	sadd.s32 s2, s17  }
0x8e: {  	[smem:$0x3FBE] =	sst s2  }
0x8f: {  	_ = 	snop  }
0x90: {  	s2 =	sld [smem:$0x3FD0];
	(tm) =	ssettm $0x1  }
0x91: {  	s18 =	sld [smem:$0x3FFB];
	_ =	sdelay $0x3  }
0x92: {  	_ =	strace s18  }
0x93: {  	s3 =	sld [smem:$0x3FFC];
	_ =	sdelay $0x3  }
0x94: {  	_ =	strace s3  }
0x95: {  	s3 =	sld [smem:$0x3FFD];
	_ =	sdelay $0x3  }
0x96: {  	_ =	strace s3  }
0x97: {  	_ =	strace $0x8FFFFFFF  }
0x98: {  	s19 =	sld [smem:$0x3FDB];
	_ =	sdelay $0x1  }
0x99: {  	s4 =	simm.s32 $_scs_section_size  }
0x9a: {  	s5 =	simm.s32 $_size__tile_overlayer_lowered;
	s6 =	simm.s32 $_tile_overlayer_lowered  }
0x9b: {  	s22 =	simm.s32 $0x1BFF;
	s21 =	sshll.u32 s6, $0x1;
	s3 =	sadd.s32 s4, s19  }
0x9c: {  	s7 =	simm.s32 $0x0;
	s20 =	sshll.u32 s5, $0x1;
	s5 =	sadd.s32 s21, s3  }
0x9d: {  	[timem:s7], [sflag:s22] =	dma.local [hbm:s5], s20  }
0x9e: {  	_ =	swait.ge [sflag:s22], s20  }
0x9f: {  	s4 =	ssub.s32 $0x0, s20;
	[sflag:s22] =	ssyncset.done $0x0  }
0xa0: {  	[sflag:s22] =	ssyncadd.s32 s4;
	_ =	sdelay $0x1  }
0xa1: {  	s23 =	simm.s32 $0x1B8B  }
0xa2: {  	_ =	swait.ge [sflag:s23], $0x1  }
0xa3: {  	[sflag:s23] =	ssyncset.done $0x0  }
0xa4: {  	s25 =	simm.s32 $0x1B8E;
	s24 =	sld [smem:$0x3FFE];
	[sflag:s23] =	ssyncadd.s32 $0xFFFFFFFF  }
0xa5: {  	s26 =	simm.s32 $execute0_lowered;
	[smem:$0x3FD2] =	sst s25  }
0xa6: {  	s5 =	sshll.u32 s26, $0x1;
	_ =	strace $0x80000046;
	[dreg:$0x1] =	wrdreg $0xFFFFFFFF  }
0xa7: {  	s28 =	simm.s32 $_size_execute0_lowered;
	s3 =	sadd.s32 s3, s5;
	[dreg:$0x0] =	wrdreg $0x0  }
0xa8: {  	s5 =	sshll.u32 s28, $0x1;
	[dreg:$0x2] =	wrdreg s3  }
0xa9: {  	[dreg:$0x3] =	wrdreg s5  }
0xaa: {  	[dreg:$0x4] =	wrdreg $0xC0  }
0xab: {  	_ =	task [dreg:s7], $0x5FFFF  }
0xac: {  	[dreg:$0x1] =	wrdreg $0xFFFFFFFF  }
0xad: {  	[dreg:$0x0] =	wrdreg $0x60  }
0xae: {  	[dreg:$0x2] =	wrdreg s24  }
0xaf: {  	[dreg:$0x3] =	wrdreg s2  }
0xb0: {  	[dreg:$0x4] =	wrdreg $0x10D100  }
0xb1: {  	[dreg:$0x5] =	wrdreg $0x15B300  }
0xb2: {  	[dreg:$0x6] =	wrdreg $0x1AB300  }
0xb3: {  	[dreg:$0x7] =	wrdreg $0x9  }
0xb4: {  	_ =	task.clear_ibuf [dreg:s7], $0x8FFFF;
	_ =	strace $0x90000046  }
0xb5: {  	s29 =	simm.s32 $0x9;
	_ =	strace $0x80000048  }
0xb6: {  	_ =	swait.ge [sflag:s29], $0x1  }
0xb7: {  	[sflag:s29] =	ssyncadd.s32 $0xFFFFFFFF  }
0xb8: {  	_ =	strace $0x90000048  }
0xb9: {  	_ =	sfence  }
0xba: {  	s30 =	sld [smem:$0x0];
	_ =	sdelay $0x2  }
0xbb: {  	s31 =	sshll.u32 s1, $0xD;
	s1 =	sshrl.u32 s1, $0x2  }
0xbc: {  	s3 =	sand.u32 $0x4000, s31;
	s1 =	sadd.s32 s1, s30  }
0xbd: {  	s0 =	sor.u32 s3, s0;
	s1 =	sshll.u32 s1, $0x11  }
0xbe: {  	s0 =	sor.u32 s1, s0  }
0xbf: {  	s0 =	sadd.s32 $0x8F2B, s0  }
0xc0: {  	[sflag:s0] =	ssyncadd.remote.s32 $0x1  }
0xc1: {  	_ =	sfence.sel $0xFFFF  }
0xc2: {  	[dreg:$0x0] =	wrdreg $0xFFFFFFFF;
	(pc) =	sbr.abs _section_cstart, $3  }
0xc3: {  	[dreg:$0x1] =	wrdreg $0xFFFFFFFF  }
0xc4: {  	_ =	task.clear_ibuf [dreg:s7], $0x2FFFF;
	_ =	strace $0x9FFFFFFF  }
0xc5: {  	(tm) =	ssettm $0x7FFFFFFF  }
tec
execute0_lowered:
.L_overlay_start_1:
0x0: {  	(tag) =	ssettag $0x1  }
0x1: {  	s0 =	rddreg [dreg:$0x0]  }
0x2: {  	s1 =	rddreg [dreg:$0x1]  }
0x3: {  	s2 =	rddreg [dreg:$0x2]  }
0x4: {  	s3 =	rddreg [dreg:$0x3];
	s12 =	stileid.u32  }
0x5: {  	s4 =	rddreg [dreg:$0x4];
	s5 =	smul.u32 $0x4E20, s12  }
0x6: {  	s6 =	srdreg.scid;
	s8 =	smul.u32 $0x5000, s12  }
0x7: {  	s10 =	simm.s32 $0x0;
	s6 =	sand.u32 $0x1, s6;
	s14 =	smul.u32 $0x14000, s12  }
0x8: {  	s7 =	sshll.u32 s12, $0x1;
	[smem:$0x7FF] =	sst s10;
	s16 =	smul.u32 $0x280, s12  }
0x9: {  	s7 =	sor.u32 s6, s7;
	s9 =	smul.u32 $0x50000, s6;
	_ =	strace $0x80000047  }
0xa: {  	s11 =	ssub.s32 $0x2, s6;
	s28 =	sshrl.u32 s5, $0x3;
	s17 =	sshrl.u32 s14, $0x2  }
0xb: {  	s10 =	sadd.s32 s28, s0;
	s9 =	sadd.s32 s8, s9;
	s8 =	sadd.s32 s8, s3  }
0xc: {  	s15 =	sadd.s32 $0x15400, s10;
	s10 =	sadd.s32 s17, s3;
	[dreg:$0xc] =	wrdreg s8  }
0xd: {  	s6 =	smul.u32 $0x2800, s6;
	[dreg:$0x9] =	wrdreg s15;
	s18 =	sadd.s32 $0x800, s10  }
0xe: {  	s7 =	smul.u32 $0x2710, s7;
	s19 =	sadd.s32 $0x1000, s10;
	[dreg:$0xd] =	wrdreg s18  }
0xf: {  	s29 =	sshrl.u32 s11, $0x1;
	s20 =	sadd.s32 $0x1800, s10;
	[dreg:$0xe] =	wrdreg s19  }
0x10: {  	s5 =	sadd.s32 s5, s2;
	s21 =	sadd.s32 $0x2000, s10;
	[dreg:$0xf] =	wrdreg s20  }
0x11: {  	s6 =	sadd.s32 s16, s6;
	s22 =	sadd.s32 $0x2800, s10;
	[dreg:$0x10] =	wrdreg s21  }
0x12: {  	s7 =	sshrl.u32 s7, $0x3;
	s23 =	sadd.s32 $0x3000, s10;
	[dreg:$0x11] =	wrdreg s22  }
0x13: {  	s6 =	sshrl.u32 s6, $0x3;
	s24 =	sadd.s32 $0x3800, s10;
	[dreg:$0x12] =	wrdreg s23  }
0x14: {  	s9 =	sshrl.u32 s9, $0x3;
	s1 =	sadd.s32 s1, s6;
	[dreg:$0x13] =	wrdreg s24  }
0x15: {  	s7 =	sadd.s32 s7, s0;
	s25 =	sadd.s32 $0x4000, s10;
	[dreg:$0x14] =	wrdreg s1  }
0x16: {  	s0 =	sadd.s32 s9, s0;
	s26 =	sadd.s32 $0x4800, s10;
	[dreg:$0x15] =	wrdreg s25  }
0x17: {  	s9 =	ssub.s32 s11, s29;
	s29 =	sshrl.u32 s5, $0x3;
	[dreg:$0x16] =	wrdreg s26  }
0x18: {  	s13 =	sadd.s32 $0x1A00, s7;
	[dreg:$0x1a] =	wrdreg s29  }
0x19: {  	s7 =	sadd.s32 $0xB640, s7;
	[dreg:$0x7] =	wrdreg s13  }
0x1a: {  	s0 =	sadd.s32 $0x1F200, s0;
	[dreg:$0x8] =	wrdreg s7  }
0x1b: {  	s30 =	simm.s32 $0x1;
	s28 =	smax.u32 s9, $0x1;
	[dreg:$0x18] =	wrdreg s0  }
0x1c: {  	s31 =	simm.s32 $0x2;
	s13 =	sshll.u32 s12, $0x6;
	[dreg:$0x19] =	wrdreg s28  }
0x1d: {  	s2 =	simm.s32 $0x0;
	s7 =	sadd.s32 s16, s4;
	[dreg:$0xa] =	wrdreg s13  }
0x1e: {  	s1 =	simm.s32 $0x50;
	s11 =	sor.u32 $0x1C02, s13;
	[dreg:$0x17] =	wrdreg s7  }
0x1f: {  	v0 =	vimm.f32 $0.0e+00;
	v1 =	vimm.f32 $1.000000000e+00;
	s25 =	simm.s32 $0x10CA0;
	s0 =	simm.s32 $0x3;
	[dreg:$0xb] =	wrdreg s11  }
.LBB2_1:
0x20: {  	[dreg:$0x1b] =	wrdreg s2  }
0x21: {  	s6 =	rddreg [dreg:$0x7]  }
0x22: {  	s2 =	rddreg [dreg:$0x8]  }
0x23: {  	s5 =	simm.s32 $0x0;
	s3 =	rddreg [dreg:$0x9]  }
0x24: {  	[tilespmem:s5], [sflag:$0x1] =	stream.linear.gather [hbm4b:s6+s5], $0x2710, $0x38;
	[tilespmem:$0x1ADB0] =	vst v63  }
0x25: {  	s9 =	simm.s32 $0x2710;
	s4 =	rddreg [dreg:$0x1a]  }
0x26: {  	[tilespmem:s9], [sflag:$0x1] =	stream.linear.gather [hbm4b:s2+s5], $0x2710, $0x38;
	[tilespmem:$0x1ADB0] =	vst v63  }
0x27: {  	[spmem:s4], [sflag:s11] =	dma.local [hbm:s3], $0x9C4;
	[tilespmem:$0x10220] =	vst v0  }
0x28: {  	[tilespmem:$0x10230] =	vst v0  }
0x29: {  	[tilespmem:$0x10240] =	vst v0  }
0x2a: {  	[tilespmem:$0x10250] =	vst v0  }
0x2b: {  	[tilespmem:$0x10260] =	vst v0  }
0x2c: {  	[tilespmem:$0x10270] =	vst v0  }
0x2d: {  	[tilespmem:$0x10280] =	vst v0  }
0x2e: {  	[tilespmem:$0x10290] =	vst v0  }
0x2f: {  	[tilespmem:$0x102A0] =	vst v0  }
0x30: {  	[tilespmem:$0x102B0] =	vst v0  }
0x31: {  	[tilespmem:$0x102C0] =	vst v0  }
0x32: {  	[tilespmem:$0x102D0] =	vst v0  }
0x33: {  	[tilespmem:$0x102E0] =	vst v0  }
0x34: {  	[tilespmem:$0x102F0] =	vst v0  }
0x35: {  	[tilespmem:$0x10300] =	vst v0  }
0x36: {  	[tilespmem:$0x10310] =	vst v0  }
0x37: {  	[tilespmem:$0x10320] =	vst v0  }
0x38: {  	[tilespmem:$0x10330] =	vst v0  }
0x39: {  	[tilespmem:$0x10340] =	vst v0  }
0x3a: {  	[tilespmem:$0x10350] =	vst v0  }
0x3b: {  	[tilespmem:$0x10360] =	vst v0  }
0x3c: {  	[tilespmem:$0x10370] =	vst v0  }
0x3d: {  	[tilespmem:$0x10380] =	vst v0  }
0x3e: {  	[tilespmem:$0x10390] =	vst v0  }
0x3f: {  	[tilespmem:$0x103A0] =	vst v0  }
0x40: {  	[tilespmem:$0x103B0] =	vst v0  }
0x41: {  	[tilespmem:$0x103C0] =	vst v0  }
0x42: {  	[tilespmem:$0x103D0] =	vst v0  }
0x43: {  	[tilespmem:$0x103E0] =	vst v0  }
0x44: {  	[tilespmem:$0x103F0] =	vst v0  }
0x45: {  	[tilespmem:$0x10400] =	vst v0  }
0x46: {  	[tilespmem:$0x10410] =	vst v0  }
0x47: {  	[tilespmem:$0x10420] =	vst v0  }
0x48: {  	[tilespmem:$0x10430] =	vst v0  }
0x49: {  	[tilespmem:$0x10440] =	vst v0  }
0x4a: {  	[tilespmem:$0x10450] =	vst v0  }
0x4b: {  	[tilespmem:$0x10460] =	vst v0  }
0x4c: {  	[tilespmem:$0x10470] =	vst v0  }
0x4d: {  	[tilespmem:$0x10480] =	vst v0  }
0x4e: {  	[tilespmem:$0x10490] =	vst v0  }
0x4f: {  	[tilespmem:$0x104A0] =	vst v0  }
0x50: {  	[tilespmem:$0x104B0] =	vst v0  }
0x51: {  	[tilespmem:$0x104C0] =	vst v0  }
0x52: {  	[tilespmem:$0x104D0] =	vst v0  }
0x53: {  	[tilespmem:$0x104E0] =	vst v0  }
0x54: {  	[tilespmem:$0x104F0] =	vst v0  }
0x55: {  	[tilespmem:$0x10500] =	vst v0  }
0x56: {  	[tilespmem:$0x10510] =	vst v0  }
0x57: {  	[tilespmem:$0x10520] =	vst v0  }
0x58: {  	[tilespmem:$0x10530] =	vst v0  }
0x59: {  	[tilespmem:$0x10540] =	vst v0  }
0x5a: {  	[tilespmem:$0x10550] =	vst v0  }
0x5b: {  	[tilespmem:$0x10560] =	vst v0  }
0x5c: {  	[tilespmem:$0x10570] =	vst v0  }
0x5d: {  	[tilespmem:$0x10580] =	vst v0  }
0x5e: {  	[tilespmem:$0x10590] =	vst v0  }
0x5f: {  	[tilespmem:$0x105A0] =	vst v0  }
0x60: {  	[tilespmem:$0x105B0] =	vst v0  }
0x61: {  	[tilespmem:$0x105C0] =	vst v0  }
0x62: {  	[tilespmem:$0x105D0] =	vst v0  }
0x63: {  	[tilespmem:$0x105E0] =	vst v0  }
0x64: {  	[tilespmem:$0x105F0] =	vst v0  }
0x65: {  	[tilespmem:$0x10600] =	vst v0  }
0x66: {  	[tilespmem:$0x10610] =	vst v0  }
0x67: {  	[tilespmem:$0x10620] =	vst v0  }
0x68: {  	[tilespmem:$0x10630] =	vst v0  }
0x69: {  	[tilespmem:$0x10640] =	vst v0  }
0x6a: {  	[tilespmem:$0x10650] =	vst v0  }
0x6b: {  	[tilespmem:$0x10660] =	vst v0  }
0x6c: {  	[tilespmem:$0x10670] =	vst v0  }
0x6d: {  	[tilespmem:$0x10680] =	vst v0  }
0x6e: {  	[tilespmem:$0x10690] =	vst v0  }
0x6f: {  	[tilespmem:$0x106A0] =	vst v0  }
0x70: {  	[tilespmem:$0x106B0] =	vst v0  }
0x71: {  	[tilespmem:$0x106C0] =	vst v0  }
0x72: {  	[tilespmem:$0x106D0] =	vst v0  }
0x73: {  	[tilespmem:$0x106E0] =	vst v0  }
0x74: {  	[tilespmem:$0x106F0] =	vst v0  }
0x75: {  	[tilespmem:$0x10700] =	vst v0  }
0x76: {  	[tilespmem:$0x10710] =	vst v0  }
0x77: {  	[tilespmem:$0x10720] =	vst v0  }
0x78: {  	[tilespmem:$0x10730] =	vst v0  }
0x79: {  	[tilespmem:$0x10740] =	vst v0  }
0x7a: {  	[tilespmem:$0x10750] =	vst v0  }
0x7b: {  	[tilespmem:$0x10760] =	vst v0  }
0x7c: {  	[tilespmem:$0x10770] =	vst v0  }
0x7d: {  	[tilespmem:$0x10780] =	vst v0  }
0x7e: {  	[tilespmem:$0x10790] =	vst v0  }
0x7f: {  	[tilespmem:$0x107A0] =	vst v0  }
0x80: {  	[tilespmem:$0x107B0] =	vst v0  }
0x81: {  	[tilespmem:$0x107C0] =	vst v0  }
0x82: {  	[tilespmem:$0x107D0] =	vst v0  }
0x83: {  	[tilespmem:$0x107E0] =	vst v0  }
0x84: {  	[tilespmem:$0x107F0] =	vst v0  }
0x85: {  	[tilespmem:$0x10800] =	vst v0  }
0x86: {  	[tilespmem:$0x10810] =	vst v0  }
0x87: {  	[tilespmem:$0x10820] =	vst v0  }
0x88: {  	[tilespmem:$0x10830] =	vst v0  }
0x89: {  	[tilespmem:$0x10840] =	vst v0  }
0x8a: {  	[tilespmem:$0x10850] =	vst v0  }
0x8b: {  	[tilespmem:$0x10860] =	vst v0  }
0x8c: {  	[tilespmem:$0x10870] =	vst v0  }
0x8d: {  	[tilespmem:$0x10880] =	vst v0  }
0x8e: {  	[tilespmem:$0x10890] =	vst v0  }
0x8f: {  	[tilespmem:$0x108A0] =	vst v0  }
0x90: {  	[tilespmem:$0x108B0] =	vst v0  }
0x91: {  	[tilespmem:$0x108C0] =	vst v0  }
0x92: {  	[tilespmem:$0x108D0] =	vst v0  }
0x93: {  	[tilespmem:$0x108E0] =	vst v0  }
0x94: {  	[tilespmem:$0x108F0] =	vst v0  }
0x95: {  	[tilespmem:$0x10900] =	vst v0  }
0x96: {  	[tilespmem:$0x10910] =	vst v0  }
0x97: {  	[tilespmem:$0x10920] =	vst v0  }
0x98: {  	[tilespmem:$0x10930] =	vst v0  }
0x99: {  	[tilespmem:$0x10940] =	vst v0  }
0x9a: {  	[tilespmem:$0x10950] =	vst v0  }
0x9b: {  	[tilespmem:$0x10960] =	vst v0  }
0x9c: {  	[tilespmem:$0x10970] =	vst v0  }
0x9d: {  	[tilespmem:$0x10980] =	vst v0  }
0x9e: {  	[tilespmem:$0x10990] =	vst v0  }
0x9f: {  	[tilespmem:$0x109A0] =	vst v0  }
0xa0: {  	[tilespmem:$0x109B0] =	vst v0  }
0xa1: {  	[tilespmem:$0x109C0] =	vst v0  }
0xa2: {  	[tilespmem:$0x109D0] =	vst v0  }
0xa3: {  	[tilespmem:$0x109E0] =	vst v0  }
0xa4: {  	[tilespmem:$0x109F0] =	vst v0  }
0xa5: {  	[tilespmem:$0x10A00] =	vst v0  }
0xa6: {  	[tilespmem:$0x10A10] =	vst v0  }
0xa7: {  	[tilespmem:$0x10A20] =	vst v0  }
0xa8: {  	[tilespmem:$0x10A30] =	vst v0  }
0xa9: {  	[tilespmem:$0x10A40] =	vst v0  }
0xaa: {  	[tilespmem:$0x10A50] =	vst v0  }
0xab: {  	[tilespmem:$0x10A60] =	vst v0  }
0xac: {  	[tilespmem:$0x10A70] =	vst v0  }
0xad: {  	[tilespmem:$0x10A80] =	vst v0  }
0xae: {  	[tilespmem:$0x10A90] =	vst v0  }
0xaf: {  	[tilespmem:$0x10AA0] =	vst v0  }
0xb0: {  	[tilespmem:$0x10AB0] =	vst v0  }
0xb1: {  	[tilespmem:$0x10AC0] =	vst v0  }
0xb2: {  	[tilespmem:$0x10AD0] =	vst v0  }
0xb3: {  	[tilespmem:$0x10AE0] =	vst v0  }
0xb4: {  	[tilespmem:$0x10AF0] =	vst v0  }
0xb5: {  	[tilespmem:$0x10B00] =	vst v0  }
0xb6: {  	[tilespmem:$0x10B10] =	vst v0  }
0xb7: {  	[tilespmem:$0x10B20] =	vst v0  }
0xb8: {  	[tilespmem:$0x10B30] =	vst v0  }
0xb9: {  	[tilespmem:$0x10B40] =	vst v0  }
0xba: {  	[tilespmem:$0x10B50] =	vst v0  }
0xbb: {  	[tilespmem:$0x10B60] =	vst v0  }
0xbc: {  	[tilespmem:$0x10B70] =	vst v0  }
0xbd: {  	[tilespmem:$0x10B80] =	vst v0  }
0xbe: {  	[tilespmem:$0x10B90] =	vst v0  }
0xbf: {  	[tilespmem:$0x10BA0] =	vst v0  }
0xc0: {  	[tilespmem:$0x10BB0] =	vst v0  }
0xc1: {  	[tilespmem:$0x10BC0] =	vst v0  }
0xc2: {  	[tilespmem:$0x10BD0] =	vst v0  }
0xc3: {  	[tilespmem:$0x10BE0] =	vst v0  }
0xc4: {  	[tilespmem:$0x10BF0] =	vst v0  }
0xc5: {  	[tilespmem:$0x10C00] =	vst v0  }
0xc6: {  	[tilespmem:$0x10C10] =	vst v0  }
0xc7: {  	[tilespmem:$0x10C20] =	vst v0  }
0xc8: {  	[tilespmem:$0x10C30] =	vst v0  }
0xc9: {  	[tilespmem:$0x10C40] =	vst v0  }
0xca: {  	[tilespmem:$0x10C50] =	vst v0  }
0xcb: {  	[tilespmem:$0x10C60] =	vst v0  }
0xcc: {  	[tilespmem:$0x10C70] =	vst v0  }
0xcd: {  	[tilespmem:$0x10C80] =	vst v0  }
0xce: {  	[tilespmem:$0x10C90] =	vst v0  }
0xcf: {  	[tilespmem:$0x10CA0] =	vst v1  }
0xd0: {  	[tilespmem:$0x10CB0] =	vst v1  }
0xd1: {  	[tilespmem:$0x10CC0] =	vst v1  }
0xd2: {  	[tilespmem:$0x10CD0] =	vst v1  }
0xd3: {  	[tilespmem:$0x10CE0] =	vst v1  }
0xd4: {  	[tilespmem:$0x10CF0] =	vst v1  }
0xd5: {  	s9 =	simm.s32 $0x10220;
	[tilespmem:$0x10D00] =	vst v1  }
0xd6: {  	[spmem:s8] =	stream.linear.scatter [tilespmem:s9], [sflag:$0x3], $0x800, $0x38;
	[tilespmem:$0x1ADB0] =	vst v63  }
0xd7: {  	s5 =	rddreg [dreg:$0xd]  }
0xd8: {  	[spmem:s5] =	stream.linear.scatter [tilespmem:s9], [sflag:$0x3], $0x800, $0x38;
	[tilespmem:$0x1ADB0] =	vst v63  }
0xd9: {  	s10 =	rddreg [dreg:$0xe]  }
0xda: {  	[spmem:s10] =	stream.linear.scatter [tilespmem:s9], [sflag:$0x3], $0x800, $0x38;
	[tilespmem:$0x1ADB0] =	vst v63  }
0xdb: {  	s11 =	rddreg [dreg:$0xf]  }
0xdc: {  	[spmem:s11] =	stream.linear.scatter [tilespmem:s9], [sflag:$0x3], $0x800, $0x38;
	[tilespmem:$0x1ADB0] =	vst v63  }
0xdd: {  	s12 =	rddreg [dreg:$0x10]  }
0xde: {  	[spmem:s12] =	stream.linear.scatter [tilespmem:s9], [sflag:$0x3], $0x800, $0x38;
	[tilespmem:$0x1ADB0] =	vst v63  }
0xdf: {  	s13 =	rddreg [dreg:$0x11]  }
0xe0: {  	[spmem:s13] =	stream.linear.scatter [tilespmem:s9], [sflag:$0x3], $0x800, $0x38;
	[tilespmem:$0x1ADB0] =	vst v63  }
0xe1: {  	s14 =	rddreg [dreg:$0x12]  }
0xe2: {  	[spmem:s14] =	stream.linear.scatter [tilespmem:s9], [sflag:$0x3], $0x800, $0x38;
	[tilespmem:$0x1ADB0] =	vst v63  }
0xe3: {  	s15 =	rddreg [dreg:$0x13]  }
0xe4: {  	[spmem:s15] =	stream.linear.scatter [tilespmem:s9], [sflag:$0x3], $0x800, $0x38;
	[tilespmem:$0x1ADB0] =	vst v63  }
0xe5: {  	s16 =	rddreg [dreg:$0x15]  }
0xe6: {  	[spmem:s16] =	stream.linear.scatter [tilespmem:s9], [sflag:$0x3], $0x800, $0x38;
	[tilespmem:$0x1ADB0] =	vst v63  }
0xe7: {  	s17 =	rddreg [dreg:$0x16]  }
0xe8: {  	[spmem:s17] =	stream.linear.scatter [tilespmem:s9], [sflag:$0x3], $0x800, $0x38;
	[tilespmem:$0x1ADB0] =	vst v63  }
0xe9: {  	s18 =	simm.s32 $0x10A20  }
0xea: {  	[spmem:s7] =	stream.linear.scatter [tilespmem:s18], [sflag:$0x3], $0x280, $0x38;
	[tilespmem:$0x1ADB0] =	vst v63  }
0xeb: {  	_ =	swait.ge [sflag:s30], $0x2710  }
0xec: {  	[sflag:s30] =	ssyncset.done $0x0  }
0xed: {  	[sflag:s30] =	ssyncadd.s32 $0xFFFFD8F0  }
0xee: {  	_ =	swait.ge [sflag:s30], $0x2710  }
0xef: {  	[sflag:s30] =	ssyncset.done $0x0  }
0xf0: {  	[sflag:s30] =	ssyncadd.s32 $0xFFFFD8F0  }
0xf1: {  	_ =	swait.ge [sflag:s31], $0x9C4  }
0xf2: {  	[sflag:s31] =	ssyncset.done $0x0  }
0xf3: {  	[sflag:s31] =	ssyncadd.s32 $0xFFFFF63C  }
0xf4: {  	_ =	swait.ge [sflag:s0], $0x800  }
0xf5: {  	[sflag:s0] =	ssyncset.done $0x0  }
0xf6: {  	[sflag:s0] =	ssyncadd.s32 $0xFFFFF800  }
0xf7: {  	_ =	swait.ge [sflag:s0], $0x800  }
0xf8: {  	[sflag:s0] =	ssyncset.done $0x0  }
0xf9: {  	[sflag:s0] =	ssyncadd.s32 $0xFFFFF800  }
0xfa: {  	_ =	swait.ge [sflag:s0], $0x800  }
0xfb: {  	[sflag:s0] =	ssyncset.done $0x0  }
0xfc: {  	[sflag:s0] =	ssyncadd.s32 $0xFFFFF800  }
0xfd: {  	_ =	swait.ge [sflag:s0], $0x800  }
0xfe: {  	[sflag:s0] =	ssyncset.done $0x0  }
0xff: {  	[sflag:s0] =	ssyncadd.s32 $0xFFFFF800  }
0x100: {  	_ =	swait.ge [sflag:s0], $0x800  }
0x101: {  	[sflag:s0] =	ssyncset.done $0x0  }
0x102: {  	[sflag:s0] =	ssyncadd.s32 $0xFFFFF800  }
0x103: {  	_ =	swait.ge [sflag:s0], $0x800  }
0x104: {  	[sflag:s0] =	ssyncset.done $0x0  }
0x105: {  	[sflag:s0] =	ssyncadd.s32 $0xFFFFF800  }
0x106: {  	_ =	swait.ge [sflag:s0], $0x800  }
0x107: {  	[sflag:s0] =	ssyncset.done $0x0  }
0x108: {  	[sflag:s0] =	ssyncadd.s32 $0xFFFFF800  }
0x109: {  	_ =	swait.ge [sflag:s0], $0x800  }
0x10a: {  	[sflag:s0] =	ssyncset.done $0x0  }
0x10b: {  	[sflag:s0] =	ssyncadd.s32 $0xFFFFF800  }
0x10c: {  	_ =	swait.ge [sflag:s0], $0x800  }
0x10d: {  	[sflag:s0] =	ssyncset.done $0x0  }
0x10e: {  	[sflag:s0] =	ssyncadd.s32 $0xFFFFF800  }
0x10f: {  	_ =	swait.ge [sflag:s0], $0x800  }
0x110: {  	[sflag:s0] =	ssyncset.done $0x0  }
0x111: {  	[sflag:s0] =	ssyncadd.s32 $0xFFFFF800  }
0x112: {  	_ =	swait.ge [sflag:s0], $0x280  }
0x113: {  	[sflag:s0] =	ssyncset.done $0x0  }
0x114: {  	[sflag:s0] =	ssyncadd.s32 $0xFFFFFD80  }
0x115: {  	[bflag:$0x0] =	sbarrier.arrive $0xFFFF  }
0x116: {  	s19 =	simm.s32 $0x0;
	s3 =	simm.s32 $0x4E20;
	s6 =	rddreg [dreg:$0x2]  }
0x117: {  	[tilespmem:s3], [sflag:$0x1] =	stream.indirect.gather [spmem:s6], $0x20, s19, s1, $0xb8;
	[tilespmem:$0x1ADB0] =	vst v63  }
0x118: {  	s20 =	simm.s32 $0x50;
	s21 =	simm.s32 $0x5820  }
0x119: {  	[tilespmem:s21], [sflag:$0x1] =	stream.indirect.gather [spmem:s6], $0x20, s20, s1, $0xb8;
	[tilespmem:$0x1ADB0] =	vst v63  }
0x11a: {  	s22 =	simm.s32 $0xA0;
	s23 =	simm.s32 $0x6220  }
0x11b: {  	[tilespmem:s23], [sflag:$0x1] =	stream.indirect.gather [spmem:s6], $0x20, s22, s1, $0xb8;
	[tilespmem:$0x1ADB0] =	vst v63  }
0x11c: {  	s24 =	simm.s32 $0xF0;
	s26 =	simm.s32 $0x6C20  }
0x11d: {  	[tilespmem:s26], [sflag:$0x1] =	stream.indirect.gather [spmem:s6], $0x20, s24, s1, $0xb8;
	[tilespmem:$0x1ADB0] =	vst v63  }
0x11e: {  	s28 =	simm.s32 $0x140;
	s29 =	simm.s32 $0x7620  }
0x11f: {  	[tilespmem:s29], [sflag:$0x1] =	stream.indirect.gather [spmem:s6], $0x20, s28, s1, $0xb8;
	[tilespmem:$0x1ADB0] =	vst v63  }
0x120: {  	s2 =	simm.s32 $0x190;
	s3 =	simm.s32 $0x8020  }
0x121: {  	[tilespmem:s3], [sflag:$0x1] =	stream.indirect.gather [spmem:s6], $0x20, s2, s1, $0xb8;
	[tilespmem:$0x1ADB0] =	vst v63  }
0x122: {  	s4 =	simm.s32 $0x1E0;
	s7 =	simm.s32 $0x8A20  }
0x123: {  	[tilespmem:s7], [sflag:$0x1] =	stream.indirect.gather [spmem:s6], $0x20, s4, s1, $0xb8;
	[tilespmem:$0x1ADB0] =	vst v63  }
0x124: {  	s8 =	simm.s32 $0x230;
	s9 =	simm.s32 $0x9420  }
0x125: {  	[tilespmem:s9], [sflag:$0x1] =	stream.indirect.gather [spmem:s6], $0x20, s8, s1, $0xb8;
	[tilespmem:$0x1ADB0] =	vst v63  }
0x126: {  	s10 =	simm.s32 $0x280;
	s11 =	simm.s32 $0x9E20  }
0x127: {  	[tilespmem:s11], [sflag:$0x1] =	stream.indirect.gather [spmem:s6], $0x20, s10, s1, $0xb8;
	[tilespmem:$0x1ADB0] =	vst v63  }
0x128: {  	s12 =	simm.s32 $0x2D0;
	s13 =	simm.s32 $0xA820  }
0x129: {  	[tilespmem:s13], [sflag:$0x1] =	stream.indirect.gather [spmem:s6], $0x20, s12, s1, $0xb8;
	[tilespmem:$0x1ADB0] =	vst v63  }
0x12a: {  	s14 =	simm.s32 $0x320;
	s15 =	simm.s32 $0xB220  }
0x12b: {  	[tilespmem:s15], [sflag:$0x1] =	stream.indirect.gather [spmem:s6], $0x20, s14, s1, $0xb8;
	[tilespmem:$0x1ADB0] =	vst v63  }
0x12c: {  	s16 =	simm.s32 $0x370;
	s17 =	simm.s32 $0xBC20  }
0x12d: {  	[tilespmem:s17], [sflag:$0x1] =	stream.indirect.gather [spmem:s6], $0x20, s16, s1, $0xb8;
	[tilespmem:$0x1ADB0] =	vst v63  }
0x12e: {  	s18 =	simm.s32 $0x3C0;
	s24 =	simm.s32 $0xC620  }
0x12f: {  	[tilespmem:s24], [sflag:$0x1] =	stream.indirect.gather [spmem:s6], $0x20, s18, s1, $0xb8;
	[tilespmem:$0x1ADB0] =	vst v63  }
0x130: {  	s19 =	simm.s32 $0x410;
	s23 =	simm.s32 $0xD020  }
0x131: {  	[tilespmem:s23], [sflag:$0x1] =	stream.indirect.gather [spmem:s6], $0x20, s19, s1, $0xb8;
	[tilespmem:$0x1ADB0] =	vst v63  }
0x132: {  	s20 =	simm.s32 $0x460;
	s21 =	simm.s32 $0xDA20  }
0x133: {  	[tilespmem:s21], [sflag:$0x1] =	stream.indirect.gather [spmem:s6], $0x20, s20, s1, $0xb8;
	[tilespmem:$0x1ADB0] =	vst v63  }
0x134: {  	s22 =	simm.s32 $0x4B0;
	s4 =	simm.s32 $0xE420  }
0x135: {  	[tilespmem:s4], [sflag:$0x1] =	stream.indirect.gather [spmem:s6], $0x20, s22, s1, $0xb8;
	[tilespmem:$0x1ADB0] =	vst v63  }
0x136: {  	s26 =	simm.s32 $0x500;
	s3 =	simm.s32 $0xEE20  }
0x137: {  	[tilespmem:s3], [sflag:$0x1] =	stream.indirect.gather [spmem:s6], $0x20, s26, s1, $0xb8;
	[tilespmem:$0x1ADB0] =	vst v63  }
0x138: {  	s28 =	simm.s32 $0x550;
	s2 =	simm.s32 $0xF820  }
0x139: {  	[tilespmem:s2], [sflag:$0x1] =	stream.indirect.gather [spmem:s6], $0x20, s28, s1, $0xb8;
	[tilespmem:$0x1ADB0] =	vst v63  }
0x13a: {  	s5 =	simm.s32 $0x2710;
	s28 =	rddreg [dreg:$0x4]  }
0x13b: {  	[spmem:s28] =	stream.indirect.scatter.add.f32 [tilespmem:s25], [sflag:$0x3], $0x1, s5, s1, $0xb8;
	[tilespmem:$0x1ADB0] =	vst v63  }
0x13c: {  	s6 =	simm.s32 $0x2760  }
0x13d: {  	[spmem:s28] =	stream.indirect.scatter.add.f32 [tilespmem:s25], [sflag:$0x3], $0x1, s6, s1, $0xb8;
	[tilespmem:$0x1ADB0] =	vst v63  }
0x13e: {  	s7 =	simm.s32 $0x27B0  }
0x13f: {  	[spmem:s28] =	stream.indirect.scatter.add.f32 [tilespmem:s25], [sflag:$0x3], $0x1, s7, s1, $0xb8;
	[tilespmem:$0x1ADB0] =	vst v63  }
0x140: {  	s8 =	simm.s32 $0x2800  }
0x141: {  	[spmem:s28] =	stream.indirect.scatter.add.f32 [tilespmem:s25], [sflag:$0x3], $0x1, s8, s1, $0xb8;
	[tilespmem:$0x1ADB0] =	vst v63  }
0x142: {  	s9 =	simm.s32 $0x2850  }
0x143: {  	[spmem:s28] =	stream.indirect.scatter.add.f32 [tilespmem:s25], [sflag:$0x3], $0x1, s9, s1, $0xb8;
	[tilespmem:$0x1ADB0] =	vst v63  }
0x144: {  	s10 =	simm.s32 $0x28A0  }
0x145: {  	[spmem:s28] =	stream.indirect.scatter.add.f32 [tilespmem:s25], [sflag:$0x3], $0x1, s10, s1, $0xb8;
	[tilespmem:$0x1ADB0] =	vst v63  }
0x146: {  	s11 =	simm.s32 $0x28F0  }
0x147: {  	[spmem:s28] =	stream.indirect.scatter.add.f32 [tilespmem:s25], [sflag:$0x3], $0x1, s11, s1, $0xb8;
	[tilespmem:$0x1ADB0] =	vst v63  }
0x148: {  	s12 =	simm.s32 $0x2940  }
0x149: {  	[spmem:s28] =	stream.indirect.scatter.add.f32 [tilespmem:s25], [sflag:$0x3], $0x1, s12, s1, $0xb8;
	[tilespmem:$0x1ADB0] =	vst v63  }
0x14a: {  	s13 =	simm.s32 $0x2990  }
0x14b: {  	[spmem:s28] =	stream.indirect.scatter.add.f32 [tilespmem:s25], [sflag:$0x3], $0x1, s13, s1, $0xb8;
	[tilespmem:$0x1ADB0] =	vst v63  }
0x14c: {  	s14 =	simm.s32 $0x29E0  }
0x14d: {  	[spmem:s28] =	stream.indirect.scatter.add.f32 [tilespmem:s25], [sflag:$0x3], $0x1, s14, s1, $0xb8;
	[tilespmem:$0x1ADB0] =	vst v63  }
0x14e: {  	s15 =	simm.s32 $0x2A30  }
0x14f: {  	[spmem:s28] =	stream.indirect.scatter.add.f32 [tilespmem:s25], [sflag:$0x3], $0x1, s15, s1, $0xb8;
	[tilespmem:$0x1ADB0] =	vst v63  }
0x150: {  	s16 =	simm.s32 $0x2A80  }
0x151: {  	[spmem:s28] =	stream.indirect.scatter.add.f32 [tilespmem:s25], [sflag:$0x3], $0x1, s16, s1, $0xb8;
	[tilespmem:$0x1ADB0] =	vst v63  }
0x152: {  	s17 =	simm.s32 $0x2AD0  }
0x153: {  	[spmem:s28] =	stream.indirect.scatter.add.f32 [tilespmem:s25], [sflag:$0x3], $0x1, s17, s1, $0xb8;
	[tilespmem:$0x1ADB0] =	vst v63  }
0x154: {  	s18 =	simm.s32 $0x2B20  }
0x155: {  	[spmem:s28] =	stream.indirect.scatter.add.f32 [tilespmem:s25], [sflag:$0x3], $0x1, s18, s1, $0xb8;
	[tilespmem:$0x1ADB0] =	vst v63  }
0x156: {  	s19 =	simm.s32 $0x2B70  }
0x157: {  	[spmem:s28] =	stream.indirect.scatter.add.f32 [tilespmem:s25], [sflag:$0x3], $0x1, s19, s1, $0xb8;
	[tilespmem:$0x1ADB0] =	vst v63  }
0x158: {  	s20 =	simm.s32 $0x2BC0  }
0x159: {  	[spmem:s28] =	stream.indirect.scatter.add.f32 [tilespmem:s25], [sflag:$0x3], $0x1, s20, s1, $0xb8;
	[tilespmem:$0x1ADB0] =	vst v63  }
0x15a: {  	s22 =	simm.s32 $0x2C10  }
0x15b: {  	[spmem:s28] =	stream.indirect.scatter.add.f32 [tilespmem:s25], [sflag:$0x3], $0x1, s22, s1, $0xb8;
	[tilespmem:$0x1ADB0] =	vst v63  }
0x15c: {  	s26 =	simm.s32 $0x2C60  }
0x15d: {  	[spmem:s28] =	stream.indirect.scatter.add.f32 [tilespmem:s25], [sflag:$0x3], $0x1, s26, s1, $0xb8;
	[tilespmem:$0x1ADB0] =	vst v63  }
0x15e: {  	_ =	swait.ge [sflag:s30], $0xA00  }
0x15f: {  	[sflag:s30] =	ssyncset.done $0x0  }
0x160: {  	[sflag:s30] =	ssyncadd.s32 $0xFFFFF600  }
0x161: {  	_ =	swait.ge [sflag:s30], $0xA00  }
0x162: {  	[sflag:s30] =	ssyncset.done $0x0  }
0x163: {  	[sflag:s30] =	ssyncadd.s32 $0xFFFFF600  }
0x164: {  	_ =	swait.ge [sflag:s30], $0xA00  }
0x165: {  	[sflag:s30] =	ssyncset.done $0x0  }
0x166: {  	[sflag:s30] =	ssyncadd.s32 $0xFFFFF600  }
0x167: {  	_ =	swait.ge [sflag:s30], $0xA00  }
0x168: {  	[sflag:s30] =	ssyncset.done $0x0  }
0x169: {  	[sflag:s30] =	ssyncadd.s32 $0xFFFFF600  }
0x16a: {  	_ =	swait.ge [sflag:s30], $0xA00  }
0x16b: {  	[sflag:s30] =	ssyncset.done $0x0  }
0x16c: {  	[sflag:s30] =	ssyncadd.s32 $0xFFFFF600  }
0x16d: {  	_ =	swait.ge [sflag:s30], $0xA00  }
0x16e: {  	[sflag:s30] =	ssyncset.done $0x0  }
0x16f: {  	[sflag:s30] =	ssyncadd.s32 $0xFFFFF600  }
0x170: {  	_ =	swait.ge [sflag:s30], $0xA00  }
0x171: {  	[sflag:s30] =	ssyncset.done $0x0  }
0x172: {  	[sflag:s30] =	ssyncadd.s32 $0xFFFFF600  }
0x173: {  	_ =	swait.ge [sflag:s30], $0xA00  }
0x174: {  	[sflag:s30] =	ssyncset.done $0x0  }
0x175: {  	[sflag:s30] =	ssyncadd.s32 $0xFFFFF600  }
0x176: {  	_ =	swait.ge [sflag:s30], $0xA00  }
0x177: {  	[sflag:s30] =	ssyncset.done $0x0  }
0x178: {  	[sflag:s30] =	ssyncadd.s32 $0xFFFFF600  }
0x179: {  	_ =	swait.ge [sflag:s30], $0xA00  }
0x17a: {  	[sflag:s30] =	ssyncset.done $0x0  }
0x17b: {  	[sflag:s30] =	ssyncadd.s32 $0xFFFFF600  }
0x17c: {  	_ =	swait.ge [sflag:s30], $0xA00  }
0x17d: {  	[sflag:s30] =	ssyncset.done $0x0  }
0x17e: {  	[sflag:s30] =	ssyncadd.s32 $0xFFFFF600  }
0x17f: {  	_ =	swait.ge [sflag:s30], $0xA00  }
0x180: {  	[sflag:s30] =	ssyncset.done $0x0  }
0x181: {  	[sflag:s30] =	ssyncadd.s32 $0xFFFFF600  }
0x182: {  	_ =	swait.ge [sflag:s30], $0xA00  }
0x183: {  	[sflag:s30] =	ssyncset.done $0x0  }
0x184: {  	[sflag:s30] =	ssyncadd.s32 $0xFFFFF600  }
0x185: {  	_ =	swait.ge [sflag:s30], $0xA00  }
0x186: {  	[sflag:s30] =	ssyncset.done $0x0  }
0x187: {  	[sflag:s30] =	ssyncadd.s32 $0xFFFFF600  }
0x188: {  	_ =	swait.ge [sflag:s30], $0xA00  }
0x189: {  	[sflag:s30] =	ssyncset.done $0x0  }
0x18a: {  	[sflag:s30] =	ssyncadd.s32 $0xFFFFF600  }
0x18b: {  	_ =	swait.ge [sflag:s30], $0xA00  }
0x18c: {  	[sflag:s30] =	ssyncset.done $0x0  }
0x18d: {  	[sflag:s30] =	ssyncadd.s32 $0xFFFFF600  }
0x18e: {  	_ =	swait.ge [sflag:s30], $0xA00  }
0x18f: {  	[sflag:s30] =	ssyncset.done $0x0  }
0x190: {  	[sflag:s30] =	ssyncadd.s32 $0xFFFFF600  }
0x191: {  	_ =	swait.ge [sflag:s30], $0xA00  }
0x192: {  	[sflag:s30] =	ssyncset.done $0x0  }
0x193: {  	[sflag:s30] =	ssyncadd.s32 $0xFFFFF600  }
0x194: {  	s29 =	simm.s32 $0x4E20;
	s28 =	rddreg [dreg:$0x3]  }
0x195: {  	[spmem:s28] =	stream.indirect.scatter.add.f32 [tilespmem:s29], [sflag:$0x2], $0x20, s5, s1, $0xb8;
	[tilespmem:$0x1ADB0] =	vst v63  }
0x196: {  	s29 =	simm.s32 $0x5820  }
0x197: {  	[spmem:s28] =	stream.indirect.scatter.add.f32 [tilespmem:s29], [sflag:$0x2], $0x20, s6, s1, $0xb8;
	[tilespmem:$0x1ADB0] =	vst v63  }
0x198: {  	s6 =	simm.s32 $0x6220  }
0x199: {  	[spmem:s28] =	stream.indirect.scatter.add.f32 [tilespmem:s6], [sflag:$0x2], $0x20, s7, s1, $0xb8;
	[tilespmem:$0x1ADB0] =	vst v63  }
0x19a: {  	s7 =	simm.s32 $0x6C20  }
0x19b: {  	[spmem:s28] =	stream.indirect.scatter.add.f32 [tilespmem:s7], [sflag:$0x2], $0x20, s8, s1, $0xb8;
	[tilespmem:$0x1ADB0] =	vst v63  }
0x19c: {  	s8 =	simm.s32 $0x7620  }
0x19d: {  	[spmem:s28] =	stream.indirect.scatter.add.f32 [tilespmem:s8], [sflag:$0x2], $0x20, s9, s1, $0xb8;
	[tilespmem:$0x1ADB0] =	vst v63  }
0x19e: {  	s9 =	simm.s32 $0x8020  }
0x19f: {  	[spmem:s28] =	stream.indirect.scatter.add.f32 [tilespmem:s9], [sflag:$0x2], $0x20, s10, s1, $0xb8;
	[tilespmem:$0x1ADB0] =	vst v63  }
0x1a0: {  	s10 =	simm.s32 $0x8A20  }
0x1a1: {  	[spmem:s28] =	stream.indirect.scatter.add.f32 [tilespmem:s10], [sflag:$0x2], $0x20, s11, s1, $0xb8;
	[tilespmem:$0x1ADB0] =	vst v63  }
0x1a2: {  	s11 =	simm.s32 $0x9420  }
0x1a3: {  	[spmem:s28] =	stream.indirect.scatter.add.f32 [tilespmem:s11], [sflag:$0x2], $0x20, s12, s1, $0xb8;
	[tilespmem:$0x1ADB0] =	vst v63  }
0x1a4: {  	s12 =	simm.s32 $0x9E20  }
0x1a5: {  	[spmem:s28] =	stream.indirect.scatter.add.f32 [tilespmem:s12], [sflag:$0x2], $0x20, s13, s1, $0xb8;
	[tilespmem:$0x1ADB0] =	vst v63  }
0x1a6: {  	s13 =	simm.s32 $0xA820  }
0x1a7: {  	[spmem:s28] =	stream.indirect.scatter.add.f32 [tilespmem:s13], [sflag:$0x2], $0x20, s14, s1, $0xb8;
	[tilespmem:$0x1ADB0] =	vst v63  }
0x1a8: {  	s14 =	simm.s32 $0xB220  }
0x1a9: {  	[spmem:s28] =	stream.indirect.scatter.add.f32 [tilespmem:s14], [sflag:$0x2], $0x20, s15, s1, $0xb8;
	[tilespmem:$0x1ADB0] =	vst v63  }
0x1aa: {  	s29 =	simm.s32 $0xBC20  }
0x1ab: {  	[spmem:s28] =	stream.indirect.scatter.add.f32 [tilespmem:s29], [sflag:$0x2], $0x20, s16, s1, $0xb8;
	[tilespmem:$0x1ADB0] =	vst v63  }
0x1ac: {  	_ = 	snop  }
0x1ad: {  	[spmem:s28] =	stream.indirect.scatter.add.f32 [tilespmem:s24], [sflag:$0x2], $0x20, s17, s1, $0xb8;
	[tilespmem:$0x1ADB0] =	vst v63  }
0x1ae: {  	_ = 	snop  }
0x1af: {  	[spmem:s28] =	stream.indirect.scatter.add.f32 [tilespmem:s23], [sflag:$0x2], $0x20, s18, s1, $0xb8;
	[tilespmem:$0x1ADB0] =	vst v63  }
0x1b0: {  	_ = 	snop  }
0x1b1: {  	[spmem:s28] =	stream.indirect.scatter.add.f32 [tilespmem:s21], [sflag:$0x2], $0x20, s19, s1, $0xb8;
	[tilespmem:$0x1ADB0] =	vst v63  }
0x1b2: {  	_ = 	snop  }
0x1b3: {  	[spmem:s28] =	stream.indirect.scatter.add.f32 [tilespmem:s4], [sflag:$0x2], $0x20, s20, s1, $0xb8;
	[tilespmem:$0x1ADB0] =	vst v63  }
0x1b4: {  	_ = 	snop  }
0x1b5: {  	[spmem:s28] =	stream.indirect.scatter.add.f32 [tilespmem:s3], [sflag:$0x2], $0x20, s22, s1, $0xb8;
	[tilespmem:$0x1ADB0] =	vst v63  }
0x1b6: {  	_ = 	snop  }
0x1b7: {  	[spmem:s28] =	stream.indirect.scatter.add.f32 [tilespmem:s2], [sflag:$0x2], $0x20, s26, s1, $0xb8;
	[tilespmem:$0x1ADB0] =	vst v63  }
0x1b8: {  	_ =	swait.ge [sflag:s31], $0xA00  }
0x1b9: {  	[sflag:s31] =	ssyncset.done $0x0  }
0x1ba: {  	[sflag:s31] =	ssyncadd.s32 $0xFFFFF600  }
0x1bb: {  	_ =	swait.ge [sflag:s31], $0xA00  }
0x1bc: {  	[sflag:s31] =	ssyncset.done $0x0  }
0x1bd: {  	[sflag:s31] =	ssyncadd.s32 $0xFFFFF600  }
0x1be: {  	_ =	swait.ge [sflag:s31], $0xA00  }
0x1bf: {  	[sflag:s31] =	ssyncset.done $0x0  }
0x1c0: {  	[sflag:s31] =	ssyncadd.s32 $0xFFFFF600  }
0x1c1: {  	_ =	swait.ge [sflag:s31], $0xA00  }
0x1c2: {  	[sflag:s31] =	ssyncset.done $0x0  }
0x1c3: {  	[sflag:s31] =	ssyncadd.s32 $0xFFFFF600  }
0x1c4: {  	_ =	swait.ge [sflag:s31], $0xA00  }
0x1c5: {  	[sflag:s31] =	ssyncset.done $0x0  }
0x1c6: {  	[sflag:s31] =	ssyncadd.s32 $0xFFFFF600  }
0x1c7: {  	_ =	swait.ge [sflag:s31], $0xA00  }
0x1c8: {  	[sflag:s31] =	ssyncset.done $0x0  }
0x1c9: {  	[sflag:s31] =	ssyncadd.s32 $0xFFFFF600  }
0x1ca: {  	_ =	swait.ge [sflag:s31], $0xA00  }
0x1cb: {  	[sflag:s31] =	ssyncset.done $0x0  }
0x1cc: {  	[sflag:s31] =	ssyncadd.s32 $0xFFFFF600  }
0x1cd: {  	_ =	swait.ge [sflag:s31], $0xA00  }
0x1ce: {  	[sflag:s31] =	ssyncset.done $0x0  }
0x1cf: {  	[sflag:s31] =	ssyncadd.s32 $0xFFFFF600  }
0x1d0: {  	_ =	swait.ge [sflag:s31], $0xA00  }
0x1d1: {  	[sflag:s31] =	ssyncset.done $0x0  }
0x1d2: {  	[sflag:s31] =	ssyncadd.s32 $0xFFFFF600  }
0x1d3: {  	_ =	swait.ge [sflag:s31], $0xA00  }
0x1d4: {  	[sflag:s31] =	ssyncset.done $0x0  }
0x1d5: {  	[sflag:s31] =	ssyncadd.s32 $0xFFFFF600  }
0x1d6: {  	_ =	swait.ge [sflag:s31], $0xA00  }
0x1d7: {  	[sflag:s31] =	ssyncset.done $0x0  }
0x1d8: {  	[sflag:s31] =	ssyncadd.s32 $0xFFFFF600  }
0x1d9: {  	_ =	swait.ge [sflag:s31], $0xA00  }
0x1da: {  	[sflag:s31] =	ssyncset.done $0x0  }
0x1db: {  	[sflag:s31] =	ssyncadd.s32 $0xFFFFF600  }
0x1dc: {  	_ =	swait.ge [sflag:s31], $0xA00  }
0x1dd: {  	[sflag:s31] =	ssyncset.done $0x0  }
0x1de: {  	[sflag:s31] =	ssyncadd.s32 $0xFFFFF600  }
0x1df: {  	_ =	swait.ge [sflag:s31], $0xA00  }
0x1e0: {  	[sflag:s31] =	ssyncset.done $0x0  }
0x1e1: {  	[sflag:s31] =	ssyncadd.s32 $0xFFFFF600  }
0x1e2: {  	_ =	swait.ge [sflag:s31], $0xA00  }
0x1e3: {  	[sflag:s31] =	ssyncset.done $0x0  }
0x1e4: {  	[sflag:s31] =	ssyncadd.s32 $0xFFFFF600  }
0x1e5: {  	_ =	swait.ge [sflag:s31], $0xA00  }
0x1e6: {  	[sflag:s31] =	ssyncset.done $0x0  }
0x1e7: {  	[sflag:s31] =	ssyncadd.s32 $0xFFFFF600  }
0x1e8: {  	_ =	swait.ge [sflag:s31], $0xA00  }
0x1e9: {  	[sflag:s31] =	ssyncset.done $0x0  }
0x1ea: {  	[sflag:s31] =	ssyncadd.s32 $0xFFFFF600  }
0x1eb: {  	_ =	swait.ge [sflag:s31], $0xA00  }
0x1ec: {  	[sflag:s31] =	ssyncset.done $0x0  }
0x1ed: {  	[sflag:s31] =	ssyncadd.s32 $0xFFFFF600  }
0x1ee: {  	_ =	swait.ge [sflag:s0], $0x50  }
0x1ef: {  	[sflag:s0] =	ssyncset.done $0x0  }
0x1f0: {  	[sflag:s0] =	ssyncadd.s32 $0xFFFFFFB0  }
0x1f1: {  	_ =	swait.ge [sflag:s0], $0x50  }
0x1f2: {  	[sflag:s0] =	ssyncset.done $0x0  }
0x1f3: {  	[sflag:s0] =	ssyncadd.s32 $0xFFFFFFB0  }
0x1f4: {  	_ =	swait.ge [sflag:s0], $0x50  }
0x1f5: {  	[sflag:s0] =	ssyncset.done $0x0  }
0x1f6: {  	[sflag:s0] =	ssyncadd.s32 $0xFFFFFFB0  }
0x1f7: {  	_ =	swait.ge [sflag:s0], $0x50  }
0x1f8: {  	[sflag:s0] =	ssyncset.done $0x0  }
0x1f9: {  	[sflag:s0] =	ssyncadd.s32 $0xFFFFFFB0  }
0x1fa: {  	_ =	swait.ge [sflag:s0], $0x50  }
0x1fb: {  	[sflag:s0] =	ssyncset.done $0x0  }
0x1fc: {  	[sflag:s0] =	ssyncadd.s32 $0xFFFFFFB0  }
0x1fd: {  	_ =	swait.ge [sflag:s0], $0x50  }
0x1fe: {  	[sflag:s0] =	ssyncset.done $0x0  }
0x1ff: {  	[sflag:s0] =	ssyncadd.s32 $0xFFFFFFB0  }
0x200: {  	_ =	swait.ge [sflag:s0], $0x50  }
0x201: {  	[sflag:s0] =	ssyncset.done $0x0  }
0x202: {  	[sflag:s0] =	ssyncadd.s32 $0xFFFFFFB0  }
0x203: {  	_ =	swait.ge [sflag:s0], $0x50  }
0x204: {  	[sflag:s0] =	ssyncset.done $0x0  }
0x205: {  	[sflag:s0] =	ssyncadd.s32 $0xFFFFFFB0  }
0x206: {  	_ =	swait.ge [sflag:s0], $0x50  }
0x207: {  	[sflag:s0] =	ssyncset.done $0x0  }
0x208: {  	[sflag:s0] =	ssyncadd.s32 $0xFFFFFFB0  }
0x209: {  	_ =	swait.ge [sflag:s0], $0x50  }
0x20a: {  	[sflag:s0] =	ssyncset.done $0x0  }
0x20b: {  	[sflag:s0] =	ssyncadd.s32 $0xFFFFFFB0  }
0x20c: {  	_ =	swait.ge [sflag:s0], $0x50  }
0x20d: {  	[sflag:s0] =	ssyncset.done $0x0  }
0x20e: {  	[sflag:s0] =	ssyncadd.s32 $0xFFFFFFB0  }
0x20f: {  	_ =	swait.ge [sflag:s0], $0x50  }
0x210: {  	[sflag:s0] =	ssyncset.done $0x0  }
0x211: {  	[sflag:s0] =	ssyncadd.s32 $0xFFFFFFB0  }
0x212: {  	_ =	swait.ge [sflag:s0], $0x50  }
0x213: {  	[sflag:s0] =	ssyncset.done $0x0  }
0x214: {  	[sflag:s0] =	ssyncadd.s32 $0xFFFFFFB0  }
0x215: {  	_ =	swait.ge [sflag:s0], $0x50  }
0x216: {  	[sflag:s0] =	ssyncset.done $0x0  }
0x217: {  	[sflag:s0] =	ssyncadd.s32 $0xFFFFFFB0  }
0x218: {  	_ =	swait.ge [sflag:s0], $0x50  }
0x219: {  	[sflag:s0] =	ssyncset.done $0x0  }
0x21a: {  	[sflag:s0] =	ssyncadd.s32 $0xFFFFFFB0  }
0x21b: {  	_ =	swait.ge [sflag:s0], $0x50  }
0x21c: {  	[sflag:s0] =	ssyncset.done $0x0  }
0x21d: {  	[sflag:s0] =	ssyncadd.s32 $0xFFFFFFB0  }
0x21e: {  	_ =	swait.ge [sflag:s0], $0x50  }
0x21f: {  	[sflag:s0] =	ssyncset.done $0x0  }
0x220: {  	[sflag:s0] =	ssyncadd.s32 $0xFFFFFFB0  }
0x221: {  	_ =	swait.ge [sflag:s0], $0x50  }
0x222: {  	s5 =	simm.s32 $0x2D00;
	s10 =	simm.s32 $0x1680;
	[sflag:s0] =	ssyncset.done $0x0  }
.LBB2_2:
0x223: {  	[sflag:s0] =	ssyncadd.s32 $0xFFFFFFB0  }
0x224: {  	s20 =	sshra.s32 s10, $0x2;
	s12 =	simm.s32 $0x4E20;
	s6 =	rddreg [dreg:$0x2]  }
0x225: {  	[tilespmem:s12], [sflag:$0x1] =	stream.indirect.gather [spmem:s6], $0x20, s20, s1, $0xb8;
	[tilespmem:$0x1ADB0] =	vst v63  }
0x226: {  	s14 =	simm.s32 $0x5820;
	s13 =	sadd.s32 $0x50, s20  }
0x227: {  	[tilespmem:s14], [sflag:$0x1] =	stream.indirect.gather [spmem:s6], $0x20, s13, s1, $0xb8;
	[tilespmem:$0x1ADB0] =	vst v63  }
0x228: {  	s16 =	simm.s32 $0x6220;
	s15 =	sadd.s32 $0xA0, s20  }
0x229: {  	[tilespmem:s16], [sflag:$0x1] =	stream.indirect.gather [spmem:s6], $0x20, s15, s1, $0xb8;
	[tilespmem:$0x1ADB0] =	vst v63  }
0x22a: {  	s18 =	simm.s32 $0x6C20;
	s17 =	sadd.s32 $0xF0, s20  }
0x22b: {  	[tilespmem:s18], [sflag:$0x1] =	stream.indirect.gather [spmem:s6], $0x20, s17, s1, $0xb8;
	[tilespmem:$0x1ADB0] =	vst v63  }
0x22c: {  	s21 =	simm.s32 $0x7620;
	s19 =	sadd.s32 $0x140, s20  }
0x22d: {  	[tilespmem:s21], [sflag:$0x1] =	stream.indirect.gather [spmem:s6], $0x20, s19, s1, $0xb8;
	[tilespmem:$0x1ADB0] =	vst v63  }
0x22e: {  	s23 =	simm.s32 $0x8020;
	s22 =	sadd.s32 $0x190, s20  }
0x22f: {  	[tilespmem:s23], [sflag:$0x1] =	stream.indirect.gather [spmem:s6], $0x20, s22, s1, $0xb8;
	[tilespmem:$0x1ADB0] =	vst v63  }
0x230: {  	s26 =	simm.s32 $0x8A20;
	s24 =	sadd.s32 $0x1E0, s20  }
0x231: {  	[tilespmem:s26], [sflag:$0x1] =	stream.indirect.gather [spmem:s6], $0x20, s24, s1, $0xb8;
	[tilespmem:$0x1ADB0] =	vst v63  }
0x232: {  	s29 =	simm.s32 $0x9420;
	s28 =	sadd.s32 $0x230, s20  }
0x233: {  	[tilespmem:s29], [sflag:$0x1] =	stream.indirect.gather [spmem:s6], $0x20, s28, s1, $0xb8;
	[tilespmem:$0x1ADB0] =	vst v63  }
0x234: {  	s4 =	simm.s32 $0x9E20;
	s3 =	sadd.s32 $0x280, s20  }
0x235: {  	[tilespmem:s4], [sflag:$0x1] =	stream.indirect.gather [spmem:s6], $0x20, s3, s1, $0xb8;
	[tilespmem:$0x1ADB0] =	vst v63  }
0x236: {  	s8 =	simm.s32 $0xA820;
	s7 =	sadd.s32 $0x2D0, s20  }
0x237: {  	[tilespmem:s8], [sflag:$0x1] =	stream.indirect.gather [spmem:s6], $0x20, s7, s1, $0xb8;
	[tilespmem:$0x1ADB0] =	vst v63  }
0x238: {  	s11 =	simm.s32 $0xB220;
	s9 =	sadd.s32 $0x320, s20  }
0x239: {  	[tilespmem:s11], [sflag:$0x1] =	stream.indirect.gather [spmem:s6], $0x20, s9, s1, $0xb8;
	[tilespmem:$0x1ADB0] =	vst v63  }
0x23a: {  	s12 =	sadd.s32 $0x370, s20;
	s13 =	simm.s32 $0xBC20  }
0x23b: {  	[tilespmem:s13], [sflag:$0x1] =	stream.indirect.gather [spmem:s6], $0x20, s12, s1, $0xb8;
	[tilespmem:$0x1ADB0] =	vst v63  }
0x23c: {  	s14 =	sadd.s32 $0x3C0, s20;
	s15 =	simm.s32 $0xC620  }
0x23d: {  	[tilespmem:s15], [sflag:$0x1] =	stream.indirect.gather [spmem:s6], $0x20, s14, s1, $0xb8;
	[tilespmem:$0x1ADB0] =	vst v63  }
0x23e: {  	s16 =	sadd.s32 $0x410, s20;
	s23 =	simm.s32 $0xD020  }
0x23f: {  	[tilespmem:s23], [sflag:$0x1] =	stream.indirect.gather [spmem:s6], $0x20, s16, s1, $0xb8;
	[tilespmem:$0x1ADB0] =	vst v63  }
0x240: {  	s17 =	sadd.s32 $0x460, s20;
	s21 =	simm.s32 $0xDA20  }
0x241: {  	[tilespmem:s21], [sflag:$0x1] =	stream.indirect.gather [spmem:s6], $0x20, s17, s1, $0xb8;
	[tilespmem:$0x1ADB0] =	vst v63  }
0x242: {  	s18 =	sadd.s32 $0x4B0, s20;
	s4 =	simm.s32 $0xE420  }
0x243: {  	[tilespmem:s4], [sflag:$0x1] =	stream.indirect.gather [spmem:s6], $0x20, s18, s1, $0xb8;
	[tilespmem:$0x1ADB0] =	vst v63  }
0x244: {  	s2 =	sadd.s32 $0x1680, s5;
	s19 =	sadd.s32 $0x500, s20;
	s3 =	simm.s32 $0xEE20  }
0x245: {  	[tilespmem:s3], [sflag:$0x1] =	stream.indirect.gather [spmem:s6], $0x20, s19, s1, $0xb8;
	[tilespmem:$0x1ADB0] =	vst v63  }
0x246: {  	[dreg:$0x6] =	wrdreg s2;
	s2 =	simm.s32 $0xF820;
	s22 =	sadd.s32 $0x550, s20  }
0x247: {  	[tilespmem:s2], [sflag:$0x1] =	stream.indirect.gather [spmem:s6], $0x20, s22, s1, $0xb8;
	[tilespmem:$0x1ADB0] =	vst v63  }
0x248: {  	s11 =	rddreg [dreg:$0x4];
	s22 =	sadd.s32 $0x2710, s20  }
0x249: {  	[spmem:s11] =	stream.indirect.scatter.add.f32 [tilespmem:s25], [sflag:$0x3], $0x1, s22, s1, $0xb8;
	[tilespmem:$0x1ADB0] =	vst v63  }
0x24a: {  	s28 =	sadd.s32 $0x2760, s20  }
0x24b: {  	[spmem:s11] =	stream.indirect.scatter.add.f32 [tilespmem:s25], [sflag:$0x3], $0x1, s28, s1, $0xb8;
	[tilespmem:$0x1ADB0] =	vst v63  }
0x24c: {  	s9 =	sadd.s32 $0x27B0, s20  }
0x24d: {  	[spmem:s11] =	stream.indirect.scatter.add.f32 [tilespmem:s25], [sflag:$0x3], $0x1, s9, s1, $0xb8;
	[tilespmem:$0x1ADB0] =	vst v63  }
0x24e: {  	s26 =	sadd.s32 $0x2800, s20  }
0x24f: {  	[spmem:s11] =	stream.indirect.scatter.add.f32 [tilespmem:s25], [sflag:$0x3], $0x1, s26, s1, $0xb8;
	[tilespmem:$0x1ADB0] =	vst v63  }
0x250: {  	s29 =	sadd.s32 $0x2850, s20  }
0x251: {  	[spmem:s11] =	stream.indirect.scatter.add.f32 [tilespmem:s25], [sflag:$0x3], $0x1, s29, s1, $0xb8;
	[tilespmem:$0x1ADB0] =	vst v63  }
0x252: {  	s10 =	smov.u32 s5;
	p0 =	sne.s32 s5, $0x7080;
	s5 =	sadd.s32 $0x28A0, s20  }
0x253: {  	[spmem:s11] =	stream.indirect.scatter.add.f32 [tilespmem:s25], [sflag:$0x3], $0x1, s5, s1, $0xb8;
	[tilespmem:$0x1ADB0] =	vst v63  }
0x254: {  	s6 =	sadd.s32 $0x28F0, s20  }
0x255: {  	[spmem:s11] =	stream.indirect.scatter.add.f32 [tilespmem:s25], [sflag:$0x3], $0x1, s6, s1, $0xb8;
	[tilespmem:$0x1ADB0] =	vst v63  }
0x256: {  	s7 =	sadd.s32 $0x2940, s20  }
0x257: {  	[spmem:s11] =	stream.indirect.scatter.add.f32 [tilespmem:s25], [sflag:$0x3], $0x1, s7, s1, $0xb8;
	[tilespmem:$0x1ADB0] =	vst v63  }
0x258: {  	s8 =	sadd.s32 $0x2990, s20  }
0x259: {  	[spmem:s11] =	stream.indirect.scatter.add.f32 [tilespmem:s25], [sflag:$0x3], $0x1, s8, s1, $0xb8;
	[tilespmem:$0x1ADB0] =	vst v63  }
0x25a: {  	s12 =	sadd.s32 $0x29E0, s20  }
0x25b: {  	[spmem:s11] =	stream.indirect.scatter.add.f32 [tilespmem:s25], [sflag:$0x3], $0x1, s12, s1, $0xb8;
	[tilespmem:$0x1ADB0] =	vst v63  }
0x25c: {  	s13 =	sadd.s32 $0x2A30, s20  }
0x25d: {  	[spmem:s11] =	stream.indirect.scatter.add.f32 [tilespmem:s25], [sflag:$0x3], $0x1, s13, s1, $0xb8;
	[tilespmem:$0x1ADB0] =	vst v63  }
0x25e: {  	s14 =	sadd.s32 $0x2A80, s20  }
0x25f: {  	[spmem:s11] =	stream.indirect.scatter.add.f32 [tilespmem:s25], [sflag:$0x3], $0x1, s14, s1, $0xb8;
	[tilespmem:$0x1ADB0] =	vst v63  }
0x260: {  	s15 =	sadd.s32 $0x2AD0, s20  }
0x261: {  	[spmem:s11] =	stream.indirect.scatter.add.f32 [tilespmem:s25], [sflag:$0x3], $0x1, s15, s1, $0xb8;
	[tilespmem:$0x1ADB0] =	vst v63  }
0x262: {  	s16 =	sadd.s32 $0x2B20, s20  }
0x263: {  	[spmem:s11] =	stream.indirect.scatter.add.f32 [tilespmem:s25], [sflag:$0x3], $0x1, s16, s1, $0xb8;
	[tilespmem:$0x1ADB0] =	vst v63  }
0x264: {  	s17 =	sadd.s32 $0x2B70, s20  }
0x265: {  	[spmem:s11] =	stream.indirect.scatter.add.f32 [tilespmem:s25], [sflag:$0x3], $0x1, s17, s1, $0xb8;
	[tilespmem:$0x1ADB0] =	vst v63  }
0x266: {  	s18 =	sadd.s32 $0x2BC0, s20  }
0x267: {  	[spmem:s11] =	stream.indirect.scatter.add.f32 [tilespmem:s25], [sflag:$0x3], $0x1, s18, s1, $0xb8;
	[tilespmem:$0x1ADB0] =	vst v63  }
0x268: {  	s19 =	sadd.s32 $0x2C10, s20  }
0x269: {  	[spmem:s11] =	stream.indirect.scatter.add.f32 [tilespmem:s25], [sflag:$0x3], $0x1, s19, s1, $0xb8;
	[tilespmem:$0x1ADB0] =	vst v63  }
0x26a: {  	s20 =	sadd.s32 $0x2C60, s20  }
0x26b: {  	[spmem:s11] =	stream.indirect.scatter.add.f32 [tilespmem:s25], [sflag:$0x3], $0x1, s20, s1, $0xb8;
	[tilespmem:$0x1ADB0] =	vst v63  }
0x26c: {  	_ =	swait.ge [sflag:s30], $0xA00  }
0x26d: {  	[sflag:s30] =	ssyncset.done $0x0  }
0x26e: {  	[sflag:s30] =	ssyncadd.s32 $0xFFFFF600  }
0x26f: {  	_ =	swait.ge [sflag:s30], $0xA00  }
0x270: {  	[sflag:s30] =	ssyncset.done $0x0  }
0x271: {  	[sflag:s30] =	ssyncadd.s32 $0xFFFFF600  }
0x272: {  	_ =	swait.ge [sflag:s30], $0xA00  }
0x273: {  	[sflag:s30] =	ssyncset.done $0x0  }
0x274: {  	[sflag:s30] =	ssyncadd.s32 $0xFFFFF600  }
0x275: {  	_ =	swait.ge [sflag:s30], $0xA00  }
0x276: {  	[sflag:s30] =	ssyncset.done $0x0  }
0x277: {  	[sflag:s30] =	ssyncadd.s32 $0xFFFFF600  }
0x278: {  	_ =	swait.ge [sflag:s30], $0xA00  }
0x279: {  	[sflag:s30] =	ssyncset.done $0x0  }
0x27a: {  	[sflag:s30] =	ssyncadd.s32 $0xFFFFF600  }
0x27b: {  	_ =	swait.ge [sflag:s30], $0xA00  }
0x27c: {  	[sflag:s30] =	ssyncset.done $0x0  }
0x27d: {  	[sflag:s30] =	ssyncadd.s32 $0xFFFFF600  }
0x27e: {  	_ =	swait.ge [sflag:s30], $0xA00  }
0x27f: {  	[sflag:s30] =	ssyncset.done $0x0  }
0x280: {  	[sflag:s30] =	ssyncadd.s32 $0xFFFFF600  }
0x281: {  	_ =	swait.ge [sflag:s30], $0xA00  }
0x282: {  	[sflag:s30] =	ssyncset.done $0x0  }
0x283: {  	[sflag:s30] =	ssyncadd.s32 $0xFFFFF600  }
0x284: {  	_ =	swait.ge [sflag:s30], $0xA00  }
0x285: {  	[sflag:s30] =	ssyncset.done $0x0  }
0x286: {  	[sflag:s30] =	ssyncadd.s32 $0xFFFFF600  }
0x287: {  	_ =	swait.ge [sflag:s30], $0xA00  }
0x288: {  	[sflag:s30] =	ssyncset.done $0x0  }
0x289: {  	[sflag:s30] =	ssyncadd.s32 $0xFFFFF600  }
0x28a: {  	_ =	swait.ge [sflag:s30], $0xA00  }
0x28b: {  	[sflag:s30] =	ssyncset.done $0x0  }
0x28c: {  	[sflag:s30] =	ssyncadd.s32 $0xFFFFF600  }
0x28d: {  	_ =	swait.ge [sflag:s30], $0xA00  }
0x28e: {  	[sflag:s30] =	ssyncset.done $0x0  }
0x28f: {  	[sflag:s30] =	ssyncadd.s32 $0xFFFFF600  }
0x290: {  	_ =	swait.ge [sflag:s30], $0xA00  }
0x291: {  	[sflag:s30] =	ssyncset.done $0x0  }
0x292: {  	[sflag:s30] =	ssyncadd.s32 $0xFFFFF600  }
0x293: {  	_ =	swait.ge [sflag:s30], $0xA00  }
0x294: {  	[sflag:s30] =	ssyncset.done $0x0  }
0x295: {  	[sflag:s30] =	ssyncadd.s32 $0xFFFFF600  }
0x296: {  	_ =	swait.ge [sflag:s30], $0xA00  }
0x297: {  	[sflag:s30] =	ssyncset.done $0x0  }
0x298: {  	[sflag:s30] =	ssyncadd.s32 $0xFFFFF600  }
0x299: {  	_ =	swait.ge [sflag:s30], $0xA00  }
0x29a: {  	[sflag:s30] =	ssyncset.done $0x0  }
0x29b: {  	[sflag:s30] =	ssyncadd.s32 $0xFFFFF600  }
0x29c: {  	_ =	swait.ge [sflag:s30], $0xA00  }
0x29d: {  	[sflag:s30] =	ssyncset.done $0x0  }
0x29e: {  	[sflag:s30] =	ssyncadd.s32 $0xFFFFF600  }
0x29f: {  	_ =	swait.ge [sflag:s30], $0xA00  }
0x2a0: {  	[sflag:s30] =	ssyncset.done $0x0  }
0x2a1: {  	[sflag:s30] =	ssyncadd.s32 $0xFFFFF600  }
0x2a2: {  	s24 =	simm.s32 $0x4E20;
	s11 =	rddreg [dreg:$0x3]  }
0x2a3: {  	[spmem:s11] =	stream.indirect.scatter.add.f32 [tilespmem:s24], [sflag:$0x2], $0x20, s22, s1, $0xb8;
	[tilespmem:$0x1ADB0] =	vst v63  }
0x2a4: {  	s24 =	simm.s32 $0x5820  }
0x2a5: {  	[spmem:s11] =	stream.indirect.scatter.add.f32 [tilespmem:s24], [sflag:$0x2], $0x20, s28, s1, $0xb8;
	[tilespmem:$0x1ADB0] =	vst v63  }
0x2a6: {  	s28 =	simm.s32 $0x6220  }
0x2a7: {  	[spmem:s11] =	stream.indirect.scatter.add.f32 [tilespmem:s28], [sflag:$0x2], $0x20, s9, s1, $0xb8;
	[tilespmem:$0x1ADB0] =	vst v63  }
0x2a8: {  	s24 =	simm.s32 $0x6C20  }
0x2a9: {  	[spmem:s11] =	stream.indirect.scatter.add.f32 [tilespmem:s24], [sflag:$0x2], $0x20, s26, s1, $0xb8;
	[tilespmem:$0x1ADB0] =	vst v63  }
0x2aa: {  	s26 =	simm.s32 $0x7620  }
0x2ab: {  	[spmem:s11] =	stream.indirect.scatter.add.f32 [tilespmem:s26], [sflag:$0x2], $0x20, s29, s1, $0xb8;
	[tilespmem:$0x1ADB0] =	vst v63  }
0x2ac: {  	s28 =	simm.s32 $0x8020  }
0x2ad: {  	[spmem:s11] =	stream.indirect.scatter.add.f32 [tilespmem:s28], [sflag:$0x2], $0x20, s5, s1, $0xb8;
	[tilespmem:$0x1ADB0] =	vst v63  }
0x2ae: {  	s29 =	simm.s32 $0x8A20  }
0x2af: {  	[spmem:s11] =	stream.indirect.scatter.add.f32 [tilespmem:s29], [sflag:$0x2], $0x20, s6, s1, $0xb8;
	[tilespmem:$0x1ADB0] =	vst v63  }
0x2b0: {  	s9 =	simm.s32 $0x9420  }
0x2b1: {  	[spmem:s11] =	stream.indirect.scatter.add.f32 [tilespmem:s9], [sflag:$0x2], $0x20, s7, s1, $0xb8;
	[tilespmem:$0x1ADB0] =	vst v63  }
0x2b2: {  	s22 =	simm.s32 $0x9E20  }
0x2b3: {  	[spmem:s11] =	stream.indirect.scatter.add.f32 [tilespmem:s22], [sflag:$0x2], $0x20, s8, s1, $0xb8;
	[tilespmem:$0x1ADB0] =	vst v63  }
0x2b4: {  	s24 =	simm.s32 $0xA820  }
0x2b5: {  	[spmem:s11] =	stream.indirect.scatter.add.f32 [tilespmem:s24], [sflag:$0x2], $0x20, s12, s1, $0xb8;
	[tilespmem:$0x1ADB0] =	vst v63  }
0x2b6: {  	s26 =	simm.s32 $0xB220  }
0x2b7: {  	[spmem:s11] =	stream.indirect.scatter.add.f32 [tilespmem:s26], [sflag:$0x2], $0x20, s13, s1, $0xb8;
	[tilespmem:$0x1ADB0] =	vst v63  }
0x2b8: {  	s28 =	simm.s32 $0xBC20  }
0x2b9: {  	[spmem:s11] =	stream.indirect.scatter.add.f32 [tilespmem:s28], [sflag:$0x2], $0x20, s14, s1, $0xb8;
	[tilespmem:$0x1ADB0] =	vst v63  }
0x2ba: {  	s29 =	simm.s32 $0xC620  }
0x2bb: {  	[spmem:s11] =	stream.indirect.scatter.add.f32 [tilespmem:s29], [sflag:$0x2], $0x20, s15, s1, $0xb8;
	[tilespmem:$0x1ADB0] =	vst v63  }
0x2bc: {  	_ = 	snop  }
0x2bd: {  	[spmem:s11] =	stream.indirect.scatter.add.f32 [tilespmem:s23], [sflag:$0x2], $0x20, s16, s1, $0xb8;
	[tilespmem:$0x1ADB0] =	vst v63  }
0x2be: {  	_ = 	snop  }
0x2bf: {  	[spmem:s11] =	stream.indirect.scatter.add.f32 [tilespmem:s21], [sflag:$0x2], $0x20, s17, s1, $0xb8;
	[tilespmem:$0x1ADB0] =	vst v63  }
0x2c0: {  	_ = 	snop  }
0x2c1: {  	[spmem:s11] =	stream.indirect.scatter.add.f32 [tilespmem:s4], [sflag:$0x2], $0x20, s18, s1, $0xb8;
	[tilespmem:$0x1ADB0] =	vst v63  }
0x2c2: {  	_ = 	snop  }
0x2c3: {  	[spmem:s11] =	stream.indirect.scatter.add.f32 [tilespmem:s3], [sflag:$0x2], $0x20, s19, s1, $0xb8;
	[tilespmem:$0x1ADB0] =	vst v63  }
0x2c4: {  	_ = 	snop  }
0x2c5: {  	[spmem:s11] =	stream.indirect.scatter.add.f32 [tilespmem:s2], [sflag:$0x2], $0x20, s20, s1, $0xb8;
	[tilespmem:$0x1ADB0] =	vst v63  }
0x2c6: {  	_ =	swait.ge [sflag:s31], $0xA00  }
0x2c7: {  	[sflag:s31] =	ssyncset.done $0x0  }
0x2c8: {  	[sflag:s31] =	ssyncadd.s32 $0xFFFFF600  }
0x2c9: {  	_ =	swait.ge [sflag:s31], $0xA00  }
0x2ca: {  	[sflag:s31] =	ssyncset.done $0x0  }
0x2cb: {  	[sflag:s31] =	ssyncadd.s32 $0xFFFFF600  }
0x2cc: {  	_ =	swait.ge [sflag:s31], $0xA00  }
0x2cd: {  	[sflag:s31] =	ssyncset.done $0x0  }
0x2ce: {  	[sflag:s31] =	ssyncadd.s32 $0xFFFFF600  }
0x2cf: {  	_ =	swait.ge [sflag:s31], $0xA00  }
0x2d0: {  	[sflag:s31] =	ssyncset.done $0x0  }
0x2d1: {  	[sflag:s31] =	ssyncadd.s32 $0xFFFFF600  }
0x2d2: {  	_ =	swait.ge [sflag:s31], $0xA00  }
0x2d3: {  	[sflag:s31] =	ssyncset.done $0x0  }
0x2d4: {  	[sflag:s31] =	ssyncadd.s32 $0xFFFFF600  }
0x2d5: {  	_ =	swait.ge [sflag:s31], $0xA00  }
0x2d6: {  	[sflag:s31] =	ssyncset.done $0x0  }
0x2d7: {  	[sflag:s31] =	ssyncadd.s32 $0xFFFFF600  }
0x2d8: {  	_ =	swait.ge [sflag:s31], $0xA00  }
0x2d9: {  	[sflag:s31] =	ssyncset.done $0x0  }
0x2da: {  	[sflag:s31] =	ssyncadd.s32 $0xFFFFF600  }
0x2db: {  	_ =	swait.ge [sflag:s31], $0xA00  }
0x2dc: {  	[sflag:s31] =	ssyncset.done $0x0  }
0x2dd: {  	[sflag:s31] =	ssyncadd.s32 $0xFFFFF600  }
0x2de: {  	_ =	swait.ge [sflag:s31], $0xA00  }
0x2df: {  	[sflag:s31] =	ssyncset.done $0x0  }
0x2e0: {  	[sflag:s31] =	ssyncadd.s32 $0xFFFFF600  }
0x2e1: {  	_ =	swait.ge [sflag:s31], $0xA00  }
0x2e2: {  	[sflag:s31] =	ssyncset.done $0x0  }
0x2e3: {  	[sflag:s31] =	ssyncadd.s32 $0xFFFFF600  }
0x2e4: {  	_ =	swait.ge [sflag:s31], $0xA00  }
0x2e5: {  	[sflag:s31] =	ssyncset.done $0x0  }
0x2e6: {  	[sflag:s31] =	ssyncadd.s32 $0xFFFFF600  }
0x2e7: {  	_ =	swait.ge [sflag:s31], $0xA00  }
0x2e8: {  	[sflag:s31] =	ssyncset.done $0x0  }
0x2e9: {  	[sflag:s31] =	ssyncadd.s32 $0xFFFFF600  }
0x2ea: {  	_ =	swait.ge [sflag:s31], $0xA00  }
0x2eb: {  	[sflag:s31] =	ssyncset.done $0x0  }
0x2ec: {  	[sflag:s31] =	ssyncadd.s32 $0xFFFFF600  }
0x2ed: {  	_ =	swait.ge [sflag:s31], $0xA00  }
0x2ee: {  	[sflag:s31] =	ssyncset.done $0x0  }
0x2ef: {  	[sflag:s31] =	ssyncadd.s32 $0xFFFFF600  }
0x2f0: {  	_ =	swait.ge [sflag:s31], $0xA00  }
0x2f1: {  	[sflag:s31] =	ssyncset.done $0x0  }
0x2f2: {  	[sflag:s31] =	ssyncadd.s32 $0xFFFFF600  }
0x2f3: {  	_ =	swait.ge [sflag:s31], $0xA00  }
0x2f4: {  	[sflag:s31] =	ssyncset.done $0x0  }
0x2f5: {  	[sflag:s31] =	ssyncadd.s32 $0xFFFFF600  }
0x2f6: {  	_ =	swait.ge [sflag:s31], $0xA00  }
0x2f7: {  	[sflag:s31] =	ssyncset.done $0x0  }
0x2f8: {  	[sflag:s31] =	ssyncadd.s32 $0xFFFFF600  }
0x2f9: {  	_ =	swait.ge [sflag:s31], $0xA00  }
0x2fa: {  	[sflag:s31] =	ssyncset.done $0x0  }
0x2fb: {  	[sflag:s31] =	ssyncadd.s32 $0xFFFFF600  }
0x2fc: {  	_ =	swait.ge [sflag:s0], $0x50  }
0x2fd: {  	[sflag:s0] =	ssyncset.done $0x0  }
0x2fe: {  	[sflag:s0] =	ssyncadd.s32 $0xFFFFFFB0  }
0x2ff: {  	_ =	swait.ge [sflag:s0], $0x50  }
0x300: {  	[sflag:s0] =	ssyncset.done $0x0  }
0x301: {  	[sflag:s0] =	ssyncadd.s32 $0xFFFFFFB0  }
0x302: {  	_ =	swait.ge [sflag:s0], $0x50  }
0x303: {  	[sflag:s0] =	ssyncset.done $0x0  }
0x304: {  	[sflag:s0] =	ssyncadd.s32 $0xFFFFFFB0  }
0x305: {  	_ =	swait.ge [sflag:s0], $0x50  }
0x306: {  	[sflag:s0] =	ssyncset.done $0x0  }
0x307: {  	[sflag:s0] =	ssyncadd.s32 $0xFFFFFFB0  }
0x308: {  	_ =	swait.ge [sflag:s0], $0x50  }
0x309: {  	[sflag:s0] =	ssyncset.done $0x0  }
0x30a: {  	[sflag:s0] =	ssyncadd.s32 $0xFFFFFFB0  }
0x30b: {  	_ =	swait.ge [sflag:s0], $0x50  }
0x30c: {  	[sflag:s0] =	ssyncset.done $0x0  }
0x30d: {  	[sflag:s0] =	ssyncadd.s32 $0xFFFFFFB0  }
0x30e: {  	_ =	swait.ge [sflag:s0], $0x50  }
0x30f: {  	[sflag:s0] =	ssyncset.done $0x0  }
0x310: {  	[sflag:s0] =	ssyncadd.s32 $0xFFFFFFB0  }
0x311: {  	_ =	swait.ge [sflag:s0], $0x50  }
0x312: {  	[sflag:s0] =	ssyncset.done $0x0  }
0x313: {  	[sflag:s0] =	ssyncadd.s32 $0xFFFFFFB0  }
0x314: {  	_ =	swait.ge [sflag:s0], $0x50  }
0x315: {  	[sflag:s0] =	ssyncset.done $0x0  }
0x316: {  	[sflag:s0] =	ssyncadd.s32 $0xFFFFFFB0  }
0x317: {  	_ =	swait.ge [sflag:s0], $0x50  }
0x318: {  	[sflag:s0] =	ssyncset.done $0x0  }
0x319: {  	[sflag:s0] =	ssyncadd.s32 $0xFFFFFFB0  }
0x31a: {  	_ =	swait.ge [sflag:s0], $0x50  }
0x31b: {  	[sflag:s0] =	ssyncset.done $0x0  }
0x31c: {  	[sflag:s0] =	ssyncadd.s32 $0xFFFFFFB0  }
0x31d: {  	_ =	swait.ge [sflag:s0], $0x50  }
0x31e: {  	[sflag:s0] =	ssyncset.done $0x0  }
0x31f: {  	[sflag:s0] =	ssyncadd.s32 $0xFFFFFFB0  }
0x320: {  	_ =	swait.ge [sflag:s0], $0x50  }
0x321: {  	[sflag:s0] =	ssyncset.done $0x0  }
0x322: {  	[sflag:s0] =	ssyncadd.s32 $0xFFFFFFB0  }
0x323: {  	_ =	swait.ge [sflag:s0], $0x50  }
0x324: {  	[sflag:s0] =	ssyncset.done $0x0  }
0x325: {  	[sflag:s0] =	ssyncadd.s32 $0xFFFFFFB0  }
0x326: {  	_ =	swait.ge [sflag:s0], $0x50  }
0x327: {  	[sflag:s0] =	ssyncset.done $0x0  }
0x328: {  	[sflag:s0] =	ssyncadd.s32 $0xFFFFFFB0  }
0x329: {  	_ =	swait.ge [sflag:s0], $0x50  }
0x32a: {  	[sflag:s0] =	ssyncset.done $0x0  }
0x32b: {  	[sflag:s0] =	ssyncadd.s32 $0xFFFFFFB0  }
.Ltmp0:
0x32c: {  	_ =	swait.ge [sflag:s0], $0x50;
	(pc) =	sbr.rel @p0 .LBB2_2-.Ltmp0, $4  }
0x32d: {  	[sflag:s0] =	ssyncset.done $0x0  }
0x32e: {  	[sflag:s0] =	ssyncadd.s32 $0xFFFFFFB0  }
0x32f: {  	_ =	swait.ge [sflag:s0], $0x50  }
0x330: {  	[sflag:s0] =	ssyncset.done $0x0;
	s5 =	rddreg [dreg:$0x6]  }
0x331: {  	[sflag:s0] =	ssyncadd.s32 $0xFFFFFFB0  }
0x332: {  	s26 =	sshra.s32 s10, $0x2;
	s2 =	simm.s32 $0x4E20;
	s21 =	rddreg [dreg:$0x2]  }
0x333: {  	[tilespmem:s2], [sflag:$0x1] =	stream.indirect.gather [spmem:s21], $0x20, s26, s1, $0xb8;
	[tilespmem:$0x1ADB0] =	vst v63  }
0x334: {  	s11 =	simm.s32 $0x5820;
	s5 =	sadd.s32 $0x50, s26  }
0x335: {  	[tilespmem:s11], [sflag:$0x1] =	stream.indirect.gather [spmem:s21], $0x20, s5, s1, $0xb8;
	[tilespmem:$0x1ADB0] =	vst v63  }
0x336: {  	s13 =	simm.s32 $0x6220;
	s12 =	sadd.s32 $0xA0, s26  }
0x337: {  	[tilespmem:s13], [sflag:$0x1] =	stream.indirect.gather [spmem:s21], $0x20, s12, s1, $0xb8;
	[tilespmem:$0x1ADB0] =	vst v63  }
0x338: {  	s15 =	simm.s32 $0x6C20;
	s14 =	sadd.s32 $0xF0, s26  }
0x339: {  	[tilespmem:s15], [sflag:$0x1] =	stream.indirect.gather [spmem:s21], $0x20, s14, s1, $0xb8;
	[tilespmem:$0x1ADB0] =	vst v63  }
0x33a: {  	s17 =	simm.s32 $0x7620;
	s16 =	sadd.s32 $0x140, s26  }
0x33b: {  	[tilespmem:s17], [sflag:$0x1] =	stream.indirect.gather [spmem:s21], $0x20, s16, s1, $0xb8;
	[tilespmem:$0x1ADB0] =	vst v63  }
0x33c: {  	s19 =	simm.s32 $0x8020;
	s18 =	sadd.s32 $0x190, s26  }
0x33d: {  	[tilespmem:s19], [sflag:$0x1] =	stream.indirect.gather [spmem:s21], $0x20, s18, s1, $0xb8;
	[tilespmem:$0x1ADB0] =	vst v63  }
0x33e: {  	s22 =	simm.s32 $0x8A20;
	s20 =	sadd.s32 $0x1E0, s26  }
0x33f: {  	[tilespmem:s22], [sflag:$0x1] =	stream.indirect.gather [spmem:s21], $0x20, s20, s1, $0xb8;
	[tilespmem:$0x1ADB0] =	vst v63  }
0x340: {  	s29 =	simm.s32 $0x9420;
	s28 =	sadd.s32 $0x230, s26  }
0x341: {  	[tilespmem:s29], [sflag:$0x1] =	stream.indirect.gather [spmem:s21], $0x20, s28, s1, $0xb8;
	[tilespmem:$0x1ADB0] =	vst v63  }
0x342: {  	s3 =	simm.s32 $0x9E20;
	s2 =	sadd.s32 $0x280, s26  }
0x343: {  	[tilespmem:s3], [sflag:$0x1] =	stream.indirect.gather [spmem:s21], $0x20, s2, s1, $0xb8;
	[tilespmem:$0x1ADB0] =	vst v63  }
0x344: {  	s6 =	simm.s32 $0xA820;
	s4 =	sadd.s32 $0x2D0, s26  }
0x345: {  	[tilespmem:s6], [sflag:$0x1] =	stream.indirect.gather [spmem:s21], $0x20, s4, s1, $0xb8;
	[tilespmem:$0x1ADB0] =	vst v63  }
0x346: {  	s8 =	simm.s32 $0xB220;
	s7 =	sadd.s32 $0x320, s26  }
0x347: {  	[tilespmem:s8], [sflag:$0x1] =	stream.indirect.gather [spmem:s21], $0x20, s7, s1, $0xb8;
	[tilespmem:$0x1ADB0] =	vst v63  }
0x348: {  	s10 =	simm.s32 $0xBC20;
	s9 =	sadd.s32 $0x370, s26  }
0x349: {  	[tilespmem:s10], [sflag:$0x1] =	stream.indirect.gather [spmem:s21], $0x20, s9, s1, $0xb8;
	[tilespmem:$0x1ADB0] =	vst v63  }
0x34a: {  	s11 =	sadd.s32 $0x3C0, s26;
	s12 =	simm.s32 $0xC620  }
0x34b: {  	[tilespmem:s12], [sflag:$0x1] =	stream.indirect.gather [spmem:s21], $0x20, s11, s1, $0xb8;
	[tilespmem:$0x1ADB0] =	vst v63  }
0x34c: {  	s13 =	sadd.s32 $0x410, s26;
	s14 =	simm.s32 $0xD020  }
0x34d: {  	[tilespmem:s14], [sflag:$0x1] =	stream.indirect.gather [spmem:s21], $0x20, s13, s1, $0xb8;
	[tilespmem:$0x1ADB0] =	vst v63  }
0x34e: {  	s15 =	sadd.s32 $0x460, s26;
	s16 =	simm.s32 $0xDA20  }
0x34f: {  	[tilespmem:s16], [sflag:$0x1] =	stream.indirect.gather [spmem:s21], $0x20, s15, s1, $0xb8;
	[tilespmem:$0x1ADB0] =	vst v63  }
0x350: {  	s17 =	sadd.s32 $0x4B0, s26;
	s18 =	simm.s32 $0xE420  }
0x351: {  	[tilespmem:s18], [sflag:$0x1] =	stream.indirect.gather [spmem:s21], $0x20, s17, s1, $0xb8;
	[tilespmem:$0x1ADB0] =	vst v63  }
0x352: {  	s19 =	sadd.s32 $0x500, s26;
	s20 =	simm.s32 $0xEE20  }
0x353: {  	[tilespmem:s20], [sflag:$0x1] =	stream.indirect.gather [spmem:s21], $0x20, s19, s1, $0xb8;
	[tilespmem:$0x1ADB0] =	vst v63  }
0x354: {  	s22 =	sadd.s32 $0x550, s26;
	s28 =	simm.s32 $0xF820  }
0x355: {  	[tilespmem:s28], [sflag:$0x1] =	stream.indirect.gather [spmem:s21], $0x20, s22, s1, $0xb8;
	[tilespmem:$0x1ADB0] =	vst v63  }
0x356: {  	s29 =	sadd.s32 $0x2710, s26;
	s4 =	rddreg [dreg:$0x4]  }
0x357: {  	[spmem:s4] =	stream.indirect.scatter.add.f32 [tilespmem:s25], [sflag:$0x3], $0x1, s29, s1, $0xb8;
	[tilespmem:$0x1ADB0] =	vst v63  }
0x358: {  	s6 =	sadd.s32 $0x2760, s26  }
0x359: {  	[spmem:s4] =	stream.indirect.scatter.add.f32 [tilespmem:s25], [sflag:$0x3], $0x1, s6, s1, $0xb8;
	[tilespmem:$0x1ADB0] =	vst v63  }
0x35a: {  	s7 =	sadd.s32 $0x27B0, s26  }
0x35b: {  	[spmem:s4] =	stream.indirect.scatter.add.f32 [tilespmem:s25], [sflag:$0x3], $0x1, s7, s1, $0xb8;
	[tilespmem:$0x1ADB0] =	vst v63  }
0x35c: {  	s8 =	sadd.s32 $0x2800, s26  }
0x35d: {  	[spmem:s4] =	stream.indirect.scatter.add.f32 [tilespmem:s25], [sflag:$0x3], $0x1, s8, s1, $0xb8;
	[tilespmem:$0x1ADB0] =	vst v63  }
0x35e: {  	s9 =	sadd.s32 $0x2850, s26  }
0x35f: {  	[spmem:s4] =	stream.indirect.scatter.add.f32 [tilespmem:s25], [sflag:$0x3], $0x1, s9, s1, $0xb8;
	[tilespmem:$0x1ADB0] =	vst v63  }
0x360: {  	s10 =	sadd.s32 $0x28A0, s26  }
0x361: {  	[spmem:s4] =	stream.indirect.scatter.add.f32 [tilespmem:s25], [sflag:$0x3], $0x1, s10, s1, $0xb8;
	[tilespmem:$0x1ADB0] =	vst v63  }
0x362: {  	s11 =	sadd.s32 $0x28F0, s26  }
0x363: {  	[spmem:s4] =	stream.indirect.scatter.add.f32 [tilespmem:s25], [sflag:$0x3], $0x1, s11, s1, $0xb8;
	[tilespmem:$0x1ADB0] =	vst v63  }
0x364: {  	s12 =	sadd.s32 $0x2940, s26  }
0x365: {  	[spmem:s4] =	stream.indirect.scatter.add.f32 [tilespmem:s25], [sflag:$0x3], $0x1, s12, s1, $0xb8;
	[tilespmem:$0x1ADB0] =	vst v63  }
0x366: {  	s13 =	sadd.s32 $0x2990, s26  }
0x367: {  	[spmem:s4] =	stream.indirect.scatter.add.f32 [tilespmem:s25], [sflag:$0x3], $0x1, s13, s1, $0xb8;
	[tilespmem:$0x1ADB0] =	vst v63  }
0x368: {  	s14 =	sadd.s32 $0x29E0, s26  }
0x369: {  	[spmem:s4] =	stream.indirect.scatter.add.f32 [tilespmem:s25], [sflag:$0x3], $0x1, s14, s1, $0xb8;
	[tilespmem:$0x1ADB0] =	vst v63  }
0x36a: {  	s15 =	sadd.s32 $0x2A30, s26  }
0x36b: {  	[spmem:s4] =	stream.indirect.scatter.add.f32 [tilespmem:s25], [sflag:$0x3], $0x1, s15, s1, $0xb8;
	[tilespmem:$0x1ADB0] =	vst v63  }
0x36c: {  	s16 =	sadd.s32 $0x2A80, s26  }
0x36d: {  	[spmem:s4] =	stream.indirect.scatter.add.f32 [tilespmem:s25], [sflag:$0x3], $0x1, s16, s1, $0xb8;
	[tilespmem:$0x1ADB0] =	vst v63  }
0x36e: {  	s17 =	sadd.s32 $0x2AD0, s26  }
0x36f: {  	[spmem:s4] =	stream.indirect.scatter.add.f32 [tilespmem:s25], [sflag:$0x3], $0x1, s17, s1, $0xb8;
	[tilespmem:$0x1ADB0] =	vst v63  }
0x370: {  	s18 =	sadd.s32 $0x2B20, s26  }
0x371: {  	[spmem:s4] =	stream.indirect.scatter.add.f32 [tilespmem:s25], [sflag:$0x3], $0x1, s18, s1, $0xb8;
	[tilespmem:$0x1ADB0] =	vst v63  }
0x372: {  	s19 =	sadd.s32 $0x2B70, s26  }
0x373: {  	[spmem:s4] =	stream.indirect.scatter.add.f32 [tilespmem:s25], [sflag:$0x3], $0x1, s19, s1, $0xb8;
	[tilespmem:$0x1ADB0] =	vst v63  }
0x374: {  	s20 =	sadd.s32 $0x2BC0, s26  }
0x375: {  	[spmem:s4] =	stream.indirect.scatter.add.f32 [tilespmem:s25], [sflag:$0x3], $0x1, s20, s1, $0xb8;
	[tilespmem:$0x1ADB0] =	vst v63  }
0x376: {  	s22 =	sadd.s32 $0x2C10, s26  }
0x377: {  	[spmem:s4] =	stream.indirect.scatter.add.f32 [tilespmem:s25], [sflag:$0x3], $0x1, s22, s1, $0xb8;
	[tilespmem:$0x1ADB0] =	vst v63  }
0x378: {  	s26 =	sadd.s32 $0x2C60, s26  }
0x379: {  	[spmem:s4] =	stream.indirect.scatter.add.f32 [tilespmem:s25], [sflag:$0x3], $0x1, s26, s1, $0xb8;
	[tilespmem:$0x1ADB0] =	vst v63  }
0x37a: {  	_ =	swait.ge [sflag:s30], $0xA00  }
0x37b: {  	[sflag:s30] =	ssyncset.done $0x0  }
0x37c: {  	[sflag:s30] =	ssyncadd.s32 $0xFFFFF600  }
0x37d: {  	_ =	swait.ge [sflag:s30], $0xA00  }
0x37e: {  	[sflag:s30] =	ssyncset.done $0x0  }
0x37f: {  	[sflag:s30] =	ssyncadd.s32 $0xFFFFF600  }
0x380: {  	_ =	swait.ge [sflag:s30], $0xA00  }
0x381: {  	[sflag:s30] =	ssyncset.done $0x0  }
0x382: {  	[sflag:s30] =	ssyncadd.s32 $0xFFFFF600  }
0x383: {  	_ =	swait.ge [sflag:s30], $0xA00  }
0x384: {  	[sflag:s30] =	ssyncset.done $0x0  }
0x385: {  	[sflag:s30] =	ssyncadd.s32 $0xFFFFF600  }
0x386: {  	_ =	swait.ge [sflag:s30], $0xA00  }
0x387: {  	[sflag:s30] =	ssyncset.done $0x0  }
0x388: {  	[sflag:s30] =	ssyncadd.s32 $0xFFFFF600  }
0x389: {  	_ =	swait.ge [sflag:s30], $0xA00  }
0x38a: {  	[sflag:s30] =	ssyncset.done $0x0  }
0x38b: {  	[sflag:s30] =	ssyncadd.s32 $0xFFFFF600  }
0x38c: {  	_ =	swait.ge [sflag:s30], $0xA00  }
0x38d: {  	[sflag:s30] =	ssyncset.done $0x0  }
0x38e: {  	[sflag:s30] =	ssyncadd.s32 $0xFFFFF600  }
0x38f: {  	_ =	swait.ge [sflag:s30], $0xA00  }
0x390: {  	[sflag:s30] =	ssyncset.done $0x0  }
0x391: {  	[sflag:s30] =	ssyncadd.s32 $0xFFFFF600  }
0x392: {  	_ =	swait.ge [sflag:s30], $0xA00  }
0x393: {  	[sflag:s30] =	ssyncset.done $0x0  }
0x394: {  	[sflag:s30] =	ssyncadd.s32 $0xFFFFF600  }
0x395: {  	_ =	swait.ge [sflag:s30], $0xA00  }
0x396: {  	[sflag:s30] =	ssyncset.done $0x0  }
0x397: {  	[sflag:s30] =	ssyncadd.s32 $0xFFFFF600  }
0x398: {  	_ =	swait.ge [sflag:s30], $0xA00  }
0x399: {  	[sflag:s30] =	ssyncset.done $0x0  }
0x39a: {  	[sflag:s30] =	ssyncadd.s32 $0xFFFFF600  }
0x39b: {  	_ =	swait.ge [sflag:s30], $0xA00  }
0x39c: {  	[sflag:s30] =	ssyncset.done $0x0  }
0x39d: {  	[sflag:s30] =	ssyncadd.s32 $0xFFFFF600  }
0x39e: {  	_ =	swait.ge [sflag:s30], $0xA00  }
0x39f: {  	[sflag:s30] =	ssyncset.done $0x0  }
0x3a0: {  	[sflag:s30] =	ssyncadd.s32 $0xFFFFF600  }
0x3a1: {  	_ =	swait.ge [sflag:s30], $0xA00  }
0x3a2: {  	[sflag:s30] =	ssyncset.done $0x0  }
0x3a3: {  	[sflag:s30] =	ssyncadd.s32 $0xFFFFF600  }
0x3a4: {  	_ =	swait.ge [sflag:s30], $0xA00  }
0x3a5: {  	[sflag:s30] =	ssyncset.done $0x0  }
0x3a6: {  	[sflag:s30] =	ssyncadd.s32 $0xFFFFF600  }
0x3a7: {  	_ =	swait.ge [sflag:s30], $0xA00  }
0x3a8: {  	[sflag:s30] =	ssyncset.done $0x0  }
0x3a9: {  	[sflag:s30] =	ssyncadd.s32 $0xFFFFF600  }
0x3aa: {  	_ =	swait.ge [sflag:s30], $0xA00  }
0x3ab: {  	[sflag:s30] =	ssyncset.done $0x0  }
0x3ac: {  	[sflag:s30] =	ssyncadd.s32 $0xFFFFF600  }
0x3ad: {  	_ =	swait.ge [sflag:s30], $0xA00  }
0x3ae: {  	[sflag:s30] =	ssyncset.done $0x0  }
0x3af: {  	[sflag:s30] =	ssyncadd.s32 $0xFFFFF600  }
0x3b0: {  	s23 =	simm.s32 $0x4E20;
	s3 =	rddreg [dreg:$0x3]  }
0x3b1: {  	[spmem:s3] =	stream.indirect.scatter.add.f32 [tilespmem:s23], [sflag:$0x2], $0x20, s29, s1, $0xb8;
	[tilespmem:$0x1ADB0] =	vst v63  }
0x3b2: {  	s24 =	simm.s32 $0x5820  }
0x3b3: {  	[spmem:s3] =	stream.indirect.scatter.add.f32 [tilespmem:s24], [sflag:$0x2], $0x20, s6, s1, $0xb8;
	[tilespmem:$0x1ADB0] =	vst v63  }
0x3b4: {  	s6 =	simm.s32 $0x6220  }
0x3b5: {  	[spmem:s3] =	stream.indirect.scatter.add.f32 [tilespmem:s6], [sflag:$0x2], $0x20, s7, s1, $0xb8;
	[tilespmem:$0x1ADB0] =	vst v63  }
0x3b6: {  	s7 =	simm.s32 $0x6C20  }
0x3b7: {  	[spmem:s3] =	stream.indirect.scatter.add.f32 [tilespmem:s7], [sflag:$0x2], $0x20, s8, s1, $0xb8;
	[tilespmem:$0x1ADB0] =	vst v63  }
0x3b8: {  	s8 =	simm.s32 $0x7620  }
0x3b9: {  	[spmem:s3] =	stream.indirect.scatter.add.f32 [tilespmem:s8], [sflag:$0x2], $0x20, s9, s1, $0xb8;
	[tilespmem:$0x1ADB0] =	vst v63  }
0x3ba: {  	s9 =	simm.s32 $0x8020  }
0x3bb: {  	[spmem:s3] =	stream.indirect.scatter.add.f32 [tilespmem:s9], [sflag:$0x2], $0x20, s10, s1, $0xb8;
	[tilespmem:$0x1ADB0] =	vst v63  }
0x3bc: {  	s10 =	simm.s32 $0x8A20  }
0x3bd: {  	[spmem:s3] =	stream.indirect.scatter.add.f32 [tilespmem:s10], [sflag:$0x2], $0x20, s11, s1, $0xb8;
	[tilespmem:$0x1ADB0] =	vst v63  }
0x3be: {  	s11 =	simm.s32 $0x9420  }
0x3bf: {  	[spmem:s3] =	stream.indirect.scatter.add.f32 [tilespmem:s11], [sflag:$0x2], $0x20, s12, s1, $0xb8;
	[tilespmem:$0x1ADB0] =	vst v63  }
0x3c0: {  	s12 =	simm.s32 $0x9E20  }
0x3c1: {  	[spmem:s3] =	stream.indirect.scatter.add.f32 [tilespmem:s12], [sflag:$0x2], $0x20, s13, s1, $0xb8;
	[tilespmem:$0x1ADB0] =	vst v63  }
0x3c2: {  	s13 =	simm.s32 $0xA820  }
0x3c3: {  	[spmem:s3] =	stream.indirect.scatter.add.f32 [tilespmem:s13], [sflag:$0x2], $0x20, s14, s1, $0xb8;
	[tilespmem:$0x1ADB0] =	vst v63  }
0x3c4: {  	s14 =	simm.s32 $0xB220  }
0x3c5: {  	[spmem:s3] =	stream.indirect.scatter.add.f32 [tilespmem:s14], [sflag:$0x2], $0x20, s15, s1, $0xb8;
	[tilespmem:$0x1ADB0] =	vst v63  }
0x3c6: {  	s15 =	simm.s32 $0xBC20  }
0x3c7: {  	[spmem:s3] =	stream.indirect.scatter.add.f32 [tilespmem:s15], [sflag:$0x2], $0x20, s16, s1, $0xb8;
	[tilespmem:$0x1ADB0] =	vst v63  }
0x3c8: {  	s16 =	simm.s32 $0xC620  }
0x3c9: {  	[spmem:s3] =	stream.indirect.scatter.add.f32 [tilespmem:s16], [sflag:$0x2], $0x20, s17, s1, $0xb8;
	[tilespmem:$0x1ADB0] =	vst v63  }
0x3ca: {  	s17 =	simm.s32 $0xD020  }
0x3cb: {  	[spmem:s3] =	stream.indirect.scatter.add.f32 [tilespmem:s17], [sflag:$0x2], $0x20, s18, s1, $0xb8;
	[tilespmem:$0x1ADB0] =	vst v63  }
0x3cc: {  	s18 =	simm.s32 $0xDA20  }
0x3cd: {  	[spmem:s3] =	stream.indirect.scatter.add.f32 [tilespmem:s18], [sflag:$0x2], $0x20, s19, s1, $0xb8;
	[tilespmem:$0x1ADB0] =	vst v63  }
0x3ce: {  	s23 =	simm.s32 $0xE420  }
0x3cf: {  	[spmem:s3] =	stream.indirect.scatter.add.f32 [tilespmem:s23], [sflag:$0x2], $0x20, s20, s1, $0xb8;
	[tilespmem:$0x1ADB0] =	vst v63  }
0x3d0: {  	s19 =	simm.s32 $0xEE20  }
0x3d1: {  	[spmem:s3] =	stream.indirect.scatter.add.f32 [tilespmem:s19], [sflag:$0x2], $0x20, s22, s1, $0xb8;
	[tilespmem:$0x1ADB0] =	vst v63  }
0x3d2: {  	_ = 	snop  }
0x3d3: {  	[spmem:s3] =	stream.indirect.scatter.add.f32 [tilespmem:s28], [sflag:$0x2], $0x20, s26, s1, $0xb8;
	[tilespmem:$0x1ADB0] =	vst v63  }
0x3d4: {  	_ =	swait.ge [sflag:s31], $0xA00  }
0x3d5: {  	[sflag:s31] =	ssyncset.done $0x0  }
0x3d6: {  	[sflag:s31] =	ssyncadd.s32 $0xFFFFF600  }
0x3d7: {  	_ =	swait.ge [sflag:s31], $0xA00  }
0x3d8: {  	[sflag:s31] =	ssyncset.done $0x0  }
0x3d9: {  	[sflag:s31] =	ssyncadd.s32 $0xFFFFF600  }
0x3da: {  	_ =	swait.ge [sflag:s31], $0xA00  }
0x3db: {  	[sflag:s31] =	ssyncset.done $0x0  }
0x3dc: {  	[sflag:s31] =	ssyncadd.s32 $0xFFFFF600  }
0x3dd: {  	_ =	swait.ge [sflag:s31], $0xA00  }
0x3de: {  	[sflag:s31] =	ssyncset.done $0x0  }
0x3df: {  	[sflag:s31] =	ssyncadd.s32 $0xFFFFF600  }
0x3e0: {  	_ =	swait.ge [sflag:s31], $0xA00  }
0x3e1: {  	[sflag:s31] =	ssyncset.done $0x0  }
0x3e2: {  	[sflag:s31] =	ssyncadd.s32 $0xFFFFF600  }
0x3e3: {  	_ =	swait.ge [sflag:s31], $0xA00  }
0x3e4: {  	[sflag:s31] =	ssyncset.done $0x0  }
0x3e5: {  	[sflag:s31] =	ssyncadd.s32 $0xFFFFF600  }
0x3e6: {  	_ =	swait.ge [sflag:s31], $0xA00  }
0x3e7: {  	[sflag:s31] =	ssyncset.done $0x0  }
0x3e8: {  	[sflag:s31] =	ssyncadd.s32 $0xFFFFF600  }
0x3e9: {  	_ =	swait.ge [sflag:s31], $0xA00  }
0x3ea: {  	[sflag:s31] =	ssyncset.done $0x0  }
0x3eb: {  	[sflag:s31] =	ssyncadd.s32 $0xFFFFF600  }
0x3ec: {  	_ =	swait.ge [sflag:s31], $0xA00  }
0x3ed: {  	[sflag:s31] =	ssyncset.done $0x0  }
0x3ee: {  	[sflag:s31] =	ssyncadd.s32 $0xFFFFF600  }
0x3ef: {  	_ =	swait.ge [sflag:s31], $0xA00  }
0x3f0: {  	[sflag:s31] =	ssyncset.done $0x0  }
0x3f1: {  	[sflag:s31] =	ssyncadd.s32 $0xFFFFF600  }
0x3f2: {  	_ =	swait.ge [sflag:s31], $0xA00  }
0x3f3: {  	[sflag:s31] =	ssyncset.done $0x0  }
0x3f4: {  	[sflag:s31] =	ssyncadd.s32 $0xFFFFF600  }
0x3f5: {  	_ =	swait.ge [sflag:s31], $0xA00  }
0x3f6: {  	[sflag:s31] =	ssyncset.done $0x0  }
0x3f7: {  	[sflag:s31] =	ssyncadd.s32 $0xFFFFF600  }
0x3f8: {  	_ =	swait.ge [sflag:s31], $0xA00  }
0x3f9: {  	[sflag:s31] =	ssyncset.done $0x0  }
0x3fa: {  	[sflag:s31] =	ssyncadd.s32 $0xFFFFF600  }
0x3fb: {  	_ =	swait.ge [sflag:s31], $0xA00  }
0x3fc: {  	[sflag:s31] =	ssyncset.done $0x0  }
0x3fd: {  	[sflag:s31] =	ssyncadd.s32 $0xFFFFF600  }
0x3fe: {  	_ =	swait.ge [sflag:s31], $0xA00  }
0x3ff: {  	[sflag:s31] =	ssyncset.done $0x0  }
0x400: {  	[sflag:s31] =	ssyncadd.s32 $0xFFFFF600  }
0x401: {  	_ =	swait.ge [sflag:s31], $0xA00  }
0x402: {  	[sflag:s31] =	ssyncset.done $0x0  }
0x403: {  	[sflag:s31] =	ssyncadd.s32 $0xFFFFF600  }
0x404: {  	_ =	swait.ge [sflag:s31], $0xA00  }
0x405: {  	[sflag:s31] =	ssyncset.done $0x0  }
0x406: {  	[sflag:s31] =	ssyncadd.s32 $0xFFFFF600  }
0x407: {  	_ =	swait.ge [sflag:s31], $0xA00  }
0x408: {  	[sflag:s31] =	ssyncset.done $0x0  }
0x409: {  	[sflag:s31] =	ssyncadd.s32 $0xFFFFF600  }
0x40a: {  	_ =	swait.ge [sflag:s0], $0x50  }
0x40b: {  	[sflag:s0] =	ssyncset.done $0x0  }
0x40c: {  	[sflag:s0] =	ssyncadd.s32 $0xFFFFFFB0  }
0x40d: {  	_ =	swait.ge [sflag:s0], $0x50  }
0x40e: {  	[sflag:s0] =	ssyncset.done $0x0  }
0x40f: {  	[sflag:s0] =	ssyncadd.s32 $0xFFFFFFB0  }
0x410: {  	_ =	swait.ge [sflag:s0], $0x50  }
0x411: {  	[sflag:s0] =	ssyncset.done $0x0  }
0x412: {  	[sflag:s0] =	ssyncadd.s32 $0xFFFFFFB0  }
0x413: {  	_ =	swait.ge [sflag:s0], $0x50  }
0x414: {  	[sflag:s0] =	ssyncset.done $0x0  }
0x415: {  	[sflag:s0] =	ssyncadd.s32 $0xFFFFFFB0  }
0x416: {  	_ =	swait.ge [sflag:s0], $0x50  }
0x417: {  	[sflag:s0] =	ssyncset.done $0x0  }
0x418: {  	[sflag:s0] =	ssyncadd.s32 $0xFFFFFFB0  }
0x419: {  	_ =	swait.ge [sflag:s0], $0x50  }
0x41a: {  	[sflag:s0] =	ssyncset.done $0x0  }
0x41b: {  	[sflag:s0] =	ssyncadd.s32 $0xFFFFFFB0  }
0x41c: {  	_ =	swait.ge [sflag:s0], $0x50  }
0x41d: {  	[sflag:s0] =	ssyncset.done $0x0  }
0x41e: {  	[sflag:s0] =	ssyncadd.s32 $0xFFFFFFB0  }
0x41f: {  	_ =	swait.ge [sflag:s0], $0x50  }
0x420: {  	[sflag:s0] =	ssyncset.done $0x0  }
0x421: {  	[sflag:s0] =	ssyncadd.s32 $0xFFFFFFB0  }
0x422: {  	_ =	swait.ge [sflag:s0], $0x50  }
0x423: {  	[sflag:s0] =	ssyncset.done $0x0  }
0x424: {  	[sflag:s0] =	ssyncadd.s32 $0xFFFFFFB0  }
0x425: {  	_ =	swait.ge [sflag:s0], $0x50  }
0x426: {  	[sflag:s0] =	ssyncset.done $0x0  }
0x427: {  	[sflag:s0] =	ssyncadd.s32 $0xFFFFFFB0  }
0x428: {  	_ =	swait.ge [sflag:s0], $0x50  }
0x429: {  	[sflag:s0] =	ssyncset.done $0x0  }
0x42a: {  	[sflag:s0] =	ssyncadd.s32 $0xFFFFFFB0  }
0x42b: {  	_ =	swait.ge [sflag:s0], $0x50  }
0x42c: {  	[sflag:s0] =	ssyncset.done $0x0  }
0x42d: {  	[sflag:s0] =	ssyncadd.s32 $0xFFFFFFB0  }
0x42e: {  	_ =	swait.ge [sflag:s0], $0x50  }
0x42f: {  	[sflag:s0] =	ssyncset.done $0x0  }
0x430: {  	[sflag:s0] =	ssyncadd.s32 $0xFFFFFFB0  }
0x431: {  	_ =	swait.ge [sflag:s0], $0x50  }
0x432: {  	[sflag:s0] =	ssyncset.done $0x0  }
0x433: {  	[sflag:s0] =	ssyncadd.s32 $0xFFFFFFB0  }
0x434: {  	_ =	swait.ge [sflag:s0], $0x50  }
0x435: {  	[sflag:s0] =	ssyncset.done $0x0  }
0x436: {  	[sflag:s0] =	ssyncadd.s32 $0xFFFFFFB0  }
0x437: {  	_ =	swait.ge [sflag:s0], $0x50  }
0x438: {  	[sflag:s0] =	ssyncset.done $0x0  }
0x439: {  	[sflag:s0] =	ssyncadd.s32 $0xFFFFFFB0  }
0x43a: {  	_ =	swait.ge [sflag:s0], $0x50  }
0x43b: {  	[sflag:s0] =	ssyncset.done $0x0  }
0x43c: {  	[sflag:s0] =	ssyncadd.s32 $0xFFFFFFB0  }
0x43d: {  	_ =	swait.ge [sflag:s0], $0x50  }
0x43e: {  	[sflag:s0] =	ssyncset.done $0x0  }
0x43f: {  	s22 =	simm.s32 $0x4E20;
	s26 =	simm.s32 $0x21C0;
	[sflag:s0] =	ssyncadd.s32 $0xFFFFFFB0  }
0x440: {  	[tilespmem:s22], [sflag:$0x1] =	stream.indirect.gather [spmem:s21], $0x20, s26, s1, $0xb8;
	[tilespmem:$0x1ADB0] =	vst v63  }
0x441: {  	s28 =	simm.s32 $0x2210;
	s26 =	simm.s32 $0x5820  }
0x442: {  	[tilespmem:s26], [sflag:$0x1] =	stream.indirect.gather [spmem:s21], $0x20, s28, s1, $0xb8;
	[tilespmem:$0x1ADB0] =	vst v63  }
0x443: {  	s29 =	simm.s32 $0x2260  }
0x444: {  	[tilespmem:s6], [sflag:$0x1] =	stream.indirect.gather [spmem:s21], $0x20, s29, s1, $0xb8;
	[tilespmem:$0x1ADB0] =	vst v63  }
0x445: {  	s5 =	simm.s32 $0x22B0  }
0x446: {  	[tilespmem:s7], [sflag:$0x1] =	stream.indirect.gather [spmem:s21], $0x20, s5, s1, $0xb8;
	[tilespmem:$0x1ADB0] =	vst v63  }
0x447: {  	s6 =	simm.s32 $0x2300  }
0x448: {  	[tilespmem:s8], [sflag:$0x1] =	stream.indirect.gather [spmem:s21], $0x20, s6, s1, $0xb8;
	[tilespmem:$0x1ADB0] =	vst v63  }
0x449: {  	s7 =	simm.s32 $0x2350  }
0x44a: {  	[tilespmem:s9], [sflag:$0x1] =	stream.indirect.gather [spmem:s21], $0x20, s7, s1, $0xb8;
	[tilespmem:$0x1ADB0] =	vst v63  }
0x44b: {  	s8 =	simm.s32 $0x23A0  }
0x44c: {  	[tilespmem:s10], [sflag:$0x1] =	stream.indirect.gather [spmem:s21], $0x20, s8, s1, $0xb8;
	[tilespmem:$0x1ADB0] =	vst v63  }
0x44d: {  	s9 =	simm.s32 $0x23F0  }
0x44e: {  	[tilespmem:s11], [sflag:$0x1] =	stream.indirect.gather [spmem:s21], $0x20, s9, s1, $0xb8;
	[tilespmem:$0x1ADB0] =	vst v63  }
0x44f: {  	s10 =	simm.s32 $0x2440  }
0x450: {  	[tilespmem:s12], [sflag:$0x1] =	stream.indirect.gather [spmem:s21], $0x20, s10, s1, $0xb8;
	[tilespmem:$0x1ADB0] =	vst v63  }
0x451: {  	s11 =	simm.s32 $0x2490  }
0x452: {  	[tilespmem:s13], [sflag:$0x1] =	stream.indirect.gather [spmem:s21], $0x20, s11, s1, $0xb8;
	[tilespmem:$0x1ADB0] =	vst v63  }
0x453: {  	s12 =	simm.s32 $0x24E0  }
0x454: {  	[tilespmem:s14], [sflag:$0x1] =	stream.indirect.gather [spmem:s21], $0x20, s12, s1, $0xb8;
	[tilespmem:$0x1ADB0] =	vst v63  }
0x455: {  	s13 =	simm.s32 $0x2530  }
0x456: {  	[tilespmem:s15], [sflag:$0x1] =	stream.indirect.gather [spmem:s21], $0x20, s13, s1, $0xb8;
	[tilespmem:$0x1ADB0] =	vst v63  }
0x457: {  	s14 =	simm.s32 $0x2580  }
0x458: {  	[tilespmem:s16], [sflag:$0x1] =	stream.indirect.gather [spmem:s21], $0x20, s14, s1, $0xb8;
	[tilespmem:$0x1ADB0] =	vst v63  }
0x459: {  	s15 =	simm.s32 $0x25D0  }
0x45a: {  	[tilespmem:s17], [sflag:$0x1] =	stream.indirect.gather [spmem:s21], $0x20, s15, s1, $0xb8;
	[tilespmem:$0x1ADB0] =	vst v63  }
0x45b: {  	s16 =	simm.s32 $0x2620  }
0x45c: {  	[tilespmem:s18], [sflag:$0x1] =	stream.indirect.gather [spmem:s21], $0x20, s16, s1, $0xb8;
	[tilespmem:$0x1ADB0] =	vst v63  }
0x45d: {  	s17 =	simm.s32 $0x2670  }
0x45e: {  	[tilespmem:s23], [sflag:$0x1] =	stream.indirect.gather [spmem:s21], $0x20, s17, s1, $0xb8;
	[tilespmem:$0x1ADB0] =	vst v63  }
0x45f: {  	s20 =	simm.s32 $0x26C0  }
0x460: {  	[tilespmem:s19], [sflag:$0x1] =	stream.indirect.gather [spmem:s21], $0x20, s20, s1, $0xb8;
	[tilespmem:$0x1ADB0] =	vst v63  }
0x461: {  	s2 =	simm.s32 $0x48D0  }
0x462: {  	[spmem:s4] =	stream.indirect.scatter.add.f32 [tilespmem:s25], [sflag:$0x3], $0x1, s2, s1, $0xb8;
	[tilespmem:$0x1ADB0] =	vst v63  }
0x463: {  	s5 =	simm.s32 $0x4920  }
0x464: {  	[spmem:s4] =	stream.indirect.scatter.add.f32 [tilespmem:s25], [sflag:$0x3], $0x1, s5, s1, $0xb8;
	[tilespmem:$0x1ADB0] =	vst v63  }
0x465: {  	s6 =	simm.s32 $0x4970  }
0x466: {  	[spmem:s4] =	stream.indirect.scatter.add.f32 [tilespmem:s25], [sflag:$0x3], $0x1, s6, s1, $0xb8;
	[tilespmem:$0x1ADB0] =	vst v63  }
0x467: {  	s7 =	simm.s32 $0x49C0  }
0x468: {  	[spmem:s4] =	stream.indirect.scatter.add.f32 [tilespmem:s25], [sflag:$0x3], $0x1, s7, s1, $0xb8;
	[tilespmem:$0x1ADB0] =	vst v63  }
0x469: {  	s8 =	simm.s32 $0x4A10  }
0x46a: {  	[spmem:s4] =	stream.indirect.scatter.add.f32 [tilespmem:s25], [sflag:$0x3], $0x1, s8, s1, $0xb8;
	[tilespmem:$0x1ADB0] =	vst v63  }
0x46b: {  	s9 =	simm.s32 $0x4A60  }
0x46c: {  	[spmem:s4] =	stream.indirect.scatter.add.f32 [tilespmem:s25], [sflag:$0x3], $0x1, s9, s1, $0xb8;
	[tilespmem:$0x1ADB0] =	vst v63  }
0x46d: {  	s10 =	simm.s32 $0x4AB0  }
0x46e: {  	[spmem:s4] =	stream.indirect.scatter.add.f32 [tilespmem:s25], [sflag:$0x3], $0x1, s10, s1, $0xb8;
	[tilespmem:$0x1ADB0] =	vst v63  }
0x46f: {  	s11 =	simm.s32 $0x4B00  }
0x470: {  	[spmem:s4] =	stream.indirect.scatter.add.f32 [tilespmem:s25], [sflag:$0x3], $0x1, s11, s1, $0xb8;
	[tilespmem:$0x1ADB0] =	vst v63  }
0x471: {  	s12 =	simm.s32 $0x4B50  }
0x472: {  	[spmem:s4] =	stream.indirect.scatter.add.f32 [tilespmem:s25], [sflag:$0x3], $0x1, s12, s1, $0xb8;
	[tilespmem:$0x1ADB0] =	vst v63  }
0x473: {  	s13 =	simm.s32 $0x4BA0  }
0x474: {  	[spmem:s4] =	stream.indirect.scatter.add.f32 [tilespmem:s25], [sflag:$0x3], $0x1, s13, s1, $0xb8;
	[tilespmem:$0x1ADB0] =	vst v63  }
0x475: {  	s14 =	simm.s32 $0x4BF0  }
0x476: {  	[spmem:s4] =	stream.indirect.scatter.add.f32 [tilespmem:s25], [sflag:$0x3], $0x1, s14, s1, $0xb8;
	[tilespmem:$0x1ADB0] =	vst v63  }
0x477: {  	s15 =	simm.s32 $0x4C40  }
0x478: {  	[spmem:s4] =	stream.indirect.scatter.add.f32 [tilespmem:s25], [sflag:$0x3], $0x1, s15, s1, $0xb8;
	[tilespmem:$0x1ADB0] =	vst v63  }
0x479: {  	s16 =	simm.s32 $0x4C90  }
0x47a: {  	[spmem:s4] =	stream.indirect.scatter.add.f32 [tilespmem:s25], [sflag:$0x3], $0x1, s16, s1, $0xb8;
	[tilespmem:$0x1ADB0] =	vst v63  }
0x47b: {  	s17 =	simm.s32 $0x4CE0  }
0x47c: {  	[spmem:s4] =	stream.indirect.scatter.add.f32 [tilespmem:s25], [sflag:$0x3], $0x1, s17, s1, $0xb8;
	[tilespmem:$0x1ADB0] =	vst v63  }
0x47d: {  	s18 =	simm.s32 $0x4D30  }
0x47e: {  	[spmem:s4] =	stream.indirect.scatter.add.f32 [tilespmem:s25], [sflag:$0x3], $0x1, s18, s1, $0xb8;
	[tilespmem:$0x1ADB0] =	vst v63  }
0x47f: {  	s19 =	simm.s32 $0x4D80  }
0x480: {  	[spmem:s4] =	stream.indirect.scatter.add.f32 [tilespmem:s25], [sflag:$0x3], $0x1, s19, s1, $0xb8;
	[tilespmem:$0x1ADB0] =	vst v63  }
0x481: {  	s20 =	simm.s32 $0x4DD0  }
0x482: {  	[spmem:s4] =	stream.indirect.scatter.add.f32 [tilespmem:s25], [sflag:$0x3], $0x1, s20, s1, $0xb8;
	[tilespmem:$0x1ADB0] =	vst v63  }
0x483: {  	_ =	swait.ge [sflag:s30], $0xA00  }
0x484: {  	[sflag:s30] =	ssyncset.done $0x0  }
0x485: {  	[sflag:s30] =	ssyncadd.s32 $0xFFFFF600  }
0x486: {  	_ =	swait.ge [sflag:s30], $0xA00  }
0x487: {  	[sflag:s30] =	ssyncset.done $0x0  }
0x488: {  	[sflag:s30] =	ssyncadd.s32 $0xFFFFF600  }
0x489: {  	_ =	swait.ge [sflag:s30], $0xA00  }
0x48a: {  	[sflag:s30] =	ssyncset.done $0x0  }
0x48b: {  	[sflag:s30] =	ssyncadd.s32 $0xFFFFF600  }
0x48c: {  	_ =	swait.ge [sflag:s30], $0xA00  }
0x48d: {  	[sflag:s30] =	ssyncset.done $0x0  }
0x48e: {  	[sflag:s30] =	ssyncadd.s32 $0xFFFFF600  }
0x48f: {  	_ =	swait.ge [sflag:s30], $0xA00  }
0x490: {  	[sflag:s30] =	ssyncset.done $0x0  }
0x491: {  	[sflag:s30] =	ssyncadd.s32 $0xFFFFF600  }
0x492: {  	_ =	swait.ge [sflag:s30], $0xA00  }
0x493: {  	[sflag:s30] =	ssyncset.done $0x0  }
0x494: {  	[sflag:s30] =	ssyncadd.s32 $0xFFFFF600  }
0x495: {  	_ =	swait.ge [sflag:s30], $0xA00  }
0x496: {  	[sflag:s30] =	ssyncset.done $0x0  }
0x497: {  	[sflag:s30] =	ssyncadd.s32 $0xFFFFF600  }
0x498: {  	_ =	swait.ge [sflag:s30], $0xA00  }
0x499: {  	[sflag:s30] =	ssyncset.done $0x0  }
0x49a: {  	[sflag:s30] =	ssyncadd.s32 $0xFFFFF600  }
0x49b: {  	_ =	swait.ge [sflag:s30], $0xA00  }
0x49c: {  	[sflag:s30] =	ssyncset.done $0x0  }
0x49d: {  	[sflag:s30] =	ssyncadd.s32 $0xFFFFF600  }
0x49e: {  	_ =	swait.ge [sflag:s30], $0xA00  }
0x49f: {  	[sflag:s30] =	ssyncset.done $0x0  }
0x4a0: {  	[sflag:s30] =	ssyncadd.s32 $0xFFFFF600  }
0x4a1: {  	_ =	swait.ge [sflag:s30], $0xA00  }
0x4a2: {  	[sflag:s30] =	ssyncset.done $0x0  }
0x4a3: {  	[sflag:s30] =	ssyncadd.s32 $0xFFFFF600  }
0x4a4: {  	_ =	swait.ge [sflag:s30], $0xA00  }
0x4a5: {  	[sflag:s30] =	ssyncset.done $0x0  }
0x4a6: {  	[sflag:s30] =	ssyncadd.s32 $0xFFFFF600  }
0x4a7: {  	_ =	swait.ge [sflag:s30], $0xA00  }
0x4a8: {  	[sflag:s30] =	ssyncset.done $0x0  }
0x4a9: {  	[sflag:s30] =	ssyncadd.s32 $0xFFFFF600  }
0x4aa: {  	_ =	swait.ge [sflag:s30], $0xA00  }
0x4ab: {  	[sflag:s30] =	ssyncset.done $0x0  }
0x4ac: {  	[sflag:s30] =	ssyncadd.s32 $0xFFFFF600  }
0x4ad: {  	_ =	swait.ge [sflag:s30], $0xA00  }
0x4ae: {  	[sflag:s30] =	ssyncset.done $0x0  }
0x4af: {  	[sflag:s30] =	ssyncadd.s32 $0xFFFFF600  }
0x4b0: {  	_ =	swait.ge [sflag:s30], $0xA00  }
0x4b1: {  	[sflag:s30] =	ssyncset.done $0x0  }
0x4b2: {  	[sflag:s30] =	ssyncadd.s32 $0xFFFFF600  }
0x4b3: {  	_ =	swait.ge [sflag:s30], $0xA00  }
0x4b4: {  	[sflag:s30] =	ssyncset.done $0x0  }
0x4b5: {  	[sflag:s30] =	ssyncadd.s32 $0xFFFFF600  }
0x4b6: {  	[spmem:s3] =	stream.indirect.scatter.add.f32 [tilespmem:s22], [sflag:$0x2], $0x20, s2, s1, $0xb8;
	[tilespmem:$0x1ADB0] =	vst v63  }
0x4b7: {  	_ = 	snop  }
0x4b8: {  	[spmem:s3] =	stream.indirect.scatter.add.f32 [tilespmem:s26], [sflag:$0x2], $0x20, s5, s1, $0xb8;
	[tilespmem:$0x1ADB0] =	vst v63  }
0x4b9: {  	s5 =	simm.s32 $0x6220  }
0x4ba: {  	[spmem:s3] =	stream.indirect.scatter.add.f32 [tilespmem:s5], [sflag:$0x2], $0x20, s6, s1, $0xb8;
	[tilespmem:$0x1ADB0] =	vst v63  }
0x4bb: {  	s24 =	simm.s32 $0x6C20  }
0x4bc: {  	[spmem:s3] =	stream.indirect.scatter.add.f32 [tilespmem:s24], [sflag:$0x2], $0x20, s7, s1, $0xb8;
	[tilespmem:$0x1ADB0] =	vst v63  }
0x4bd: {  	s28 =	simm.s32 $0x7620  }
0x4be: {  	[spmem:s3] =	stream.indirect.scatter.add.f32 [tilespmem:s28], [sflag:$0x2], $0x20, s8, s1, $0xb8;
	[tilespmem:$0x1ADB0] =	vst v63  }
0x4bf: {  	s29 =	simm.s32 $0x8020  }
0x4c0: {  	[spmem:s3] =	stream.indirect.scatter.add.f32 [tilespmem:s29], [sflag:$0x2], $0x20, s9, s1, $0xb8;
	[tilespmem:$0x1ADB0] =	vst v63  }
0x4c1: {  	s9 =	simm.s32 $0x8A20  }
0x4c2: {  	[spmem:s3] =	stream.indirect.scatter.add.f32 [tilespmem:s9], [sflag:$0x2], $0x20, s10, s1, $0xb8;
	[tilespmem:$0x1ADB0] =	vst v63  }
0x4c3: {  	s10 =	simm.s32 $0x9420  }
0x4c4: {  	[spmem:s3] =	stream.indirect.scatter.add.f32 [tilespmem:s10], [sflag:$0x2], $0x20, s11, s1, $0xb8;
	[tilespmem:$0x1ADB0] =	vst v63  }
0x4c5: {  	s11 =	simm.s32 $0x9E20  }
0x4c6: {  	[spmem:s3] =	stream.indirect.scatter.add.f32 [tilespmem:s11], [sflag:$0x2], $0x20, s12, s1, $0xb8;
	[tilespmem:$0x1ADB0] =	vst v63  }
0x4c7: {  	s12 =	simm.s32 $0xA820  }
0x4c8: {  	[spmem:s3] =	stream.indirect.scatter.add.f32 [tilespmem:s12], [sflag:$0x2], $0x20, s13, s1, $0xb8;
	[tilespmem:$0x1ADB0] =	vst v63  }
0x4c9: {  	s13 =	simm.s32 $0xB220  }
0x4ca: {  	[spmem:s3] =	stream.indirect.scatter.add.f32 [tilespmem:s13], [sflag:$0x2], $0x20, s14, s1, $0xb8;
	[tilespmem:$0x1ADB0] =	vst v63  }
0x4cb: {  	s14 =	simm.s32 $0xBC20  }
0x4cc: {  	[spmem:s3] =	stream.indirect.scatter.add.f32 [tilespmem:s14], [sflag:$0x2], $0x20, s15, s1, $0xb8;
	[tilespmem:$0x1ADB0] =	vst v63  }
0x4cd: {  	s15 =	simm.s32 $0xC620  }
0x4ce: {  	[spmem:s3] =	stream.indirect.scatter.add.f32 [tilespmem:s15], [sflag:$0x2], $0x20, s16, s1, $0xb8;
	[tilespmem:$0x1ADB0] =	vst v63  }
0x4cf: {  	s16 =	simm.s32 $0xD020  }
0x4d0: {  	[spmem:s3] =	stream.indirect.scatter.add.f32 [tilespmem:s16], [sflag:$0x2], $0x20, s17, s1, $0xb8;
	[tilespmem:$0x1ADB0] =	vst v63  }
0x4d1: {  	s17 =	simm.s32 $0xDA20  }
0x4d2: {  	[spmem:s3] =	stream.indirect.scatter.add.f32 [tilespmem:s17], [sflag:$0x2], $0x20, s18, s1, $0xb8;
	[tilespmem:$0x1ADB0] =	vst v63  }
0x4d3: {  	s23 =	simm.s32 $0xE420  }
0x4d4: {  	[spmem:s3] =	stream.indirect.scatter.add.f32 [tilespmem:s23], [sflag:$0x2], $0x20, s19, s1, $0xb8;
	[tilespmem:$0x1ADB0] =	vst v63  }
0x4d5: {  	s21 =	simm.s32 $0xEE20  }
0x4d6: {  	[spmem:s3] =	stream.indirect.scatter.add.f32 [tilespmem:s21], [sflag:$0x2], $0x20, s20, s1, $0xb8;
	[tilespmem:$0x1ADB0] =	vst v63  }
0x4d7: {  	_ =	swait.ge [sflag:s31], $0xA00  }
0x4d8: {  	[sflag:s31] =	ssyncset.done $0x0  }
0x4d9: {  	[sflag:s31] =	ssyncadd.s32 $0xFFFFF600  }
0x4da: {  	_ =	swait.ge [sflag:s31], $0xA00  }
0x4db: {  	[sflag:s31] =	ssyncset.done $0x0  }
0x4dc: {  	[sflag:s31] =	ssyncadd.s32 $0xFFFFF600  }
0x4dd: {  	_ =	swait.ge [sflag:s31], $0xA00  }
0x4de: {  	[sflag:s31] =	ssyncset.done $0x0  }
0x4df: {  	[sflag:s31] =	ssyncadd.s32 $0xFFFFF600  }
0x4e0: {  	_ =	swait.ge [sflag:s31], $0xA00  }
0x4e1: {  	[sflag:s31] =	ssyncset.done $0x0  }
0x4e2: {  	[sflag:s31] =	ssyncadd.s32 $0xFFFFF600  }
0x4e3: {  	_ =	swait.ge [sflag:s31], $0xA00  }
0x4e4: {  	[sflag:s31] =	ssyncset.done $0x0  }
0x4e5: {  	[sflag:s31] =	ssyncadd.s32 $0xFFFFF600  }
0x4e6: {  	_ =	swait.ge [sflag:s31], $0xA00  }
0x4e7: {  	[sflag:s31] =	ssyncset.done $0x0  }
0x4e8: {  	[sflag:s31] =	ssyncadd.s32 $0xFFFFF600  }
0x4e9: {  	_ =	swait.ge [sflag:s31], $0xA00  }
0x4ea: {  	[sflag:s31] =	ssyncset.done $0x0  }
0x4eb: {  	[sflag:s31] =	ssyncadd.s32 $0xFFFFF600  }
0x4ec: {  	_ =	swait.ge [sflag:s31], $0xA00  }
0x4ed: {  	[sflag:s31] =	ssyncset.done $0x0  }
0x4ee: {  	[sflag:s31] =	ssyncadd.s32 $0xFFFFF600  }
0x4ef: {  	_ =	swait.ge [sflag:s31], $0xA00  }
0x4f0: {  	[sflag:s31] =	ssyncset.done $0x0  }
0x4f1: {  	[sflag:s31] =	ssyncadd.s32 $0xFFFFF600  }
0x4f2: {  	_ =	swait.ge [sflag:s31], $0xA00  }
0x4f3: {  	[sflag:s31] =	ssyncset.done $0x0  }
0x4f4: {  	[sflag:s31] =	ssyncadd.s32 $0xFFFFF600  }
0x4f5: {  	_ =	swait.ge [sflag:s31], $0xA00  }
0x4f6: {  	[sflag:s31] =	ssyncset.done $0x0  }
0x4f7: {  	[sflag:s31] =	ssyncadd.s32 $0xFFFFF600  }
0x4f8: {  	_ =	swait.ge [sflag:s31], $0xA00  }
0x4f9: {  	[sflag:s31] =	ssyncset.done $0x0  }
0x4fa: {  	[sflag:s31] =	ssyncadd.s32 $0xFFFFF600  }
0x4fb: {  	_ =	swait.ge [sflag:s31], $0xA00  }
0x4fc: {  	[sflag:s31] =	ssyncset.done $0x0  }
0x4fd: {  	[sflag:s31] =	ssyncadd.s32 $0xFFFFF600  }
0x4fe: {  	_ =	swait.ge [sflag:s31], $0xA00  }
0x4ff: {  	[sflag:s31] =	ssyncset.done $0x0  }
0x500: {  	[sflag:s31] =	ssyncadd.s32 $0xFFFFF600  }
0x501: {  	_ =	swait.ge [sflag:s31], $0xA00  }
0x502: {  	[sflag:s31] =	ssyncset.done $0x0  }
0x503: {  	[sflag:s31] =	ssyncadd.s32 $0xFFFFF600  }
0x504: {  	_ =	swait.ge [sflag:s31], $0xA00  }
0x505: {  	[sflag:s31] =	ssyncset.done $0x0  }
0x506: {  	[sflag:s31] =	ssyncadd.s32 $0xFFFFF600  }
0x507: {  	_ =	swait.ge [sflag:s31], $0xA00  }
0x508: {  	[sflag:s31] =	ssyncset.done $0x0  }
0x509: {  	[sflag:s31] =	ssyncadd.s32 $0xFFFFF600  }
0x50a: {  	_ =	swait.ge [sflag:s0], $0x50  }
0x50b: {  	[sflag:s0] =	ssyncset.done $0x0  }
0x50c: {  	[sflag:s0] =	ssyncadd.s32 $0xFFFFFFB0  }
0x50d: {  	_ =	swait.ge [sflag:s0], $0x50  }
0x50e: {  	[sflag:s0] =	ssyncset.done $0x0  }
0x50f: {  	[sflag:s0] =	ssyncadd.s32 $0xFFFFFFB0  }
0x510: {  	_ =	swait.ge [sflag:s0], $0x50  }
0x511: {  	[sflag:s0] =	ssyncset.done $0x0  }
0x512: {  	[sflag:s0] =	ssyncadd.s32 $0xFFFFFFB0  }
0x513: {  	_ =	swait.ge [sflag:s0], $0x50  }
0x514: {  	[sflag:s0] =	ssyncset.done $0x0  }
0x515: {  	[sflag:s0] =	ssyncadd.s32 $0xFFFFFFB0  }
0x516: {  	_ =	swait.ge [sflag:s0], $0x50  }
0x517: {  	[sflag:s0] =	ssyncset.done $0x0  }
0x518: {  	[sflag:s0] =	ssyncadd.s32 $0xFFFFFFB0  }
0x519: {  	_ =	swait.ge [sflag:s0], $0x50  }
0x51a: {  	[sflag:s0] =	ssyncset.done $0x0  }
0x51b: {  	[sflag:s0] =	ssyncadd.s32 $0xFFFFFFB0  }
0x51c: {  	_ =	swait.ge [sflag:s0], $0x50  }
0x51d: {  	[sflag:s0] =	ssyncset.done $0x0  }
0x51e: {  	[sflag:s0] =	ssyncadd.s32 $0xFFFFFFB0  }
0x51f: {  	_ =	swait.ge [sflag:s0], $0x50  }
0x520: {  	[sflag:s0] =	ssyncset.done $0x0  }
0x521: {  	[sflag:s0] =	ssyncadd.s32 $0xFFFFFFB0  }
0x522: {  	_ =	swait.ge [sflag:s0], $0x50  }
0x523: {  	[sflag:s0] =	ssyncset.done $0x0  }
0x524: {  	[sflag:s0] =	ssyncadd.s32 $0xFFFFFFB0  }
0x525: {  	_ =	swait.ge [sflag:s0], $0x50  }
0x526: {  	[sflag:s0] =	ssyncset.done $0x0  }
0x527: {  	[sflag:s0] =	ssyncadd.s32 $0xFFFFFFB0  }
0x528: {  	_ =	swait.ge [sflag:s0], $0x50  }
0x529: {  	[sflag:s0] =	ssyncset.done $0x0  }
0x52a: {  	[sflag:s0] =	ssyncadd.s32 $0xFFFFFFB0  }
0x52b: {  	_ =	swait.ge [sflag:s0], $0x50  }
0x52c: {  	[sflag:s0] =	ssyncset.done $0x0  }
0x52d: {  	[sflag:s0] =	ssyncadd.s32 $0xFFFFFFB0  }
0x52e: {  	_ =	swait.ge [sflag:s0], $0x50  }
0x52f: {  	[sflag:s0] =	ssyncset.done $0x0  }
0x530: {  	[sflag:s0] =	ssyncadd.s32 $0xFFFFFFB0  }
0x531: {  	_ =	swait.ge [sflag:s0], $0x50  }
0x532: {  	[sflag:s0] =	ssyncset.done $0x0  }
0x533: {  	[sflag:s0] =	ssyncadd.s32 $0xFFFFFFB0  }
0x534: {  	_ =	swait.ge [sflag:s0], $0x50  }
0x535: {  	[sflag:s0] =	ssyncset.done $0x0  }
0x536: {  	[sflag:s0] =	ssyncadd.s32 $0xFFFFFFB0  }
0x537: {  	_ =	swait.ge [sflag:s0], $0x50  }
0x538: {  	[sflag:s0] =	ssyncset.done $0x0  }
0x539: {  	[sflag:s0] =	ssyncadd.s32 $0xFFFFFFB0  }
0x53a: {  	_ =	swait.ge [sflag:s0], $0x50  }
0x53b: {  	[sflag:s0] =	ssyncset.done $0x0  }
0x53c: {  	[sflag:s0] =	ssyncadd.s32 $0xFFFFFFB0  }
0x53d: {  	[bflag:$0x0] =	sbarrier.arrive $0xFFFF  }
0x53e: {  	s22 =	rddreg [dreg:$0xa]  }
0x53f: {  	s8 =	rddreg [dreg:$0xc]  }
0x540: {  	s24 =	rddreg [dreg:$0x18];
	s5 =	sor.u32 $0x1C01, s22;
	s23 =	sshrl.u32 s8, $0x3  }
0x541: {  	[hbm:s24], [sflag:s5] =	dma.local [spmem:s23], $0xA00  }
0x542: {  	s7 =	rddreg [dreg:$0x17]  }
0x543: {  	s11 =	rddreg [dreg:$0xb]  }
0x544: {  	s6 =	rddreg [dreg:$0x14];
	s26 =	sshrl.u32 s7, $0x3  }
0x545: {  	[hbm:s6], [sflag:s11] =	dma.local [spmem:s26], $0x50  }
0x546: {  	_ =	swait.ge [sflag:s30], $0xA00  }
0x547: {  	[sflag:s30] =	ssyncset.done $0x0  }
0x548: {  	[sflag:s30] =	ssyncadd.s32 $0xFFFFF600  }
0x549: {  	_ =	swait.ge [sflag:s31], $0x50  }
0x54a: {  	s28 =	rddreg [dreg:$0x1b]  }
0x54b: {  	s29 =	rddreg [dreg:$0x19];
	s2 =	sadd.s32 $0x1, s28  }
0x54c: {  	p0 =	sne.s32 s2, s29  }
.Ltmp1:
0x54d: {  	_ = 	snop;
	(pc) =	sbr.rel @p0 .LBB2_1-.Ltmp1, $3  }
0x54e: {  	_ =	sdelay $0x1  }
0x54f: {  	[sflag:s31] =	ssyncset.done $0x0  }
0x550: {  	[sflag:s31] =	ssyncadd.s32 $0xFFFFFFB0  }
0x551: {  	_ =	sfence.sel $0x180000  }
0x552: {  	[bflag:$0x0] =	sbarrier.arrive $0xFFFF  }
0x553: {  	_ =	strace $0x90000047  }
0x554: {  	s0 =	stileid.u32;
	[bflag:$0x2] =	sbarrier.arrive $0xFFFF  }
0x555: {  	p0 =	sne.s32 s0, $0x0;
	s0 =	rddreg [dreg:$0x5]  }
0x556: {  	s0 =	sadd.s32 @!p0 $0x100000, s0  }
0x557: {  	[sflag:s0] =	ssyncadd.tile.s32 @!p0 $0x1;
	_ =	shalt  }
.Lfunc_end2:
_tile_overlayer_lowered:
.L_overlay_start_2:
0x558: {  	(tag) =	ssettag $0x2  }
0x559: {  	s0 =	rddreg [dreg:$0x0];
	s2 =	stileid.u32  }
0x55a: {  	s1 =	rddreg [dreg:$0x1];
	p0 =	sne.s32 s2, $0x0  }
0x55b: {  	s3 =	rddreg [dreg:$0x2];
	[bflag:$0x3] =	sbarrier.arrive $0xFFFF;
	s2 =	simm.s32 @!p0 $0x1C04  }
0x55c: {  	[timem:s3], [sflag:s2] =	dma.local @!p0 [hbm:s0], s1  }
0x55d: {  	s0 =	simm.s32 @!p0 $0x4  }
0x55e: {  	_ =	swait.ge @!p0 [sflag:s0], s1  }
0x55f: {  	s1 =	ssub.s32 @!p0 $0x0, s1;
	[sflag:s0] =	ssyncset.done @!p0 $0x0  }
0x560: {  	[sflag:s0] =	ssyncadd.s32 @!p0 s1  }
0x561: {  	[bflag:$0x3] =	sbarrier.arrive $0xFFFF  }
0x562: {  	_ =	shalt  }

</sc_bundles>
